<compile_context>
chip_gen: v7x
topology: tpu7x:2x2x1
jax: 0.10.2.dev20260603
libtpu: 0.0.44.dev20260713+nightly
codegen_flags: <defaults>
</compile_context>

<pallas_src>
import jax
import jax.numpy as jnp
from jax import lax
from jax.experimental import pallas as pl
from jax.experimental.pallas import tpu as pltpu
from jax.experimental.pallas import tpu_sc as plsc

N = 10000
E = 320000
F = 128
C = 40
NC = 2
NS = 16
NW = NC * NS
EPT = E // NW
CH = 125
NCH = EPT // CH
NPT0 = 624
NPTL = N - (NS - 1) * NPT0
DEGW = 128


def _each_tile_rows(sid, make_copy):
    @pl.when(sid < NS - 1)
    def _():
        make_copy(sid * NPT0, NPT0)

    @pl.when(sid == NS - 1)
    def _():
        make_copy((NS - 1) * NPT0, NPTL)


def _sc_mesh():
    return plsc.VectorSubcoreMesh(
        core_axis_name="c", subcore_axis_name="s", num_cores=NC, num_subcores=NS
    )


def _deg_body(dstr, ones_h, zeros_h, out, idx_d, ones_v, acc, sem):
    cid = lax.axis_index("c")
    sid = lax.axis_index("s")
    wid = cid * NS + sid
    pltpu.sync_copy(dstr.at[wid], idx_d)
    pltpu.sync_copy(ones_h, ones_v)
    _each_tile_rows(sid, lambda off, sz: pltpu.sync_copy(
        zeros_h.at[pl.ds(0, sz)], acc.at[pl.ds(off, sz)]))
    plsc.subcore_barrier()

    def fire(c, carry):
        pltpu.async_copy(ones_v, acc.at[idx_d.at[c]], sem, add=True)
        return carry

    lax.fori_loop(0, NCH, fire, 0)

    def drain(c, carry):
        pltpu.make_async_copy(ones_v, acc.at[idx_d.at[c]], sem).wait()
        return carry

    lax.fori_loop(0, NCH, drain, 0)
    plsc.subcore_barrier()
    _each_tile_rows(sid, lambda off, sz: pltpu.sync_copy(
        acc.at[pl.ds(off, sz)], out.at[cid, pl.ds(off, sz)]))


def _make_deg():
    return pl.kernel(
        _deg_body,
        out_type=jax.ShapeDtypeStruct((NC, N, DEGW), jnp.float32),
        mesh=_sc_mesh(),
        scratch_types=[
            pltpu.VMEM((NCH, CH), jnp.int32),
            pltpu.VMEM((CH, DEGW), jnp.float32),
            pltpu.VMEM_SHARED((N, DEGW), jnp.float32),
            pltpu.SemaphoreType.DMA,
        ],
    )


def _prop_body(y, ei, zeros_h, out, idxb, rows, acc,
               si0, si1, si2, si3, sr0, sr1, ss0, ss1):
    cid = lax.axis_index("c")
    sid = lax.axis_index("s")
    wid = cid * NS + sid
    sem_i = (si0, si1, si2, si3)
    sem_r = (sr0, sr1)
    sem_s = (ss0, ss1)

    def idx_start(c, slot):
        pltpu.async_copy(ei.at[wid, c], idxb.at[slot], sem_i[slot])

    def idx_wait(slot):
        pltpu.make_async_copy(ei.at[wid, 0], idxb.at[slot], sem_i[slot]).wait()

    def gather_start(slot, par):
        pltpu.async_copy(y.at[idxb.at[slot, 0]], rows.at[par], sem_r[par])

    def gather_wait(slot, par):
        pltpu.make_async_copy(y.at[idxb.at[slot, 0]], rows.at[par],
                              sem_r[par]).wait()

    def scatter_start(slot, par):
        pltpu.async_copy(rows.at[par], acc.at[idxb.at[slot, 1]], sem_s[par],
                         add=True)

    def scatter_wait(slot, par):
        pltpu.make_async_copy(rows.at[par], acc.at[idxb.at[slot, 1]],
                              sem_s[par]).wait()

    _each_tile_rows(sid, lambda off, sz: pltpu.sync_copy(
        zeros_h.at[pl.ds(0, sz)], acc.at[pl.ds(off, sz)]))
    for s in range(4):
        idx_start(s, s)
    idx_wait(0)
    gather_start(0, 0)
    idx_wait(1)
    gather_start(1, 1)
    plsc.subcore_barrier()
    gather_wait(0, 0)
    scatter_start(0, 0)
    idx_wait(2)

    def body(i, carry):
        for b in range(4):
            c = i * 4 + 1 + b
            s0 = (1 + b) % 4
            p0 = (1 + b) % 2
            scatter_wait((s0 - 1) % 4, (p0 + 1) % 2)
            idx_start(c + 3, (s0 - 1) % 4)
            gather_start((s0 + 1) % 4, (p0 + 1) % 2)
            gather_wait(s0, p0)
            scatter_start(s0, p0)
            idx_wait((s0 + 2) % 4)
        return carry

    lax.fori_loop(0, (NCH - 8) // 4, body, 0)
    for c in range(NCH - 7, NCH):
        s0 = c % 4
        scatter_wait((s0 - 1) % 4, (c - 1) % 2)
        if c + 3 < NCH:
            idx_start(c + 3, (s0 - 1) % 4)
        if c + 1 < NCH:
            gather_start((s0 + 1) % 4, (c + 1) % 2)
        gather_wait(s0, c % 2)
        scatter_start(s0, c % 2)
        if c + 2 < NCH:
            idx_wait((s0 + 2) % 4)
    scatter_wait((NCH - 1) % 4, (NCH - 1) % 2)

    plsc.subcore_barrier()
    _each_tile_rows(sid, lambda off, sz: pltpu.sync_copy(
        acc.at[pl.ds(off, sz)], out.at[cid, pl.ds(off, sz)]))


def _make_prop(d):
    return pl.kernel(
        _prop_body,
        out_type=jax.ShapeDtypeStruct((NC, N, d), jnp.float32),
        mesh=_sc_mesh(),
        scratch_types=[
            pltpu.VMEM((4, 2, CH), jnp.int32),
            pltpu.VMEM((2, CH, d), jnp.float32),
            pltpu.VMEM_SHARED((N, d), jnp.float32),
        ] + [pltpu.SemaphoreType.DMA] * 8,
    )


_R = 1000


def _k2_body(x_ref, w1_ref, degp_ref, y_ref, dinv_ref):
    degp = degp_ref[...]
    deg = degp[0, :, 0:1] + degp[1, :, 0:1] + 1.0
    dinv = lax.rsqrt(deg)
    xw = jnp.dot(x_ref[...], w1_ref[...], preferred_element_type=jnp.float32)
    y_ref[...] = xw * dinv
    dinv_ref[...] = jnp.broadcast_to(dinv, dinv_ref.shape)


def _k4_body(p_ref, y1_ref, dinv_ref, g_ref, bta_ref, mu_ref, var_ref, b1_ref,
             w2_ref, y2_ref):
    s = dinv_ref[...][:, 0:1]
    p = p_ref[...]
    h = (p[0] + p[1] + y1_ref[...]) * s + b1_ref[...]
    h = g_ref[...] * (h - mu_ref[...]) * lax.rsqrt(var_ref[...] + 1e-5) + bta_ref[...]
    h = jnp.maximum(h, 0.0)
    m2 = jnp.dot(h, w2_ref[...], preferred_element_type=jnp.float32) * s
    y2_ref[...] = jnp.concatenate(
        [m2, jnp.zeros((m2.shape[0], F - C), jnp.float32)], axis=1)


def _k6_body(q_ref, y2_ref, dinv_ref, b2_ref, out_ref):
    s = dinv_ref[...][:, 0:1]
    q = q_ref[...]
    t = (q[0] + q[1] + y2_ref[...])[:, :C]
    out_ref[...] = t * s + b2_ref[...]


def _make_k2():
    return pl.pallas_call(
        _k2_body,
        grid=(N // _R,),
        in_specs=[
            pl.BlockSpec((_R, F), lambda i: (i, 0)),
            pl.BlockSpec((F, F), lambda i: (0, 0)),
            pl.BlockSpec((NC, _R, DEGW), lambda i: (0, i, 0)),
        ],
        out_specs=[
            pl.BlockSpec((_R, F), lambda i: (i, 0)),
            pl.BlockSpec((_R, 8), lambda i: (i, 0)),
        ],
        out_shape=[
            jax.ShapeDtypeStruct((N, F), jnp.float32),
            jax.ShapeDtypeStruct((N, 8), jnp.float32),
        ],
    )


def _make_k4():
    return pl.pallas_call(
        _k4_body,
        grid=(N // _R,),
        in_specs=[
            pl.BlockSpec((NC, _R, F), lambda i: (0, i, 0)),
            pl.BlockSpec((_R, F), lambda i: (i, 0)),
            pl.BlockSpec((_R, 8), lambda i: (i, 0)),
            pl.BlockSpec((1, F), lambda i: (0, 0)),
            pl.BlockSpec((1, F), lambda i: (0, 0)),
            pl.BlockSpec((1, F), lambda i: (0, 0)),
            pl.BlockSpec((1, F), lambda i: (0, 0)),
            pl.BlockSpec((1, F), lambda i: (0, 0)),
            pl.BlockSpec((F, C), lambda i: (0, 0)),
        ],
        out_specs=pl.BlockSpec((_R, F), lambda i: (i, 0)),
        out_shape=jax.ShapeDtypeStruct((N, F), jnp.float32),
    )


def _make_k6():
    return pl.pallas_call(
        _k6_body,
        grid=(N // _R,),
        in_specs=[
            pl.BlockSpec((NC, _R, F), lambda i: (0, i, 0)),
            pl.BlockSpec((_R, F), lambda i: (i, 0)),
            pl.BlockSpec((_R, 8), lambda i: (i, 0)),
            pl.BlockSpec((1, C), lambda i: (0, 0)),
        ],
        out_specs=pl.BlockSpec((_R, C), lambda i: (i, 0)),
        out_shape=jax.ShapeDtypeStruct((N, C), jnp.float32),
    )


def kernel(x, edge_index, W1, b1, bn_gamma, bn_beta, bn_mean, bn_var, W2, b2):
    src = edge_index[0].reshape(NW, NCH, CH)
    dst = edge_index[1].reshape(NW, NCH, CH)
    ei = jnp.stack([src, dst], axis=2)
    ones8 = jnp.ones((CH, DEGW), jnp.float32)
    zeros8 = jnp.zeros((NPTL, DEGW), jnp.float32)
    zerosf = jnp.zeros((NPTL, F), jnp.float32)

    degp = _make_deg()(dst, ones8, zeros8)
    y1, dinv = _make_k2()(x, W1, degp)
    p = _make_prop(F)(y1, ei, zerosf)
    y2 = _make_k4()(p, y1, dinv, bn_gamma.reshape(1, F), bn_beta.reshape(1, F),
                    bn_mean.reshape(1, F), bn_var.reshape(1, F),
                    b1.reshape(1, F), W2)
    q = _make_prop(F)(y2, ei, zerosf)
    return _make_k6()(q, y2, dinv, b2.reshape(1, C))

# --- scband reference (transcript-rebuilt; emitter-appended) ---
"""Pipeline reference for scband-gcn-10917806866484 (READ-ONLY COPY).

The authoritative reference and input builder live on the scoring server;
editing this copy changes nothing except your own understanding.
"""

import jax, jax.numpy as jnp
import numpy as np

N = 10000
E = 320000
F_IN = 128
H = 128
C = 40


def gcn_conv(x, src, dst, W, b):
    # GCNConv with symmetric normalization and self-loops:
    # out = D^{-1/2} (A + I) D^{-1/2} (x @ W) + b
    n = x.shape[0]
    xw = x @ W
    loop = jnp.arange(n, dtype=src.dtype)
    src_sl = jnp.concatenate([src, loop])
    dst_sl = jnp.concatenate([dst, loop])
    ones = jnp.ones(src_sl.shape[0], dtype=xw.dtype)
    deg = jax.ops.segment_sum(ones, dst_sl, num_segments=n)
    dinv = jnp.where(deg > 0, deg ** -0.5, 0.0)
    norm = dinv[src_sl] * dinv[dst_sl]
    msg = jnp.take(xw, src_sl, axis=0) * norm[:, None]
    out = jax.ops.segment_sum(msg, dst_sl, num_segments=n)
    return out + b


def setup_inputs(seed: int = 0) -> dict:
    key = jax.random.key(seed)
    ks = jax.random.split(key, 6)
    x = jax.random.normal(ks[0], (N, F_IN), dtype=jnp.float32)
    edge_index = jax.random.randint(ks[1], (2, E), 0, N, dtype=jnp.int32)
    W1 = jax.random.normal(ks[2], (F_IN, H), dtype=jnp.float32) * (1.0 / np.sqrt(F_IN))
    b1 = jnp.zeros((H,), dtype=jnp.float32)
    bn_gamma = jnp.ones((H,), dtype=jnp.float32)
    bn_beta = jnp.zeros((H,), dtype=jnp.float32)
    bn_mean = jnp.zeros((H,), dtype=jnp.float32)
    bn_var = jnp.ones((H,), dtype=jnp.float32)
    W2 = jax.random.normal(ks[3], (H, C), dtype=jnp.float32) * (1.0 / np.sqrt(H))
    b2 = jnp.zeros((C,), dtype=jnp.float32)
    return {"x": x, "edge_index": edge_index, "W1": W1, "b1": b1,
            "bn_gamma": bn_gamma, "bn_beta": bn_beta, "bn_mean": bn_mean,
            "bn_var": bn_var, "W2": W2, "b2": b2}


def reference(x, edge_index, W1, b1, bn_gamma, bn_beta, bn_mean, bn_var, W2, b2):
    # Eval-mode GCN forward (dropout = identity, BatchNorm uses running stats):
    #   h = relu(BN(GCNConv1(x, A)))
    #   out = GCNConv2(h, A)
    src = edge_index[0]
    dst = edge_index[1]
    h = gcn_conv(x, src, dst, W1, b1)
    h = bn_gamma * (h - bn_mean) / jnp.sqrt(bn_var + 1e-5) + bn_beta
    h = jax.nn.relu(h)
    out = gcn_conv(h, src, dst, W2, b2)
    return out

if __name__ == "__main__":
    import jax
    _d = setup_inputs()
    print(jax.jit(kernel)(*tuple(_d.values())))

</pallas_src>

<mosaic_0001>
#map = affine_map<(d0, d1) -> (0, 0, 0)>
#map1 = affine_map<(d0, d1) -> (0, 0)>
module attributes {stable_mosaic.version = 14 : i64} {
  func.func @_deg_body(%arg0: i32, %arg1: i32, %arg2: memref<32x80x125xi32, #tpu.memory_space<hbm>>, %arg3: memref<125x128xf32, #tpu.memory_space<hbm>>, %arg4: memref<640x128xf32, #tpu.memory_space<hbm>>, %arg5: memref<2x10000x128xf32, #tpu.memory_space<hbm>>, %arg6: memref<80x125xi32, #tpu.memory_space<vmem>>, %arg7: memref<125x128xf32, #tpu.memory_space<vmem>>, %arg8: memref<10000x128xf32, #tpu.memory_space<vmem_shared>>, %arg9: memref<!tpu.dma_semaphore, #tpu.memory_space<semaphore_mem>>) attributes {dimension_semantics = [#tpu.dimension_semantics<core_parallel>, #tpu.dimension_semantics<subcore_parallel>], iteration_bounds = array<i64: 2, 16>, scalar_prefetch = 0 : i64, scratch_operands = 4 : i64, tpu.core_type = #tpu.core_type<sc_vector_subcore>, window_params = [{transform_indices = #map}, {transform_indices = #map1}, {transform_indices = #map1}, {transform_indices = #map}]} {
    %mul3A = arith.constant 16 : i32
    %mul3A_0 = arith.muli %arg0, %mul3A : i32
    %add3A = arith.addi %mul3A_0, %arg1 : i32
    "tpu.region"() ({
      %run_scoped3A = tpu.sem_alloc : memref<!tpu.dma_semaphore, #tpu.memory_space<semaphore_mem>>
      %dma_start3A = arith.constant 0 : i32
      %dma_start3A_29 = arith.constant 0 : i32
      %dma_start3A_30 = tpu.memref_slice %arg2[%add3A, %dma_start3A, %dma_start3A_29] : memref<32x80x125xi32, #tpu.memory_space<hbm>> -> memref<1x80x125xi32, #tpu.memory_space<hbm>>
      %dma_start3A_31 = tpu.memref_squeeze %dma_start3A_30 : memref<1x80x125xi32, #tpu.memory_space<hbm>> -> memref<80x125xi32, #tpu.memory_space<hbm>>
      %dma_start3A_32 = arith.constant 0 : i32
      %dma_start3A_33 = arith.constant 0 : i32
      %dma_start3A_34 = tpu.memref_slice %arg2[%add3A, %dma_start3A_32, %dma_start3A_33] : memref<32x80x125xi32, #tpu.memory_space<hbm>> -> memref<1x80x125xi32, #tpu.memory_space<hbm>>
      %dma_start3A_35 = tpu.memref_squeeze %dma_start3A_34 : memref<1x80x125xi32, #tpu.memory_space<hbm>> -> memref<80x125xi32, #tpu.memory_space<hbm>>
      tpu.enqueue_dma source(%dma_start3A_35 : memref<80x125xi32, #tpu.memory_space<hbm>>) target(%arg6 : memref<80x125xi32, #tpu.memory_space<vmem>>) target_semaphore(%run_scoped3A : memref<!tpu.dma_semaphore, #tpu.memory_space<semaphore_mem>>)
      %dma_wait3A = arith.constant 0 : i32
      %dma_wait3A_36 = arith.constant 0 : i32
      %dma_wait3A_37 = tpu.memref_slice %arg2[%add3A, %dma_wait3A, %dma_wait3A_36] : memref<32x80x125xi32, #tpu.memory_space<hbm>> -> memref<1x80x125xi32, #tpu.memory_space<hbm>>
      %dma_wait3A_38 = tpu.memref_squeeze %dma_wait3A_37 : memref<1x80x125xi32, #tpu.memory_space<hbm>> -> memref<80x125xi32, #tpu.memory_space<hbm>>
      %dma_wait3A_39 = arith.constant 0 : i32
      %dma_wait3A_40 = arith.constant 0 : i32
      %dma_wait3A_41 = tpu.memref_slice %arg2[%add3A, %dma_wait3A_39, %dma_wait3A_40] : memref<32x80x125xi32, #tpu.memory_space<hbm>> -> memref<1x80x125xi32, #tpu.memory_space<hbm>>
      %dma_wait3A_42 = tpu.memref_squeeze %dma_wait3A_41 : memref<1x80x125xi32, #tpu.memory_space<hbm>> -> memref<80x125xi32, #tpu.memory_space<hbm>>
      tpu.wait_dma2 semaphore(%run_scoped3A : memref<!tpu.dma_semaphore, #tpu.memory_space<semaphore_mem>>) src(%dma_wait3A_42 : memref<80x125xi32, #tpu.memory_space<hbm>>) dst(%arg6 : memref<80x125xi32, #tpu.memory_space<vmem>>)
      tpu.yield
    }) : () -> ()
    "tpu.region"() ({
      %run_scoped3A = tpu.sem_alloc : memref<!tpu.dma_semaphore, #tpu.memory_space<semaphore_mem>>
      tpu.enqueue_dma source(%arg3 : memref<125x128xf32, #tpu.memory_space<hbm>>) target(%arg7 : memref<125x128xf32, #tpu.memory_space<vmem>>) target_semaphore(%run_scoped3A : memref<!tpu.dma_semaphore, #tpu.memory_space<semaphore_mem>>)
      tpu.wait_dma2 semaphore(%run_scoped3A : memref<!tpu.dma_semaphore, #tpu.memory_space<semaphore_mem>>) src(%arg3 : memref<125x128xf32, #tpu.memory_space<hbm>>) dst(%arg7 : memref<125x128xf32, #tpu.memory_space<vmem>>)
      tpu.yield
    }) : () -> ()
    %lt3A = arith.constant 15 : i32
    %lt3A_1 = arith.cmpi slt, %arg1, %lt3A : i32
    %convert_element_type3A = arith.extui %lt3A_1 : i1 to i32
    %cond3A = arith.constant 0 : i32
    %cond3A_2 = arith.cmpi ne, %convert_element_type3A, %cond3A : i32
    scf.if %cond3A_2 {
      %mul3A_29 = arith.constant 624 : i32
      %mul3A_30 = arith.muli %arg1, %mul3A_29 : i32
      "tpu.region"() ({
        %run_scoped3A = tpu.sem_alloc : memref<!tpu.dma_semaphore, #tpu.memory_space<semaphore_mem>>
        %dma_start3A = arith.constant 0 : i32
        %dma_start3A_31 = tpu.memref_slice %arg8[%mul3A_30, %dma_start3A] : memref<10000x128xf32, #tpu.memory_space<vmem_shared>> -> memref<624x128xf32, #tpu.memory_space<vmem_shared>>
        %dma_start3A_32 = arith.constant 0 : i32
        %dma_start3A_33 = arith.constant 0 : i32
        %dma_start3A_34 = tpu.memref_slice %arg4[%dma_start3A_32, %dma_start3A_33] : memref<640x128xf32, #tpu.memory_space<hbm>> -> memref<624x128xf32, #tpu.memory_space<hbm>>
        tpu.enqueue_dma source(%dma_start3A_34 : memref<624x128xf32, #tpu.memory_space<hbm>>) target(%dma_start3A_31 : memref<624x128xf32, #tpu.memory_space<vmem_shared>>) target_semaphore(%run_scoped3A : memref<!tpu.dma_semaphore, #tpu.memory_space<semaphore_mem>>)
        %dma_wait3A = arith.constant 0 : i32
        %dma_wait3A_35 = tpu.memref_slice %arg8[%mul3A_30, %dma_wait3A] : memref<10000x128xf32, #tpu.memory_space<vmem_shared>> -> memref<624x128xf32, #tpu.memory_space<vmem_shared>>
        %dma_wait3A_36 = arith.constant 0 : i32
        %dma_wait3A_37 = arith.constant 0 : i32
        %dma_wait3A_38 = tpu.memref_slice %arg4[%dma_wait3A_36, %dma_wait3A_37] : memref<640x128xf32, #tpu.memory_space<hbm>> -> memref<624x128xf32, #tpu.memory_space<hbm>>
        tpu.wait_dma2 semaphore(%run_scoped3A : memref<!tpu.dma_semaphore, #tpu.memory_space<semaphore_mem>>) src(%dma_wait3A_38 : memref<624x128xf32, #tpu.memory_space<hbm>>) dst(%dma_wait3A_35 : memref<624x128xf32, #tpu.memory_space<vmem_shared>>)
        tpu.yield
      }) : () -> ()
    } else {
    }
    %eq3A = arith.constant 15 : i32
    %eq3A_3 = arith.cmpi eq, %arg1, %eq3A : i32
    %convert_element_type3A_4 = arith.extui %eq3A_3 : i1 to i32
    %cond3A_5 = arith.constant 0 : i32
    %cond3A_6 = arith.cmpi ne, %convert_element_type3A_4, %cond3A_5 : i32
    scf.if %cond3A_6 {
      "tpu.region"() ({
        %run_scoped3A = tpu.sem_alloc : memref<!tpu.dma_semaphore, #tpu.memory_space<semaphore_mem>>
        %dma_start3A = arith.constant 9360 : i32
        %dma_start3A_29 = arith.constant 0 : i32
        %dma_start3A_30 = tpu.memref_slice %arg8[%dma_start3A, %dma_start3A_29] : memref<10000x128xf32, #tpu.memory_space<vmem_shared>> -> memref<640x128xf32, #tpu.memory_space<vmem_shared>>
        %dma_start3A_31 = arith.constant 0 : i32
        %dma_start3A_32 = arith.constant 0 : i32
        %dma_start3A_33 = tpu.memref_slice %arg4[%dma_start3A_31, %dma_start3A_32] : memref<640x128xf32, #tpu.memory_space<hbm>> -> memref<640x128xf32, #tpu.memory_space<hbm>>
        tpu.enqueue_dma source(%dma_start3A_33 : memref<640x128xf32, #tpu.memory_space<hbm>>) target(%dma_start3A_30 : memref<640x128xf32, #tpu.memory_space<vmem_shared>>) target_semaphore(%run_scoped3A : memref<!tpu.dma_semaphore, #tpu.memory_space<semaphore_mem>>)
        %dma_wait3A = arith.constant 9360 : i32
        %dma_wait3A_34 = arith.constant 0 : i32
        %dma_wait3A_35 = tpu.memref_slice %arg8[%dma_wait3A, %dma_wait3A_34] : memref<10000x128xf32, #tpu.memory_space<vmem_shared>> -> memref<640x128xf32, #tpu.memory_space<vmem_shared>>
        %dma_wait3A_36 = arith.constant 0 : i32
        %dma_wait3A_37 = arith.constant 0 : i32
        %dma_wait3A_38 = tpu.memref_slice %arg4[%dma_wait3A_36, %dma_wait3A_37] : memref<640x128xf32, #tpu.memory_space<hbm>> -> memref<640x128xf32, #tpu.memory_space<hbm>>
        tpu.wait_dma2 semaphore(%run_scoped3A : memref<!tpu.dma_semaphore, #tpu.memory_space<semaphore_mem>>) src(%dma_wait3A_38 : memref<640x128xf32, #tpu.memory_space<hbm>>) dst(%dma_wait3A_35 : memref<640x128xf32, #tpu.memory_space<vmem_shared>>)
        tpu.yield
      }) : () -> ()
    } else {
    }
    %barrier3A = arith.constant 0 : index
    tpu.barrier barrier_id(%barrier3A)
    %scan3A = arith.constant 0 : i32
    %scan3A_7 = arith.constant 0 : i32
    %scan3A_8 = arith.constant 80 : i32
    %scan3A_9 = arith.addi %scan3A_7, %scan3A_8 : i32
    %scan3A_10 = arith.constant 1 : i32
    scf.for %scan3A_29 = %scan3A_7 to %scan3A_9 step %scan3A_10  : i32 {
      %dma_start3A = arith.constant 0 : i32
      %dma_start3A_30 = tpu.memref_slice %arg6[%scan3A_29, %dma_start3A] : memref<80x125xi32, #tpu.memory_space<vmem>> -> memref<1x125xi32, #tpu.memory_space<vmem>>
      %dma_start3A_31 = tpu.memref_squeeze %dma_start3A_30 : memref<1x125xi32, #tpu.memory_space<vmem>> -> memref<125xi32, #tpu.memory_space<vmem>>
      %dma_start3A_32 = arith.constant 0 : i32
      %dma_start3A_33 = arith.constant 0 : i32
      %dma_start3A_34 = tpu.memref_slice %arg8[%dma_start3A_32, %dma_start3A_33] : memref<10000x128xf32, #tpu.memory_space<vmem_shared>> -> memref<10000x128xf32, #tpu.memory_space<vmem_shared>>
      tpu.enqueue_indirect_dma source(%arg7 : memref<125x128xf32, #tpu.memory_space<vmem>>) target(%dma_start3A_34 : memref<10000x128xf32, #tpu.memory_space<vmem_shared>>) offsets(%dma_start3A_31 : memref<125xi32, #tpu.memory_space<vmem>>) semaphore(%arg9 : memref<!tpu.dma_semaphore, #tpu.memory_space<semaphore_mem>>) {add = true}
    }
    %scan3A_11 = arith.constant 80 : i32
    %scan3A_12 = arith.constant 0 : i32
    %scan3A_13 = arith.constant 0 : i32
    %scan3A_14 = arith.constant 80 : i32
    %scan3A_15 = arith.addi %scan3A_13, %scan3A_14 : i32
    %scan3A_16 = arith.constant 1 : i32
    scf.for %scan3A_29 = %scan3A_13 to %scan3A_15 step %scan3A_16  : i32 {
      %dma_wait3A = arith.constant 0 : i32
      %dma_wait3A_30 = tpu.memref_slice %arg6[%scan3A_29, %dma_wait3A] : memref<80x125xi32, #tpu.memory_space<vmem>> -> memref<1x125xi32, #tpu.memory_space<vmem>>
      %dma_wait3A_31 = tpu.memref_squeeze %dma_wait3A_30 : memref<1x125xi32, #tpu.memory_space<vmem>> -> memref<125xi32, #tpu.memory_space<vmem>>
      %dma_wait3A_32 = arith.constant 0 : i32
      %dma_wait3A_33 = arith.constant 0 : i32
      %dma_wait3A_34 = tpu.memref_slice %arg8[%dma_wait3A_32, %dma_wait3A_33] : memref<10000x128xf32, #tpu.memory_space<vmem_shared>> -> memref<10000x128xf32, #tpu.memory_space<vmem_shared>>
      tpu.wait_indirect_dma semaphore(%arg9 : memref<!tpu.dma_semaphore, #tpu.memory_space<semaphore_mem>>) src(%arg7 : memref<125x128xf32, #tpu.memory_space<vmem>>) dst(%dma_wait3A_34 : memref<10000x128xf32, #tpu.memory_space<vmem_shared>>)
    }
    %scan3A_17 = arith.constant 80 : i32
    %barrier3A_18 = arith.constant 0 : index
    tpu.barrier barrier_id(%barrier3A_18)
    %lt3A_19 = arith.constant 15 : i32
    %lt3A_20 = arith.cmpi slt, %arg1, %lt3A_19 : i32
    %convert_element_type3A_21 = arith.extui %lt3A_20 : i1 to i32
    %cond3A_22 = arith.constant 0 : i32
    %cond3A_23 = arith.cmpi ne, %convert_element_type3A_21, %cond3A_22 : i32
    scf.if %cond3A_23 {
      %mul3A_29 = arith.constant 624 : i32
      %mul3A_30 = arith.muli %arg1, %mul3A_29 : i32
      "tpu.region"() ({
        %run_scoped3A = tpu.sem_alloc : memref<!tpu.dma_semaphore, #tpu.memory_space<semaphore_mem>>
        %dma_start3A = arith.constant 0 : i32
        %dma_start3A_31 = tpu.memref_slice %arg5[%arg0, %mul3A_30, %dma_start3A] : memref<2x10000x128xf32, #tpu.memory_space<hbm>> -> memref<1x624x128xf32, #tpu.memory_space<hbm>>
        %dma_start3A_32 = tpu.memref_squeeze %dma_start3A_31 : memref<1x624x128xf32, #tpu.memory_space<hbm>> -> memref<624x128xf32, #tpu.memory_space<hbm>>
        %dma_start3A_33 = arith.constant 0 : i32
        %dma_start3A_34 = tpu.memref_slice %arg8[%mul3A_30, %dma_start3A_33] : memref<10000x128xf32, #tpu.memory_space<vmem_shared>> -> memref<624x128xf32, #tpu.memory_space<vmem_shared>>
        tpu.enqueue_dma source(%dma_start3A_34 : memref<624x128xf32, #tpu.memory_space<vmem_shared>>) target(%dma_start3A_32 : memref<624x128xf32, #tpu.memory_space<hbm>>) target_semaphore(%run_scoped3A : memref<!tpu.dma_semaphore, #tpu.memory_space<semaphore_mem>>)
        %dma_wait3A = arith.constant 0 : i32
        %dma_wait3A_35 = tpu.memref_slice %arg5[%arg0, %mul3A_30, %dma_wait3A] : memref<2x10000x128xf32, #tpu.memory_space<hbm>> -> memref<1x624x128xf32, #tpu.memory_space<hbm>>
        %dma_wait3A_36 = tpu.memref_squeeze %dma_wait3A_35 : memref<1x624x128xf32, #tpu.memory_space<hbm>> -> memref<624x128xf32, #tpu.memory_space<hbm>>
        %dma_wait3A_37 = arith.constant 0 : i32
        %dma_wait3A_38 = tpu.memref_slice %arg8[%mul3A_30, %dma_wait3A_37] : memref<10000x128xf32, #tpu.memory_space<vmem_shared>> -> memref<624x128xf32, #tpu.memory_space<vmem_shared>>
        tpu.wait_dma2 semaphore(%run_scoped3A : memref<!tpu.dma_semaphore, #tpu.memory_space<semaphore_mem>>) src(%dma_wait3A_38 : memref<624x128xf32, #tpu.memory_space<vmem_shared>>) dst(%dma_wait3A_36 : memref<624x128xf32, #tpu.memory_space<hbm>>)
        tpu.yield
      }) : () -> ()
    } else {
    }
    %eq3A_24 = arith.constant 15 : i32
    %eq3A_25 = arith.cmpi eq, %arg1, %eq3A_24 : i32
    %convert_element_type3A_26 = arith.extui %eq3A_25 : i1 to i32
    %cond3A_27 = arith.constant 0 : i32
    %cond3A_28 = arith.cmpi ne, %convert_element_type3A_26, %cond3A_27 : i32
    scf.if %cond3A_28 {
      "tpu.region"() ({
        %run_scoped3A = tpu.sem_alloc : memref<!tpu.dma_semaphore, #tpu.memory_space<semaphore_mem>>
        %dma_start3A = arith.constant 9360 : i32
        %dma_start3A_29 = arith.constant 0 : i32
        %dma_start3A_30 = tpu.memref_slice %arg5[%arg0, %dma_start3A, %dma_start3A_29] : memref<2x10000x128xf32, #tpu.memory_space<hbm>> -> memref<1x640x128xf32, #tpu.memory_space<hbm>>
        %dma_start3A_31 = tpu.memref_squeeze %dma_start3A_30 : memref<1x640x128xf32, #tpu.memory_space<hbm>> -> memref<640x128xf32, #tpu.memory_space<hbm>>
        %dma_start3A_32 = arith.constant 9360 : i32
        %dma_start3A_33 = arith.constant 0 : i32
        %dma_start3A_34 = tpu.memref_slice %arg8[%dma_start3A_32, %dma_start3A_33] : memref<10000x128xf32, #tpu.memory_space<vmem_shared>> -> memref<640x128xf32, #tpu.memory_space<vmem_shared>>
        tpu.enqueue_dma source(%dma_start3A_34 : memref<640x128xf32, #tpu.memory_space<vmem_shared>>) target(%dma_start3A_31 : memref<640x128xf32, #tpu.memory_space<hbm>>) target_semaphore(%run_scoped3A : memref<!tpu.dma_semaphore, #tpu.memory_space<semaphore_mem>>)
        %dma_wait3A = arith.constant 9360 : i32
        %dma_wait3A_35 = arith.constant 0 : i32
        %dma_wait3A_36 = tpu.memref_slice %arg5[%arg0, %dma_wait3A, %dma_wait3A_35] : memref<2x10000x128xf32, #tpu.memory_space<hbm>> -> memref<1x640x128xf32, #tpu.memory_space<hbm>>
        %dma_wait3A_37 = tpu.memref_squeeze %dma_wait3A_36 : memref<1x640x128xf32, #tpu.memory_space<hbm>> -> memref<640x128xf32, #tpu.memory_space<hbm>>
        %dma_wait3A_38 = arith.constant 9360 : i32
        %dma_wait3A_39 = arith.constant 0 : i32
        %dma_wait3A_40 = tpu.memref_slice %arg8[%dma_wait3A_38, %dma_wait3A_39] : memref<10000x128xf32, #tpu.memory_space<vmem_shared>> -> memref<640x128xf32, #tpu.memory_space<vmem_shared>>
        tpu.wait_dma2 semaphore(%run_scoped3A : memref<!tpu.dma_semaphore, #tpu.memory_space<semaphore_mem>>) src(%dma_wait3A_40 : memref<640x128xf32, #tpu.memory_space<vmem_shared>>) dst(%dma_wait3A_37 : memref<640x128xf32, #tpu.memory_space<hbm>>)
        tpu.yield
      }) : () -> ()
    } else {
    }
    return
  }
}

#map = affine_map<(d0, d1) -> (0, 0)>
#map1 = affine_map<(d0, d1) -> (0, 0, 0, 0)>
#map2 = affine_map<(d0, d1) -> (0, 0, 0)>
module attributes {stable_mosaic.version = 14 : i64} {
  func.func @_prop_body(%arg0: i32, %arg1: i32, %arg2: memref<10000x128xf32, #tpu.memory_space<hbm>>, %arg3: memref<32x80x2x125xi32, #tpu.memory_space<hbm>>, %arg4: memref<640x128xf32, #tpu.memory_space<hbm>>, %arg5: memref<2x10000x128xf32, #tpu.memory_space<hbm>>, %arg6: memref<4x2x125xi32, #tpu.memory_space<vmem>>, %arg7: memref<2x125x128xf32, #tpu.memory_space<vmem>>, %arg8: memref<10000x128xf32, #tpu.memory_space<vmem_shared>>, %arg9: memref<!tpu.dma_semaphore, #tpu.memory_space<semaphore_mem>>, %arg10: memref<!tpu.dma_semaphore, #tpu.memory_space<semaphore_mem>>, %arg11: memref<!tpu.dma_semaphore, #tpu.memory_space<semaphore_mem>>, %arg12: memref<!tpu.dma_semaphore, #tpu.memory_space<semaphore_mem>>, %arg13: memref<!tpu.dma_semaphore, #tpu.memory_space<semaphore_mem>>, %arg14: memref<!tpu.dma_semaphore, #tpu.memory_space<semaphore_mem>>, %arg15: memref<!tpu.dma_semaphore, #tpu.memory_space<semaphore_mem>>, %arg16: memref<!tpu.dma_semaphore, #tpu.memory_space<semaphore_mem>>) attributes {dimension_semantics = [#tpu.dimension_semantics<core_parallel>, #tpu.dimension_semantics<subcore_parallel>], iteration_bounds = array<i64: 2, 16>, scalar_prefetch = 0 : i64, scratch_operands = 11 : i64, tpu.core_type = #tpu.core_type<sc_vector_subcore>, window_params = [{transform_indices = #map}, {transform_indices = #map1}, {transform_indices = #map}, {transform_indices = #map2}]} {
    %mul3A = arith.constant 16 : i32
    %mul3A_0 = arith.muli %arg0, %mul3A : i32
    %add3A = arith.addi %mul3A_0, %arg1 : i32
    %lt3A = arith.constant 15 : i32
    %lt3A_1 = arith.cmpi slt, %arg1, %lt3A : i32
    %convert_element_type3A = arith.extui %lt3A_1 : i1 to i32
    %cond3A = arith.constant 0 : i32
    %cond3A_2 = arith.cmpi ne, %convert_element_type3A, %cond3A : i32
    scf.if %cond3A_2 {
      %mul3A_725 = arith.constant 624 : i32
      %mul3A_726 = arith.muli %arg1, %mul3A_725 : i32
      "tpu.region"() ({
        %run_scoped3A = tpu.sem_alloc : memref<!tpu.dma_semaphore, #tpu.memory_space<semaphore_mem>>
        %dma_start3A_727 = arith.constant 0 : i32
        %dma_start3A_728 = tpu.memref_slice %arg8[%mul3A_726, %dma_start3A_727] : memref<10000x128xf32, #tpu.memory_space<vmem_shared>> -> memref<624x128xf32, #tpu.memory_space<vmem_shared>>
        %dma_start3A_729 = arith.constant 0 : i32
        %dma_start3A_730 = arith.constant 0 : i32
        %dma_start3A_731 = tpu.memref_slice %arg4[%dma_start3A_729, %dma_start3A_730] : memref<640x128xf32, #tpu.memory_space<hbm>> -> memref<624x128xf32, #tpu.memory_space<hbm>>
        tpu.enqueue_dma source(%dma_start3A_731 : memref<624x128xf32, #tpu.memory_space<hbm>>) target(%dma_start3A_728 : memref<624x128xf32, #tpu.memory_space<vmem_shared>>) target_semaphore(%run_scoped3A : memref<!tpu.dma_semaphore, #tpu.memory_space<semaphore_mem>>)
        %dma_wait3A_732 = arith.constant 0 : i32
        %dma_wait3A_733 = tpu.memref_slice %arg8[%mul3A_726, %dma_wait3A_732] : memref<10000x128xf32, #tpu.memory_space<vmem_shared>> -> memref<624x128xf32, #tpu.memory_space<vmem_shared>>
        %dma_wait3A_734 = arith.constant 0 : i32
        %dma_wait3A_735 = arith.constant 0 : i32
        %dma_wait3A_736 = tpu.memref_slice %arg4[%dma_wait3A_734, %dma_wait3A_735] : memref<640x128xf32, #tpu.memory_space<hbm>> -> memref<624x128xf32, #tpu.memory_space<hbm>>
        tpu.wait_dma2 semaphore(%run_scoped3A : memref<!tpu.dma_semaphore, #tpu.memory_space<semaphore_mem>>) src(%dma_wait3A_736 : memref<624x128xf32, #tpu.memory_space<hbm>>) dst(%dma_wait3A_733 : memref<624x128xf32, #tpu.memory_space<vmem_shared>>)
        tpu.yield
      }) : () -> ()
    } else {
    }
    %eq3A = arith.constant 15 : i32
    %eq3A_3 = arith.cmpi eq, %arg1, %eq3A : i32
    %convert_element_type3A_4 = arith.extui %eq3A_3 : i1 to i32
    %cond3A_5 = arith.constant 0 : i32
    %cond3A_6 = arith.cmpi ne, %convert_element_type3A_4, %cond3A_5 : i32
    scf.if %cond3A_6 {
      "tpu.region"() ({
        %run_scoped3A = tpu.sem_alloc : memref<!tpu.dma_semaphore, #tpu.memory_space<semaphore_mem>>
        %dma_start3A_725 = arith.constant 9360 : i32
        %dma_start3A_726 = arith.constant 0 : i32
        %dma_start3A_727 = tpu.memref_slice %arg8[%dma_start3A_725, %dma_start3A_726] : memref<10000x128xf32, #tpu.memory_space<vmem_shared>> -> memref<640x128xf32, #tpu.memory_space<vmem_shared>>
        %dma_start3A_728 = arith.constant 0 : i32
        %dma_start3A_729 = arith.constant 0 : i32
        %dma_start3A_730 = tpu.memref_slice %arg4[%dma_start3A_728, %dma_start3A_729] : memref<640x128xf32, #tpu.memory_space<hbm>> -> memref<640x128xf32, #tpu.memory_space<hbm>>
        tpu.enqueue_dma source(%dma_start3A_730 : memref<640x128xf32, #tpu.memory_space<hbm>>) target(%dma_start3A_727 : memref<640x128xf32, #tpu.memory_space<vmem_shared>>) target_semaphore(%run_scoped3A : memref<!tpu.dma_semaphore, #tpu.memory_space<semaphore_mem>>)
        %dma_wait3A_731 = arith.constant 9360 : i32
        %dma_wait3A_732 = arith.constant 0 : i32
        %dma_wait3A_733 = tpu.memref_slice %arg8[%dma_wait3A_731, %dma_wait3A_732] : memref<10000x128xf32, #tpu.memory_space<vmem_shared>> -> memref<640x128xf32, #tpu.memory_space<vmem_shared>>
        %dma_wait3A_734 = arith.constant 0 : i32
        %dma_wait3A_735 = arith.constant 0 : i32
        %dma_wait3A_736 = tpu.memref_slice %arg4[%dma_wait3A_734, %dma_wait3A_735] : memref<640x128xf32, #tpu.memory_space<hbm>> -> memref<640x128xf32, #tpu.memory_space<hbm>>
        tpu.wait_dma2 semaphore(%run_scoped3A : memref<!tpu.dma_semaphore, #tpu.memory_space<semaphore_mem>>) src(%dma_wait3A_736 : memref<640x128xf32, #tpu.memory_space<hbm>>) dst(%dma_wait3A_733 : memref<640x128xf32, #tpu.memory_space<vmem_shared>>)
        tpu.yield
      }) : () -> ()
    } else {
    }
    %dma_start3A = arith.constant 0 : i32
    %dma_start3A_7 = arith.constant 0 : i32
    %dma_start3A_8 = arith.constant 0 : i32
    %dma_start3A_9 = arith.constant 0 : i32
    %dma_start3A_10 = tpu.memref_slice %arg6[%dma_start3A_7, %dma_start3A_8, %dma_start3A_9] : memref<4x2x125xi32, #tpu.memory_space<vmem>> -> memref<1x2x125xi32, #tpu.memory_space<vmem>>
    %dma_start3A_11 = tpu.memref_squeeze %dma_start3A_10 : memref<1x2x125xi32, #tpu.memory_space<vmem>> -> memref<2x125xi32, #tpu.memory_space<vmem>>
    %dma_start3A_12 = arith.constant 0 : i32
    %dma_start3A_13 = arith.constant 0 : i32
    %dma_start3A_14 = tpu.memref_slice %arg3[%add3A, %dma_start3A, %dma_start3A_12, %dma_start3A_13] : memref<32x80x2x125xi32, #tpu.memory_space<hbm>> -> memref<1x1x2x125xi32, #tpu.memory_space<hbm>>
    %dma_start3A_15 = tpu.memref_squeeze %dma_start3A_14 : memref<1x1x2x125xi32, #tpu.memory_space<hbm>> -> memref<2x125xi32, #tpu.memory_space<hbm>>
    %dma_start3A_16 = arith.constant 0 : i32
    %dma_start3A_17 = arith.constant 0 : i32
    %dma_start3A_18 = tpu.memref_slice %arg6[%dma_start3A_7, %dma_start3A_16, %dma_start3A_17] : memref<4x2x125xi32, #tpu.memory_space<vmem>> -> memref<1x2x125xi32, #tpu.memory_space<vmem>>
    %dma_start3A_19 = tpu.memref_squeeze %dma_start3A_18 : memref<1x2x125xi32, #tpu.memory_space<vmem>> -> memref<2x125xi32, #tpu.memory_space<vmem>>
    %dma_start3A_20 = arith.constant 0 : i32
    %dma_start3A_21 = arith.constant 0 : i32
    %dma_start3A_22 = tpu.memref_slice %arg3[%add3A, %dma_start3A, %dma_start3A_20, %dma_start3A_21] : memref<32x80x2x125xi32, #tpu.memory_space<hbm>> -> memref<1x1x2x125xi32, #tpu.memory_space<hbm>>
    %dma_start3A_23 = tpu.memref_squeeze %dma_start3A_22 : memref<1x1x2x125xi32, #tpu.memory_space<hbm>> -> memref<2x125xi32, #tpu.memory_space<hbm>>
    tpu.enqueue_dma source(%dma_start3A_23 : memref<2x125xi32, #tpu.memory_space<hbm>>) target(%dma_start3A_19 : memref<2x125xi32, #tpu.memory_space<vmem>>) target_semaphore(%arg9 : memref<!tpu.dma_semaphore, #tpu.memory_space<semaphore_mem>>)
    %dma_start3A_24 = arith.constant 1 : i32
    %dma_start3A_25 = arith.constant 1 : i32
    %dma_start3A_26 = arith.constant 0 : i32
    %dma_start3A_27 = arith.constant 0 : i32
    %dma_start3A_28 = tpu.memref_slice %arg6[%dma_start3A_25, %dma_start3A_26, %dma_start3A_27] : memref<4x2x125xi32, #tpu.memory_space<vmem>> -> memref<1x2x125xi32, #tpu.memory_space<vmem>>
    %dma_start3A_29 = tpu.memref_squeeze %dma_start3A_28 : memref<1x2x125xi32, #tpu.memory_space<vmem>> -> memref<2x125xi32, #tpu.memory_space<vmem>>
    %dma_start3A_30 = arith.constant 0 : i32
    %dma_start3A_31 = arith.constant 0 : i32
    %dma_start3A_32 = tpu.memref_slice %arg3[%add3A, %dma_start3A_24, %dma_start3A_30, %dma_start3A_31] : memref<32x80x2x125xi32, #tpu.memory_space<hbm>> -> memref<1x1x2x125xi32, #tpu.memory_space<hbm>>
    %dma_start3A_33 = tpu.memref_squeeze %dma_start3A_32 : memref<1x1x2x125xi32, #tpu.memory_space<hbm>> -> memref<2x125xi32, #tpu.memory_space<hbm>>
    %dma_start3A_34 = arith.constant 0 : i32
    %dma_start3A_35 = arith.constant 0 : i32
    %dma_start3A_36 = tpu.memref_slice %arg6[%dma_start3A_25, %dma_start3A_34, %dma_start3A_35] : memref<4x2x125xi32, #tpu.memory_space<vmem>> -> memref<1x2x125xi32, #tpu.memory_space<vmem>>
    %dma_start3A_37 = tpu.memref_squeeze %dma_start3A_36 : memref<1x2x125xi32, #tpu.memory_space<vmem>> -> memref<2x125xi32, #tpu.memory_space<vmem>>
    %dma_start3A_38 = arith.constant 0 : i32
    %dma_start3A_39 = arith.constant 0 : i32
    %dma_start3A_40 = tpu.memref_slice %arg3[%add3A, %dma_start3A_24, %dma_start3A_38, %dma_start3A_39] : memref<32x80x2x125xi32, #tpu.memory_space<hbm>> -> memref<1x1x2x125xi32, #tpu.memory_space<hbm>>
    %dma_start3A_41 = tpu.memref_squeeze %dma_start3A_40 : memref<1x1x2x125xi32, #tpu.memory_space<hbm>> -> memref<2x125xi32, #tpu.memory_space<hbm>>
    tpu.enqueue_dma source(%dma_start3A_41 : memref<2x125xi32, #tpu.memory_space<hbm>>) target(%dma_start3A_37 : memref<2x125xi32, #tpu.memory_space<vmem>>) target_semaphore(%arg10 : memref<!tpu.dma_semaphore, #tpu.memory_space<semaphore_mem>>)
    %dma_start3A_42 = arith.constant 2 : i32
    %dma_start3A_43 = arith.constant 2 : i32
    %dma_start3A_44 = arith.constant 0 : i32
    %dma_start3A_45 = arith.constant 0 : i32
    %dma_start3A_46 = tpu.memref_slice %arg6[%dma_start3A_43, %dma_start3A_44, %dma_start3A_45] : memref<4x2x125xi32, #tpu.memory_space<vmem>> -> memref<1x2x125xi32, #tpu.memory_space<vmem>>
    %dma_start3A_47 = tpu.memref_squeeze %dma_start3A_46 : memref<1x2x125xi32, #tpu.memory_space<vmem>> -> memref<2x125xi32, #tpu.memory_space<vmem>>
    %dma_start3A_48 = arith.constant 0 : i32
    %dma_start3A_49 = arith.constant 0 : i32
    %dma_start3A_50 = tpu.memref_slice %arg3[%add3A, %dma_start3A_42, %dma_start3A_48, %dma_start3A_49] : memref<32x80x2x125xi32, #tpu.memory_space<hbm>> -> memref<1x1x2x125xi32, #tpu.memory_space<hbm>>
    %dma_start3A_51 = tpu.memref_squeeze %dma_start3A_50 : memref<1x1x2x125xi32, #tpu.memory_space<hbm>> -> memref<2x125xi32, #tpu.memory_space<hbm>>
    %dma_start3A_52 = arith.constant 0 : i32
    %dma_start3A_53 = arith.constant 0 : i32
    %dma_start3A_54 = tpu.memref_slice %arg6[%dma_start3A_43, %dma_start3A_52, %dma_start3A_53] : memref<4x2x125xi32, #tpu.memory_space<vmem>> -> memref<1x2x125xi32, #tpu.memory_space<vmem>>
    %dma_start3A_55 = tpu.memref_squeeze %dma_start3A_54 : memref<1x2x125xi32, #tpu.memory_space<vmem>> -> memref<2x125xi32, #tpu.memory_space<vmem>>
    %dma_start3A_56 = arith.constant 0 : i32
    %dma_start3A_57 = arith.constant 0 : i32
    %dma_start3A_58 = tpu.memref_slice %arg3[%add3A, %dma_start3A_42, %dma_start3A_56, %dma_start3A_57] : memref<32x80x2x125xi32, #tpu.memory_space<hbm>> -> memref<1x1x2x125xi32, #tpu.memory_space<hbm>>
    %dma_start3A_59 = tpu.memref_squeeze %dma_start3A_58 : memref<1x1x2x125xi32, #tpu.memory_space<hbm>> -> memref<2x125xi32, #tpu.memory_space<hbm>>
    tpu.enqueue_dma source(%dma_start3A_59 : memref<2x125xi32, #tpu.memory_space<hbm>>) target(%dma_start3A_55 : memref<2x125xi32, #tpu.memory_space<vmem>>) target_semaphore(%arg11 : memref<!tpu.dma_semaphore, #tpu.memory_space<semaphore_mem>>)
    %dma_start3A_60 = arith.constant 3 : i32
    %dma_start3A_61 = arith.constant 3 : i32
    %dma_start3A_62 = arith.constant 0 : i32
    %dma_start3A_63 = arith.constant 0 : i32
    %dma_start3A_64 = tpu.memref_slice %arg6[%dma_start3A_61, %dma_start3A_62, %dma_start3A_63] : memref<4x2x125xi32, #tpu.memory_space<vmem>> -> memref<1x2x125xi32, #tpu.memory_space<vmem>>
    %dma_start3A_65 = tpu.memref_squeeze %dma_start3A_64 : memref<1x2x125xi32, #tpu.memory_space<vmem>> -> memref<2x125xi32, #tpu.memory_space<vmem>>
    %dma_start3A_66 = arith.constant 0 : i32
    %dma_start3A_67 = arith.constant 0 : i32
    %dma_start3A_68 = tpu.memref_slice %arg3[%add3A, %dma_start3A_60, %dma_start3A_66, %dma_start3A_67] : memref<32x80x2x125xi32, #tpu.memory_space<hbm>> -> memref<1x1x2x125xi32, #tpu.memory_space<hbm>>
    %dma_start3A_69 = tpu.memref_squeeze %dma_start3A_68 : memref<1x1x2x125xi32, #tpu.memory_space<hbm>> -> memref<2x125xi32, #tpu.memory_space<hbm>>
    %dma_start3A_70 = arith.constant 0 : i32
    %dma_start3A_71 = arith.constant 0 : i32
    %dma_start3A_72 = tpu.memref_slice %arg6[%dma_start3A_61, %dma_start3A_70, %dma_start3A_71] : memref<4x2x125xi32, #tpu.memory_space<vmem>> -> memref<1x2x125xi32, #tpu.memory_space<vmem>>
    %dma_start3A_73 = tpu.memref_squeeze %dma_start3A_72 : memref<1x2x125xi32, #tpu.memory_space<vmem>> -> memref<2x125xi32, #tpu.memory_space<vmem>>
    %dma_start3A_74 = arith.constant 0 : i32
    %dma_start3A_75 = arith.constant 0 : i32
    %dma_start3A_76 = tpu.memref_slice %arg3[%add3A, %dma_start3A_60, %dma_start3A_74, %dma_start3A_75] : memref<32x80x2x125xi32, #tpu.memory_space<hbm>> -> memref<1x1x2x125xi32, #tpu.memory_space<hbm>>
    %dma_start3A_77 = tpu.memref_squeeze %dma_start3A_76 : memref<1x1x2x125xi32, #tpu.memory_space<hbm>> -> memref<2x125xi32, #tpu.memory_space<hbm>>
    tpu.enqueue_dma source(%dma_start3A_77 : memref<2x125xi32, #tpu.memory_space<hbm>>) target(%dma_start3A_73 : memref<2x125xi32, #tpu.memory_space<vmem>>) target_semaphore(%arg12 : memref<!tpu.dma_semaphore, #tpu.memory_space<semaphore_mem>>)
    %dma_wait3A = arith.constant 0 : i32
    %dma_wait3A_78 = arith.constant 0 : i32
    %dma_wait3A_79 = arith.constant 0 : i32
    %dma_wait3A_80 = arith.constant 0 : i32
    %dma_wait3A_81 = tpu.memref_slice %arg6[%dma_wait3A_78, %dma_wait3A_79, %dma_wait3A_80] : memref<4x2x125xi32, #tpu.memory_space<vmem>> -> memref<1x2x125xi32, #tpu.memory_space<vmem>>
    %dma_wait3A_82 = tpu.memref_squeeze %dma_wait3A_81 : memref<1x2x125xi32, #tpu.memory_space<vmem>> -> memref<2x125xi32, #tpu.memory_space<vmem>>
    %dma_wait3A_83 = arith.constant 0 : i32
    %dma_wait3A_84 = arith.constant 0 : i32
    %dma_wait3A_85 = tpu.memref_slice %arg3[%add3A, %dma_wait3A, %dma_wait3A_83, %dma_wait3A_84] : memref<32x80x2x125xi32, #tpu.memory_space<hbm>> -> memref<1x1x2x125xi32, #tpu.memory_space<hbm>>
    %dma_wait3A_86 = tpu.memref_squeeze %dma_wait3A_85 : memref<1x1x2x125xi32, #tpu.memory_space<hbm>> -> memref<2x125xi32, #tpu.memory_space<hbm>>
    %dma_wait3A_87 = arith.constant 0 : i32
    %dma_wait3A_88 = arith.constant 0 : i32
    %dma_wait3A_89 = tpu.memref_slice %arg6[%dma_wait3A_78, %dma_wait3A_87, %dma_wait3A_88] : memref<4x2x125xi32, #tpu.memory_space<vmem>> -> memref<1x2x125xi32, #tpu.memory_space<vmem>>
    %dma_wait3A_90 = tpu.memref_squeeze %dma_wait3A_89 : memref<1x2x125xi32, #tpu.memory_space<vmem>> -> memref<2x125xi32, #tpu.memory_space<vmem>>
    %dma_wait3A_91 = arith.constant 0 : i32
    %dma_wait3A_92 = arith.constant 0 : i32
    %dma_wait3A_93 = tpu.memref_slice %arg3[%add3A, %dma_wait3A, %dma_wait3A_91, %dma_wait3A_92] : memref<32x80x2x125xi32, #tpu.memory_space<hbm>> -> memref<1x1x2x125xi32, #tpu.memory_space<hbm>>
    %dma_wait3A_94 = tpu.memref_squeeze %dma_wait3A_93 : memref<1x1x2x125xi32, #tpu.memory_space<hbm>> -> memref<2x125xi32, #tpu.memory_space<hbm>>
    tpu.wait_dma2 semaphore(%arg9 : memref<!tpu.dma_semaphore, #tpu.memory_space<semaphore_mem>>) src(%dma_wait3A_94 : memref<2x125xi32, #tpu.memory_space<hbm>>) dst(%dma_wait3A_90 : memref<2x125xi32, #tpu.memory_space<vmem>>)
    %dma_start3A_95 = arith.constant 0 : i32
    %dma_start3A_96 = arith.constant 0 : i32
    %dma_start3A_97 = arith.constant 0 : i32
    %dma_start3A_98 = arith.constant 0 : i32
    %dma_start3A_99 = arith.constant 0 : i32
    %dma_start3A_100 = tpu.memref_slice %arg7[%dma_start3A_97, %dma_start3A_98, %dma_start3A_99] : memref<2x125x128xf32, #tpu.memory_space<vmem>> -> memref<1x125x128xf32, #tpu.memory_space<vmem>>
    %dma_start3A_101 = tpu.memref_squeeze %dma_start3A_100 : memref<1x125x128xf32, #tpu.memory_space<vmem>> -> memref<125x128xf32, #tpu.memory_space<vmem>>
    %dma_start3A_102 = arith.constant 0 : i32
    %dma_start3A_103 = tpu.memref_slice %arg6[%dma_start3A_95, %dma_start3A_96, %dma_start3A_102] : memref<4x2x125xi32, #tpu.memory_space<vmem>> -> memref<1x1x125xi32, #tpu.memory_space<vmem>>
    %dma_start3A_104 = tpu.memref_squeeze %dma_start3A_103 : memref<1x1x125xi32, #tpu.memory_space<vmem>> -> memref<125xi32, #tpu.memory_space<vmem>>
    %dma_start3A_105 = arith.constant 0 : i32
    %dma_start3A_106 = arith.constant 0 : i32
    %dma_start3A_107 = tpu.memref_slice %arg2[%dma_start3A_105, %dma_start3A_106] : memref<10000x128xf32, #tpu.memory_space<hbm>> -> memref<10000x128xf32, #tpu.memory_space<hbm>>
    tpu.enqueue_indirect_dma source(%dma_start3A_107 : memref<10000x128xf32, #tpu.memory_space<hbm>>) target(%dma_start3A_101 : memref<125x128xf32, #tpu.memory_space<vmem>>) offsets(%dma_start3A_104 : memref<125xi32, #tpu.memory_space<vmem>>) semaphore(%arg13 : memref<!tpu.dma_semaphore, #tpu.memory_space<semaphore_mem>>)
    %dma_wait3A_108 = arith.constant 0 : i32
    %dma_wait3A_109 = arith.constant 1 : i32
    %dma_wait3A_110 = arith.constant 0 : i32
    %dma_wait3A_111 = arith.constant 0 : i32
    %dma_wait3A_112 = tpu.memref_slice %arg6[%dma_wait3A_109, %dma_wait3A_110, %dma_wait3A_111] : memref<4x2x125xi32, #tpu.memory_space<vmem>> -> memref<1x2x125xi32, #tpu.memory_space<vmem>>
    %dma_wait3A_113 = tpu.memref_squeeze %dma_wait3A_112 : memref<1x2x125xi32, #tpu.memory_space<vmem>> -> memref<2x125xi32, #tpu.memory_space<vmem>>
    %dma_wait3A_114 = arith.constant 0 : i32
    %dma_wait3A_115 = arith.constant 0 : i32
    %dma_wait3A_116 = tpu.memref_slice %arg3[%add3A, %dma_wait3A_108, %dma_wait3A_114, %dma_wait3A_115] : memref<32x80x2x125xi32, #tpu.memory_space<hbm>> -> memref<1x1x2x125xi32, #tpu.memory_space<hbm>>
    %dma_wait3A_117 = tpu.memref_squeeze %dma_wait3A_116 : memref<1x1x2x125xi32, #tpu.memory_space<hbm>> -> memref<2x125xi32, #tpu.memory_space<hbm>>
    %dma_wait3A_118 = arith.constant 0 : i32
    %dma_wait3A_119 = arith.constant 0 : i32
    %dma_wait3A_120 = tpu.memref_slice %arg6[%dma_wait3A_109, %dma_wait3A_118, %dma_wait3A_119] : memref<4x2x125xi32, #tpu.memory_space<vmem>> -> memref<1x2x125xi32, #tpu.memory_space<vmem>>
    %dma_wait3A_121 = tpu.memref_squeeze %dma_wait3A_120 : memref<1x2x125xi32, #tpu.memory_space<vmem>> -> memref<2x125xi32, #tpu.memory_space<vmem>>
    %dma_wait3A_122 = arith.constant 0 : i32
    %dma_wait3A_123 = arith.constant 0 : i32
    %dma_wait3A_124 = tpu.memref_slice %arg3[%add3A, %dma_wait3A_108, %dma_wait3A_122, %dma_wait3A_123] : memref<32x80x2x125xi32, #tpu.memory_space<hbm>> -> memref<1x1x2x125xi32, #tpu.memory_space<hbm>>
    %dma_wait3A_125 = tpu.memref_squeeze %dma_wait3A_124 : memref<1x1x2x125xi32, #tpu.memory_space<hbm>> -> memref<2x125xi32, #tpu.memory_space<hbm>>
    tpu.wait_dma2 semaphore(%arg10 : memref<!tpu.dma_semaphore, #tpu.memory_space<semaphore_mem>>) src(%dma_wait3A_125 : memref<2x125xi32, #tpu.memory_space<hbm>>) dst(%dma_wait3A_121 : memref<2x125xi32, #tpu.memory_space<vmem>>)
    %dma_start3A_126 = arith.constant 1 : i32
    %dma_start3A_127 = arith.constant 0 : i32
    %dma_start3A_128 = arith.constant 1 : i32
    %dma_start3A_129 = arith.constant 0 : i32
    %dma_start3A_130 = arith.constant 0 : i32
    %dma_start3A_131 = tpu.memref_slice %arg7[%dma_start3A_128, %dma_start3A_129, %dma_start3A_130] : memref<2x125x128xf32, #tpu.memory_space<vmem>> -> memref<1x125x128xf32, #tpu.memory_space<vmem>>
    %dma_start3A_132 = tpu.memref_squeeze %dma_start3A_131 : memref<1x125x128xf32, #tpu.memory_space<vmem>> -> memref<125x128xf32, #tpu.memory_space<vmem>>
    %dma_start3A_133 = arith.constant 0 : i32
    %dma_start3A_134 = tpu.memref_slice %arg6[%dma_start3A_126, %dma_start3A_127, %dma_start3A_133] : memref<4x2x125xi32, #tpu.memory_space<vmem>> -> memref<1x1x125xi32, #tpu.memory_space<vmem>>
    %dma_start3A_135 = tpu.memref_squeeze %dma_start3A_134 : memref<1x1x125xi32, #tpu.memory_space<vmem>> -> memref<125xi32, #tpu.memory_space<vmem>>
    %dma_start3A_136 = arith.constant 0 : i32
    %dma_start3A_137 = arith.constant 0 : i32
    %dma_start3A_138 = tpu.memref_slice %arg2[%dma_start3A_136, %dma_start3A_137] : memref<10000x128xf32, #tpu.memory_space<hbm>> -> memref<10000x128xf32, #tpu.memory_space<hbm>>
    tpu.enqueue_indirect_dma source(%dma_start3A_138 : memref<10000x128xf32, #tpu.memory_space<hbm>>) target(%dma_start3A_132 : memref<125x128xf32, #tpu.memory_space<vmem>>) offsets(%dma_start3A_135 : memref<125xi32, #tpu.memory_space<vmem>>) semaphore(%arg14 : memref<!tpu.dma_semaphore, #tpu.memory_space<semaphore_mem>>)
    %barrier3A = arith.constant 0 : index
    tpu.barrier barrier_id(%barrier3A)
    %dma_wait3A_139 = arith.constant 0 : i32
    %dma_wait3A_140 = arith.constant 0 : i32
    %dma_wait3A_141 = arith.constant 0 : i32
    %dma_wait3A_142 = arith.constant 0 : i32
    %dma_wait3A_143 = arith.constant 0 : i32
    %dma_wait3A_144 = tpu.memref_slice %arg7[%dma_wait3A_141, %dma_wait3A_142, %dma_wait3A_143] : memref<2x125x128xf32, #tpu.memory_space<vmem>> -> memref<1x125x128xf32, #tpu.memory_space<vmem>>
    %dma_wait3A_145 = tpu.memref_squeeze %dma_wait3A_144 : memref<1x125x128xf32, #tpu.memory_space<vmem>> -> memref<125x128xf32, #tpu.memory_space<vmem>>
    %dma_wait3A_146 = arith.constant 0 : i32
    %dma_wait3A_147 = tpu.memref_slice %arg6[%dma_wait3A_139, %dma_wait3A_140, %dma_wait3A_146] : memref<4x2x125xi32, #tpu.memory_space<vmem>> -> memref<1x1x125xi32, #tpu.memory_space<vmem>>
    %dma_wait3A_148 = tpu.memref_squeeze %dma_wait3A_147 : memref<1x1x125xi32, #tpu.memory_space<vmem>> -> memref<125xi32, #tpu.memory_space<vmem>>
    %dma_wait3A_149 = arith.constant 0 : i32
    %dma_wait3A_150 = arith.constant 0 : i32
    %dma_wait3A_151 = tpu.memref_slice %arg2[%dma_wait3A_149, %dma_wait3A_150] : memref<10000x128xf32, #tpu.memory_space<hbm>> -> memref<10000x128xf32, #tpu.memory_space<hbm>>
    tpu.wait_indirect_dma semaphore(%arg13 : memref<!tpu.dma_semaphore, #tpu.memory_space<semaphore_mem>>) src(%dma_wait3A_151 : memref<10000x128xf32, #tpu.memory_space<hbm>>) dst(%dma_wait3A_145 : memref<125x128xf32, #tpu.memory_space<vmem>>)
    %dma_start3A_152 = arith.constant 0 : i32
    %dma_start3A_153 = arith.constant 0 : i32
    %dma_start3A_154 = arith.constant 1 : i32
    %dma_start3A_155 = arith.constant 0 : i32
    %dma_start3A_156 = arith.constant 0 : i32
    %dma_start3A_157 = tpu.memref_slice %arg7[%dma_start3A_152, %dma_start3A_155, %dma_start3A_156] : memref<2x125x128xf32, #tpu.memory_space<vmem>> -> memref<1x125x128xf32, #tpu.memory_space<vmem>>
    %dma_start3A_158 = tpu.memref_squeeze %dma_start3A_157 : memref<1x125x128xf32, #tpu.memory_space<vmem>> -> memref<125x128xf32, #tpu.memory_space<vmem>>
    %dma_start3A_159 = arith.constant 0 : i32
    %dma_start3A_160 = tpu.memref_slice %arg6[%dma_start3A_153, %dma_start3A_154, %dma_start3A_159] : memref<4x2x125xi32, #tpu.memory_space<vmem>> -> memref<1x1x125xi32, #tpu.memory_space<vmem>>
    %dma_start3A_161 = tpu.memref_squeeze %dma_start3A_160 : memref<1x1x125xi32, #tpu.memory_space<vmem>> -> memref<125xi32, #tpu.memory_space<vmem>>
    %dma_start3A_162 = arith.constant 0 : i32
    %dma_start3A_163 = arith.constant 0 : i32
    %dma_start3A_164 = tpu.memref_slice %arg8[%dma_start3A_162, %dma_start3A_163] : memref<10000x128xf32, #tpu.memory_space<vmem_shared>> -> memref<10000x128xf32, #tpu.memory_space<vmem_shared>>
    tpu.enqueue_indirect_dma source(%dma_start3A_158 : memref<125x128xf32, #tpu.memory_space<vmem>>) target(%dma_start3A_164 : memref<10000x128xf32, #tpu.memory_space<vmem_shared>>) offsets(%dma_start3A_161 : memref<125xi32, #tpu.memory_space<vmem>>) semaphore(%arg15 : memref<!tpu.dma_semaphore, #tpu.memory_space<semaphore_mem>>) {add = true}
    %dma_wait3A_165 = arith.constant 0 : i32
    %dma_wait3A_166 = arith.constant 2 : i32
    %dma_wait3A_167 = arith.constant 0 : i32
    %dma_wait3A_168 = arith.constant 0 : i32
    %dma_wait3A_169 = tpu.memref_slice %arg6[%dma_wait3A_166, %dma_wait3A_167, %dma_wait3A_168] : memref<4x2x125xi32, #tpu.memory_space<vmem>> -> memref<1x2x125xi32, #tpu.memory_space<vmem>>
    %dma_wait3A_170 = tpu.memref_squeeze %dma_wait3A_169 : memref<1x2x125xi32, #tpu.memory_space<vmem>> -> memref<2x125xi32, #tpu.memory_space<vmem>>
    %dma_wait3A_171 = arith.constant 0 : i32
    %dma_wait3A_172 = arith.constant 0 : i32
    %dma_wait3A_173 = tpu.memref_slice %arg3[%add3A, %dma_wait3A_165, %dma_wait3A_171, %dma_wait3A_172] : memref<32x80x2x125xi32, #tpu.memory_space<hbm>> -> memref<1x1x2x125xi32, #tpu.memory_space<hbm>>
    %dma_wait3A_174 = tpu.memref_squeeze %dma_wait3A_173 : memref<1x1x2x125xi32, #tpu.memory_space<hbm>> -> memref<2x125xi32, #tpu.memory_space<hbm>>
    %dma_wait3A_175 = arith.constant 0 : i32
    %dma_wait3A_176 = arith.constant 0 : i32
    %dma_wait3A_177 = tpu.memref_slice %arg6[%dma_wait3A_166, %dma_wait3A_175, %dma_wait3A_176] : memref<4x2x125xi32, #tpu.memory_space<vmem>> -> memref<1x2x125xi32, #tpu.memory_space<vmem>>
    %dma_wait3A_178 = tpu.memref_squeeze %dma_wait3A_177 : memref<1x2x125xi32, #tpu.memory_space<vmem>> -> memref<2x125xi32, #tpu.memory_space<vmem>>
    %dma_wait3A_179 = arith.constant 0 : i32
    %dma_wait3A_180 = arith.constant 0 : i32
    %dma_wait3A_181 = tpu.memref_slice %arg3[%add3A, %dma_wait3A_165, %dma_wait3A_179, %dma_wait3A_180] : memref<32x80x2x125xi32, #tpu.memory_space<hbm>> -> memref<1x1x2x125xi32, #tpu.memory_space<hbm>>
    %dma_wait3A_182 = tpu.memref_squeeze %dma_wait3A_181 : memref<1x1x2x125xi32, #tpu.memory_space<hbm>> -> memref<2x125xi32, #tpu.memory_space<hbm>>
    tpu.wait_dma2 semaphore(%arg11 : memref<!tpu.dma_semaphore, #tpu.memory_space<semaphore_mem>>) src(%dma_wait3A_182 : memref<2x125xi32, #tpu.memory_space<hbm>>) dst(%dma_wait3A_178 : memref<2x125xi32, #tpu.memory_space<vmem>>)
    %scan3A = arith.constant 0 : i32
    %scan3A_183 = arith.constant 0 : i32
    %scan3A_184 = arith.constant 18 : i32
    %scan3A_185 = arith.addi %scan3A_183, %scan3A_184 : i32
    %scan3A_186 = arith.constant 1 : i32
    scf.for %scan3A_725 = %scan3A_183 to %scan3A_185 step %scan3A_186  : i32 {
      %mul3A_726 = arith.constant 4 : i32
      %mul3A_727 = arith.muli %scan3A_725, %mul3A_726 : i32
      %add3A_728 = arith.constant 1 : i32
      %add3A_729 = arith.addi %mul3A_727, %add3A_728 : i32
      %add3A_730 = arith.constant 0 : i32
      %add3A_731 = arith.addi %add3A_729, %add3A_730 : i32
      %dma_wait3A_732 = arith.constant 0 : i32
      %dma_wait3A_733 = arith.constant 0 : i32
      %dma_wait3A_734 = arith.constant 1 : i32
      %dma_wait3A_735 = arith.constant 0 : i32
      %dma_wait3A_736 = arith.constant 0 : i32
      %dma_wait3A_737 = tpu.memref_slice %arg7[%dma_wait3A_732, %dma_wait3A_735, %dma_wait3A_736] : memref<2x125x128xf32, #tpu.memory_space<vmem>> -> memref<1x125x128xf32, #tpu.memory_space<vmem>>
      %dma_wait3A_738 = tpu.memref_squeeze %dma_wait3A_737 : memref<1x125x128xf32, #tpu.memory_space<vmem>> -> memref<125x128xf32, #tpu.memory_space<vmem>>
      %dma_wait3A_739 = arith.constant 0 : i32
      %dma_wait3A_740 = tpu.memref_slice %arg6[%dma_wait3A_733, %dma_wait3A_734, %dma_wait3A_739] : memref<4x2x125xi32, #tpu.memory_space<vmem>> -> memref<1x1x125xi32, #tpu.memory_space<vmem>>
      %dma_wait3A_741 = tpu.memref_squeeze %dma_wait3A_740 : memref<1x1x125xi32, #tpu.memory_space<vmem>> -> memref<125xi32, #tpu.memory_space<vmem>>
      %dma_wait3A_742 = arith.constant 0 : i32
      %dma_wait3A_743 = arith.constant 0 : i32
      %dma_wait3A_744 = tpu.memref_slice %arg8[%dma_wait3A_742, %dma_wait3A_743] : memref<10000x128xf32, #tpu.memory_space<vmem_shared>> -> memref<10000x128xf32, #tpu.memory_space<vmem_shared>>
      tpu.wait_indirect_dma semaphore(%arg15 : memref<!tpu.dma_semaphore, #tpu.memory_space<semaphore_mem>>) src(%dma_wait3A_738 : memref<125x128xf32, #tpu.memory_space<vmem>>) dst(%dma_wait3A_744 : memref<10000x128xf32, #tpu.memory_space<vmem_shared>>)
      %add3A_745 = arith.constant 3 : i32
      %add3A_746 = arith.addi %add3A_731, %add3A_745 : i32
      %dma_start3A_747 = arith.constant 0 : i32
      %dma_start3A_748 = arith.constant 0 : i32
      %dma_start3A_749 = arith.constant 0 : i32
      %dma_start3A_750 = tpu.memref_slice %arg6[%dma_start3A_747, %dma_start3A_748, %dma_start3A_749] : memref<4x2x125xi32, #tpu.memory_space<vmem>> -> memref<1x2x125xi32, #tpu.memory_space<vmem>>
      %dma_start3A_751 = tpu.memref_squeeze %dma_start3A_750 : memref<1x2x125xi32, #tpu.memory_space<vmem>> -> memref<2x125xi32, #tpu.memory_space<vmem>>
      %dma_start3A_752 = arith.constant 0 : i32
      %dma_start3A_753 = arith.constant 0 : i32
      %dma_start3A_754 = tpu.memref_slice %arg3[%add3A, %add3A_746, %dma_start3A_752, %dma_start3A_753] : memref<32x80x2x125xi32, #tpu.memory_space<hbm>> -> memref<1x1x2x125xi32, #tpu.memory_space<hbm>>
      %dma_start3A_755 = tpu.memref_squeeze %dma_start3A_754 : memref<1x1x2x125xi32, #tpu.memory_space<hbm>> -> memref<2x125xi32, #tpu.memory_space<hbm>>
      %dma_start3A_756 = arith.constant 0 : i32
      %dma_start3A_757 = arith.constant 0 : i32
      %dma_start3A_758 = tpu.memref_slice %arg6[%dma_start3A_747, %dma_start3A_756, %dma_start3A_757] : memref<4x2x125xi32, #tpu.memory_space<vmem>> -> memref<1x2x125xi32, #tpu.memory_space<vmem>>
      %dma_start3A_759 = tpu.memref_squeeze %dma_start3A_758 : memref<1x2x125xi32, #tpu.memory_space<vmem>> -> memref<2x125xi32, #tpu.memory_space<vmem>>
      %dma_start3A_760 = arith.constant 0 : i32
      %dma_start3A_761 = arith.constant 0 : i32
      %dma_start3A_762 = tpu.memref_slice %arg3[%add3A, %add3A_746, %dma_start3A_760, %dma_start3A_761] : memref<32x80x2x125xi32, #tpu.memory_space<hbm>> -> memref<1x1x2x125xi32, #tpu.memory_space<hbm>>
      %dma_start3A_763 = tpu.memref_squeeze %dma_start3A_762 : memref<1x1x2x125xi32, #tpu.memory_space<hbm>> -> memref<2x125xi32, #tpu.memory_space<hbm>>
      tpu.enqueue_dma source(%dma_start3A_763 : memref<2x125xi32, #tpu.memory_space<hbm>>) target(%dma_start3A_759 : memref<2x125xi32, #tpu.memory_space<vmem>>) target_semaphore(%arg9 : memref<!tpu.dma_semaphore, #tpu.memory_space<semaphore_mem>>)
      %dma_start3A_764 = arith.constant 2 : i32
      %dma_start3A_765 = arith.constant 0 : i32
      %dma_start3A_766 = arith.constant 0 : i32
      %dma_start3A_767 = arith.constant 0 : i32
      %dma_start3A_768 = arith.constant 0 : i32
      %dma_start3A_769 = tpu.memref_slice %arg7[%dma_start3A_766, %dma_start3A_767, %dma_start3A_768] : memref<2x125x128xf32, #tpu.memory_space<vmem>> -> memref<1x125x128xf32, #tpu.memory_space<vmem>>
      %dma_start3A_770 = tpu.memref_squeeze %dma_start3A_769 : memref<1x125x128xf32, #tpu.memory_space<vmem>> -> memref<125x128xf32, #tpu.memory_space<vmem>>
      %dma_start3A_771 = arith.constant 0 : i32
      %dma_start3A_772 = tpu.memref_slice %arg6[%dma_start3A_764, %dma_start3A_765, %dma_start3A_771] : memref<4x2x125xi32, #tpu.memory_space<vmem>> -> memref<1x1x125xi32, #tpu.memory_space<vmem>>
      %dma_start3A_773 = tpu.memref_squeeze %dma_start3A_772 : memref<1x1x125xi32, #tpu.memory_space<vmem>> -> memref<125xi32, #tpu.memory_space<vmem>>
      %dma_start3A_774 = arith.constant 0 : i32
      %dma_start3A_775 = arith.constant 0 : i32
      %dma_start3A_776 = tpu.memref_slice %arg2[%dma_start3A_774, %dma_start3A_775] : memref<10000x128xf32, #tpu.memory_space<hbm>> -> memref<10000x128xf32, #tpu.memory_space<hbm>>
      tpu.enqueue_indirect_dma source(%dma_start3A_776 : memref<10000x128xf32, #tpu.memory_space<hbm>>) target(%dma_start3A_770 : memref<125x128xf32, #tpu.memory_space<vmem>>) offsets(%dma_start3A_773 : memref<125xi32, #tpu.memory_space<vmem>>) semaphore(%arg13 : memref<!tpu.dma_semaphore, #tpu.memory_space<semaphore_mem>>)
      %dma_wait3A_777 = arith.constant 1 : i32
      %dma_wait3A_778 = arith.constant 0 : i32
      %dma_wait3A_779 = arith.constant 1 : i32
      %dma_wait3A_780 = arith.constant 0 : i32
      %dma_wait3A_781 = arith.constant 0 : i32
      %dma_wait3A_782 = tpu.memref_slice %arg7[%dma_wait3A_779, %dma_wait3A_780, %dma_wait3A_781] : memref<2x125x128xf32, #tpu.memory_space<vmem>> -> memref<1x125x128xf32, #tpu.memory_space<vmem>>
      %dma_wait3A_783 = tpu.memref_squeeze %dma_wait3A_782 : memref<1x125x128xf32, #tpu.memory_space<vmem>> -> memref<125x128xf32, #tpu.memory_space<vmem>>
      %dma_wait3A_784 = arith.constant 0 : i32
      %dma_wait3A_785 = tpu.memref_slice %arg6[%dma_wait3A_777, %dma_wait3A_778, %dma_wait3A_784] : memref<4x2x125xi32, #tpu.memory_space<vmem>> -> memref<1x1x125xi32, #tpu.memory_space<vmem>>
      %dma_wait3A_786 = tpu.memref_squeeze %dma_wait3A_785 : memref<1x1x125xi32, #tpu.memory_space<vmem>> -> memref<125xi32, #tpu.memory_space<vmem>>
      %dma_wait3A_787 = arith.constant 0 : i32
      %dma_wait3A_788 = arith.constant 0 : i32
      %dma_wait3A_789 = tpu.memref_slice %arg2[%dma_wait3A_787, %dma_wait3A_788] : memref<10000x128xf32, #tpu.memory_space<hbm>> -> memref<10000x128xf32, #tpu.memory_space<hbm>>
      tpu.wait_indirect_dma semaphore(%arg14 : memref<!tpu.dma_semaphore, #tpu.memory_space<semaphore_mem>>) src(%dma_wait3A_789 : memref<10000x128xf32, #tpu.memory_space<hbm>>) dst(%dma_wait3A_783 : memref<125x128xf32, #tpu.memory_space<vmem>>)
      %dma_start3A_790 = arith.constant 1 : i32
      %dma_start3A_791 = arith.constant 1 : i32
      %dma_start3A_792 = arith.constant 1 : i32
      %dma_start3A_793 = arith.constant 0 : i32
      %dma_start3A_794 = arith.constant 0 : i32
      %dma_start3A_795 = tpu.memref_slice %arg7[%dma_start3A_790, %dma_start3A_793, %dma_start3A_794] : memref<2x125x128xf32, #tpu.memory_space<vmem>> -> memref<1x125x128xf32, #tpu.memory_space<vmem>>
      %dma_start3A_796 = tpu.memref_squeeze %dma_start3A_795 : memref<1x125x128xf32, #tpu.memory_space<vmem>> -> memref<125x128xf32, #tpu.memory_space<vmem>>
      %dma_start3A_797 = arith.constant 0 : i32
      %dma_start3A_798 = tpu.memref_slice %arg6[%dma_start3A_791, %dma_start3A_792, %dma_start3A_797] : memref<4x2x125xi32, #tpu.memory_space<vmem>> -> memref<1x1x125xi32, #tpu.memory_space<vmem>>
      %dma_start3A_799 = tpu.memref_squeeze %dma_start3A_798 : memref<1x1x125xi32, #tpu.memory_space<vmem>> -> memref<125xi32, #tpu.memory_space<vmem>>
      %dma_start3A_800 = arith.constant 0 : i32
      %dma_start3A_801 = arith.constant 0 : i32
      %dma_start3A_802 = tpu.memref_slice %arg8[%dma_start3A_800, %dma_start3A_801] : memref<10000x128xf32, #tpu.memory_space<vmem_shared>> -> memref<10000x128xf32, #tpu.memory_space<vmem_shared>>
      tpu.enqueue_indirect_dma source(%dma_start3A_796 : memref<125x128xf32, #tpu.memory_space<vmem>>) target(%dma_start3A_802 : memref<10000x128xf32, #tpu.memory_space<vmem_shared>>) offsets(%dma_start3A_799 : memref<125xi32, #tpu.memory_space<vmem>>) semaphore(%arg16 : memref<!tpu.dma_semaphore, #tpu.memory_space<semaphore_mem>>) {add = true}
      %dma_wait3A_803 = arith.constant 0 : i32
      %dma_wait3A_804 = arith.constant 3 : i32
      %dma_wait3A_805 = arith.constant 0 : i32
      %dma_wait3A_806 = arith.constant 0 : i32
      %dma_wait3A_807 = tpu.memref_slice %arg6[%dma_wait3A_804, %dma_wait3A_805, %dma_wait3A_806] : memref<4x2x125xi32, #tpu.memory_space<vmem>> -> memref<1x2x125xi32, #tpu.memory_space<vmem>>
      %dma_wait3A_808 = tpu.memref_squeeze %dma_wait3A_807 : memref<1x2x125xi32, #tpu.memory_space<vmem>> -> memref<2x125xi32, #tpu.memory_space<vmem>>
      %dma_wait3A_809 = arith.constant 0 : i32
      %dma_wait3A_810 = arith.constant 0 : i32
      %dma_wait3A_811 = tpu.memref_slice %arg3[%add3A, %dma_wait3A_803, %dma_wait3A_809, %dma_wait3A_810] : memref<32x80x2x125xi32, #tpu.memory_space<hbm>> -> memref<1x1x2x125xi32, #tpu.memory_space<hbm>>
      %dma_wait3A_812 = tpu.memref_squeeze %dma_wait3A_811 : memref<1x1x2x125xi32, #tpu.memory_space<hbm>> -> memref<2x125xi32, #tpu.memory_space<hbm>>
      %dma_wait3A_813 = arith.constant 0 : i32
      %dma_wait3A_814 = arith.constant 0 : i32
      %dma_wait3A_815 = tpu.memref_slice %arg6[%dma_wait3A_804, %dma_wait3A_813, %dma_wait3A_814] : memref<4x2x125xi32, #tpu.memory_space<vmem>> -> memref<1x2x125xi32, #tpu.memory_space<vmem>>
      %dma_wait3A_816 = tpu.memref_squeeze %dma_wait3A_815 : memref<1x2x125xi32, #tpu.memory_space<vmem>> -> memref<2x125xi32, #tpu.memory_space<vmem>>
      %dma_wait3A_817 = arith.constant 0 : i32
      %dma_wait3A_818 = arith.constant 0 : i32
      %dma_wait3A_819 = tpu.memref_slice %arg3[%add3A, %dma_wait3A_803, %dma_wait3A_817, %dma_wait3A_818] : memref<32x80x2x125xi32, #tpu.memory_space<hbm>> -> memref<1x1x2x125xi32, #tpu.memory_space<hbm>>
      %dma_wait3A_820 = tpu.memref_squeeze %dma_wait3A_819 : memref<1x1x2x125xi32, #tpu.memory_space<hbm>> -> memref<2x125xi32, #tpu.memory_space<hbm>>
      tpu.wait_dma2 semaphore(%arg12 : memref<!tpu.dma_semaphore, #tpu.memory_space<semaphore_mem>>) src(%dma_wait3A_820 : memref<2x125xi32, #tpu.memory_space<hbm>>) dst(%dma_wait3A_816 : memref<2x125xi32, #tpu.memory_space<vmem>>)
      %mul3A_821 = arith.constant 4 : i32
      %mul3A_822 = arith.muli %scan3A_725, %mul3A_821 : i32
      %add3A_823 = arith.constant 1 : i32
      %add3A_824 = arith.addi %mul3A_822, %add3A_823 : i32
      %add3A_825 = arith.constant 1 : i32
      %add3A_826 = arith.addi %add3A_824, %add3A_825 : i32
      %dma_wait3A_827 = arith.constant 1 : i32
      %dma_wait3A_828 = arith.constant 1 : i32
      %dma_wait3A_829 = arith.constant 1 : i32
      %dma_wait3A_830 = arith.constant 0 : i32
      %dma_wait3A_831 = arith.constant 0 : i32
      %dma_wait3A_832 = tpu.memref_slice %arg7[%dma_wait3A_827, %dma_wait3A_830, %dma_wait3A_831] : memref<2x125x128xf32, #tpu.memory_space<vmem>> -> memref<1x125x128xf32, #tpu.memory_space<vmem>>
      %dma_wait3A_833 = tpu.memref_squeeze %dma_wait3A_832 : memref<1x125x128xf32, #tpu.memory_space<vmem>> -> memref<125x128xf32, #tpu.memory_space<vmem>>
      %dma_wait3A_834 = arith.constant 0 : i32
      %dma_wait3A_835 = tpu.memref_slice %arg6[%dma_wait3A_828, %dma_wait3A_829, %dma_wait3A_834] : memref<4x2x125xi32, #tpu.memory_space<vmem>> -> memref<1x1x125xi32, #tpu.memory_space<vmem>>
      %dma_wait3A_836 = tpu.memref_squeeze %dma_wait3A_835 : memref<1x1x125xi32, #tpu.memory_space<vmem>> -> memref<125xi32, #tpu.memory_space<vmem>>
      %dma_wait3A_837 = arith.constant 0 : i32
      %dma_wait3A_838 = arith.constant 0 : i32
      %dma_wait3A_839 = tpu.memref_slice %arg8[%dma_wait3A_837, %dma_wait3A_838] : memref<10000x128xf32, #tpu.memory_space<vmem_shared>> -> memref<10000x128xf32, #tpu.memory_space<vmem_shared>>
      tpu.wait_indirect_dma semaphore(%arg16 : memref<!tpu.dma_semaphore, #tpu.memory_space<semaphore_mem>>) src(%dma_wait3A_833 : memref<125x128xf32, #tpu.memory_space<vmem>>) dst(%dma_wait3A_839 : memref<10000x128xf32, #tpu.memory_space<vmem_shared>>)
      %add3A_840 = arith.constant 3 : i32
      %add3A_841 = arith.addi %add3A_826, %add3A_840 : i32
      %dma_start3A_842 = arith.constant 1 : i32
      %dma_start3A_843 = arith.constant 0 : i32
      %dma_start3A_844 = arith.constant 0 : i32
      %dma_start3A_845 = tpu.memref_slice %arg6[%dma_start3A_842, %dma_start3A_843, %dma_start3A_844] : memref<4x2x125xi32, #tpu.memory_space<vmem>> -> memref<1x2x125xi32, #tpu.memory_space<vmem>>
      %dma_start3A_846 = tpu.memref_squeeze %dma_start3A_845 : memref<1x2x125xi32, #tpu.memory_space<vmem>> -> memref<2x125xi32, #tpu.memory_space<vmem>>
      %dma_start3A_847 = arith.constant 0 : i32
      %dma_start3A_848 = arith.constant 0 : i32
      %dma_start3A_849 = tpu.memref_slice %arg3[%add3A, %add3A_841, %dma_start3A_847, %dma_start3A_848] : memref<32x80x2x125xi32, #tpu.memory_space<hbm>> -> memref<1x1x2x125xi32, #tpu.memory_space<hbm>>
      %dma_start3A_850 = tpu.memref_squeeze %dma_start3A_849 : memref<1x1x2x125xi32, #tpu.memory_space<hbm>> -> memref<2x125xi32, #tpu.memory_space<hbm>>
      %dma_start3A_851 = arith.constant 0 : i32
      %dma_start3A_852 = arith.constant 0 : i32
      %dma_start3A_853 = tpu.memref_slice %arg6[%dma_start3A_842, %dma_start3A_851, %dma_start3A_852] : memref<4x2x125xi32, #tpu.memory_space<vmem>> -> memref<1x2x125xi32, #tpu.memory_space<vmem>>
      %dma_start3A_854 = tpu.memref_squeeze %dma_start3A_853 : memref<1x2x125xi32, #tpu.memory_space<vmem>> -> memref<2x125xi32, #tpu.memory_space<vmem>>
      %dma_start3A_855 = arith.constant 0 : i32
      %dma_start3A_856 = arith.constant 0 : i32
      %dma_start3A_857 = tpu.memref_slice %arg3[%add3A, %add3A_841, %dma_start3A_855, %dma_start3A_856] : memref<32x80x2x125xi32, #tpu.memory_space<hbm>> -> memref<1x1x2x125xi32, #tpu.memory_space<hbm>>
      %dma_start3A_858 = tpu.memref_squeeze %dma_start3A_857 : memref<1x1x2x125xi32, #tpu.memory_space<hbm>> -> memref<2x125xi32, #tpu.memory_space<hbm>>
      tpu.enqueue_dma source(%dma_start3A_858 : memref<2x125xi32, #tpu.memory_space<hbm>>) target(%dma_start3A_854 : memref<2x125xi32, #tpu.memory_space<vmem>>) target_semaphore(%arg10 : memref<!tpu.dma_semaphore, #tpu.memory_space<semaphore_mem>>)
      %dma_start3A_859 = arith.constant 3 : i32
      %dma_start3A_860 = arith.constant 0 : i32
      %dma_start3A_861 = arith.constant 1 : i32
      %dma_start3A_862 = arith.constant 0 : i32
      %dma_start3A_863 = arith.constant 0 : i32
      %dma_start3A_864 = tpu.memref_slice %arg7[%dma_start3A_861, %dma_start3A_862, %dma_start3A_863] : memref<2x125x128xf32, #tpu.memory_space<vmem>> -> memref<1x125x128xf32, #tpu.memory_space<vmem>>
      %dma_start3A_865 = tpu.memref_squeeze %dma_start3A_864 : memref<1x125x128xf32, #tpu.memory_space<vmem>> -> memref<125x128xf32, #tpu.memory_space<vmem>>
      %dma_start3A_866 = arith.constant 0 : i32
      %dma_start3A_867 = tpu.memref_slice %arg6[%dma_start3A_859, %dma_start3A_860, %dma_start3A_866] : memref<4x2x125xi32, #tpu.memory_space<vmem>> -> memref<1x1x125xi32, #tpu.memory_space<vmem>>
      %dma_start3A_868 = tpu.memref_squeeze %dma_start3A_867 : memref<1x1x125xi32, #tpu.memory_space<vmem>> -> memref<125xi32, #tpu.memory_space<vmem>>
      %dma_start3A_869 = arith.constant 0 : i32
      %dma_start3A_870 = arith.constant 0 : i32
      %dma_start3A_871 = tpu.memref_slice %arg2[%dma_start3A_869, %dma_start3A_870] : memref<10000x128xf32, #tpu.memory_space<hbm>> -> memref<10000x128xf32, #tpu.memory_space<hbm>>
      tpu.enqueue_indirect_dma source(%dma_start3A_871 : memref<10000x128xf32, #tpu.memory_space<hbm>>) target(%dma_start3A_865 : memref<125x128xf32, #tpu.memory_space<vmem>>) offsets(%dma_start3A_868 : memref<125xi32, #tpu.memory_space<vmem>>) semaphore(%arg14 : memref<!tpu.dma_semaphore, #tpu.memory_space<semaphore_mem>>)
      %dma_wait3A_872 = arith.constant 2 : i32
      %dma_wait3A_873 = arith.constant 0 : i32
      %dma_wait3A_874 = arith.constant 0 : i32
      %dma_wait3A_875 = arith.constant 0 : i32
      %dma_wait3A_876 = arith.constant 0 : i32
      %dma_wait3A_877 = tpu.memref_slice %arg7[%dma_wait3A_874, %dma_wait3A_875, %dma_wait3A_876] : memref<2x125x128xf32, #tpu.memory_space<vmem>> -> memref<1x125x128xf32, #tpu.memory_space<vmem>>
      %dma_wait3A_878 = tpu.memref_squeeze %dma_wait3A_877 : memref<1x125x128xf32, #tpu.memory_space<vmem>> -> memref<125x128xf32, #tpu.memory_space<vmem>>
      %dma_wait3A_879 = arith.constant 0 : i32
      %dma_wait3A_880 = tpu.memref_slice %arg6[%dma_wait3A_872, %dma_wait3A_873, %dma_wait3A_879] : memref<4x2x125xi32, #tpu.memory_space<vmem>> -> memref<1x1x125xi32, #tpu.memory_space<vmem>>
      %dma_wait3A_881 = tpu.memref_squeeze %dma_wait3A_880 : memref<1x1x125xi32, #tpu.memory_space<vmem>> -> memref<125xi32, #tpu.memory_space<vmem>>
      %dma_wait3A_882 = arith.constant 0 : i32
      %dma_wait3A_883 = arith.constant 0 : i32
      %dma_wait3A_884 = tpu.memref_slice %arg2[%dma_wait3A_882, %dma_wait3A_883] : memref<10000x128xf32, #tpu.memory_space<hbm>> -> memref<10000x128xf32, #tpu.memory_space<hbm>>
      tpu.wait_indirect_dma semaphore(%arg13 : memref<!tpu.dma_semaphore, #tpu.memory_space<semaphore_mem>>) src(%dma_wait3A_884 : memref<10000x128xf32, #tpu.memory_space<hbm>>) dst(%dma_wait3A_878 : memref<125x128xf32, #tpu.memory_space<vmem>>)
      %dma_start3A_885 = arith.constant 0 : i32
      %dma_start3A_886 = arith.constant 2 : i32
      %dma_start3A_887 = arith.constant 1 : i32
      %dma_start3A_888 = arith.constant 0 : i32
      %dma_start3A_889 = arith.constant 0 : i32
      %dma_start3A_890 = tpu.memref_slice %arg7[%dma_start3A_885, %dma_start3A_888, %dma_start3A_889] : memref<2x125x128xf32, #tpu.memory_space<vmem>> -> memref<1x125x128xf32, #tpu.memory_space<vmem>>
      %dma_start3A_891 = tpu.memref_squeeze %dma_start3A_890 : memref<1x125x128xf32, #tpu.memory_space<vmem>> -> memref<125x128xf32, #tpu.memory_space<vmem>>
      %dma_start3A_892 = arith.constant 0 : i32
      %dma_start3A_893 = tpu.memref_slice %arg6[%dma_start3A_886, %dma_start3A_887, %dma_start3A_892] : memref<4x2x125xi32, #tpu.memory_space<vmem>> -> memref<1x1x125xi32, #tpu.memory_space<vmem>>
      %dma_start3A_894 = tpu.memref_squeeze %dma_start3A_893 : memref<1x1x125xi32, #tpu.memory_space<vmem>> -> memref<125xi32, #tpu.memory_space<vmem>>
      %dma_start3A_895 = arith.constant 0 : i32
      %dma_start3A_896 = arith.constant 0 : i32
      %dma_start3A_897 = tpu.memref_slice %arg8[%dma_start3A_895, %dma_start3A_896] : memref<10000x128xf32, #tpu.memory_space<vmem_shared>> -> memref<10000x128xf32, #tpu.memory_space<vmem_shared>>
      tpu.enqueue_indirect_dma source(%dma_start3A_891 : memref<125x128xf32, #tpu.memory_space<vmem>>) target(%dma_start3A_897 : memref<10000x128xf32, #tpu.memory_space<vmem_shared>>) offsets(%dma_start3A_894 : memref<125xi32, #tpu.memory_space<vmem>>) semaphore(%arg15 : memref<!tpu.dma_semaphore, #tpu.memory_space<semaphore_mem>>) {add = true}
      %dma_wait3A_898 = arith.constant 0 : i32
      %dma_wait3A_899 = arith.constant 0 : i32
      %dma_wait3A_900 = arith.constant 0 : i32
      %dma_wait3A_901 = arith.constant 0 : i32
      %dma_wait3A_902 = tpu.memref_slice %arg6[%dma_wait3A_899, %dma_wait3A_900, %dma_wait3A_901] : memref<4x2x125xi32, #tpu.memory_space<vmem>> -> memref<1x2x125xi32, #tpu.memory_space<vmem>>
      %dma_wait3A_903 = tpu.memref_squeeze %dma_wait3A_902 : memref<1x2x125xi32, #tpu.memory_space<vmem>> -> memref<2x125xi32, #tpu.memory_space<vmem>>
      %dma_wait3A_904 = arith.constant 0 : i32
      %dma_wait3A_905 = arith.constant 0 : i32
      %dma_wait3A_906 = tpu.memref_slice %arg3[%add3A, %dma_wait3A_898, %dma_wait3A_904, %dma_wait3A_905] : memref<32x80x2x125xi32, #tpu.memory_space<hbm>> -> memref<1x1x2x125xi32, #tpu.memory_space<hbm>>
      %dma_wait3A_907 = tpu.memref_squeeze %dma_wait3A_906 : memref<1x1x2x125xi32, #tpu.memory_space<hbm>> -> memref<2x125xi32, #tpu.memory_space<hbm>>
      %dma_wait3A_908 = arith.constant 0 : i32
      %dma_wait3A_909 = arith.constant 0 : i32
      %dma_wait3A_910 = tpu.memref_slice %arg6[%dma_wait3A_899, %dma_wait3A_908, %dma_wait3A_909] : memref<4x2x125xi32, #tpu.memory_space<vmem>> -> memref<1x2x125xi32, #tpu.memory_space<vmem>>
      %dma_wait3A_911 = tpu.memref_squeeze %dma_wait3A_910 : memref<1x2x125xi32, #tpu.memory_space<vmem>> -> memref<2x125xi32, #tpu.memory_space<vmem>>
      %dma_wait3A_912 = arith.constant 0 : i32
      %dma_wait3A_913 = arith.constant 0 : i32
      %dma_wait3A_914 = tpu.memref_slice %arg3[%add3A, %dma_wait3A_898, %dma_wait3A_912, %dma_wait3A_913] : memref<32x80x2x125xi32, #tpu.memory_space<hbm>> -> memref<1x1x2x125xi32, #tpu.memory_space<hbm>>
      %dma_wait3A_915 = tpu.memref_squeeze %dma_wait3A_914 : memref<1x1x2x125xi32, #tpu.memory_space<hbm>> -> memref<2x125xi32, #tpu.memory_space<hbm>>
      tpu.wait_dma2 semaphore(%arg9 : memref<!tpu.dma_semaphore, #tpu.memory_space<semaphore_mem>>) src(%dma_wait3A_915 : memref<2x125xi32, #tpu.memory_space<hbm>>) dst(%dma_wait3A_911 : memref<2x125xi32, #tpu.memory_space<vmem>>)
      %mul3A_916 = arith.constant 4 : i32
      %mul3A_917 = arith.muli %scan3A_725, %mul3A_916 : i32
      %add3A_918 = arith.constant 1 : i32
      %add3A_919 = arith.addi %mul3A_917, %add3A_918 : i32
      %add3A_920 = arith.constant 2 : i32
      %add3A_921 = arith.addi %add3A_919, %add3A_920 : i32
      %dma_wait3A_922 = arith.constant 0 : i32
      %dma_wait3A_923 = arith.constant 2 : i32
      %dma_wait3A_924 = arith.constant 1 : i32
      %dma_wait3A_925 = arith.constant 0 : i32
      %dma_wait3A_926 = arith.constant 0 : i32
      %dma_wait3A_927 = tpu.memref_slice %arg7[%dma_wait3A_922, %dma_wait3A_925, %dma_wait3A_926] : memref<2x125x128xf32, #tpu.memory_space<vmem>> -> memref<1x125x128xf32, #tpu.memory_space<vmem>>
      %dma_wait3A_928 = tpu.memref_squeeze %dma_wait3A_927 : memref<1x125x128xf32, #tpu.memory_space<vmem>> -> memref<125x128xf32, #tpu.memory_space<vmem>>
      %dma_wait3A_929 = arith.constant 0 : i32
      %dma_wait3A_930 = tpu.memref_slice %arg6[%dma_wait3A_923, %dma_wait3A_924, %dma_wait3A_929] : memref<4x2x125xi32, #tpu.memory_space<vmem>> -> memref<1x1x125xi32, #tpu.memory_space<vmem>>
      %dma_wait3A_931 = tpu.memref_squeeze %dma_wait3A_930 : memref<1x1x125xi32, #tpu.memory_space<vmem>> -> memref<125xi32, #tpu.memory_space<vmem>>
      %dma_wait3A_932 = arith.constant 0 : i32
      %dma_wait3A_933 = arith.constant 0 : i32
      %dma_wait3A_934 = tpu.memref_slice %arg8[%dma_wait3A_932, %dma_wait3A_933] : memref<10000x128xf32, #tpu.memory_space<vmem_shared>> -> memref<10000x128xf32, #tpu.memory_space<vmem_shared>>
      tpu.wait_indirect_dma semaphore(%arg15 : memref<!tpu.dma_semaphore, #tpu.memory_space<semaphore_mem>>) src(%dma_wait3A_928 : memref<125x128xf32, #tpu.memory_space<vmem>>) dst(%dma_wait3A_934 : memref<10000x128xf32, #tpu.memory_space<vmem_shared>>)
      %add3A_935 = arith.constant 3 : i32
      %add3A_936 = arith.addi %add3A_921, %add3A_935 : i32
      %dma_start3A_937 = arith.constant 2 : i32
      %dma_start3A_938 = arith.constant 0 : i32
      %dma_start3A_939 = arith.constant 0 : i32
      %dma_start3A_940 = tpu.memref_slice %arg6[%dma_start3A_937, %dma_start3A_938, %dma_start3A_939] : memref<4x2x125xi32, #tpu.memory_space<vmem>> -> memref<1x2x125xi32, #tpu.memory_space<vmem>>
      %dma_start3A_941 = tpu.memref_squeeze %dma_start3A_940 : memref<1x2x125xi32, #tpu.memory_space<vmem>> -> memref<2x125xi32, #tpu.memory_space<vmem>>
      %dma_start3A_942 = arith.constant 0 : i32
      %dma_start3A_943 = arith.constant 0 : i32
      %dma_start3A_944 = tpu.memref_slice %arg3[%add3A, %add3A_936, %dma_start3A_942, %dma_start3A_943] : memref<32x80x2x125xi32, #tpu.memory_space<hbm>> -> memref<1x1x2x125xi32, #tpu.memory_space<hbm>>
      %dma_start3A_945 = tpu.memref_squeeze %dma_start3A_944 : memref<1x1x2x125xi32, #tpu.memory_space<hbm>> -> memref<2x125xi32, #tpu.memory_space<hbm>>
      %dma_start3A_946 = arith.constant 0 : i32
      %dma_start3A_947 = arith.constant 0 : i32
      %dma_start3A_948 = tpu.memref_slice %arg6[%dma_start3A_937, %dma_start3A_946, %dma_start3A_947] : memref<4x2x125xi32, #tpu.memory_space<vmem>> -> memref<1x2x125xi32, #tpu.memory_space<vmem>>
      %dma_start3A_949 = tpu.memref_squeeze %dma_start3A_948 : memref<1x2x125xi32, #tpu.memory_space<vmem>> -> memref<2x125xi32, #tpu.memory_space<vmem>>
      %dma_start3A_950 = arith.constant 0 : i32
      %dma_start3A_951 = arith.constant 0 : i32
      %dma_start3A_952 = tpu.memref_slice %arg3[%add3A, %add3A_936, %dma_start3A_950, %dma_start3A_951] : memref<32x80x2x125xi32, #tpu.memory_space<hbm>> -> memref<1x1x2x125xi32, #tpu.memory_space<hbm>>
      %dma_start3A_953 = tpu.memref_squeeze %dma_start3A_952 : memref<1x1x2x125xi32, #tpu.memory_space<hbm>> -> memref<2x125xi32, #tpu.memory_space<hbm>>
      tpu.enqueue_dma source(%dma_start3A_953 : memref<2x125xi32, #tpu.memory_space<hbm>>) target(%dma_start3A_949 : memref<2x125xi32, #tpu.memory_space<vmem>>) target_semaphore(%arg11 : memref<!tpu.dma_semaphore, #tpu.memory_space<semaphore_mem>>)
      %dma_start3A_954 = arith.constant 0 : i32
      %dma_start3A_955 = arith.constant 0 : i32
      %dma_start3A_956 = arith.constant 0 : i32
      %dma_start3A_957 = arith.constant 0 : i32
      %dma_start3A_958 = arith.constant 0 : i32
      %dma_start3A_959 = tpu.memref_slice %arg7[%dma_start3A_956, %dma_start3A_957, %dma_start3A_958] : memref<2x125x128xf32, #tpu.memory_space<vmem>> -> memref<1x125x128xf32, #tpu.memory_space<vmem>>
      %dma_start3A_960 = tpu.memref_squeeze %dma_start3A_959 : memref<1x125x128xf32, #tpu.memory_space<vmem>> -> memref<125x128xf32, #tpu.memory_space<vmem>>
      %dma_start3A_961 = arith.constant 0 : i32
      %dma_start3A_962 = tpu.memref_slice %arg6[%dma_start3A_954, %dma_start3A_955, %dma_start3A_961] : memref<4x2x125xi32, #tpu.memory_space<vmem>> -> memref<1x1x125xi32, #tpu.memory_space<vmem>>
      %dma_start3A_963 = tpu.memref_squeeze %dma_start3A_962 : memref<1x1x125xi32, #tpu.memory_space<vmem>> -> memref<125xi32, #tpu.memory_space<vmem>>
      %dma_start3A_964 = arith.constant 0 : i32
      %dma_start3A_965 = arith.constant 0 : i32
      %dma_start3A_966 = tpu.memref_slice %arg2[%dma_start3A_964, %dma_start3A_965] : memref<10000x128xf32, #tpu.memory_space<hbm>> -> memref<10000x128xf32, #tpu.memory_space<hbm>>
      tpu.enqueue_indirect_dma source(%dma_start3A_966 : memref<10000x128xf32, #tpu.memory_space<hbm>>) target(%dma_start3A_960 : memref<125x128xf32, #tpu.memory_space<vmem>>) offsets(%dma_start3A_963 : memref<125xi32, #tpu.memory_space<vmem>>) semaphore(%arg13 : memref<!tpu.dma_semaphore, #tpu.memory_space<semaphore_mem>>)
      %dma_wait3A_967 = arith.constant 3 : i32
      %dma_wait3A_968 = arith.constant 0 : i32
      %dma_wait3A_969 = arith.constant 1 : i32
      %dma_wait3A_970 = arith.constant 0 : i32
      %dma_wait3A_971 = arith.constant 0 : i32
      %dma_wait3A_972 = tpu.memref_slice %arg7[%dma_wait3A_969, %dma_wait3A_970, %dma_wait3A_971] : memref<2x125x128xf32, #tpu.memory_space<vmem>> -> memref<1x125x128xf32, #tpu.memory_space<vmem>>
      %dma_wait3A_973 = tpu.memref_squeeze %dma_wait3A_972 : memref<1x125x128xf32, #tpu.memory_space<vmem>> -> memref<125x128xf32, #tpu.memory_space<vmem>>
      %dma_wait3A_974 = arith.constant 0 : i32
      %dma_wait3A_975 = tpu.memref_slice %arg6[%dma_wait3A_967, %dma_wait3A_968, %dma_wait3A_974] : memref<4x2x125xi32, #tpu.memory_space<vmem>> -> memref<1x1x125xi32, #tpu.memory_space<vmem>>
      %dma_wait3A_976 = tpu.memref_squeeze %dma_wait3A_975 : memref<1x1x125xi32, #tpu.memory_space<vmem>> -> memref<125xi32, #tpu.memory_space<vmem>>
      %dma_wait3A_977 = arith.constant 0 : i32
      %dma_wait3A_978 = arith.constant 0 : i32
      %dma_wait3A_979 = tpu.memref_slice %arg2[%dma_wait3A_977, %dma_wait3A_978] : memref<10000x128xf32, #tpu.memory_space<hbm>> -> memref<10000x128xf32, #tpu.memory_space<hbm>>
      tpu.wait_indirect_dma semaphore(%arg14 : memref<!tpu.dma_semaphore, #tpu.memory_space<semaphore_mem>>) src(%dma_wait3A_979 : memref<10000x128xf32, #tpu.memory_space<hbm>>) dst(%dma_wait3A_973 : memref<125x128xf32, #tpu.memory_space<vmem>>)
      %dma_start3A_980 = arith.constant 1 : i32
      %dma_start3A_981 = arith.constant 3 : i32
      %dma_start3A_982 = arith.constant 1 : i32
      %dma_start3A_983 = arith.constant 0 : i32
      %dma_start3A_984 = arith.constant 0 : i32
      %dma_start3A_985 = tpu.memref_slice %arg7[%dma_start3A_980, %dma_start3A_983, %dma_start3A_984] : memref<2x125x128xf32, #tpu.memory_space<vmem>> -> memref<1x125x128xf32, #tpu.memory_space<vmem>>
      %dma_start3A_986 = tpu.memref_squeeze %dma_start3A_985 : memref<1x125x128xf32, #tpu.memory_space<vmem>> -> memref<125x128xf32, #tpu.memory_space<vmem>>
      %dma_start3A_987 = arith.constant 0 : i32
      %dma_start3A_988 = tpu.memref_slice %arg6[%dma_start3A_981, %dma_start3A_982, %dma_start3A_987] : memref<4x2x125xi32, #tpu.memory_space<vmem>> -> memref<1x1x125xi32, #tpu.memory_space<vmem>>
      %dma_start3A_989 = tpu.memref_squeeze %dma_start3A_988 : memref<1x1x125xi32, #tpu.memory_space<vmem>> -> memref<125xi32, #tpu.memory_space<vmem>>
      %dma_start3A_990 = arith.constant 0 : i32
      %dma_start3A_991 = arith.constant 0 : i32
      %dma_start3A_992 = tpu.memref_slice %arg8[%dma_start3A_990, %dma_start3A_991] : memref<10000x128xf32, #tpu.memory_space<vmem_shared>> -> memref<10000x128xf32, #tpu.memory_space<vmem_shared>>
      tpu.enqueue_indirect_dma source(%dma_start3A_986 : memref<125x128xf32, #tpu.memory_space<vmem>>) target(%dma_start3A_992 : memref<10000x128xf32, #tpu.memory_space<vmem_shared>>) offsets(%dma_start3A_989 : memref<125xi32, #tpu.memory_space<vmem>>) semaphore(%arg16 : memref<!tpu.dma_semaphore, #tpu.memory_space<semaphore_mem>>) {add = true}
      %dma_wait3A_993 = arith.constant 0 : i32
      %dma_wait3A_994 = arith.constant 1 : i32
      %dma_wait3A_995 = arith.constant 0 : i32
      %dma_wait3A_996 = arith.constant 0 : i32
      %dma_wait3A_997 = tpu.memref_slice %arg6[%dma_wait3A_994, %dma_wait3A_995, %dma_wait3A_996] : memref<4x2x125xi32, #tpu.memory_space<vmem>> -> memref<1x2x125xi32, #tpu.memory_space<vmem>>
      %dma_wait3A_998 = tpu.memref_squeeze %dma_wait3A_997 : memref<1x2x125xi32, #tpu.memory_space<vmem>> -> memref<2x125xi32, #tpu.memory_space<vmem>>
      %dma_wait3A_999 = arith.constant 0 : i32
      %dma_wait3A_1000 = arith.constant 0 : i32
      %dma_wait3A_1001 = tpu.memref_slice %arg3[%add3A, %dma_wait3A_993, %dma_wait3A_999, %dma_wait3A_1000] : memref<32x80x2x125xi32, #tpu.memory_space<hbm>> -> memref<1x1x2x125xi32, #tpu.memory_space<hbm>>
      %dma_wait3A_1002 = tpu.memref_squeeze %dma_wait3A_1001 : memref<1x1x2x125xi32, #tpu.memory_space<hbm>> -> memref<2x125xi32, #tpu.memory_space<hbm>>
      %dma_wait3A_1003 = arith.constant 0 : i32
      %dma_wait3A_1004 = arith.constant 0 : i32
      %dma_wait3A_1005 = tpu.memref_slice %arg6[%dma_wait3A_994, %dma_wait3A_1003, %dma_wait3A_1004] : memref<4x2x125xi32, #tpu.memory_space<vmem>> -> memref<1x2x125xi32, #tpu.memory_space<vmem>>
      %dma_wait3A_1006 = tpu.memref_squeeze %dma_wait3A_1005 : memref<1x2x125xi32, #tpu.memory_space<vmem>> -> memref<2x125xi32, #tpu.memory_space<vmem>>
      %dma_wait3A_1007 = arith.constant 0 : i32
      %dma_wait3A_1008 = arith.constant 0 : i32
      %dma_wait3A_1009 = tpu.memref_slice %arg3[%add3A, %dma_wait3A_993, %dma_wait3A_1007, %dma_wait3A_1008] : memref<32x80x2x125xi32, #tpu.memory_space<hbm>> -> memref<1x1x2x125xi32, #tpu.memory_space<hbm>>
      %dma_wait3A_1010 = tpu.memref_squeeze %dma_wait3A_1009 : memref<1x1x2x125xi32, #tpu.memory_space<hbm>> -> memref<2x125xi32, #tpu.memory_space<hbm>>
      tpu.wait_dma2 semaphore(%arg10 : memref<!tpu.dma_semaphore, #tpu.memory_space<semaphore_mem>>) src(%dma_wait3A_1010 : memref<2x125xi32, #tpu.memory_space<hbm>>) dst(%dma_wait3A_1006 : memref<2x125xi32, #tpu.memory_space<vmem>>)
      %mul3A_1011 = arith.constant 4 : i32
      %mul3A_1012 = arith.muli %scan3A_725, %mul3A_1011 : i32
      %add3A_1013 = arith.constant 1 : i32
      %add3A_1014 = arith.addi %mul3A_1012, %add3A_1013 : i32
      %add3A_1015 = arith.constant 3 : i32
      %add3A_1016 = arith.addi %add3A_1014, %add3A_1015 : i32
      %dma_wait3A_1017 = arith.constant 1 : i32
      %dma_wait3A_1018 = arith.constant 3 : i32
      %dma_wait3A_1019 = arith.constant 1 : i32
      %dma_wait3A_1020 = arith.constant 0 : i32
      %dma_wait3A_1021 = arith.constant 0 : i32
      %dma_wait3A_1022 = tpu.memref_slice %arg7[%dma_wait3A_1017, %dma_wait3A_1020, %dma_wait3A_1021] : memref<2x125x128xf32, #tpu.memory_space<vmem>> -> memref<1x125x128xf32, #tpu.memory_space<vmem>>
      %dma_wait3A_1023 = tpu.memref_squeeze %dma_wait3A_1022 : memref<1x125x128xf32, #tpu.memory_space<vmem>> -> memref<125x128xf32, #tpu.memory_space<vmem>>
      %dma_wait3A_1024 = arith.constant 0 : i32
      %dma_wait3A_1025 = tpu.memref_slice %arg6[%dma_wait3A_1018, %dma_wait3A_1019, %dma_wait3A_1024] : memref<4x2x125xi32, #tpu.memory_space<vmem>> -> memref<1x1x125xi32, #tpu.memory_space<vmem>>
      %dma_wait3A_1026 = tpu.memref_squeeze %dma_wait3A_1025 : memref<1x1x125xi32, #tpu.memory_space<vmem>> -> memref<125xi32, #tpu.memory_space<vmem>>
      %dma_wait3A_1027 = arith.constant 0 : i32
      %dma_wait3A_1028 = arith.constant 0 : i32
      %dma_wait3A_1029 = tpu.memref_slice %arg8[%dma_wait3A_1027, %dma_wait3A_1028] : memref<10000x128xf32, #tpu.memory_space<vmem_shared>> -> memref<10000x128xf32, #tpu.memory_space<vmem_shared>>
      tpu.wait_indirect_dma semaphore(%arg16 : memref<!tpu.dma_semaphore, #tpu.memory_space<semaphore_mem>>) src(%dma_wait3A_1023 : memref<125x128xf32, #tpu.memory_space<vmem>>) dst(%dma_wait3A_1029 : memref<10000x128xf32, #tpu.memory_space<vmem_shared>>)
      %add3A_1030 = arith.constant 3 : i32
      %add3A_1031 = arith.addi %add3A_1016, %add3A_1030 : i32
      %dma_start3A_1032 = arith.constant 3 : i32
      %dma_start3A_1033 = arith.constant 0 : i32
      %dma_start3A_1034 = arith.constant 0 : i32
      %dma_start3A_1035 = tpu.memref_slice %arg6[%dma_start3A_1032, %dma_start3A_1033, %dma_start3A_1034] : memref<4x2x125xi32, #tpu.memory_space<vmem>> -> memref<1x2x125xi32, #tpu.memory_space<vmem>>
      %dma_start3A_1036 = tpu.memref_squeeze %dma_start3A_1035 : memref<1x2x125xi32, #tpu.memory_space<vmem>> -> memref<2x125xi32, #tpu.memory_space<vmem>>
      %dma_start3A_1037 = arith.constant 0 : i32
      %dma_start3A_1038 = arith.constant 0 : i32
      %dma_start3A_1039 = tpu.memref_slice %arg3[%add3A, %add3A_1031, %dma_start3A_1037, %dma_start3A_1038] : memref<32x80x2x125xi32, #tpu.memory_space<hbm>> -> memref<1x1x2x125xi32, #tpu.memory_space<hbm>>
      %dma_start3A_1040 = tpu.memref_squeeze %dma_start3A_1039 : memref<1x1x2x125xi32, #tpu.memory_space<hbm>> -> memref<2x125xi32, #tpu.memory_space<hbm>>
      %dma_start3A_1041 = arith.constant 0 : i32
      %dma_start3A_1042 = arith.constant 0 : i32
      %dma_start3A_1043 = tpu.memref_slice %arg6[%dma_start3A_1032, %dma_start3A_1041, %dma_start3A_1042] : memref<4x2x125xi32, #tpu.memory_space<vmem>> -> memref<1x2x125xi32, #tpu.memory_space<vmem>>
      %dma_start3A_1044 = tpu.memref_squeeze %dma_start3A_1043 : memref<1x2x125xi32, #tpu.memory_space<vmem>> -> memref<2x125xi32, #tpu.memory_space<vmem>>
      %dma_start3A_1045 = arith.constant 0 : i32
      %dma_start3A_1046 = arith.constant 0 : i32
      %dma_start3A_1047 = tpu.memref_slice %arg3[%add3A, %add3A_1031, %dma_start3A_1045, %dma_start3A_1046] : memref<32x80x2x125xi32, #tpu.memory_space<hbm>> -> memref<1x1x2x125xi32, #tpu.memory_space<hbm>>
      %dma_start3A_1048 = tpu.memref_squeeze %dma_start3A_1047 : memref<1x1x2x125xi32, #tpu.memory_space<hbm>> -> memref<2x125xi32, #tpu.memory_space<hbm>>
      tpu.enqueue_dma source(%dma_start3A_1048 : memref<2x125xi32, #tpu.memory_space<hbm>>) target(%dma_start3A_1044 : memref<2x125xi32, #tpu.memory_space<vmem>>) target_semaphore(%arg12 : memref<!tpu.dma_semaphore, #tpu.memory_space<semaphore_mem>>)
      %dma_start3A_1049 = arith.constant 1 : i32
      %dma_start3A_1050 = arith.constant 0 : i32
      %dma_start3A_1051 = arith.constant 1 : i32
      %dma_start3A_1052 = arith.constant 0 : i32
      %dma_start3A_1053 = arith.constant 0 : i32
      %dma_start3A_1054 = tpu.memref_slice %arg7[%dma_start3A_1051, %dma_start3A_1052, %dma_start3A_1053] : memref<2x125x128xf32, #tpu.memory_space<vmem>> -> memref<1x125x128xf32, #tpu.memory_space<vmem>>
      %dma_start3A_1055 = tpu.memref_squeeze %dma_start3A_1054 : memref<1x125x128xf32, #tpu.memory_space<vmem>> -> memref<125x128xf32, #tpu.memory_space<vmem>>
      %dma_start3A_1056 = arith.constant 0 : i32
      %dma_start3A_1057 = tpu.memref_slice %arg6[%dma_start3A_1049, %dma_start3A_1050, %dma_start3A_1056] : memref<4x2x125xi32, #tpu.memory_space<vmem>> -> memref<1x1x125xi32, #tpu.memory_space<vmem>>
      %dma_start3A_1058 = tpu.memref_squeeze %dma_start3A_1057 : memref<1x1x125xi32, #tpu.memory_space<vmem>> -> memref<125xi32, #tpu.memory_space<vmem>>
      %dma_start3A_1059 = arith.constant 0 : i32
      %dma_start3A_1060 = arith.constant 0 : i32
      %dma_start3A_1061 = tpu.memref_slice %arg2[%dma_start3A_1059, %dma_start3A_1060] : memref<10000x128xf32, #tpu.memory_space<hbm>> -> memref<10000x128xf32, #tpu.memory_space<hbm>>
      tpu.enqueue_indirect_dma source(%dma_start3A_1061 : memref<10000x128xf32, #tpu.memory_space<hbm>>) target(%dma_start3A_1055 : memref<125x128xf32, #tpu.memory_space<vmem>>) offsets(%dma_start3A_1058 : memref<125xi32, #tpu.memory_space<vmem>>) semaphore(%arg14 : memref<!tpu.dma_semaphore, #tpu.memory_space<semaphore_mem>>)
      %dma_wait3A_1062 = arith.constant 0 : i32
      %dma_wait3A_1063 = arith.constant 0 : i32
      %dma_wait3A_1064 = arith.constant 0 : i32
      %dma_wait3A_1065 = arith.constant 0 : i32
      %dma_wait3A_1066 = arith.constant 0 : i32
      %dma_wait3A_1067 = tpu.memref_slice %arg7[%dma_wait3A_1064, %dma_wait3A_1065, %dma_wait3A_1066] : memref<2x125x128xf32, #tpu.memory_space<vmem>> -> memref<1x125x128xf32, #tpu.memory_space<vmem>>
      %dma_wait3A_1068 = tpu.memref_squeeze %dma_wait3A_1067 : memref<1x125x128xf32, #tpu.memory_space<vmem>> -> memref<125x128xf32, #tpu.memory_space<vmem>>
      %dma_wait3A_1069 = arith.constant 0 : i32
      %dma_wait3A_1070 = tpu.memref_slice %arg6[%dma_wait3A_1062, %dma_wait3A_1063, %dma_wait3A_1069] : memref<4x2x125xi32, #tpu.memory_space<vmem>> -> memref<1x1x125xi32, #tpu.memory_space<vmem>>
      %dma_wait3A_1071 = tpu.memref_squeeze %dma_wait3A_1070 : memref<1x1x125xi32, #tpu.memory_space<vmem>> -> memref<125xi32, #tpu.memory_space<vmem>>
      %dma_wait3A_1072 = arith.constant 0 : i32
      %dma_wait3A_1073 = arith.constant 0 : i32
      %dma_wait3A_1074 = tpu.memref_slice %arg2[%dma_wait3A_1072, %dma_wait3A_1073] : memref<10000x128xf32, #tpu.memory_space<hbm>> -> memref<10000x128xf32, #tpu.memory_space<hbm>>
      tpu.wait_indirect_dma semaphore(%arg13 : memref<!tpu.dma_semaphore, #tpu.memory_space<semaphore_mem>>) src(%dma_wait3A_1074 : memref<10000x128xf32, #tpu.memory_space<hbm>>) dst(%dma_wait3A_1068 : memref<125x128xf32, #tpu.memory_space<vmem>>)
      %dma_start3A_1075 = arith.constant 0 : i32
      %dma_start3A_1076 = arith.constant 0 : i32
      %dma_start3A_1077 = arith.constant 1 : i32
      %dma_start3A_1078 = arith.constant 0 : i32
      %dma_start3A_1079 = arith.constant 0 : i32
      %dma_start3A_1080 = tpu.memref_slice %arg7[%dma_start3A_1075, %dma_start3A_1078, %dma_start3A_1079] : memref<2x125x128xf32, #tpu.memory_space<vmem>> -> memref<1x125x128xf32, #tpu.memory_space<vmem>>
      %dma_start3A_1081 = tpu.memref_squeeze %dma_start3A_1080 : memref<1x125x128xf32, #tpu.memory_space<vmem>> -> memref<125x128xf32, #tpu.memory_space<vmem>>
      %dma_start3A_1082 = arith.constant 0 : i32
      %dma_start3A_1083 = tpu.memref_slice %arg6[%dma_start3A_1076, %dma_start3A_1077, %dma_start3A_1082] : memref<4x2x125xi32, #tpu.memory_space<vmem>> -> memref<1x1x125xi32, #tpu.memory_space<vmem>>
      %dma_start3A_1084 = tpu.memref_squeeze %dma_start3A_1083 : memref<1x1x125xi32, #tpu.memory_space<vmem>> -> memref<125xi32, #tpu.memory_space<vmem>>
      %dma_start3A_1085 = arith.constant 0 : i32
      %dma_start3A_1086 = arith.constant 0 : i32
      %dma_start3A_1087 = tpu.memref_slice %arg8[%dma_start3A_1085, %dma_start3A_1086] : memref<10000x128xf32, #tpu.memory_space<vmem_shared>> -> memref<10000x128xf32, #tpu.memory_space<vmem_shared>>
      tpu.enqueue_indirect_dma source(%dma_start3A_1081 : memref<125x128xf32, #tpu.memory_space<vmem>>) target(%dma_start3A_1087 : memref<10000x128xf32, #tpu.memory_space<vmem_shared>>) offsets(%dma_start3A_1084 : memref<125xi32, #tpu.memory_space<vmem>>) semaphore(%arg15 : memref<!tpu.dma_semaphore, #tpu.memory_space<semaphore_mem>>) {add = true}
      %dma_wait3A_1088 = arith.constant 0 : i32
      %dma_wait3A_1089 = arith.constant 2 : i32
      %dma_wait3A_1090 = arith.constant 0 : i32
      %dma_wait3A_1091 = arith.constant 0 : i32
      %dma_wait3A_1092 = tpu.memref_slice %arg6[%dma_wait3A_1089, %dma_wait3A_1090, %dma_wait3A_1091] : memref<4x2x125xi32, #tpu.memory_space<vmem>> -> memref<1x2x125xi32, #tpu.memory_space<vmem>>
      %dma_wait3A_1093 = tpu.memref_squeeze %dma_wait3A_1092 : memref<1x2x125xi32, #tpu.memory_space<vmem>> -> memref<2x125xi32, #tpu.memory_space<vmem>>
      %dma_wait3A_1094 = arith.constant 0 : i32
      %dma_wait3A_1095 = arith.constant 0 : i32
      %dma_wait3A_1096 = tpu.memref_slice %arg3[%add3A, %dma_wait3A_1088, %dma_wait3A_1094, %dma_wait3A_1095] : memref<32x80x2x125xi32, #tpu.memory_space<hbm>> -> memref<1x1x2x125xi32, #tpu.memory_space<hbm>>
      %dma_wait3A_1097 = tpu.memref_squeeze %dma_wait3A_1096 : memref<1x1x2x125xi32, #tpu.memory_space<hbm>> -> memref<2x125xi32, #tpu.memory_space<hbm>>
      %dma_wait3A_1098 = arith.constant 0 : i32
      %dma_wait3A_1099 = arith.constant 0 : i32
      %dma_wait3A_1100 = tpu.memref_slice %arg6[%dma_wait3A_1089, %dma_wait3A_1098, %dma_wait3A_1099] : memref<4x2x125xi32, #tpu.memory_space<vmem>> -> memref<1x2x125xi32, #tpu.memory_space<vmem>>
      %dma_wait3A_1101 = tpu.memref_squeeze %dma_wait3A_1100 : memref<1x2x125xi32, #tpu.memory_space<vmem>> -> memref<2x125xi32, #tpu.memory_space<vmem>>
      %dma_wait3A_1102 = arith.constant 0 : i32
      %dma_wait3A_1103 = arith.constant 0 : i32
      %dma_wait3A_1104 = tpu.memref_slice %arg3[%add3A, %dma_wait3A_1088, %dma_wait3A_1102, %dma_wait3A_1103] : memref<32x80x2x125xi32, #tpu.memory_space<hbm>> -> memref<1x1x2x125xi32, #tpu.memory_space<hbm>>
      %dma_wait3A_1105 = tpu.memref_squeeze %dma_wait3A_1104 : memref<1x1x2x125xi32, #tpu.memory_space<hbm>> -> memref<2x125xi32, #tpu.memory_space<hbm>>
      tpu.wait_dma2 semaphore(%arg11 : memref<!tpu.dma_semaphore, #tpu.memory_space<semaphore_mem>>) src(%dma_wait3A_1105 : memref<2x125xi32, #tpu.memory_space<hbm>>) dst(%dma_wait3A_1101 : memref<2x125xi32, #tpu.memory_space<vmem>>)
    }
    %scan3A_187 = arith.constant 18 : i32
    %dma_wait3A_188 = arith.constant 0 : i32
    %dma_wait3A_189 = arith.constant 0 : i32
    %dma_wait3A_190 = arith.constant 1 : i32
    %dma_wait3A_191 = arith.constant 0 : i32
    %dma_wait3A_192 = arith.constant 0 : i32
    %dma_wait3A_193 = tpu.memref_slice %arg7[%dma_wait3A_188, %dma_wait3A_191, %dma_wait3A_192] : memref<2x125x128xf32, #tpu.memory_space<vmem>> -> memref<1x125x128xf32, #tpu.memory_space<vmem>>
    %dma_wait3A_194 = tpu.memref_squeeze %dma_wait3A_193 : memref<1x125x128xf32, #tpu.memory_space<vmem>> -> memref<125x128xf32, #tpu.memory_space<vmem>>
    %dma_wait3A_195 = arith.constant 0 : i32
    %dma_wait3A_196 = tpu.memref_slice %arg6[%dma_wait3A_189, %dma_wait3A_190, %dma_wait3A_195] : memref<4x2x125xi32, #tpu.memory_space<vmem>> -> memref<1x1x125xi32, #tpu.memory_space<vmem>>
    %dma_wait3A_197 = tpu.memref_squeeze %dma_wait3A_196 : memref<1x1x125xi32, #tpu.memory_space<vmem>> -> memref<125xi32, #tpu.memory_space<vmem>>
    %dma_wait3A_198 = arith.constant 0 : i32
    %dma_wait3A_199 = arith.constant 0 : i32
    %dma_wait3A_200 = tpu.memref_slice %arg8[%dma_wait3A_198, %dma_wait3A_199] : memref<10000x128xf32, #tpu.memory_space<vmem_shared>> -> memref<10000x128xf32, #tpu.memory_space<vmem_shared>>
    tpu.wait_indirect_dma semaphore(%arg15 : memref<!tpu.dma_semaphore, #tpu.memory_space<semaphore_mem>>) src(%dma_wait3A_194 : memref<125x128xf32, #tpu.memory_space<vmem>>) dst(%dma_wait3A_200 : memref<10000x128xf32, #tpu.memory_space<vmem_shared>>)
    %dma_start3A_201 = arith.constant 76 : i32
    %dma_start3A_202 = arith.constant 0 : i32
    %dma_start3A_203 = arith.constant 0 : i32
    %dma_start3A_204 = arith.constant 0 : i32
    %dma_start3A_205 = tpu.memref_slice %arg6[%dma_start3A_202, %dma_start3A_203, %dma_start3A_204] : memref<4x2x125xi32, #tpu.memory_space<vmem>> -> memref<1x2x125xi32, #tpu.memory_space<vmem>>
    %dma_start3A_206 = tpu.memref_squeeze %dma_start3A_205 : memref<1x2x125xi32, #tpu.memory_space<vmem>> -> memref<2x125xi32, #tpu.memory_space<vmem>>
    %dma_start3A_207 = arith.constant 0 : i32
    %dma_start3A_208 = arith.constant 0 : i32
    %dma_start3A_209 = tpu.memref_slice %arg3[%add3A, %dma_start3A_201, %dma_start3A_207, %dma_start3A_208] : memref<32x80x2x125xi32, #tpu.memory_space<hbm>> -> memref<1x1x2x125xi32, #tpu.memory_space<hbm>>
    %dma_start3A_210 = tpu.memref_squeeze %dma_start3A_209 : memref<1x1x2x125xi32, #tpu.memory_space<hbm>> -> memref<2x125xi32, #tpu.memory_space<hbm>>
    %dma_start3A_211 = arith.constant 0 : i32
    %dma_start3A_212 = arith.constant 0 : i32
    %dma_start3A_213 = tpu.memref_slice %arg6[%dma_start3A_202, %dma_start3A_211, %dma_start3A_212] : memref<4x2x125xi32, #tpu.memory_space<vmem>> -> memref<1x2x125xi32, #tpu.memory_space<vmem>>
    %dma_start3A_214 = tpu.memref_squeeze %dma_start3A_213 : memref<1x2x125xi32, #tpu.memory_space<vmem>> -> memref<2x125xi32, #tpu.memory_space<vmem>>
    %dma_start3A_215 = arith.constant 0 : i32
    %dma_start3A_216 = arith.constant 0 : i32
    %dma_start3A_217 = tpu.memref_slice %arg3[%add3A, %dma_start3A_201, %dma_start3A_215, %dma_start3A_216] : memref<32x80x2x125xi32, #tpu.memory_space<hbm>> -> memref<1x1x2x125xi32, #tpu.memory_space<hbm>>
    %dma_start3A_218 = tpu.memref_squeeze %dma_start3A_217 : memref<1x1x2x125xi32, #tpu.memory_space<hbm>> -> memref<2x125xi32, #tpu.memory_space<hbm>>
    tpu.enqueue_dma source(%dma_start3A_218 : memref<2x125xi32, #tpu.memory_space<hbm>>) target(%dma_start3A_214 : memref<2x125xi32, #tpu.memory_space<vmem>>) target_semaphore(%arg9 : memref<!tpu.dma_semaphore, #tpu.memory_space<semaphore_mem>>)
    %dma_start3A_219 = arith.constant 2 : i32
    %dma_start3A_220 = arith.constant 0 : i32
    %dma_start3A_221 = arith.constant 0 : i32
    %dma_start3A_222 = arith.constant 0 : i32
    %dma_start3A_223 = arith.constant 0 : i32
    %dma_start3A_224 = tpu.memref_slice %arg7[%dma_start3A_221, %dma_start3A_222, %dma_start3A_223] : memref<2x125x128xf32, #tpu.memory_space<vmem>> -> memref<1x125x128xf32, #tpu.memory_space<vmem>>
    %dma_start3A_225 = tpu.memref_squeeze %dma_start3A_224 : memref<1x125x128xf32, #tpu.memory_space<vmem>> -> memref<125x128xf32, #tpu.memory_space<vmem>>
    %dma_start3A_226 = arith.constant 0 : i32
    %dma_start3A_227 = tpu.memref_slice %arg6[%dma_start3A_219, %dma_start3A_220, %dma_start3A_226] : memref<4x2x125xi32, #tpu.memory_space<vmem>> -> memref<1x1x125xi32, #tpu.memory_space<vmem>>
    %dma_start3A_228 = tpu.memref_squeeze %dma_start3A_227 : memref<1x1x125xi32, #tpu.memory_space<vmem>> -> memref<125xi32, #tpu.memory_space<vmem>>
    %dma_start3A_229 = arith.constant 0 : i32
    %dma_start3A_230 = arith.constant 0 : i32
    %dma_start3A_231 = tpu.memref_slice %arg2[%dma_start3A_229, %dma_start3A_230] : memref<10000x128xf32, #tpu.memory_space<hbm>> -> memref<10000x128xf32, #tpu.memory_space<hbm>>
    tpu.enqueue_indirect_dma source(%dma_start3A_231 : memref<10000x128xf32, #tpu.memory_space<hbm>>) target(%dma_start3A_225 : memref<125x128xf32, #tpu.memory_space<vmem>>) offsets(%dma_start3A_228 : memref<125xi32, #tpu.memory_space<vmem>>) semaphore(%arg13 : memref<!tpu.dma_semaphore, #tpu.memory_space<semaphore_mem>>)
    %dma_wait3A_232 = arith.constant 1 : i32
    %dma_wait3A_233 = arith.constant 0 : i32
    %dma_wait3A_234 = arith.constant 1 : i32
    %dma_wait3A_235 = arith.constant 0 : i32
    %dma_wait3A_236 = arith.constant 0 : i32
    %dma_wait3A_237 = tpu.memref_slice %arg7[%dma_wait3A_234, %dma_wait3A_235, %dma_wait3A_236] : memref<2x125x128xf32, #tpu.memory_space<vmem>> -> memref<1x125x128xf32, #tpu.memory_space<vmem>>
    %dma_wait3A_238 = tpu.memref_squeeze %dma_wait3A_237 : memref<1x125x128xf32, #tpu.memory_space<vmem>> -> memref<125x128xf32, #tpu.memory_space<vmem>>
    %dma_wait3A_239 = arith.constant 0 : i32
    %dma_wait3A_240 = tpu.memref_slice %arg6[%dma_wait3A_232, %dma_wait3A_233, %dma_wait3A_239] : memref<4x2x125xi32, #tpu.memory_space<vmem>> -> memref<1x1x125xi32, #tpu.memory_space<vmem>>
    %dma_wait3A_241 = tpu.memref_squeeze %dma_wait3A_240 : memref<1x1x125xi32, #tpu.memory_space<vmem>> -> memref<125xi32, #tpu.memory_space<vmem>>
    %dma_wait3A_242 = arith.constant 0 : i32
    %dma_wait3A_243 = arith.constant 0 : i32
    %dma_wait3A_244 = tpu.memref_slice %arg2[%dma_wait3A_242, %dma_wait3A_243] : memref<10000x128xf32, #tpu.memory_space<hbm>> -> memref<10000x128xf32, #tpu.memory_space<hbm>>
    tpu.wait_indirect_dma semaphore(%arg14 : memref<!tpu.dma_semaphore, #tpu.memory_space<semaphore_mem>>) src(%dma_wait3A_244 : memref<10000x128xf32, #tpu.memory_space<hbm>>) dst(%dma_wait3A_238 : memref<125x128xf32, #tpu.memory_space<vmem>>)
    %dma_start3A_245 = arith.constant 1 : i32
    %dma_start3A_246 = arith.constant 1 : i32
    %dma_start3A_247 = arith.constant 1 : i32
    %dma_start3A_248 = arith.constant 0 : i32
    %dma_start3A_249 = arith.constant 0 : i32
    %dma_start3A_250 = tpu.memref_slice %arg7[%dma_start3A_245, %dma_start3A_248, %dma_start3A_249] : memref<2x125x128xf32, #tpu.memory_space<vmem>> -> memref<1x125x128xf32, #tpu.memory_space<vmem>>
    %dma_start3A_251 = tpu.memref_squeeze %dma_start3A_250 : memref<1x125x128xf32, #tpu.memory_space<vmem>> -> memref<125x128xf32, #tpu.memory_space<vmem>>
    %dma_start3A_252 = arith.constant 0 : i32
    %dma_start3A_253 = tpu.memref_slice %arg6[%dma_start3A_246, %dma_start3A_247, %dma_start3A_252] : memref<4x2x125xi32, #tpu.memory_space<vmem>> -> memref<1x1x125xi32, #tpu.memory_space<vmem>>
    %dma_start3A_254 = tpu.memref_squeeze %dma_start3A_253 : memref<1x1x125xi32, #tpu.memory_space<vmem>> -> memref<125xi32, #tpu.memory_space<vmem>>
    %dma_start3A_255 = arith.constant 0 : i32
    %dma_start3A_256 = arith.constant 0 : i32
    %dma_start3A_257 = tpu.memref_slice %arg8[%dma_start3A_255, %dma_start3A_256] : memref<10000x128xf32, #tpu.memory_space<vmem_shared>> -> memref<10000x128xf32, #tpu.memory_space<vmem_shared>>
    tpu.enqueue_indirect_dma source(%dma_start3A_251 : memref<125x128xf32, #tpu.memory_space<vmem>>) target(%dma_start3A_257 : memref<10000x128xf32, #tpu.memory_space<vmem_shared>>) offsets(%dma_start3A_254 : memref<125xi32, #tpu.memory_space<vmem>>) semaphore(%arg16 : memref<!tpu.dma_semaphore, #tpu.memory_space<semaphore_mem>>) {add = true}
    %dma_wait3A_258 = arith.constant 0 : i32
    %dma_wait3A_259 = arith.constant 3 : i32
    %dma_wait3A_260 = arith.constant 0 : i32
    %dma_wait3A_261 = arith.constant 0 : i32
    %dma_wait3A_262 = tpu.memref_slice %arg6[%dma_wait3A_259, %dma_wait3A_260, %dma_wait3A_261] : memref<4x2x125xi32, #tpu.memory_space<vmem>> -> memref<1x2x125xi32, #tpu.memory_space<vmem>>
    %dma_wait3A_263 = tpu.memref_squeeze %dma_wait3A_262 : memref<1x2x125xi32, #tpu.memory_space<vmem>> -> memref<2x125xi32, #tpu.memory_space<vmem>>
    %dma_wait3A_264 = arith.constant 0 : i32
    %dma_wait3A_265 = arith.constant 0 : i32
    %dma_wait3A_266 = tpu.memref_slice %arg3[%add3A, %dma_wait3A_258, %dma_wait3A_264, %dma_wait3A_265] : memref<32x80x2x125xi32, #tpu.memory_space<hbm>> -> memref<1x1x2x125xi32, #tpu.memory_space<hbm>>
    %dma_wait3A_267 = tpu.memref_squeeze %dma_wait3A_266 : memref<1x1x2x125xi32, #tpu.memory_space<hbm>> -> memref<2x125xi32, #tpu.memory_space<hbm>>
    %dma_wait3A_268 = arith.constant 0 : i32
    %dma_wait3A_269 = arith.constant 0 : i32
    %dma_wait3A_270 = tpu.memref_slice %arg6[%dma_wait3A_259, %dma_wait3A_268, %dma_wait3A_269] : memref<4x2x125xi32, #tpu.memory_space<vmem>> -> memref<1x2x125xi32, #tpu.memory_space<vmem>>
    %dma_wait3A_271 = tpu.memref_squeeze %dma_wait3A_270 : memref<1x2x125xi32, #tpu.memory_space<vmem>> -> memref<2x125xi32, #tpu.memory_space<vmem>>
    %dma_wait3A_272 = arith.constant 0 : i32
    %dma_wait3A_273 = arith.constant 0 : i32
    %dma_wait3A_274 = tpu.memref_slice %arg3[%add3A, %dma_wait3A_258, %dma_wait3A_272, %dma_wait3A_273] : memref<32x80x2x125xi32, #tpu.memory_space<hbm>> -> memref<1x1x2x125xi32, #tpu.memory_space<hbm>>
    %dma_wait3A_275 = tpu.memref_squeeze %dma_wait3A_274 : memref<1x1x2x125xi32, #tpu.memory_space<hbm>> -> memref<2x125xi32, #tpu.memory_space<hbm>>
    tpu.wait_dma2 semaphore(%arg12 : memref<!tpu.dma_semaphore, #tpu.memory_space<semaphore_mem>>) src(%dma_wait3A_275 : memref<2x125xi32, #tpu.memory_space<hbm>>) dst(%dma_wait3A_271 : memref<2x125xi32, #tpu.memory_space<vmem>>)
    %dma_wait3A_276 = arith.constant 1 : i32
    %dma_wait3A_277 = arith.constant 1 : i32
    %dma_wait3A_278 = arith.constant 1 : i32
    %dma_wait3A_279 = arith.constant 0 : i32
    %dma_wait3A_280 = arith.constant 0 : i32
    %dma_wait3A_281 = tpu.memref_slice %arg7[%dma_wait3A_276, %dma_wait3A_279, %dma_wait3A_280] : memref<2x125x128xf32, #tpu.memory_space<vmem>> -> memref<1x125x128xf32, #tpu.memory_space<vmem>>
    %dma_wait3A_282 = tpu.memref_squeeze %dma_wait3A_281 : memref<1x125x128xf32, #tpu.memory_space<vmem>> -> memref<125x128xf32, #tpu.memory_space<vmem>>
    %dma_wait3A_283 = arith.constant 0 : i32
    %dma_wait3A_284 = tpu.memref_slice %arg6[%dma_wait3A_277, %dma_wait3A_278, %dma_wait3A_283] : memref<4x2x125xi32, #tpu.memory_space<vmem>> -> memref<1x1x125xi32, #tpu.memory_space<vmem>>
    %dma_wait3A_285 = tpu.memref_squeeze %dma_wait3A_284 : memref<1x1x125xi32, #tpu.memory_space<vmem>> -> memref<125xi32, #tpu.memory_space<vmem>>
    %dma_wait3A_286 = arith.constant 0 : i32
    %dma_wait3A_287 = arith.constant 0 : i32
    %dma_wait3A_288 = tpu.memref_slice %arg8[%dma_wait3A_286, %dma_wait3A_287] : memref<10000x128xf32, #tpu.memory_space<vmem_shared>> -> memref<10000x128xf32, #tpu.memory_space<vmem_shared>>
    tpu.wait_indirect_dma semaphore(%arg16 : memref<!tpu.dma_semaphore, #tpu.memory_space<semaphore_mem>>) src(%dma_wait3A_282 : memref<125x128xf32, #tpu.memory_space<vmem>>) dst(%dma_wait3A_288 : memref<10000x128xf32, #tpu.memory_space<vmem_shared>>)
    %dma_start3A_289 = arith.constant 77 : i32
    %dma_start3A_290 = arith.constant 1 : i32
    %dma_start3A_291 = arith.constant 0 : i32
    %dma_start3A_292 = arith.constant 0 : i32
    %dma_start3A_293 = tpu.memref_slice %arg6[%dma_start3A_290, %dma_start3A_291, %dma_start3A_292] : memref<4x2x125xi32, #tpu.memory_space<vmem>> -> memref<1x2x125xi32, #tpu.memory_space<vmem>>
    %dma_start3A_294 = tpu.memref_squeeze %dma_start3A_293 : memref<1x2x125xi32, #tpu.memory_space<vmem>> -> memref<2x125xi32, #tpu.memory_space<vmem>>
    %dma_start3A_295 = arith.constant 0 : i32
    %dma_start3A_296 = arith.constant 0 : i32
    %dma_start3A_297 = tpu.memref_slice %arg3[%add3A, %dma_start3A_289, %dma_start3A_295, %dma_start3A_296] : memref<32x80x2x125xi32, #tpu.memory_space<hbm>> -> memref<1x1x2x125xi32, #tpu.memory_space<hbm>>
    %dma_start3A_298 = tpu.memref_squeeze %dma_start3A_297 : memref<1x1x2x125xi32, #tpu.memory_space<hbm>> -> memref<2x125xi32, #tpu.memory_space<hbm>>
    %dma_start3A_299 = arith.constant 0 : i32
    %dma_start3A_300 = arith.constant 0 : i32
    %dma_start3A_301 = tpu.memref_slice %arg6[%dma_start3A_290, %dma_start3A_299, %dma_start3A_300] : memref<4x2x125xi32, #tpu.memory_space<vmem>> -> memref<1x2x125xi32, #tpu.memory_space<vmem>>
    %dma_start3A_302 = tpu.memref_squeeze %dma_start3A_301 : memref<1x2x125xi32, #tpu.memory_space<vmem>> -> memref<2x125xi32, #tpu.memory_space<vmem>>
    %dma_start3A_303 = arith.constant 0 : i32
    %dma_start3A_304 = arith.constant 0 : i32
    %dma_start3A_305 = tpu.memref_slice %arg3[%add3A, %dma_start3A_289, %dma_start3A_303, %dma_start3A_304] : memref<32x80x2x125xi32, #tpu.memory_space<hbm>> -> memref<1x1x2x125xi32, #tpu.memory_space<hbm>>
    %dma_start3A_306 = tpu.memref_squeeze %dma_start3A_305 : memref<1x1x2x125xi32, #tpu.memory_space<hbm>> -> memref<2x125xi32, #tpu.memory_space<hbm>>
    tpu.enqueue_dma source(%dma_start3A_306 : memref<2x125xi32, #tpu.memory_space<hbm>>) target(%dma_start3A_302 : memref<2x125xi32, #tpu.memory_space<vmem>>) target_semaphore(%arg10 : memref<!tpu.dma_semaphore, #tpu.memory_space<semaphore_mem>>)
    %dma_start3A_307 = arith.constant 3 : i32
    %dma_start3A_308 = arith.constant 0 : i32
    %dma_start3A_309 = arith.constant 1 : i32
    %dma_start3A_310 = arith.constant 0 : i32
    %dma_start3A_311 = arith.constant 0 : i32
    %dma_start3A_312 = tpu.memref_slice %arg7[%dma_start3A_309, %dma_start3A_310, %dma_start3A_311] : memref<2x125x128xf32, #tpu.memory_space<vmem>> -> memref<1x125x128xf32, #tpu.memory_space<vmem>>
    %dma_start3A_313 = tpu.memref_squeeze %dma_start3A_312 : memref<1x125x128xf32, #tpu.memory_space<vmem>> -> memref<125x128xf32, #tpu.memory_space<vmem>>
    %dma_start3A_314 = arith.constant 0 : i32
    %dma_start3A_315 = tpu.memref_slice %arg6[%dma_start3A_307, %dma_start3A_308, %dma_start3A_314] : memref<4x2x125xi32, #tpu.memory_space<vmem>> -> memref<1x1x125xi32, #tpu.memory_space<vmem>>
    %dma_start3A_316 = tpu.memref_squeeze %dma_start3A_315 : memref<1x1x125xi32, #tpu.memory_space<vmem>> -> memref<125xi32, #tpu.memory_space<vmem>>
    %dma_start3A_317 = arith.constant 0 : i32
    %dma_start3A_318 = arith.constant 0 : i32
    %dma_start3A_319 = tpu.memref_slice %arg2[%dma_start3A_317, %dma_start3A_318] : memref<10000x128xf32, #tpu.memory_space<hbm>> -> memref<10000x128xf32, #tpu.memory_space<hbm>>
    tpu.enqueue_indirect_dma source(%dma_start3A_319 : memref<10000x128xf32, #tpu.memory_space<hbm>>) target(%dma_start3A_313 : memref<125x128xf32, #tpu.memory_space<vmem>>) offsets(%dma_start3A_316 : memref<125xi32, #tpu.memory_space<vmem>>) semaphore(%arg14 : memref<!tpu.dma_semaphore, #tpu.memory_space<semaphore_mem>>)
    %dma_wait3A_320 = arith.constant 2 : i32
    %dma_wait3A_321 = arith.constant 0 : i32
    %dma_wait3A_322 = arith.constant 0 : i32
    %dma_wait3A_323 = arith.constant 0 : i32
    %dma_wait3A_324 = arith.constant 0 : i32
    %dma_wait3A_325 = tpu.memref_slice %arg7[%dma_wait3A_322, %dma_wait3A_323, %dma_wait3A_324] : memref<2x125x128xf32, #tpu.memory_space<vmem>> -> memref<1x125x128xf32, #tpu.memory_space<vmem>>
    %dma_wait3A_326 = tpu.memref_squeeze %dma_wait3A_325 : memref<1x125x128xf32, #tpu.memory_space<vmem>> -> memref<125x128xf32, #tpu.memory_space<vmem>>
    %dma_wait3A_327 = arith.constant 0 : i32
    %dma_wait3A_328 = tpu.memref_slice %arg6[%dma_wait3A_320, %dma_wait3A_321, %dma_wait3A_327] : memref<4x2x125xi32, #tpu.memory_space<vmem>> -> memref<1x1x125xi32, #tpu.memory_space<vmem>>
    %dma_wait3A_329 = tpu.memref_squeeze %dma_wait3A_328 : memref<1x1x125xi32, #tpu.memory_space<vmem>> -> memref<125xi32, #tpu.memory_space<vmem>>
    %dma_wait3A_330 = arith.constant 0 : i32
    %dma_wait3A_331 = arith.constant 0 : i32
    %dma_wait3A_332 = tpu.memref_slice %arg2[%dma_wait3A_330, %dma_wait3A_331] : memref<10000x128xf32, #tpu.memory_space<hbm>> -> memref<10000x128xf32, #tpu.memory_space<hbm>>
    tpu.wait_indirect_dma semaphore(%arg13 : memref<!tpu.dma_semaphore, #tpu.memory_space<semaphore_mem>>) src(%dma_wait3A_332 : memref<10000x128xf32, #tpu.memory_space<hbm>>) dst(%dma_wait3A_326 : memref<125x128xf32, #tpu.memory_space<vmem>>)
    %dma_start3A_333 = arith.constant 0 : i32
    %dma_start3A_334 = arith.constant 2 : i32
    %dma_start3A_335 = arith.constant 1 : i32
    %dma_start3A_336 = arith.constant 0 : i32
    %dma_start3A_337 = arith.constant 0 : i32
    %dma_start3A_338 = tpu.memref_slice %arg7[%dma_start3A_333, %dma_start3A_336, %dma_start3A_337] : memref<2x125x128xf32, #tpu.memory_space<vmem>> -> memref<1x125x128xf32, #tpu.memory_space<vmem>>
    %dma_start3A_339 = tpu.memref_squeeze %dma_start3A_338 : memref<1x125x128xf32, #tpu.memory_space<vmem>> -> memref<125x128xf32, #tpu.memory_space<vmem>>
    %dma_start3A_340 = arith.constant 0 : i32
    %dma_start3A_341 = tpu.memref_slice %arg6[%dma_start3A_334, %dma_start3A_335, %dma_start3A_340] : memref<4x2x125xi32, #tpu.memory_space<vmem>> -> memref<1x1x125xi32, #tpu.memory_space<vmem>>
    %dma_start3A_342 = tpu.memref_squeeze %dma_start3A_341 : memref<1x1x125xi32, #tpu.memory_space<vmem>> -> memref<125xi32, #tpu.memory_space<vmem>>
    %dma_start3A_343 = arith.constant 0 : i32
    %dma_start3A_344 = arith.constant 0 : i32
    %dma_start3A_345 = tpu.memref_slice %arg8[%dma_start3A_343, %dma_start3A_344] : memref<10000x128xf32, #tpu.memory_space<vmem_shared>> -> memref<10000x128xf32, #tpu.memory_space<vmem_shared>>
    tpu.enqueue_indirect_dma source(%dma_start3A_339 : memref<125x128xf32, #tpu.memory_space<vmem>>) target(%dma_start3A_345 : memref<10000x128xf32, #tpu.memory_space<vmem_shared>>) offsets(%dma_start3A_342 : memref<125xi32, #tpu.memory_space<vmem>>) semaphore(%arg15 : memref<!tpu.dma_semaphore, #tpu.memory_space<semaphore_mem>>) {add = true}
    %dma_wait3A_346 = arith.constant 0 : i32
    %dma_wait3A_347 = arith.constant 0 : i32
    %dma_wait3A_348 = arith.constant 0 : i32
    %dma_wait3A_349 = arith.constant 0 : i32
    %dma_wait3A_350 = tpu.memref_slice %arg6[%dma_wait3A_347, %dma_wait3A_348, %dma_wait3A_349] : memref<4x2x125xi32, #tpu.memory_space<vmem>> -> memref<1x2x125xi32, #tpu.memory_space<vmem>>
    %dma_wait3A_351 = tpu.memref_squeeze %dma_wait3A_350 : memref<1x2x125xi32, #tpu.memory_space<vmem>> -> memref<2x125xi32, #tpu.memory_space<vmem>>
    %dma_wait3A_352 = arith.constant 0 : i32
    %dma_wait3A_353 = arith.constant 0 : i32
    %dma_wait3A_354 = tpu.memref_slice %arg3[%add3A, %dma_wait3A_346, %dma_wait3A_352, %dma_wait3A_353] : memref<32x80x2x125xi32, #tpu.memory_space<hbm>> -> memref<1x1x2x125xi32, #tpu.memory_space<hbm>>
    %dma_wait3A_355 = tpu.memref_squeeze %dma_wait3A_354 : memref<1x1x2x125xi32, #tpu.memory_space<hbm>> -> memref<2x125xi32, #tpu.memory_space<hbm>>
    %dma_wait3A_356 = arith.constant 0 : i32
    %dma_wait3A_357 = arith.constant 0 : i32
    %dma_wait3A_358 = tpu.memref_slice %arg6[%dma_wait3A_347, %dma_wait3A_356, %dma_wait3A_357] : memref<4x2x125xi32, #tpu.memory_space<vmem>> -> memref<1x2x125xi32, #tpu.memory_space<vmem>>
    %dma_wait3A_359 = tpu.memref_squeeze %dma_wait3A_358 : memref<1x2x125xi32, #tpu.memory_space<vmem>> -> memref<2x125xi32, #tpu.memory_space<vmem>>
    %dma_wait3A_360 = arith.constant 0 : i32
    %dma_wait3A_361 = arith.constant 0 : i32
    %dma_wait3A_362 = tpu.memref_slice %arg3[%add3A, %dma_wait3A_346, %dma_wait3A_360, %dma_wait3A_361] : memref<32x80x2x125xi32, #tpu.memory_space<hbm>> -> memref<1x1x2x125xi32, #tpu.memory_space<hbm>>
    %dma_wait3A_363 = tpu.memref_squeeze %dma_wait3A_362 : memref<1x1x2x125xi32, #tpu.memory_space<hbm>> -> memref<2x125xi32, #tpu.memory_space<hbm>>
    tpu.wait_dma2 semaphore(%arg9 : memref<!tpu.dma_semaphore, #tpu.memory_space<semaphore_mem>>) src(%dma_wait3A_363 : memref<2x125xi32, #tpu.memory_space<hbm>>) dst(%dma_wait3A_359 : memref<2x125xi32, #tpu.memory_space<vmem>>)
    %dma_wait3A_364 = arith.constant 0 : i32
    %dma_wait3A_365 = arith.constant 2 : i32
    %dma_wait3A_366 = arith.constant 1 : i32
    %dma_wait3A_367 = arith.constant 0 : i32
    %dma_wait3A_368 = arith.constant 0 : i32
    %dma_wait3A_369 = tpu.memref_slice %arg7[%dma_wait3A_364, %dma_wait3A_367, %dma_wait3A_368] : memref<2x125x128xf32, #tpu.memory_space<vmem>> -> memref<1x125x128xf32, #tpu.memory_space<vmem>>
    %dma_wait3A_370 = tpu.memref_squeeze %dma_wait3A_369 : memref<1x125x128xf32, #tpu.memory_space<vmem>> -> memref<125x128xf32, #tpu.memory_space<vmem>>
    %dma_wait3A_371 = arith.constant 0 : i32
    %dma_wait3A_372 = tpu.memref_slice %arg6[%dma_wait3A_365, %dma_wait3A_366, %dma_wait3A_371] : memref<4x2x125xi32, #tpu.memory_space<vmem>> -> memref<1x1x125xi32, #tpu.memory_space<vmem>>
    %dma_wait3A_373 = tpu.memref_squeeze %dma_wait3A_372 : memref<1x1x125xi32, #tpu.memory_space<vmem>> -> memref<125xi32, #tpu.memory_space<vmem>>
    %dma_wait3A_374 = arith.constant 0 : i32
    %dma_wait3A_375 = arith.constant 0 : i32
    %dma_wait3A_376 = tpu.memref_slice %arg8[%dma_wait3A_374, %dma_wait3A_375] : memref<10000x128xf32, #tpu.memory_space<vmem_shared>> -> memref<10000x128xf32, #tpu.memory_space<vmem_shared>>
    tpu.wait_indirect_dma semaphore(%arg15 : memref<!tpu.dma_semaphore, #tpu.memory_space<semaphore_mem>>) src(%dma_wait3A_370 : memref<125x128xf32, #tpu.memory_space<vmem>>) dst(%dma_wait3A_376 : memref<10000x128xf32, #tpu.memory_space<vmem_shared>>)
    %dma_start3A_377 = arith.constant 78 : i32
    %dma_start3A_378 = arith.constant 2 : i32
    %dma_start3A_379 = arith.constant 0 : i32
    %dma_start3A_380 = arith.constant 0 : i32
    %dma_start3A_381 = tpu.memref_slice %arg6[%dma_start3A_378, %dma_start3A_379, %dma_start3A_380] : memref<4x2x125xi32, #tpu.memory_space<vmem>> -> memref<1x2x125xi32, #tpu.memory_space<vmem>>
    %dma_start3A_382 = tpu.memref_squeeze %dma_start3A_381 : memref<1x2x125xi32, #tpu.memory_space<vmem>> -> memref<2x125xi32, #tpu.memory_space<vmem>>
    %dma_start3A_383 = arith.constant 0 : i32
    %dma_start3A_384 = arith.constant 0 : i32
    %dma_start3A_385 = tpu.memref_slice %arg3[%add3A, %dma_start3A_377, %dma_start3A_383, %dma_start3A_384] : memref<32x80x2x125xi32, #tpu.memory_space<hbm>> -> memref<1x1x2x125xi32, #tpu.memory_space<hbm>>
    %dma_start3A_386 = tpu.memref_squeeze %dma_start3A_385 : memref<1x1x2x125xi32, #tpu.memory_space<hbm>> -> memref<2x125xi32, #tpu.memory_space<hbm>>
    %dma_start3A_387 = arith.constant 0 : i32
    %dma_start3A_388 = arith.constant 0 : i32
    %dma_start3A_389 = tpu.memref_slice %arg6[%dma_start3A_378, %dma_start3A_387, %dma_start3A_388] : memref<4x2x125xi32, #tpu.memory_space<vmem>> -> memref<1x2x125xi32, #tpu.memory_space<vmem>>
    %dma_start3A_390 = tpu.memref_squeeze %dma_start3A_389 : memref<1x2x125xi32, #tpu.memory_space<vmem>> -> memref<2x125xi32, #tpu.memory_space<vmem>>
    %dma_start3A_391 = arith.constant 0 : i32
    %dma_start3A_392 = arith.constant 0 : i32
    %dma_start3A_393 = tpu.memref_slice %arg3[%add3A, %dma_start3A_377, %dma_start3A_391, %dma_start3A_392] : memref<32x80x2x125xi32, #tpu.memory_space<hbm>> -> memref<1x1x2x125xi32, #tpu.memory_space<hbm>>
    %dma_start3A_394 = tpu.memref_squeeze %dma_start3A_393 : memref<1x1x2x125xi32, #tpu.memory_space<hbm>> -> memref<2x125xi32, #tpu.memory_space<hbm>>
    tpu.enqueue_dma source(%dma_start3A_394 : memref<2x125xi32, #tpu.memory_space<hbm>>) target(%dma_start3A_390 : memref<2x125xi32, #tpu.memory_space<vmem>>) target_semaphore(%arg11 : memref<!tpu.dma_semaphore, #tpu.memory_space<semaphore_mem>>)
    %dma_start3A_395 = arith.constant 0 : i32
    %dma_start3A_396 = arith.constant 0 : i32
    %dma_start3A_397 = arith.constant 0 : i32
    %dma_start3A_398 = arith.constant 0 : i32
    %dma_start3A_399 = arith.constant 0 : i32
    %dma_start3A_400 = tpu.memref_slice %arg7[%dma_start3A_397, %dma_start3A_398, %dma_start3A_399] : memref<2x125x128xf32, #tpu.memory_space<vmem>> -> memref<1x125x128xf32, #tpu.memory_space<vmem>>
    %dma_start3A_401 = tpu.memref_squeeze %dma_start3A_400 : memref<1x125x128xf32, #tpu.memory_space<vmem>> -> memref<125x128xf32, #tpu.memory_space<vmem>>
    %dma_start3A_402 = arith.constant 0 : i32
    %dma_start3A_403 = tpu.memref_slice %arg6[%dma_start3A_395, %dma_start3A_396, %dma_start3A_402] : memref<4x2x125xi32, #tpu.memory_space<vmem>> -> memref<1x1x125xi32, #tpu.memory_space<vmem>>
    %dma_start3A_404 = tpu.memref_squeeze %dma_start3A_403 : memref<1x1x125xi32, #tpu.memory_space<vmem>> -> memref<125xi32, #tpu.memory_space<vmem>>
    %dma_start3A_405 = arith.constant 0 : i32
    %dma_start3A_406 = arith.constant 0 : i32
    %dma_start3A_407 = tpu.memref_slice %arg2[%dma_start3A_405, %dma_start3A_406] : memref<10000x128xf32, #tpu.memory_space<hbm>> -> memref<10000x128xf32, #tpu.memory_space<hbm>>
    tpu.enqueue_indirect_dma source(%dma_start3A_407 : memref<10000x128xf32, #tpu.memory_space<hbm>>) target(%dma_start3A_401 : memref<125x128xf32, #tpu.memory_space<vmem>>) offsets(%dma_start3A_404 : memref<125xi32, #tpu.memory_space<vmem>>) semaphore(%arg13 : memref<!tpu.dma_semaphore, #tpu.memory_space<semaphore_mem>>)
    %dma_wait3A_408 = arith.constant 3 : i32
    %dma_wait3A_409 = arith.constant 0 : i32
    %dma_wait3A_410 = arith.constant 1 : i32
    %dma_wait3A_411 = arith.constant 0 : i32
    %dma_wait3A_412 = arith.constant 0 : i32
    %dma_wait3A_413 = tpu.memref_slice %arg7[%dma_wait3A_410, %dma_wait3A_411, %dma_wait3A_412] : memref<2x125x128xf32, #tpu.memory_space<vmem>> -> memref<1x125x128xf32, #tpu.memory_space<vmem>>
    %dma_wait3A_414 = tpu.memref_squeeze %dma_wait3A_413 : memref<1x125x128xf32, #tpu.memory_space<vmem>> -> memref<125x128xf32, #tpu.memory_space<vmem>>
    %dma_wait3A_415 = arith.constant 0 : i32
    %dma_wait3A_416 = tpu.memref_slice %arg6[%dma_wait3A_408, %dma_wait3A_409, %dma_wait3A_415] : memref<4x2x125xi32, #tpu.memory_space<vmem>> -> memref<1x1x125xi32, #tpu.memory_space<vmem>>
    %dma_wait3A_417 = tpu.memref_squeeze %dma_wait3A_416 : memref<1x1x125xi32, #tpu.memory_space<vmem>> -> memref<125xi32, #tpu.memory_space<vmem>>
    %dma_wait3A_418 = arith.constant 0 : i32
    %dma_wait3A_419 = arith.constant 0 : i32
    %dma_wait3A_420 = tpu.memref_slice %arg2[%dma_wait3A_418, %dma_wait3A_419] : memref<10000x128xf32, #tpu.memory_space<hbm>> -> memref<10000x128xf32, #tpu.memory_space<hbm>>
    tpu.wait_indirect_dma semaphore(%arg14 : memref<!tpu.dma_semaphore, #tpu.memory_space<semaphore_mem>>) src(%dma_wait3A_420 : memref<10000x128xf32, #tpu.memory_space<hbm>>) dst(%dma_wait3A_414 : memref<125x128xf32, #tpu.memory_space<vmem>>)
    %dma_start3A_421 = arith.constant 1 : i32
    %dma_start3A_422 = arith.constant 3 : i32
    %dma_start3A_423 = arith.constant 1 : i32
    %dma_start3A_424 = arith.constant 0 : i32
    %dma_start3A_425 = arith.constant 0 : i32
    %dma_start3A_426 = tpu.memref_slice %arg7[%dma_start3A_421, %dma_start3A_424, %dma_start3A_425] : memref<2x125x128xf32, #tpu.memory_space<vmem>> -> memref<1x125x128xf32, #tpu.memory_space<vmem>>
    %dma_start3A_427 = tpu.memref_squeeze %dma_start3A_426 : memref<1x125x128xf32, #tpu.memory_space<vmem>> -> memref<125x128xf32, #tpu.memory_space<vmem>>
    %dma_start3A_428 = arith.constant 0 : i32
    %dma_start3A_429 = tpu.memref_slice %arg6[%dma_start3A_422, %dma_start3A_423, %dma_start3A_428] : memref<4x2x125xi32, #tpu.memory_space<vmem>> -> memref<1x1x125xi32, #tpu.memory_space<vmem>>
    %dma_start3A_430 = tpu.memref_squeeze %dma_start3A_429 : memref<1x1x125xi32, #tpu.memory_space<vmem>> -> memref<125xi32, #tpu.memory_space<vmem>>
    %dma_start3A_431 = arith.constant 0 : i32
    %dma_start3A_432 = arith.constant 0 : i32
    %dma_start3A_433 = tpu.memref_slice %arg8[%dma_start3A_431, %dma_start3A_432] : memref<10000x128xf32, #tpu.memory_space<vmem_shared>> -> memref<10000x128xf32, #tpu.memory_space<vmem_shared>>
    tpu.enqueue_indirect_dma source(%dma_start3A_427 : memref<125x128xf32, #tpu.memory_space<vmem>>) target(%dma_start3A_433 : memref<10000x128xf32, #tpu.memory_space<vmem_shared>>) offsets(%dma_start3A_430 : memref<125xi32, #tpu.memory_space<vmem>>) semaphore(%arg16 : memref<!tpu.dma_semaphore, #tpu.memory_space<semaphore_mem>>) {add = true}
    %dma_wait3A_434 = arith.constant 0 : i32
    %dma_wait3A_435 = arith.constant 1 : i32
    %dma_wait3A_436 = arith.constant 0 : i32
    %dma_wait3A_437 = arith.constant 0 : i32
    %dma_wait3A_438 = tpu.memref_slice %arg6[%dma_wait3A_435, %dma_wait3A_436, %dma_wait3A_437] : memref<4x2x125xi32, #tpu.memory_space<vmem>> -> memref<1x2x125xi32, #tpu.memory_space<vmem>>
    %dma_wait3A_439 = tpu.memref_squeeze %dma_wait3A_438 : memref<1x2x125xi32, #tpu.memory_space<vmem>> -> memref<2x125xi32, #tpu.memory_space<vmem>>
    %dma_wait3A_440 = arith.constant 0 : i32
    %dma_wait3A_441 = arith.constant 0 : i32
    %dma_wait3A_442 = tpu.memref_slice %arg3[%add3A, %dma_wait3A_434, %dma_wait3A_440, %dma_wait3A_441] : memref<32x80x2x125xi32, #tpu.memory_space<hbm>> -> memref<1x1x2x125xi32, #tpu.memory_space<hbm>>
    %dma_wait3A_443 = tpu.memref_squeeze %dma_wait3A_442 : memref<1x1x2x125xi32, #tpu.memory_space<hbm>> -> memref<2x125xi32, #tpu.memory_space<hbm>>
    %dma_wait3A_444 = arith.constant 0 : i32
    %dma_wait3A_445 = arith.constant 0 : i32
    %dma_wait3A_446 = tpu.memref_slice %arg6[%dma_wait3A_435, %dma_wait3A_444, %dma_wait3A_445] : memref<4x2x125xi32, #tpu.memory_space<vmem>> -> memref<1x2x125xi32, #tpu.memory_space<vmem>>
    %dma_wait3A_447 = tpu.memref_squeeze %dma_wait3A_446 : memref<1x2x125xi32, #tpu.memory_space<vmem>> -> memref<2x125xi32, #tpu.memory_space<vmem>>
    %dma_wait3A_448 = arith.constant 0 : i32
    %dma_wait3A_449 = arith.constant 0 : i32
    %dma_wait3A_450 = tpu.memref_slice %arg3[%add3A, %dma_wait3A_434, %dma_wait3A_448, %dma_wait3A_449] : memref<32x80x2x125xi32, #tpu.memory_space<hbm>> -> memref<1x1x2x125xi32, #tpu.memory_space<hbm>>
    %dma_wait3A_451 = tpu.memref_squeeze %dma_wait3A_450 : memref<1x1x2x125xi32, #tpu.memory_space<hbm>> -> memref<2x125xi32, #tpu.memory_space<hbm>>
    tpu.wait_dma2 semaphore(%arg10 : memref<!tpu.dma_semaphore, #tpu.memory_space<semaphore_mem>>) src(%dma_wait3A_451 : memref<2x125xi32, #tpu.memory_space<hbm>>) dst(%dma_wait3A_447 : memref<2x125xi32, #tpu.memory_space<vmem>>)
    %dma_wait3A_452 = arith.constant 1 : i32
    %dma_wait3A_453 = arith.constant 3 : i32
    %dma_wait3A_454 = arith.constant 1 : i32
    %dma_wait3A_455 = arith.constant 0 : i32
    %dma_wait3A_456 = arith.constant 0 : i32
    %dma_wait3A_457 = tpu.memref_slice %arg7[%dma_wait3A_452, %dma_wait3A_455, %dma_wait3A_456] : memref<2x125x128xf32, #tpu.memory_space<vmem>> -> memref<1x125x128xf32, #tpu.memory_space<vmem>>
    %dma_wait3A_458 = tpu.memref_squeeze %dma_wait3A_457 : memref<1x125x128xf32, #tpu.memory_space<vmem>> -> memref<125x128xf32, #tpu.memory_space<vmem>>
    %dma_wait3A_459 = arith.constant 0 : i32
    %dma_wait3A_460 = tpu.memref_slice %arg6[%dma_wait3A_453, %dma_wait3A_454, %dma_wait3A_459] : memref<4x2x125xi32, #tpu.memory_space<vmem>> -> memref<1x1x125xi32, #tpu.memory_space<vmem>>
    %dma_wait3A_461 = tpu.memref_squeeze %dma_wait3A_460 : memref<1x1x125xi32, #tpu.memory_space<vmem>> -> memref<125xi32, #tpu.memory_space<vmem>>
    %dma_wait3A_462 = arith.constant 0 : i32
    %dma_wait3A_463 = arith.constant 0 : i32
    %dma_wait3A_464 = tpu.memref_slice %arg8[%dma_wait3A_462, %dma_wait3A_463] : memref<10000x128xf32, #tpu.memory_space<vmem_shared>> -> memref<10000x128xf32, #tpu.memory_space<vmem_shared>>
    tpu.wait_indirect_dma semaphore(%arg16 : memref<!tpu.dma_semaphore, #tpu.memory_space<semaphore_mem>>) src(%dma_wait3A_458 : memref<125x128xf32, #tpu.memory_space<vmem>>) dst(%dma_wait3A_464 : memref<10000x128xf32, #tpu.memory_space<vmem_shared>>)
    %dma_start3A_465 = arith.constant 79 : i32
    %dma_start3A_466 = arith.constant 3 : i32
    %dma_start3A_467 = arith.constant 0 : i32
    %dma_start3A_468 = arith.constant 0 : i32
    %dma_start3A_469 = tpu.memref_slice %arg6[%dma_start3A_466, %dma_start3A_467, %dma_start3A_468] : memref<4x2x125xi32, #tpu.memory_space<vmem>> -> memref<1x2x125xi32, #tpu.memory_space<vmem>>
    %dma_start3A_470 = tpu.memref_squeeze %dma_start3A_469 : memref<1x2x125xi32, #tpu.memory_space<vmem>> -> memref<2x125xi32, #tpu.memory_space<vmem>>
    %dma_start3A_471 = arith.constant 0 : i32
    %dma_start3A_472 = arith.constant 0 : i32
    %dma_start3A_473 = tpu.memref_slice %arg3[%add3A, %dma_start3A_465, %dma_start3A_471, %dma_start3A_472] : memref<32x80x2x125xi32, #tpu.memory_space<hbm>> -> memref<1x1x2x125xi32, #tpu.memory_space<hbm>>
    %dma_start3A_474 = tpu.memref_squeeze %dma_start3A_473 : memref<1x1x2x125xi32, #tpu.memory_space<hbm>> -> memref<2x125xi32, #tpu.memory_space<hbm>>
    %dma_start3A_475 = arith.constant 0 : i32
    %dma_start3A_476 = arith.constant 0 : i32
    %dma_start3A_477 = tpu.memref_slice %arg6[%dma_start3A_466, %dma_start3A_475, %dma_start3A_476] : memref<4x2x125xi32, #tpu.memory_space<vmem>> -> memref<1x2x125xi32, #tpu.memory_space<vmem>>
    %dma_start3A_478 = tpu.memref_squeeze %dma_start3A_477 : memref<1x2x125xi32, #tpu.memory_space<vmem>> -> memref<2x125xi32, #tpu.memory_space<vmem>>
    %dma_start3A_479 = arith.constant 0 : i32
    %dma_start3A_480 = arith.constant 0 : i32
    %dma_start3A_481 = tpu.memref_slice %arg3[%add3A, %dma_start3A_465, %dma_start3A_479, %dma_start3A_480] : memref<32x80x2x125xi32, #tpu.memory_space<hbm>> -> memref<1x1x2x125xi32, #tpu.memory_space<hbm>>
    %dma_start3A_482 = tpu.memref_squeeze %dma_start3A_481 : memref<1x1x2x125xi32, #tpu.memory_space<hbm>> -> memref<2x125xi32, #tpu.memory_space<hbm>>
    tpu.enqueue_dma source(%dma_start3A_482 : memref<2x125xi32, #tpu.memory_space<hbm>>) target(%dma_start3A_478 : memref<2x125xi32, #tpu.memory_space<vmem>>) target_semaphore(%arg12 : memref<!tpu.dma_semaphore, #tpu.memory_space<semaphore_mem>>)
    %dma_start3A_483 = arith.constant 1 : i32
    %dma_start3A_484 = arith.constant 0 : i32
    %dma_start3A_485 = arith.constant 1 : i32
    %dma_start3A_486 = arith.constant 0 : i32
    %dma_start3A_487 = arith.constant 0 : i32
    %dma_start3A_488 = tpu.memref_slice %arg7[%dma_start3A_485, %dma_start3A_486, %dma_start3A_487] : memref<2x125x128xf32, #tpu.memory_space<vmem>> -> memref<1x125x128xf32, #tpu.memory_space<vmem>>
    %dma_start3A_489 = tpu.memref_squeeze %dma_start3A_488 : memref<1x125x128xf32, #tpu.memory_space<vmem>> -> memref<125x128xf32, #tpu.memory_space<vmem>>
    %dma_start3A_490 = arith.constant 0 : i32
    %dma_start3A_491 = tpu.memref_slice %arg6[%dma_start3A_483, %dma_start3A_484, %dma_start3A_490] : memref<4x2x125xi32, #tpu.memory_space<vmem>> -> memref<1x1x125xi32, #tpu.memory_space<vmem>>
    %dma_start3A_492 = tpu.memref_squeeze %dma_start3A_491 : memref<1x1x125xi32, #tpu.memory_space<vmem>> -> memref<125xi32, #tpu.memory_space<vmem>>
    %dma_start3A_493 = arith.constant 0 : i32
    %dma_start3A_494 = arith.constant 0 : i32
    %dma_start3A_495 = tpu.memref_slice %arg2[%dma_start3A_493, %dma_start3A_494] : memref<10000x128xf32, #tpu.memory_space<hbm>> -> memref<10000x128xf32, #tpu.memory_space<hbm>>
    tpu.enqueue_indirect_dma source(%dma_start3A_495 : memref<10000x128xf32, #tpu.memory_space<hbm>>) target(%dma_start3A_489 : memref<125x128xf32, #tpu.memory_space<vmem>>) offsets(%dma_start3A_492 : memref<125xi32, #tpu.memory_space<vmem>>) semaphore(%arg14 : memref<!tpu.dma_semaphore, #tpu.memory_space<semaphore_mem>>)
    %dma_wait3A_496 = arith.constant 0 : i32
    %dma_wait3A_497 = arith.constant 0 : i32
    %dma_wait3A_498 = arith.constant 0 : i32
    %dma_wait3A_499 = arith.constant 0 : i32
    %dma_wait3A_500 = arith.constant 0 : i32
    %dma_wait3A_501 = tpu.memref_slice %arg7[%dma_wait3A_498, %dma_wait3A_499, %dma_wait3A_500] : memref<2x125x128xf32, #tpu.memory_space<vmem>> -> memref<1x125x128xf32, #tpu.memory_space<vmem>>
    %dma_wait3A_502 = tpu.memref_squeeze %dma_wait3A_501 : memref<1x125x128xf32, #tpu.memory_space<vmem>> -> memref<125x128xf32, #tpu.memory_space<vmem>>
    %dma_wait3A_503 = arith.constant 0 : i32
    %dma_wait3A_504 = tpu.memref_slice %arg6[%dma_wait3A_496, %dma_wait3A_497, %dma_wait3A_503] : memref<4x2x125xi32, #tpu.memory_space<vmem>> -> memref<1x1x125xi32, #tpu.memory_space<vmem>>
    %dma_wait3A_505 = tpu.memref_squeeze %dma_wait3A_504 : memref<1x1x125xi32, #tpu.memory_space<vmem>> -> memref<125xi32, #tpu.memory_space<vmem>>
    %dma_wait3A_506 = arith.constant 0 : i32
    %dma_wait3A_507 = arith.constant 0 : i32
    %dma_wait3A_508 = tpu.memref_slice %arg2[%dma_wait3A_506, %dma_wait3A_507] : memref<10000x128xf32, #tpu.memory_space<hbm>> -> memref<10000x128xf32, #tpu.memory_space<hbm>>
    tpu.wait_indirect_dma semaphore(%arg13 : memref<!tpu.dma_semaphore, #tpu.memory_space<semaphore_mem>>) src(%dma_wait3A_508 : memref<10000x128xf32, #tpu.memory_space<hbm>>) dst(%dma_wait3A_502 : memref<125x128xf32, #tpu.memory_space<vmem>>)
    %dma_start3A_509 = arith.constant 0 : i32
    %dma_start3A_510 = arith.constant 0 : i32
    %dma_start3A_511 = arith.constant 1 : i32
    %dma_start3A_512 = arith.constant 0 : i32
    %dma_start3A_513 = arith.constant 0 : i32
    %dma_start3A_514 = tpu.memref_slice %arg7[%dma_start3A_509, %dma_start3A_512, %dma_start3A_513] : memref<2x125x128xf32, #tpu.memory_space<vmem>> -> memref<1x125x128xf32, #tpu.memory_space<vmem>>
    %dma_start3A_515 = tpu.memref_squeeze %dma_start3A_514 : memref<1x125x128xf32, #tpu.memory_space<vmem>> -> memref<125x128xf32, #tpu.memory_space<vmem>>
    %dma_start3A_516 = arith.constant 0 : i32
    %dma_start3A_517 = tpu.memref_slice %arg6[%dma_start3A_510, %dma_start3A_511, %dma_start3A_516] : memref<4x2x125xi32, #tpu.memory_space<vmem>> -> memref<1x1x125xi32, #tpu.memory_space<vmem>>
    %dma_start3A_518 = tpu.memref_squeeze %dma_start3A_517 : memref<1x1x125xi32, #tpu.memory_space<vmem>> -> memref<125xi32, #tpu.memory_space<vmem>>
    %dma_start3A_519 = arith.constant 0 : i32
    %dma_start3A_520 = arith.constant 0 : i32
    %dma_start3A_521 = tpu.memref_slice %arg8[%dma_start3A_519, %dma_start3A_520] : memref<10000x128xf32, #tpu.memory_space<vmem_shared>> -> memref<10000x128xf32, #tpu.memory_space<vmem_shared>>
    tpu.enqueue_indirect_dma source(%dma_start3A_515 : memref<125x128xf32, #tpu.memory_space<vmem>>) target(%dma_start3A_521 : memref<10000x128xf32, #tpu.memory_space<vmem_shared>>) offsets(%dma_start3A_518 : memref<125xi32, #tpu.memory_space<vmem>>) semaphore(%arg15 : memref<!tpu.dma_semaphore, #tpu.memory_space<semaphore_mem>>) {add = true}
    %dma_wait3A_522 = arith.constant 0 : i32
    %dma_wait3A_523 = arith.constant 2 : i32
    %dma_wait3A_524 = arith.constant 0 : i32
    %dma_wait3A_525 = arith.constant 0 : i32
    %dma_wait3A_526 = tpu.memref_slice %arg6[%dma_wait3A_523, %dma_wait3A_524, %dma_wait3A_525] : memref<4x2x125xi32, #tpu.memory_space<vmem>> -> memref<1x2x125xi32, #tpu.memory_space<vmem>>
    %dma_wait3A_527 = tpu.memref_squeeze %dma_wait3A_526 : memref<1x2x125xi32, #tpu.memory_space<vmem>> -> memref<2x125xi32, #tpu.memory_space<vmem>>
    %dma_wait3A_528 = arith.constant 0 : i32
    %dma_wait3A_529 = arith.constant 0 : i32
    %dma_wait3A_530 = tpu.memref_slice %arg3[%add3A, %dma_wait3A_522, %dma_wait3A_528, %dma_wait3A_529] : memref<32x80x2x125xi32, #tpu.memory_space<hbm>> -> memref<1x1x2x125xi32, #tpu.memory_space<hbm>>
    %dma_wait3A_531 = tpu.memref_squeeze %dma_wait3A_530 : memref<1x1x2x125xi32, #tpu.memory_space<hbm>> -> memref<2x125xi32, #tpu.memory_space<hbm>>
    %dma_wait3A_532 = arith.constant 0 : i32
    %dma_wait3A_533 = arith.constant 0 : i32
    %dma_wait3A_534 = tpu.memref_slice %arg6[%dma_wait3A_523, %dma_wait3A_532, %dma_wait3A_533] : memref<4x2x125xi32, #tpu.memory_space<vmem>> -> memref<1x2x125xi32, #tpu.memory_space<vmem>>
    %dma_wait3A_535 = tpu.memref_squeeze %dma_wait3A_534 : memref<1x2x125xi32, #tpu.memory_space<vmem>> -> memref<2x125xi32, #tpu.memory_space<vmem>>
    %dma_wait3A_536 = arith.constant 0 : i32
    %dma_wait3A_537 = arith.constant 0 : i32
    %dma_wait3A_538 = tpu.memref_slice %arg3[%add3A, %dma_wait3A_522, %dma_wait3A_536, %dma_wait3A_537] : memref<32x80x2x125xi32, #tpu.memory_space<hbm>> -> memref<1x1x2x125xi32, #tpu.memory_space<hbm>>
    %dma_wait3A_539 = tpu.memref_squeeze %dma_wait3A_538 : memref<1x1x2x125xi32, #tpu.memory_space<hbm>> -> memref<2x125xi32, #tpu.memory_space<hbm>>
    tpu.wait_dma2 semaphore(%arg11 : memref<!tpu.dma_semaphore, #tpu.memory_space<semaphore_mem>>) src(%dma_wait3A_539 : memref<2x125xi32, #tpu.memory_space<hbm>>) dst(%dma_wait3A_535 : memref<2x125xi32, #tpu.memory_space<vmem>>)
    %dma_wait3A_540 = arith.constant 0 : i32
    %dma_wait3A_541 = arith.constant 0 : i32
    %dma_wait3A_542 = arith.constant 1 : i32
    %dma_wait3A_543 = arith.constant 0 : i32
    %dma_wait3A_544 = arith.constant 0 : i32
    %dma_wait3A_545 = tpu.memref_slice %arg7[%dma_wait3A_540, %dma_wait3A_543, %dma_wait3A_544] : memref<2x125x128xf32, #tpu.memory_space<vmem>> -> memref<1x125x128xf32, #tpu.memory_space<vmem>>
    %dma_wait3A_546 = tpu.memref_squeeze %dma_wait3A_545 : memref<1x125x128xf32, #tpu.memory_space<vmem>> -> memref<125x128xf32, #tpu.memory_space<vmem>>
    %dma_wait3A_547 = arith.constant 0 : i32
    %dma_wait3A_548 = tpu.memref_slice %arg6[%dma_wait3A_541, %dma_wait3A_542, %dma_wait3A_547] : memref<4x2x125xi32, #tpu.memory_space<vmem>> -> memref<1x1x125xi32, #tpu.memory_space<vmem>>
    %dma_wait3A_549 = tpu.memref_squeeze %dma_wait3A_548 : memref<1x1x125xi32, #tpu.memory_space<vmem>> -> memref<125xi32, #tpu.memory_space<vmem>>
    %dma_wait3A_550 = arith.constant 0 : i32
    %dma_wait3A_551 = arith.constant 0 : i32
    %dma_wait3A_552 = tpu.memref_slice %arg8[%dma_wait3A_550, %dma_wait3A_551] : memref<10000x128xf32, #tpu.memory_space<vmem_shared>> -> memref<10000x128xf32, #tpu.memory_space<vmem_shared>>
    tpu.wait_indirect_dma semaphore(%arg15 : memref<!tpu.dma_semaphore, #tpu.memory_space<semaphore_mem>>) src(%dma_wait3A_546 : memref<125x128xf32, #tpu.memory_space<vmem>>) dst(%dma_wait3A_552 : memref<10000x128xf32, #tpu.memory_space<vmem_shared>>)
    %dma_start3A_553 = arith.constant 2 : i32
    %dma_start3A_554 = arith.constant 0 : i32
    %dma_start3A_555 = arith.constant 0 : i32
    %dma_start3A_556 = arith.constant 0 : i32
    %dma_start3A_557 = arith.constant 0 : i32
    %dma_start3A_558 = tpu.memref_slice %arg7[%dma_start3A_555, %dma_start3A_556, %dma_start3A_557] : memref<2x125x128xf32, #tpu.memory_space<vmem>> -> memref<1x125x128xf32, #tpu.memory_space<vmem>>
    %dma_start3A_559 = tpu.memref_squeeze %dma_start3A_558 : memref<1x125x128xf32, #tpu.memory_space<vmem>> -> memref<125x128xf32, #tpu.memory_space<vmem>>
    %dma_start3A_560 = arith.constant 0 : i32
    %dma_start3A_561 = tpu.memref_slice %arg6[%dma_start3A_553, %dma_start3A_554, %dma_start3A_560] : memref<4x2x125xi32, #tpu.memory_space<vmem>> -> memref<1x1x125xi32, #tpu.memory_space<vmem>>
    %dma_start3A_562 = tpu.memref_squeeze %dma_start3A_561 : memref<1x1x125xi32, #tpu.memory_space<vmem>> -> memref<125xi32, #tpu.memory_space<vmem>>
    %dma_start3A_563 = arith.constant 0 : i32
    %dma_start3A_564 = arith.constant 0 : i32
    %dma_start3A_565 = tpu.memref_slice %arg2[%dma_start3A_563, %dma_start3A_564] : memref<10000x128xf32, #tpu.memory_space<hbm>> -> memref<10000x128xf32, #tpu.memory_space<hbm>>
    tpu.enqueue_indirect_dma source(%dma_start3A_565 : memref<10000x128xf32, #tpu.memory_space<hbm>>) target(%dma_start3A_559 : memref<125x128xf32, #tpu.memory_space<vmem>>) offsets(%dma_start3A_562 : memref<125xi32, #tpu.memory_space<vmem>>) semaphore(%arg13 : memref<!tpu.dma_semaphore, #tpu.memory_space<semaphore_mem>>)
    %dma_wait3A_566 = arith.constant 1 : i32
    %dma_wait3A_567 = arith.constant 0 : i32
    %dma_wait3A_568 = arith.constant 1 : i32
    %dma_wait3A_569 = arith.constant 0 : i32
    %dma_wait3A_570 = arith.constant 0 : i32
    %dma_wait3A_571 = tpu.memref_slice %arg7[%dma_wait3A_568, %dma_wait3A_569, %dma_wait3A_570] : memref<2x125x128xf32, #tpu.memory_space<vmem>> -> memref<1x125x128xf32, #tpu.memory_space<vmem>>
    %dma_wait3A_572 = tpu.memref_squeeze %dma_wait3A_571 : memref<1x125x128xf32, #tpu.memory_space<vmem>> -> memref<125x128xf32, #tpu.memory_space<vmem>>
    %dma_wait3A_573 = arith.constant 0 : i32
    %dma_wait3A_574 = tpu.memref_slice %arg6[%dma_wait3A_566, %dma_wait3A_567, %dma_wait3A_573] : memref<4x2x125xi32, #tpu.memory_space<vmem>> -> memref<1x1x125xi32, #tpu.memory_space<vmem>>
    %dma_wait3A_575 = tpu.memref_squeeze %dma_wait3A_574 : memref<1x1x125xi32, #tpu.memory_space<vmem>> -> memref<125xi32, #tpu.memory_space<vmem>>
    %dma_wait3A_576 = arith.constant 0 : i32
    %dma_wait3A_577 = arith.constant 0 : i32
    %dma_wait3A_578 = tpu.memref_slice %arg2[%dma_wait3A_576, %dma_wait3A_577] : memref<10000x128xf32, #tpu.memory_space<hbm>> -> memref<10000x128xf32, #tpu.memory_space<hbm>>
    tpu.wait_indirect_dma semaphore(%arg14 : memref<!tpu.dma_semaphore, #tpu.memory_space<semaphore_mem>>) src(%dma_wait3A_578 : memref<10000x128xf32, #tpu.memory_space<hbm>>) dst(%dma_wait3A_572 : memref<125x128xf32, #tpu.memory_space<vmem>>)
    %dma_start3A_579 = arith.constant 1 : i32
    %dma_start3A_580 = arith.constant 1 : i32
    %dma_start3A_581 = arith.constant 1 : i32
    %dma_start3A_582 = arith.constant 0 : i32
    %dma_start3A_583 = arith.constant 0 : i32
    %dma_start3A_584 = tpu.memref_slice %arg7[%dma_start3A_579, %dma_start3A_582, %dma_start3A_583] : memref<2x125x128xf32, #tpu.memory_space<vmem>> -> memref<1x125x128xf32, #tpu.memory_space<vmem>>
    %dma_start3A_585 = tpu.memref_squeeze %dma_start3A_584 : memref<1x125x128xf32, #tpu.memory_space<vmem>> -> memref<125x128xf32, #tpu.memory_space<vmem>>
    %dma_start3A_586 = arith.constant 0 : i32
    %dma_start3A_587 = tpu.memref_slice %arg6[%dma_start3A_580, %dma_start3A_581, %dma_start3A_586] : memref<4x2x125xi32, #tpu.memory_space<vmem>> -> memref<1x1x125xi32, #tpu.memory_space<vmem>>
    %dma_start3A_588 = tpu.memref_squeeze %dma_start3A_587 : memref<1x1x125xi32, #tpu.memory_space<vmem>> -> memref<125xi32, #tpu.memory_space<vmem>>
    %dma_start3A_589 = arith.constant 0 : i32
    %dma_start3A_590 = arith.constant 0 : i32
    %dma_start3A_591 = tpu.memref_slice %arg8[%dma_start3A_589, %dma_start3A_590] : memref<10000x128xf32, #tpu.memory_space<vmem_shared>> -> memref<10000x128xf32, #tpu.memory_space<vmem_shared>>
    tpu.enqueue_indirect_dma source(%dma_start3A_585 : memref<125x128xf32, #tpu.memory_space<vmem>>) target(%dma_start3A_591 : memref<10000x128xf32, #tpu.memory_space<vmem_shared>>) offsets(%dma_start3A_588 : memref<125xi32, #tpu.memory_space<vmem>>) semaphore(%arg16 : memref<!tpu.dma_semaphore, #tpu.memory_space<semaphore_mem>>) {add = true}
    %dma_wait3A_592 = arith.constant 0 : i32
    %dma_wait3A_593 = arith.constant 3 : i32
    %dma_wait3A_594 = arith.constant 0 : i32
    %dma_wait3A_595 = arith.constant 0 : i32
    %dma_wait3A_596 = tpu.memref_slice %arg6[%dma_wait3A_593, %dma_wait3A_594, %dma_wait3A_595] : memref<4x2x125xi32, #tpu.memory_space<vmem>> -> memref<1x2x125xi32, #tpu.memory_space<vmem>>
    %dma_wait3A_597 = tpu.memref_squeeze %dma_wait3A_596 : memref<1x2x125xi32, #tpu.memory_space<vmem>> -> memref<2x125xi32, #tpu.memory_space<vmem>>
    %dma_wait3A_598 = arith.constant 0 : i32
    %dma_wait3A_599 = arith.constant 0 : i32
    %dma_wait3A_600 = tpu.memref_slice %arg3[%add3A, %dma_wait3A_592, %dma_wait3A_598, %dma_wait3A_599] : memref<32x80x2x125xi32, #tpu.memory_space<hbm>> -> memref<1x1x2x125xi32, #tpu.memory_space<hbm>>
    %dma_wait3A_601 = tpu.memref_squeeze %dma_wait3A_600 : memref<1x1x2x125xi32, #tpu.memory_space<hbm>> -> memref<2x125xi32, #tpu.memory_space<hbm>>
    %dma_wait3A_602 = arith.constant 0 : i32
    %dma_wait3A_603 = arith.constant 0 : i32
    %dma_wait3A_604 = tpu.memref_slice %arg6[%dma_wait3A_593, %dma_wait3A_602, %dma_wait3A_603] : memref<4x2x125xi32, #tpu.memory_space<vmem>> -> memref<1x2x125xi32, #tpu.memory_space<vmem>>
    %dma_wait3A_605 = tpu.memref_squeeze %dma_wait3A_604 : memref<1x2x125xi32, #tpu.memory_space<vmem>> -> memref<2x125xi32, #tpu.memory_space<vmem>>
    %dma_wait3A_606 = arith.constant 0 : i32
    %dma_wait3A_607 = arith.constant 0 : i32
    %dma_wait3A_608 = tpu.memref_slice %arg3[%add3A, %dma_wait3A_592, %dma_wait3A_606, %dma_wait3A_607] : memref<32x80x2x125xi32, #tpu.memory_space<hbm>> -> memref<1x1x2x125xi32, #tpu.memory_space<hbm>>
    %dma_wait3A_609 = tpu.memref_squeeze %dma_wait3A_608 : memref<1x1x2x125xi32, #tpu.memory_space<hbm>> -> memref<2x125xi32, #tpu.memory_space<hbm>>
    tpu.wait_dma2 semaphore(%arg12 : memref<!tpu.dma_semaphore, #tpu.memory_space<semaphore_mem>>) src(%dma_wait3A_609 : memref<2x125xi32, #tpu.memory_space<hbm>>) dst(%dma_wait3A_605 : memref<2x125xi32, #tpu.memory_space<vmem>>)
    %dma_wait3A_610 = arith.constant 1 : i32
    %dma_wait3A_611 = arith.constant 1 : i32
    %dma_wait3A_612 = arith.constant 1 : i32
    %dma_wait3A_613 = arith.constant 0 : i32
    %dma_wait3A_614 = arith.constant 0 : i32
    %dma_wait3A_615 = tpu.memref_slice %arg7[%dma_wait3A_610, %dma_wait3A_613, %dma_wait3A_614] : memref<2x125x128xf32, #tpu.memory_space<vmem>> -> memref<1x125x128xf32, #tpu.memory_space<vmem>>
    %dma_wait3A_616 = tpu.memref_squeeze %dma_wait3A_615 : memref<1x125x128xf32, #tpu.memory_space<vmem>> -> memref<125x128xf32, #tpu.memory_space<vmem>>
    %dma_wait3A_617 = arith.constant 0 : i32
    %dma_wait3A_618 = tpu.memref_slice %arg6[%dma_wait3A_611, %dma_wait3A_612, %dma_wait3A_617] : memref<4x2x125xi32, #tpu.memory_space<vmem>> -> memref<1x1x125xi32, #tpu.memory_space<vmem>>
    %dma_wait3A_619 = tpu.memref_squeeze %dma_wait3A_618 : memref<1x1x125xi32, #tpu.memory_space<vmem>> -> memref<125xi32, #tpu.memory_space<vmem>>
    %dma_wait3A_620 = arith.constant 0 : i32
    %dma_wait3A_621 = arith.constant 0 : i32
    %dma_wait3A_622 = tpu.memref_slice %arg8[%dma_wait3A_620, %dma_wait3A_621] : memref<10000x128xf32, #tpu.memory_space<vmem_shared>> -> memref<10000x128xf32, #tpu.memory_space<vmem_shared>>
    tpu.wait_indirect_dma semaphore(%arg16 : memref<!tpu.dma_semaphore, #tpu.memory_space<semaphore_mem>>) src(%dma_wait3A_616 : memref<125x128xf32, #tpu.memory_space<vmem>>) dst(%dma_wait3A_622 : memref<10000x128xf32, #tpu.memory_space<vmem_shared>>)
    %dma_start3A_623 = arith.constant 3 : i32
    %dma_start3A_624 = arith.constant 0 : i32
    %dma_start3A_625 = arith.constant 1 : i32
    %dma_start3A_626 = arith.constant 0 : i32
    %dma_start3A_627 = arith.constant 0 : i32
    %dma_start3A_628 = tpu.memref_slice %arg7[%dma_start3A_625, %dma_start3A_626, %dma_start3A_627] : memref<2x125x128xf32, #tpu.memory_space<vmem>> -> memref<1x125x128xf32, #tpu.memory_space<vmem>>
    %dma_start3A_629 = tpu.memref_squeeze %dma_start3A_628 : memref<1x125x128xf32, #tpu.memory_space<vmem>> -> memref<125x128xf32, #tpu.memory_space<vmem>>
    %dma_start3A_630 = arith.constant 0 : i32
    %dma_start3A_631 = tpu.memref_slice %arg6[%dma_start3A_623, %dma_start3A_624, %dma_start3A_630] : memref<4x2x125xi32, #tpu.memory_space<vmem>> -> memref<1x1x125xi32, #tpu.memory_space<vmem>>
    %dma_start3A_632 = tpu.memref_squeeze %dma_start3A_631 : memref<1x1x125xi32, #tpu.memory_space<vmem>> -> memref<125xi32, #tpu.memory_space<vmem>>
    %dma_start3A_633 = arith.constant 0 : i32
    %dma_start3A_634 = arith.constant 0 : i32
    %dma_start3A_635 = tpu.memref_slice %arg2[%dma_start3A_633, %dma_start3A_634] : memref<10000x128xf32, #tpu.memory_space<hbm>> -> memref<10000x128xf32, #tpu.memory_space<hbm>>
    tpu.enqueue_indirect_dma source(%dma_start3A_635 : memref<10000x128xf32, #tpu.memory_space<hbm>>) target(%dma_start3A_629 : memref<125x128xf32, #tpu.memory_space<vmem>>) offsets(%dma_start3A_632 : memref<125xi32, #tpu.memory_space<vmem>>) semaphore(%arg14 : memref<!tpu.dma_semaphore, #tpu.memory_space<semaphore_mem>>)
    %dma_wait3A_636 = arith.constant 2 : i32
    %dma_wait3A_637 = arith.constant 0 : i32
    %dma_wait3A_638 = arith.constant 0 : i32
    %dma_wait3A_639 = arith.constant 0 : i32
    %dma_wait3A_640 = arith.constant 0 : i32
    %dma_wait3A_641 = tpu.memref_slice %arg7[%dma_wait3A_638, %dma_wait3A_639, %dma_wait3A_640] : memref<2x125x128xf32, #tpu.memory_space<vmem>> -> memref<1x125x128xf32, #tpu.memory_space<vmem>>
    %dma_wait3A_642 = tpu.memref_squeeze %dma_wait3A_641 : memref<1x125x128xf32, #tpu.memory_space<vmem>> -> memref<125x128xf32, #tpu.memory_space<vmem>>
    %dma_wait3A_643 = arith.constant 0 : i32
    %dma_wait3A_644 = tpu.memref_slice %arg6[%dma_wait3A_636, %dma_wait3A_637, %dma_wait3A_643] : memref<4x2x125xi32, #tpu.memory_space<vmem>> -> memref<1x1x125xi32, #tpu.memory_space<vmem>>
    %dma_wait3A_645 = tpu.memref_squeeze %dma_wait3A_644 : memref<1x1x125xi32, #tpu.memory_space<vmem>> -> memref<125xi32, #tpu.memory_space<vmem>>
    %dma_wait3A_646 = arith.constant 0 : i32
    %dma_wait3A_647 = arith.constant 0 : i32
    %dma_wait3A_648 = tpu.memref_slice %arg2[%dma_wait3A_646, %dma_wait3A_647] : memref<10000x128xf32, #tpu.memory_space<hbm>> -> memref<10000x128xf32, #tpu.memory_space<hbm>>
    tpu.wait_indirect_dma semaphore(%arg13 : memref<!tpu.dma_semaphore, #tpu.memory_space<semaphore_mem>>) src(%dma_wait3A_648 : memref<10000x128xf32, #tpu.memory_space<hbm>>) dst(%dma_wait3A_642 : memref<125x128xf32, #tpu.memory_space<vmem>>)
    %dma_start3A_649 = arith.constant 0 : i32
    %dma_start3A_650 = arith.constant 2 : i32
    %dma_start3A_651 = arith.constant 1 : i32
    %dma_start3A_652 = arith.constant 0 : i32
    %dma_start3A_653 = arith.constant 0 : i32
    %dma_start3A_654 = tpu.memref_slice %arg7[%dma_start3A_649, %dma_start3A_652, %dma_start3A_653] : memref<2x125x128xf32, #tpu.memory_space<vmem>> -> memref<1x125x128xf32, #tpu.memory_space<vmem>>
    %dma_start3A_655 = tpu.memref_squeeze %dma_start3A_654 : memref<1x125x128xf32, #tpu.memory_space<vmem>> -> memref<125x128xf32, #tpu.memory_space<vmem>>
    %dma_start3A_656 = arith.constant 0 : i32
    %dma_start3A_657 = tpu.memref_slice %arg6[%dma_start3A_650, %dma_start3A_651, %dma_start3A_656] : memref<4x2x125xi32, #tpu.memory_space<vmem>> -> memref<1x1x125xi32, #tpu.memory_space<vmem>>
    %dma_start3A_658 = tpu.memref_squeeze %dma_start3A_657 : memref<1x1x125xi32, #tpu.memory_space<vmem>> -> memref<125xi32, #tpu.memory_space<vmem>>
    %dma_start3A_659 = arith.constant 0 : i32
    %dma_start3A_660 = arith.constant 0 : i32
    %dma_start3A_661 = tpu.memref_slice %arg8[%dma_start3A_659, %dma_start3A_660] : memref<10000x128xf32, #tpu.memory_space<vmem_shared>> -> memref<10000x128xf32, #tpu.memory_space<vmem_shared>>
    tpu.enqueue_indirect_dma source(%dma_start3A_655 : memref<125x128xf32, #tpu.memory_space<vmem>>) target(%dma_start3A_661 : memref<10000x128xf32, #tpu.memory_space<vmem_shared>>) offsets(%dma_start3A_658 : memref<125xi32, #tpu.memory_space<vmem>>) semaphore(%arg15 : memref<!tpu.dma_semaphore, #tpu.memory_space<semaphore_mem>>) {add = true}
    %dma_wait3A_662 = arith.constant 0 : i32
    %dma_wait3A_663 = arith.constant 2 : i32
    %dma_wait3A_664 = arith.constant 1 : i32
    %dma_wait3A_665 = arith.constant 0 : i32
    %dma_wait3A_666 = arith.constant 0 : i32
    %dma_wait3A_667 = tpu.memref_slice %arg7[%dma_wait3A_662, %dma_wait3A_665, %dma_wait3A_666] : memref<2x125x128xf32, #tpu.memory_space<vmem>> -> memref<1x125x128xf32, #tpu.memory_space<vmem>>
    %dma_wait3A_668 = tpu.memref_squeeze %dma_wait3A_667 : memref<1x125x128xf32, #tpu.memory_space<vmem>> -> memref<125x128xf32, #tpu.memory_space<vmem>>
    %dma_wait3A_669 = arith.constant 0 : i32
    %dma_wait3A_670 = tpu.memref_slice %arg6[%dma_wait3A_663, %dma_wait3A_664, %dma_wait3A_669] : memref<4x2x125xi32, #tpu.memory_space<vmem>> -> memref<1x1x125xi32, #tpu.memory_space<vmem>>
    %dma_wait3A_671 = tpu.memref_squeeze %dma_wait3A_670 : memref<1x1x125xi32, #tpu.memory_space<vmem>> -> memref<125xi32, #tpu.memory_space<vmem>>
    %dma_wait3A_672 = arith.constant 0 : i32
    %dma_wait3A_673 = arith.constant 0 : i32
    %dma_wait3A_674 = tpu.memref_slice %arg8[%dma_wait3A_672, %dma_wait3A_673] : memref<10000x128xf32, #tpu.memory_space<vmem_shared>> -> memref<10000x128xf32, #tpu.memory_space<vmem_shared>>
    tpu.wait_indirect_dma semaphore(%arg15 : memref<!tpu.dma_semaphore, #tpu.memory_space<semaphore_mem>>) src(%dma_wait3A_668 : memref<125x128xf32, #tpu.memory_space<vmem>>) dst(%dma_wait3A_674 : memref<10000x128xf32, #tpu.memory_space<vmem_shared>>)
    %dma_wait3A_675 = arith.constant 3 : i32
    %dma_wait3A_676 = arith.constant 0 : i32
    %dma_wait3A_677 = arith.constant 1 : i32
    %dma_wait3A_678 = arith.constant 0 : i32
    %dma_wait3A_679 = arith.constant 0 : i32
    %dma_wait3A_680 = tpu.memref_slice %arg7[%dma_wait3A_677, %dma_wait3A_678, %dma_wait3A_679] : memref<2x125x128xf32, #tpu.memory_space<vmem>> -> memref<1x125x128xf32, #tpu.memory_space<vmem>>
    %dma_wait3A_681 = tpu.memref_squeeze %dma_wait3A_680 : memref<1x125x128xf32, #tpu.memory_space<vmem>> -> memref<125x128xf32, #tpu.memory_space<vmem>>
    %dma_wait3A_682 = arith.constant 0 : i32
    %dma_wait3A_683 = tpu.memref_slice %arg6[%dma_wait3A_675, %dma_wait3A_676, %dma_wait3A_682] : memref<4x2x125xi32, #tpu.memory_space<vmem>> -> memref<1x1x125xi32, #tpu.memory_space<vmem>>
    %dma_wait3A_684 = tpu.memref_squeeze %dma_wait3A_683 : memref<1x1x125xi32, #tpu.memory_space<vmem>> -> memref<125xi32, #tpu.memory_space<vmem>>
    %dma_wait3A_685 = arith.constant 0 : i32
    %dma_wait3A_686 = arith.constant 0 : i32
    %dma_wait3A_687 = tpu.memref_slice %arg2[%dma_wait3A_685, %dma_wait3A_686] : memref<10000x128xf32, #tpu.memory_space<hbm>> -> memref<10000x128xf32, #tpu.memory_space<hbm>>
    tpu.wait_indirect_dma semaphore(%arg14 : memref<!tpu.dma_semaphore, #tpu.memory_space<semaphore_mem>>) src(%dma_wait3A_687 : memref<10000x128xf32, #tpu.memory_space<hbm>>) dst(%dma_wait3A_681 : memref<125x128xf32, #tpu.memory_space<vmem>>)
    %dma_start3A_688 = arith.constant 1 : i32
    %dma_start3A_689 = arith.constant 3 : i32
    %dma_start3A_690 = arith.constant 1 : i32
    %dma_start3A_691 = arith.constant 0 : i32
    %dma_start3A_692 = arith.constant 0 : i32
    %dma_start3A_693 = tpu.memref_slice %arg7[%dma_start3A_688, %dma_start3A_691, %dma_start3A_692] : memref<2x125x128xf32, #tpu.memory_space<vmem>> -> memref<1x125x128xf32, #tpu.memory_space<vmem>>
    %dma_start3A_694 = tpu.memref_squeeze %dma_start3A_693 : memref<1x125x128xf32, #tpu.memory_space<vmem>> -> memref<125x128xf32, #tpu.memory_space<vmem>>
    %dma_start3A_695 = arith.constant 0 : i32
    %dma_start3A_696 = tpu.memref_slice %arg6[%dma_start3A_689, %dma_start3A_690, %dma_start3A_695] : memref<4x2x125xi32, #tpu.memory_space<vmem>> -> memref<1x1x125xi32, #tpu.memory_space<vmem>>
    %dma_start3A_697 = tpu.memref_squeeze %dma_start3A_696 : memref<1x1x125xi32, #tpu.memory_space<vmem>> -> memref<125xi32, #tpu.memory_space<vmem>>
    %dma_start3A_698 = arith.constant 0 : i32
    %dma_start3A_699 = arith.constant 0 : i32
    %dma_start3A_700 = tpu.memref_slice %arg8[%dma_start3A_698, %dma_start3A_699] : memref<10000x128xf32, #tpu.memory_space<vmem_shared>> -> memref<10000x128xf32, #tpu.memory_space<vmem_shared>>
    tpu.enqueue_indirect_dma source(%dma_start3A_694 : memref<125x128xf32, #tpu.memory_space<vmem>>) target(%dma_start3A_700 : memref<10000x128xf32, #tpu.memory_space<vmem_shared>>) offsets(%dma_start3A_697 : memref<125xi32, #tpu.memory_space<vmem>>) semaphore(%arg16 : memref<!tpu.dma_semaphore, #tpu.memory_space<semaphore_mem>>) {add = true}
    %dma_wait3A_701 = arith.constant 1 : i32
    %dma_wait3A_702 = arith.constant 3 : i32
    %dma_wait3A_703 = arith.constant 1 : i32
    %dma_wait3A_704 = arith.constant 0 : i32
    %dma_wait3A_705 = arith.constant 0 : i32
    %dma_wait3A_706 = tpu.memref_slice %arg7[%dma_wait3A_701, %dma_wait3A_704, %dma_wait3A_705] : memref<2x125x128xf32, #tpu.memory_space<vmem>> -> memref<1x125x128xf32, #tpu.memory_space<vmem>>
    %dma_wait3A_707 = tpu.memref_squeeze %dma_wait3A_706 : memref<1x125x128xf32, #tpu.memory_space<vmem>> -> memref<125x128xf32, #tpu.memory_space<vmem>>
    %dma_wait3A_708 = arith.constant 0 : i32
    %dma_wait3A_709 = tpu.memref_slice %arg6[%dma_wait3A_702, %dma_wait3A_703, %dma_wait3A_708] : memref<4x2x125xi32, #tpu.memory_space<vmem>> -> memref<1x1x125xi32, #tpu.memory_space<vmem>>
    %dma_wait3A_710 = tpu.memref_squeeze %dma_wait3A_709 : memref<1x1x125xi32, #tpu.memory_space<vmem>> -> memref<125xi32, #tpu.memory_space<vmem>>
    %dma_wait3A_711 = arith.constant 0 : i32
    %dma_wait3A_712 = arith.constant 0 : i32
    %dma_wait3A_713 = tpu.memref_slice %arg8[%dma_wait3A_711, %dma_wait3A_712] : memref<10000x128xf32, #tpu.memory_space<vmem_shared>> -> memref<10000x128xf32, #tpu.memory_space<vmem_shared>>
    tpu.wait_indirect_dma semaphore(%arg16 : memref<!tpu.dma_semaphore, #tpu.memory_space<semaphore_mem>>) src(%dma_wait3A_707 : memref<125x128xf32, #tpu.memory_space<vmem>>) dst(%dma_wait3A_713 : memref<10000x128xf32, #tpu.memory_space<vmem_shared>>)
    %barrier3A_714 = arith.constant 0 : index
    tpu.barrier barrier_id(%barrier3A_714)
    %lt3A_715 = arith.constant 15 : i32
    %lt3A_716 = arith.cmpi slt, %arg1, %lt3A_715 : i32
    %convert_element_type3A_717 = arith.extui %lt3A_716 : i1 to i32
    %cond3A_718 = arith.constant 0 : i32
    %cond3A_719 = arith.cmpi ne, %convert_element_type3A_717, %cond3A_718 : i32
    scf.if %cond3A_719 {
      %mul3A_725 = arith.constant 624 : i32
      %mul3A_726 = arith.muli %arg1, %mul3A_725 : i32
      "tpu.region"() ({
        %run_scoped3A = tpu.sem_alloc : memref<!tpu.dma_semaphore, #tpu.memory_space<semaphore_mem>>
        %dma_start3A_727 = arith.constant 0 : i32
        %dma_start3A_728 = tpu.memref_slice %arg5[%arg0, %mul3A_726, %dma_start3A_727] : memref<2x10000x128xf32, #tpu.memory_space<hbm>> -> memref<1x624x128xf32, #tpu.memory_space<hbm>>
        %dma_start3A_729 = tpu.memref_squeeze %dma_start3A_728 : memref<1x624x128xf32, #tpu.memory_space<hbm>> -> memref<624x128xf32, #tpu.memory_space<hbm>>
        %dma_start3A_730 = arith.constant 0 : i32
        %dma_start3A_731 = tpu.memref_slice %arg8[%mul3A_726, %dma_start3A_730] : memref<10000x128xf32, #tpu.memory_space<vmem_shared>> -> memref<624x128xf32, #tpu.memory_space<vmem_shared>>
        tpu.enqueue_dma source(%dma_start3A_731 : memref<624x128xf32, #tpu.memory_space<vmem_shared>>) target(%dma_start3A_729 : memref<624x128xf32, #tpu.memory_space<hbm>>) target_semaphore(%run_scoped3A : memref<!tpu.dma_semaphore, #tpu.memory_space<semaphore_mem>>)
        %dma_wait3A_732 = arith.constant 0 : i32
        %dma_wait3A_733 = tpu.memref_slice %arg5[%arg0, %mul3A_726, %dma_wait3A_732] : memref<2x10000x128xf32, #tpu.memory_space<hbm>> -> memref<1x624x128xf32, #tpu.memory_space<hbm>>
        %dma_wait3A_734 = tpu.memref_squeeze %dma_wait3A_733 : memref<1x624x128xf32, #tpu.memory_space<hbm>> -> memref<624x128xf32, #tpu.memory_space<hbm>>
        %dma_wait3A_735 = arith.constant 0 : i32
        %dma_wait3A_736 = tpu.memref_slice %arg8[%mul3A_726, %dma_wait3A_735] : memref<10000x128xf32, #tpu.memory_space<vmem_shared>> -> memref<624x128xf32, #tpu.memory_space<vmem_shared>>
        tpu.wait_dma2 semaphore(%run_scoped3A : memref<!tpu.dma_semaphore, #tpu.memory_space<semaphore_mem>>) src(%dma_wait3A_736 : memref<624x128xf32, #tpu.memory_space<vmem_shared>>) dst(%dma_wait3A_734 : memref<624x128xf32, #tpu.memory_space<hbm>>)
        tpu.yield
      }) : () -> ()
    } else {
    }
    %eq3A_720 = arith.constant 15 : i32
    %eq3A_721 = arith.cmpi eq, %arg1, %eq3A_720 : i32
    %convert_element_type3A_722 = arith.extui %eq3A_721 : i1 to i32
    %cond3A_723 = arith.constant 0 : i32
    %cond3A_724 = arith.cmpi ne, %convert_element_type3A_722, %cond3A_723 : i32
    scf.if %cond3A_724 {
      "tpu.region"() ({
        %run_scoped3A = tpu.sem_alloc : memref<!tpu.dma_semaphore, #tpu.memory_space<semaphore_mem>>
        %dma_start3A_725 = arith.constant 9360 : i32
        %dma_start3A_726 = arith.constant 0 : i32
        %dma_start3A_727 = tpu.memref_slice %arg5[%arg0, %dma_start3A_725, %dma_start3A_726] : memref<2x10000x128xf32, #tpu.memory_space<hbm>> -> memref<1x640x128xf32, #tpu.memory_space<hbm>>
        %dma_start3A_728 = tpu.memref_squeeze %dma_start3A_727 : memref<1x640x128xf32, #tpu.memory_space<hbm>> -> memref<640x128xf32, #tpu.memory_space<hbm>>
        %dma_start3A_729 = arith.constant 9360 : i32
        %dma_start3A_730 = arith.constant 0 : i32
        %dma_start3A_731 = tpu.memref_slice %arg8[%dma_start3A_729, %dma_start3A_730] : memref<10000x128xf32, #tpu.memory_space<vmem_shared>> -> memref<640x128xf32, #tpu.memory_space<vmem_shared>>
        tpu.enqueue_dma source(%dma_start3A_731 : memref<640x128xf32, #tpu.memory_space<vmem_shared>>) target(%dma_start3A_728 : memref<640x128xf32, #tpu.memory_space<hbm>>) target_semaphore(%run_scoped3A : memref<!tpu.dma_semaphore, #tpu.memory_space<semaphore_mem>>)
        %dma_wait3A_732 = arith.constant 9360 : i32
        %dma_wait3A_733 = arith.constant 0 : i32
        %dma_wait3A_734 = tpu.memref_slice %arg5[%arg0, %dma_wait3A_732, %dma_wait3A_733] : memref<2x10000x128xf32, #tpu.memory_space<hbm>> -> memref<1x640x128xf32, #tpu.memory_space<hbm>>
        %dma_wait3A_735 = tpu.memref_squeeze %dma_wait3A_734 : memref<1x640x128xf32, #tpu.memory_space<hbm>> -> memref<640x128xf32, #tpu.memory_space<hbm>>
        %dma_wait3A_736 = arith.constant 9360 : i32
        %dma_wait3A_737 = arith.constant 0 : i32
        %dma_wait3A_738 = tpu.memref_slice %arg8[%dma_wait3A_736, %dma_wait3A_737] : memref<10000x128xf32, #tpu.memory_space<vmem_shared>> -> memref<640x128xf32, #tpu.memory_space<vmem_shared>>
        tpu.wait_dma2 semaphore(%run_scoped3A : memref<!tpu.dma_semaphore, #tpu.memory_space<semaphore_mem>>) src(%dma_wait3A_738 : memref<640x128xf32, #tpu.memory_space<vmem_shared>>) dst(%dma_wait3A_735 : memref<640x128xf32, #tpu.memory_space<hbm>>)
        tpu.yield
      }) : () -> ()
    } else {
    }
    return
  }
}

#map = affine_map<(d0, d1) -> (0, 0)>
#map1 = affine_map<(d0, d1) -> (0, 0, 0, 0)>
#map2 = affine_map<(d0, d1) -> (0, 0, 0)>
module attributes {stable_mosaic.version = 14 : i64} {
  func.func @_prop_body(%arg0: i32, %arg1: i32, %arg2: memref<10000x128xf32, #tpu.memory_space<hbm>>, %arg3: memref<32x80x2x125xi32, #tpu.memory_space<hbm>>, %arg4: memref<640x128xf32, #tpu.memory_space<hbm>>, %arg5: memref<2x10000x128xf32, #tpu.memory_space<hbm>>, %arg6: memref<4x2x125xi32, #tpu.memory_space<vmem>>, %arg7: memref<2x125x128xf32, #tpu.memory_space<vmem>>, %arg8: memref<10000x128xf32, #tpu.memory_space<vmem_shared>>, %arg9: memref<!tpu.dma_semaphore, #tpu.memory_space<semaphore_mem>>, %arg10: memref<!tpu.dma_semaphore, #tpu.memory_space<semaphore_mem>>, %arg11: memref<!tpu.dma_semaphore, #tpu.memory_space<semaphore_mem>>, %arg12: memref<!tpu.dma_semaphore, #tpu.memory_space<semaphore_mem>>, %arg13: memref<!tpu.dma_semaphore, #tpu.memory_space<semaphore_mem>>, %arg14: memref<!tpu.dma_semaphore, #tpu.memory_space<semaphore_mem>>, %arg15: memref<!tpu.dma_semaphore, #tpu.memory_space<semaphore_mem>>, %arg16: memref<!tpu.dma_semaphore, #tpu.memory_space<semaphore_mem>>) attributes {dimension_semantics = [#tpu.dimension_semantics<core_parallel>, #tpu.dimension_semantics<subcore_parallel>], iteration_bounds = array<i64: 2, 16>, scalar_prefetch = 0 : i64, scratch_operands = 11 : i64, tpu.core_type = #tpu.core_type<sc_vector_subcore>, window_params = [{transform_indices = #map}, {transform_indices = #map1}, {transform_indices = #map}, {transform_indices = #map2}]} {
    %mul3A = arith.constant 16 : i32
    %mul3A_0 = arith.muli %arg0, %mul3A : i32
    %add3A = arith.addi %mul3A_0, %arg1 : i32
    %lt3A = arith.constant 15 : i32
    %lt3A_1 = arith.cmpi slt, %arg1, %lt3A : i32
    %convert_element_type3A = arith.extui %lt3A_1 : i1 to i32
    %cond3A = arith.constant 0 : i32
    %cond3A_2 = arith.cmpi ne, %convert_element_type3A, %cond3A : i32
    scf.if %cond3A_2 {
      %mul3A_725 = arith.constant 624 : i32
      %mul3A_726 = arith.muli %arg1, %mul3A_725 : i32
      "tpu.region"() ({
        %run_scoped3A = tpu.sem_alloc : memref<!tpu.dma_semaphore, #tpu.memory_space<semaphore_mem>>
        %dma_start3A_727 = arith.constant 0 : i32
        %dma_start3A_728 = tpu.memref_slice %arg8[%mul3A_726, %dma_start3A_727] : memref<10000x128xf32, #tpu.memory_space<vmem_shared>> -> memref<624x128xf32, #tpu.memory_space<vmem_shared>>
        %dma_start3A_729 = arith.constant 0 : i32
        %dma_start3A_730 = arith.constant 0 : i32
        %dma_start3A_731 = tpu.memref_slice %arg4[%dma_start3A_729, %dma_start3A_730] : memref<640x128xf32, #tpu.memory_space<hbm>> -> memref<624x128xf32, #tpu.memory_space<hbm>>
        tpu.enqueue_dma source(%dma_start3A_731 : memref<624x128xf32, #tpu.memory_space<hbm>>) target(%dma_start3A_728 : memref<624x128xf32, #tpu.memory_space<vmem_shared>>) target_semaphore(%run_scoped3A : memref<!tpu.dma_semaphore, #tpu.memory_space<semaphore_mem>>)
        %dma_wait3A_732 = arith.constant 0 : i32
        %dma_wait3A_733 = tpu.memref_slice %arg8[%mul3A_726, %dma_wait3A_732] : memref<10000x128xf32, #tpu.memory_space<vmem_shared>> -> memref<624x128xf32, #tpu.memory_space<vmem_shared>>
        %dma_wait3A_734 = arith.constant 0 : i32
        %dma_wait3A_735 = arith.constant 0 : i32
        %dma_wait3A_736 = tpu.memref_slice %arg4[%dma_wait3A_734, %dma_wait3A_735] : memref<640x128xf32, #tpu.memory_space<hbm>> -> memref<624x128xf32, #tpu.memory_space<hbm>>
        tpu.wait_dma2 semaphore(%run_scoped3A : memref<!tpu.dma_semaphore, #tpu.memory_space<semaphore_mem>>) src(%dma_wait3A_736 : memref<624x128xf32, #tpu.memory_space<hbm>>) dst(%dma_wait3A_733 : memref<624x128xf32, #tpu.memory_space<vmem_shared>>)
        tpu.yield
      }) : () -> ()
    } else {
    }
    %eq3A = arith.constant 15 : i32
    %eq3A_3 = arith.cmpi eq, %arg1, %eq3A : i32
    %convert_element_type3A_4 = arith.extui %eq3A_3 : i1 to i32
    %cond3A_5 = arith.constant 0 : i32
    %cond3A_6 = arith.cmpi ne, %convert_element_type3A_4, %cond3A_5 : i32
    scf.if %cond3A_6 {
      "tpu.region"() ({
        %run_scoped3A = tpu.sem_alloc : memref<!tpu.dma_semaphore, #tpu.memory_space<semaphore_mem>>
        %dma_start3A_725 = arith.constant 9360 : i32
        %dma_start3A_726 = arith.constant 0 : i32
        %dma_start3A_727 = tpu.memref_slice %arg8[%dma_start3A_725, %dma_start3A_726] : memref<10000x128xf32, #tpu.memory_space<vmem_shared>> -> memref<640x128xf32, #tpu.memory_space<vmem_shared>>
        %dma_start3A_728 = arith.constant 0 : i32
        %dma_start3A_729 = arith.constant 0 : i32
        %dma_start3A_730 = tpu.memref_slice %arg4[%dma_start3A_728, %dma_start3A_729] : memref<640x128xf32, #tpu.memory_space<hbm>> -> memref<640x128xf32, #tpu.memory_space<hbm>>
        tpu.enqueue_dma source(%dma_start3A_730 : memref<640x128xf32, #tpu.memory_space<hbm>>) target(%dma_start3A_727 : memref<640x128xf32, #tpu.memory_space<vmem_shared>>) target_semaphore(%run_scoped3A : memref<!tpu.dma_semaphore, #tpu.memory_space<semaphore_mem>>)
        %dma_wait3A_731 = arith.constant 9360 : i32
        %dma_wait3A_732 = arith.constant 0 : i32
        %dma_wait3A_733 = tpu.memref_slice %arg8[%dma_wait3A_731, %dma_wait3A_732] : memref<10000x128xf32, #tpu.memory_space<vmem_shared>> -> memref<640x128xf32, #tpu.memory_space<vmem_shared>>
        %dma_wait3A_734 = arith.constant 0 : i32
        %dma_wait3A_735 = arith.constant 0 : i32
        %dma_wait3A_736 = tpu.memref_slice %arg4[%dma_wait3A_734, %dma_wait3A_735] : memref<640x128xf32, #tpu.memory_space<hbm>> -> memref<640x128xf32, #tpu.memory_space<hbm>>
        tpu.wait_dma2 semaphore(%run_scoped3A : memref<!tpu.dma_semaphore, #tpu.memory_space<semaphore_mem>>) src(%dma_wait3A_736 : memref<640x128xf32, #tpu.memory_space<hbm>>) dst(%dma_wait3A_733 : memref<640x128xf32, #tpu.memory_space<vmem_shared>>)
        tpu.yield
      }) : () -> ()
    } else {
    }
    %dma_start3A = arith.constant 0 : i32
    %dma_start3A_7 = arith.constant 0 : i32
    %dma_start3A_8 = arith.constant 0 : i32
    %dma_start3A_9 = arith.constant 0 : i32
    %dma_start3A_10 = tpu.memref_slice %arg6[%dma_start3A_7, %dma_start3A_8, %dma_start3A_9] : memref<4x2x125xi32, #tpu.memory_space<vmem>> -> memref<1x2x125xi32, #tpu.memory_space<vmem>>
    %dma_start3A_11 = tpu.memref_squeeze %dma_start3A_10 : memref<1x2x125xi32, #tpu.memory_space<vmem>> -> memref<2x125xi32, #tpu.memory_space<vmem>>
    %dma_start3A_12 = arith.constant 0 : i32
    %dma_start3A_13 = arith.constant 0 : i32
    %dma_start3A_14 = tpu.memref_slice %arg3[%add3A, %dma_start3A, %dma_start3A_12, %dma_start3A_13] : memref<32x80x2x125xi32, #tpu.memory_space<hbm>> -> memref<1x1x2x125xi32, #tpu.memory_space<hbm>>
    %dma_start3A_15 = tpu.memref_squeeze %dma_start3A_14 : memref<1x1x2x125xi32, #tpu.memory_space<hbm>> -> memref<2x125xi32, #tpu.memory_space<hbm>>
    %dma_start3A_16 = arith.constant 0 : i32
    %dma_start3A_17 = arith.constant 0 : i32
    %dma_start3A_18 = tpu.memref_slice %arg6[%dma_start3A_7, %dma_start3A_16, %dma_start3A_17] : memref<4x2x125xi32, #tpu.memory_space<vmem>> -> memref<1x2x125xi32, #tpu.memory_space<vmem>>
    %dma_start3A_19 = tpu.memref_squeeze %dma_start3A_18 : memref<1x2x125xi32, #tpu.memory_space<vmem>> -> memref<2x125xi32, #tpu.memory_space<vmem>>
    %dma_start3A_20 = arith.constant 0 : i32
    %dma_start3A_21 = arith.constant 0 : i32
    %dma_start3A_22 = tpu.memref_slice %arg3[%add3A, %dma_start3A, %dma_start3A_20, %dma_start3A_21] : memref<32x80x2x125xi32, #tpu.memory_space<hbm>> -> memref<1x1x2x125xi32, #tpu.memory_space<hbm>>
    %dma_start3A_23 = tpu.memref_squeeze %dma_start3A_22 : memref<1x1x2x125xi32, #tpu.memory_space<hbm>> -> memref<2x125xi32, #tpu.memory_space<hbm>>
    tpu.enqueue_dma source(%dma_start3A_23 : memref<2x125xi32, #tpu.memory_space<hbm>>) target(%dma_start3A_19 : memref<2x125xi32, #tpu.memory_space<vmem>>) target_semaphore(%arg9 : memref<!tpu.dma_semaphore, #tpu.memory_space<semaphore_mem>>)
    %dma_start3A_24 = arith.constant 1 : i32
    %dma_start3A_25 = arith.constant 1 : i32
    %dma_start3A_26 = arith.constant 0 : i32
    %dma_start3A_27 = arith.constant 0 : i32
    %dma_start3A_28 = tpu.memref_slice %arg6[%dma_start3A_25, %dma_start3A_26, %dma_start3A_27] : memref<4x2x125xi32, #tpu.memory_space<vmem>> -> memref<1x2x125xi32, #tpu.memory_space<vmem>>
    %dma_start3A_29 = tpu.memref_squeeze %dma_start3A_28 : memref<1x2x125xi32, #tpu.memory_space<vmem>> -> memref<2x125xi32, #tpu.memory_space<vmem>>
    %dma_start3A_30 = arith.constant 0 : i32
    %dma_start3A_31 = arith.constant 0 : i32
    %dma_start3A_32 = tpu.memref_slice %arg3[%add3A, %dma_start3A_24, %dma_start3A_30, %dma_start3A_31] : memref<32x80x2x125xi32, #tpu.memory_space<hbm>> -> memref<1x1x2x125xi32, #tpu.memory_space<hbm>>
    %dma_start3A_33 = tpu.memref_squeeze %dma_start3A_32 : memref<1x1x2x125xi32, #tpu.memory_space<hbm>> -> memref<2x125xi32, #tpu.memory_space<hbm>>
    %dma_start3A_34 = arith.constant 0 : i32
    %dma_start3A_35 = arith.constant 0 : i32
    %dma_start3A_36 = tpu.memref_slice %arg6[%dma_start3A_25, %dma_start3A_34, %dma_start3A_35] : memref<4x2x125xi32, #tpu.memory_space<vmem>> -> memref<1x2x125xi32, #tpu.memory_space<vmem>>
    %dma_start3A_37 = tpu.memref_squeeze %dma_start3A_36 : memref<1x2x125xi32, #tpu.memory_space<vmem>> -> memref<2x125xi32, #tpu.memory_space<vmem>>
    %dma_start3A_38 = arith.constant 0 : i32
    %dma_start3A_39 = arith.constant 0 : i32
    %dma_start3A_40 = tpu.memref_slice %arg3[%add3A, %dma_start3A_24, %dma_start3A_38, %dma_start3A_39] : memref<32x80x2x125xi32, #tpu.memory_space<hbm>> -> memref<1x1x2x125xi32, #tpu.memory_space<hbm>>
    %dma_start3A_41 = tpu.memref_squeeze %dma_start3A_40 : memref<1x1x2x125xi32, #tpu.memory_space<hbm>> -> memref<2x125xi32, #tpu.memory_space<hbm>>
    tpu.enqueue_dma source(%dma_start3A_41 : memref<2x125xi32, #tpu.memory_space<hbm>>) target(%dma_start3A_37 : memref<2x125xi32, #tpu.memory_space<vmem>>) target_semaphore(%arg10 : memref<!tpu.dma_semaphore, #tpu.memory_space<semaphore_mem>>)
    %dma_start3A_42 = arith.constant 2 : i32
    %dma_start3A_43 = arith.constant 2 : i32
    %dma_start3A_44 = arith.constant 0 : i32
    %dma_start3A_45 = arith.constant 0 : i32
    %dma_start3A_46 = tpu.memref_slice %arg6[%dma_start3A_43, %dma_start3A_44, %dma_start3A_45] : memref<4x2x125xi32, #tpu.memory_space<vmem>> -> memref<1x2x125xi32, #tpu.memory_space<vmem>>
    %dma_start3A_47 = tpu.memref_squeeze %dma_start3A_46 : memref<1x2x125xi32, #tpu.memory_space<vmem>> -> memref<2x125xi32, #tpu.memory_space<vmem>>
    %dma_start3A_48 = arith.constant 0 : i32
    %dma_start3A_49 = arith.constant 0 : i32
    %dma_start3A_50 = tpu.memref_slice %arg3[%add3A, %dma_start3A_42, %dma_start3A_48, %dma_start3A_49] : memref<32x80x2x125xi32, #tpu.memory_space<hbm>> -> memref<1x1x2x125xi32, #tpu.memory_space<hbm>>
    %dma_start3A_51 = tpu.memref_squeeze %dma_start3A_50 : memref<1x1x2x125xi32, #tpu.memory_space<hbm>> -> memref<2x125xi32, #tpu.memory_space<hbm>>
    %dma_start3A_52 = arith.constant 0 : i32
    %dma_start3A_53 = arith.constant 0 : i32
    %dma_start3A_54 = tpu.memref_slice %arg6[%dma_start3A_43, %dma_start3A_52, %dma_start3A_53] : memref<4x2x125xi32, #tpu.memory_space<vmem>> -> memref<1x2x125xi32, #tpu.memory_space<vmem>>
    %dma_start3A_55 = tpu.memref_squeeze %dma_start3A_54 : memref<1x2x125xi32, #tpu.memory_space<vmem>> -> memref<2x125xi32, #tpu.memory_space<vmem>>
    %dma_start3A_56 = arith.constant 0 : i32
    %dma_start3A_57 = arith.constant 0 : i32
    %dma_start3A_58 = tpu.memref_slice %arg3[%add3A, %dma_start3A_42, %dma_start3A_56, %dma_start3A_57] : memref<32x80x2x125xi32, #tpu.memory_space<hbm>> -> memref<1x1x2x125xi32, #tpu.memory_space<hbm>>
    %dma_start3A_59 = tpu.memref_squeeze %dma_start3A_58 : memref<1x1x2x125xi32, #tpu.memory_space<hbm>> -> memref<2x125xi32, #tpu.memory_space<hbm>>
    tpu.enqueue_dma source(%dma_start3A_59 : memref<2x125xi32, #tpu.memory_space<hbm>>) target(%dma_start3A_55 : memref<2x125xi32, #tpu.memory_space<vmem>>) target_semaphore(%arg11 : memref<!tpu.dma_semaphore, #tpu.memory_space<semaphore_mem>>)
    %dma_start3A_60 = arith.constant 3 : i32
    %dma_start3A_61 = arith.constant 3 : i32
    %dma_start3A_62 = arith.constant 0 : i32
    %dma_start3A_63 = arith.constant 0 : i32
    %dma_start3A_64 = tpu.memref_slice %arg6[%dma_start3A_61, %dma_start3A_62, %dma_start3A_63] : memref<4x2x125xi32, #tpu.memory_space<vmem>> -> memref<1x2x125xi32, #tpu.memory_space<vmem>>
    %dma_start3A_65 = tpu.memref_squeeze %dma_start3A_64 : memref<1x2x125xi32, #tpu.memory_space<vmem>> -> memref<2x125xi32, #tpu.memory_space<vmem>>
    %dma_start3A_66 = arith.constant 0 : i32
    %dma_start3A_67 = arith.constant 0 : i32
    %dma_start3A_68 = tpu.memref_slice %arg3[%add3A, %dma_start3A_60, %dma_start3A_66, %dma_start3A_67] : memref<32x80x2x125xi32, #tpu.memory_space<hbm>> -> memref<1x1x2x125xi32, #tpu.memory_space<hbm>>
    %dma_start3A_69 = tpu.memref_squeeze %dma_start3A_68 : memref<1x1x2x125xi32, #tpu.memory_space<hbm>> -> memref<2x125xi32, #tpu.memory_space<hbm>>
    %dma_start3A_70 = arith.constant 0 : i32
    %dma_start3A_71 = arith.constant 0 : i32
    %dma_start3A_72 = tpu.memref_slice %arg6[%dma_start3A_61, %dma_start3A_70, %dma_start3A_71] : memref<4x2x125xi32, #tpu.memory_space<vmem>> -> memref<1x2x125xi32, #tpu.memory_space<vmem>>
    %dma_start3A_73 = tpu.memref_squeeze %dma_start3A_72 : memref<1x2x125xi32, #tpu.memory_space<vmem>> -> memref<2x125xi32, #tpu.memory_space<vmem>>
    %dma_start3A_74 = arith.constant 0 : i32
    %dma_start3A_75 = arith.constant 0 : i32
    %dma_start3A_76 = tpu.memref_slice %arg3[%add3A, %dma_start3A_60, %dma_start3A_74, %dma_start3A_75] : memref<32x80x2x125xi32, #tpu.memory_space<hbm>> -> memref<1x1x2x125xi32, #tpu.memory_space<hbm>>
    %dma_start3A_77 = tpu.memref_squeeze %dma_start3A_76 : memref<1x1x2x125xi32, #tpu.memory_space<hbm>> -> memref<2x125xi32, #tpu.memory_space<hbm>>
    tpu.enqueue_dma source(%dma_start3A_77 : memref<2x125xi32, #tpu.memory_space<hbm>>) target(%dma_start3A_73 : memref<2x125xi32, #tpu.memory_space<vmem>>) target_semaphore(%arg12 : memref<!tpu.dma_semaphore, #tpu.memory_space<semaphore_mem>>)
    %dma_wait3A = arith.constant 0 : i32
    %dma_wait3A_78 = arith.constant 0 : i32
    %dma_wait3A_79 = arith.constant 0 : i32
    %dma_wait3A_80 = arith.constant 0 : i32
    %dma_wait3A_81 = tpu.memref_slice %arg6[%dma_wait3A_78, %dma_wait3A_79, %dma_wait3A_80] : memref<4x2x125xi32, #tpu.memory_space<vmem>> -> memref<1x2x125xi32, #tpu.memory_space<vmem>>
    %dma_wait3A_82 = tpu.memref_squeeze %dma_wait3A_81 : memref<1x2x125xi32, #tpu.memory_space<vmem>> -> memref<2x125xi32, #tpu.memory_space<vmem>>
    %dma_wait3A_83 = arith.constant 0 : i32
    %dma_wait3A_84 = arith.constant 0 : i32
    %dma_wait3A_85 = tpu.memref_slice %arg3[%add3A, %dma_wait3A, %dma_wait3A_83, %dma_wait3A_84] : memref<32x80x2x125xi32, #tpu.memory_space<hbm>> -> memref<1x1x2x125xi32, #tpu.memory_space<hbm>>
    %dma_wait3A_86 = tpu.memref_squeeze %dma_wait3A_85 : memref<1x1x2x125xi32, #tpu.memory_space<hbm>> -> memref<2x125xi32, #tpu.memory_space<hbm>>
    %dma_wait3A_87 = arith.constant 0 : i32
    %dma_wait3A_88 = arith.constant 0 : i32
    %dma_wait3A_89 = tpu.memref_slice %arg6[%dma_wait3A_78, %dma_wait3A_87, %dma_wait3A_88] : memref<4x2x125xi32, #tpu.memory_space<vmem>> -> memref<1x2x125xi32, #tpu.memory_space<vmem>>
    %dma_wait3A_90 = tpu.memref_squeeze %dma_wait3A_89 : memref<1x2x125xi32, #tpu.memory_space<vmem>> -> memref<2x125xi32, #tpu.memory_space<vmem>>
    %dma_wait3A_91 = arith.constant 0 : i32
    %dma_wait3A_92 = arith.constant 0 : i32
    %dma_wait3A_93 = tpu.memref_slice %arg3[%add3A, %dma_wait3A, %dma_wait3A_91, %dma_wait3A_92] : memref<32x80x2x125xi32, #tpu.memory_space<hbm>> -> memref<1x1x2x125xi32, #tpu.memory_space<hbm>>
    %dma_wait3A_94 = tpu.memref_squeeze %dma_wait3A_93 : memref<1x1x2x125xi32, #tpu.memory_space<hbm>> -> memref<2x125xi32, #tpu.memory_space<hbm>>
    tpu.wait_dma2 semaphore(%arg9 : memref<!tpu.dma_semaphore, #tpu.memory_space<semaphore_mem>>) src(%dma_wait3A_94 : memref<2x125xi32, #tpu.memory_space<hbm>>) dst(%dma_wait3A_90 : memref<2x125xi32, #tpu.memory_space<vmem>>)
    %dma_start3A_95 = arith.constant 0 : i32
    %dma_start3A_96 = arith.constant 0 : i32
    %dma_start3A_97 = arith.constant 0 : i32
    %dma_start3A_98 = arith.constant 0 : i32
    %dma_start3A_99 = arith.constant 0 : i32
    %dma_start3A_100 = tpu.memref_slice %arg7[%dma_start3A_97, %dma_start3A_98, %dma_start3A_99] : memref<2x125x128xf32, #tpu.memory_space<vmem>> -> memref<1x125x128xf32, #tpu.memory_space<vmem>>
    %dma_start3A_101 = tpu.memref_squeeze %dma_start3A_100 : memref<1x125x128xf32, #tpu.memory_space<vmem>> -> memref<125x128xf32, #tpu.memory_space<vmem>>
    %dma_start3A_102 = arith.constant 0 : i32
    %dma_start3A_103 = tpu.memref_slice %arg6[%dma_start3A_95, %dma_start3A_96, %dma_start3A_102] : memref<4x2x125xi32, #tpu.memory_space<vmem>> -> memref<1x1x125xi32, #tpu.memory_space<vmem>>
    %dma_start3A_104 = tpu.memref_squeeze %dma_start3A_103 : memref<1x1x125xi32, #tpu.memory_space<vmem>> -> memref<125xi32, #tpu.memory_space<vmem>>
    %dma_start3A_105 = arith.constant 0 : i32
    %dma_start3A_106 = arith.constant 0 : i32
    %dma_start3A_107 = tpu.memref_slice %arg2[%dma_start3A_105, %dma_start3A_106] : memref<10000x128xf32, #tpu.memory_space<hbm>> -> memref<10000x128xf32, #tpu.memory_space<hbm>>
    tpu.enqueue_indirect_dma source(%dma_start3A_107 : memref<10000x128xf32, #tpu.memory_space<hbm>>) target(%dma_start3A_101 : memref<125x128xf32, #tpu.memory_space<vmem>>) offsets(%dma_start3A_104 : memref<125xi32, #tpu.memory_space<vmem>>) semaphore(%arg13 : memref<!tpu.dma_semaphore, #tpu.memory_space<semaphore_mem>>)
    %dma_wait3A_108 = arith.constant 0 : i32
    %dma_wait3A_109 = arith.constant 1 : i32
    %dma_wait3A_110 = arith.constant 0 : i32
    %dma_wait3A_111 = arith.constant 0 : i32
    %dma_wait3A_112 = tpu.memref_slice %arg6[%dma_wait3A_109, %dma_wait3A_110, %dma_wait3A_111] : memref<4x2x125xi32, #tpu.memory_space<vmem>> -> memref<1x2x125xi32, #tpu.memory_space<vmem>>
    %dma_wait3A_113 = tpu.memref_squeeze %dma_wait3A_112 : memref<1x2x125xi32, #tpu.memory_space<vmem>> -> memref<2x125xi32, #tpu.memory_space<vmem>>
    %dma_wait3A_114 = arith.constant 0 : i32
    %dma_wait3A_115 = arith.constant 0 : i32
    %dma_wait3A_116 = tpu.memref_slice %arg3[%add3A, %dma_wait3A_108, %dma_wait3A_114, %dma_wait3A_115] : memref<32x80x2x125xi32, #tpu.memory_space<hbm>> -> memref<1x1x2x125xi32, #tpu.memory_space<hbm>>
    %dma_wait3A_117 = tpu.memref_squeeze %dma_wait3A_116 : memref<1x1x2x125xi32, #tpu.memory_space<hbm>> -> memref<2x125xi32, #tpu.memory_space<hbm>>
    %dma_wait3A_118 = arith.constant 0 : i32
    %dma_wait3A_119 = arith.constant 0 : i32
    %dma_wait3A_120 = tpu.memref_slice %arg6[%dma_wait3A_109, %dma_wait3A_118, %dma_wait3A_119] : memref<4x2x125xi32, #tpu.memory_space<vmem>> -> memref<1x2x125xi32, #tpu.memory_space<vmem>>
    %dma_wait3A_121 = tpu.memref_squeeze %dma_wait3A_120 : memref<1x2x125xi32, #tpu.memory_space<vmem>> -> memref<2x125xi32, #tpu.memory_space<vmem>>
    %dma_wait3A_122 = arith.constant 0 : i32
    %dma_wait3A_123 = arith.constant 0 : i32
    %dma_wait3A_124 = tpu.memref_slice %arg3[%add3A, %dma_wait3A_108, %dma_wait3A_122, %dma_wait3A_123] : memref<32x80x2x125xi32, #tpu.memory_space<hbm>> -> memref<1x1x2x125xi32, #tpu.memory_space<hbm>>
    %dma_wait3A_125 = tpu.memref_squeeze %dma_wait3A_124 : memref<1x1x2x125xi32, #tpu.memory_space<hbm>> -> memref<2x125xi32, #tpu.memory_space<hbm>>
    tpu.wait_dma2 semaphore(%arg10 : memref<!tpu.dma_semaphore, #tpu.memory_space<semaphore_mem>>) src(%dma_wait3A_125 : memref<2x125xi32, #tpu.memory_space<hbm>>) dst(%dma_wait3A_121 : memref<2x125xi32, #tpu.memory_space<vmem>>)
    %dma_start3A_126 = arith.constant 1 : i32
    %dma_start3A_127 = arith.constant 0 : i32
    %dma_start3A_128 = arith.constant 1 : i32
    %dma_start3A_129 = arith.constant 0 : i32
    %dma_start3A_130 = arith.constant 0 : i32
    %dma_start3A_131 = tpu.memref_slice %arg7[%dma_start3A_128, %dma_start3A_129, %dma_start3A_130] : memref<2x125x128xf32, #tpu.memory_space<vmem>> -> memref<1x125x128xf32, #tpu.memory_space<vmem>>
    %dma_start3A_132 = tpu.memref_squeeze %dma_start3A_131 : memref<1x125x128xf32, #tpu.memory_space<vmem>> -> memref<125x128xf32, #tpu.memory_space<vmem>>
    %dma_start3A_133 = arith.constant 0 : i32
    %dma_start3A_134 = tpu.memref_slice %arg6[%dma_start3A_126, %dma_start3A_127, %dma_start3A_133] : memref<4x2x125xi32, #tpu.memory_space<vmem>> -> memref<1x1x125xi32, #tpu.memory_space<vmem>>
    %dma_start3A_135 = tpu.memref_squeeze %dma_start3A_134 : memref<1x1x125xi32, #tpu.memory_space<vmem>> -> memref<125xi32, #tpu.memory_space<vmem>>
    %dma_start3A_136 = arith.constant 0 : i32
    %dma_start3A_137 = arith.constant 0 : i32
    %dma_start3A_138 = tpu.memref_slice %arg2[%dma_start3A_136, %dma_start3A_137] : memref<10000x128xf32, #tpu.memory_space<hbm>> -> memref<10000x128xf32, #tpu.memory_space<hbm>>
    tpu.enqueue_indirect_dma source(%dma_start3A_138 : memref<10000x128xf32, #tpu.memory_space<hbm>>) target(%dma_start3A_132 : memref<125x128xf32, #tpu.memory_space<vmem>>) offsets(%dma_start3A_135 : memref<125xi32, #tpu.memory_space<vmem>>) semaphore(%arg14 : memref<!tpu.dma_semaphore, #tpu.memory_space<semaphore_mem>>)
    %barrier3A = arith.constant 0 : index
    tpu.barrier barrier_id(%barrier3A)
    %dma_wait3A_139 = arith.constant 0 : i32
    %dma_wait3A_140 = arith.constant 0 : i32
    %dma_wait3A_141 = arith.constant 0 : i32
    %dma_wait3A_142 = arith.constant 0 : i32
    %dma_wait3A_143 = arith.constant 0 : i32
    %dma_wait3A_144 = tpu.memref_slice %arg7[%dma_wait3A_141, %dma_wait3A_142, %dma_wait3A_143] : memref<2x125x128xf32, #tpu.memory_space<vmem>> -> memref<1x125x128xf32, #tpu.memory_space<vmem>>
    %dma_wait3A_145 = tpu.memref_squeeze %dma_wait3A_144 : memref<1x125x128xf32, #tpu.memory_space<vmem>> -> memref<125x128xf32, #tpu.memory_space<vmem>>
    %dma_wait3A_146 = arith.constant 0 : i32
    %dma_wait3A_147 = tpu.memref_slice %arg6[%dma_wait3A_139, %dma_wait3A_140, %dma_wait3A_146] : memref<4x2x125xi32, #tpu.memory_space<vmem>> -> memref<1x1x125xi32, #tpu.memory_space<vmem>>
    %dma_wait3A_148 = tpu.memref_squeeze %dma_wait3A_147 : memref<1x1x125xi32, #tpu.memory_space<vmem>> -> memref<125xi32, #tpu.memory_space<vmem>>
    %dma_wait3A_149 = arith.constant 0 : i32
    %dma_wait3A_150 = arith.constant 0 : i32
    %dma_wait3A_151 = tpu.memref_slice %arg2[%dma_wait3A_149, %dma_wait3A_150] : memref<10000x128xf32, #tpu.memory_space<hbm>> -> memref<10000x128xf32, #tpu.memory_space<hbm>>
    tpu.wait_indirect_dma semaphore(%arg13 : memref<!tpu.dma_semaphore, #tpu.memory_space<semaphore_mem>>) src(%dma_wait3A_151 : memref<10000x128xf32, #tpu.memory_space<hbm>>) dst(%dma_wait3A_145 : memref<125x128xf32, #tpu.memory_space<vmem>>)
    %dma_start3A_152 = arith.constant 0 : i32
    %dma_start3A_153 = arith.constant 0 : i32
    %dma_start3A_154 = arith.constant 1 : i32
    %dma_start3A_155 = arith.constant 0 : i32
    %dma_start3A_156 = arith.constant 0 : i32
    %dma_start3A_157 = tpu.memref_slice %arg7[%dma_start3A_152, %dma_start3A_155, %dma_start3A_156] : memref<2x125x128xf32, #tpu.memory_space<vmem>> -> memref<1x125x128xf32, #tpu.memory_space<vmem>>
    %dma_start3A_158 = tpu.memref_squeeze %dma_start3A_157 : memref<1x125x128xf32, #tpu.memory_space<vmem>> -> memref<125x128xf32, #tpu.memory_space<vmem>>
    %dma_start3A_159 = arith.constant 0 : i32
    %dma_start3A_160 = tpu.memref_slice %arg6[%dma_start3A_153, %dma_start3A_154, %dma_start3A_159] : memref<4x2x125xi32, #tpu.memory_space<vmem>> -> memref<1x1x125xi32, #tpu.memory_space<vmem>>
    %dma_start3A_161 = tpu.memref_squeeze %dma_start3A_160 : memref<1x1x125xi32, #tpu.memory_space<vmem>> -> memref<125xi32, #tpu.memory_space<vmem>>
    %dma_start3A_162 = arith.constant 0 : i32
    %dma_start3A_163 = arith.constant 0 : i32
    %dma_start3A_164 = tpu.memref_slice %arg8[%dma_start3A_162, %dma_start3A_163] : memref<10000x128xf32, #tpu.memory_space<vmem_shared>> -> memref<10000x128xf32, #tpu.memory_space<vmem_shared>>
    tpu.enqueue_indirect_dma source(%dma_start3A_158 : memref<125x128xf32, #tpu.memory_space<vmem>>) target(%dma_start3A_164 : memref<10000x128xf32, #tpu.memory_space<vmem_shared>>) offsets(%dma_start3A_161 : memref<125xi32, #tpu.memory_space<vmem>>) semaphore(%arg15 : memref<!tpu.dma_semaphore, #tpu.memory_space<semaphore_mem>>) {add = true}
    %dma_wait3A_165 = arith.constant 0 : i32
    %dma_wait3A_166 = arith.constant 2 : i32
    %dma_wait3A_167 = arith.constant 0 : i32
    %dma_wait3A_168 = arith.constant 0 : i32
    %dma_wait3A_169 = tpu.memref_slice %arg6[%dma_wait3A_166, %dma_wait3A_167, %dma_wait3A_168] : memref<4x2x125xi32, #tpu.memory_space<vmem>> -> memref<1x2x125xi32, #tpu.memory_space<vmem>>
    %dma_wait3A_170 = tpu.memref_squeeze %dma_wait3A_169 : memref<1x2x125xi32, #tpu.memory_space<vmem>> -> memref<2x125xi32, #tpu.memory_space<vmem>>
    %dma_wait3A_171 = arith.constant 0 : i32
    %dma_wait3A_172 = arith.constant 0 : i32
    %dma_wait3A_173 = tpu.memref_slice %arg3[%add3A, %dma_wait3A_165, %dma_wait3A_171, %dma_wait3A_172] : memref<32x80x2x125xi32, #tpu.memory_space<hbm>> -> memref<1x1x2x125xi32, #tpu.memory_space<hbm>>
    %dma_wait3A_174 = tpu.memref_squeeze %dma_wait3A_173 : memref<1x1x2x125xi32, #tpu.memory_space<hbm>> -> memref<2x125xi32, #tpu.memory_space<hbm>>
    %dma_wait3A_175 = arith.constant 0 : i32
    %dma_wait3A_176 = arith.constant 0 : i32
    %dma_wait3A_177 = tpu.memref_slice %arg6[%dma_wait3A_166, %dma_wait3A_175, %dma_wait3A_176] : memref<4x2x125xi32, #tpu.memory_space<vmem>> -> memref<1x2x125xi32, #tpu.memory_space<vmem>>
    %dma_wait3A_178 = tpu.memref_squeeze %dma_wait3A_177 : memref<1x2x125xi32, #tpu.memory_space<vmem>> -> memref<2x125xi32, #tpu.memory_space<vmem>>
    %dma_wait3A_179 = arith.constant 0 : i32
    %dma_wait3A_180 = arith.constant 0 : i32
    %dma_wait3A_181 = tpu.memref_slice %arg3[%add3A, %dma_wait3A_165, %dma_wait3A_179, %dma_wait3A_180] : memref<32x80x2x125xi32, #tpu.memory_space<hbm>> -> memref<1x1x2x125xi32, #tpu.memory_space<hbm>>
    %dma_wait3A_182 = tpu.memref_squeeze %dma_wait3A_181 : memref<1x1x2x125xi32, #tpu.memory_space<hbm>> -> memref<2x125xi32, #tpu.memory_space<hbm>>
    tpu.wait_dma2 semaphore(%arg11 : memref<!tpu.dma_semaphore, #tpu.memory_space<semaphore_mem>>) src(%dma_wait3A_182 : memref<2x125xi32, #tpu.memory_space<hbm>>) dst(%dma_wait3A_178 : memref<2x125xi32, #tpu.memory_space<vmem>>)
    %scan3A = arith.constant 0 : i32
    %scan3A_183 = arith.constant 0 : i32
    %scan3A_184 = arith.constant 18 : i32
    %scan3A_185 = arith.addi %scan3A_183, %scan3A_184 : i32
    %scan3A_186 = arith.constant 1 : i32
    scf.for %scan3A_725 = %scan3A_183 to %scan3A_185 step %scan3A_186  : i32 {
      %mul3A_726 = arith.constant 4 : i32
      %mul3A_727 = arith.muli %scan3A_725, %mul3A_726 : i32
      %add3A_728 = arith.constant 1 : i32
      %add3A_729 = arith.addi %mul3A_727, %add3A_728 : i32
      %add3A_730 = arith.constant 0 : i32
      %add3A_731 = arith.addi %add3A_729, %add3A_730 : i32
      %dma_wait3A_732 = arith.constant 0 : i32
      %dma_wait3A_733 = arith.constant 0 : i32
      %dma_wait3A_734 = arith.constant 1 : i32
      %dma_wait3A_735 = arith.constant 0 : i32
      %dma_wait3A_736 = arith.constant 0 : i32
      %dma_wait3A_737 = tpu.memref_slice %arg7[%dma_wait3A_732, %dma_wait3A_735, %dma_wait3A_736] : memref<2x125x128xf32, #tpu.memory_space<vmem>> -> memref<1x125x128xf32, #tpu.memory_space<vmem>>
      %dma_wait3A_738 = tpu.memref_squeeze %dma_wait3A_737 : memref<1x125x128xf32, #tpu.memory_space<vmem>> -> memref<125x128xf32, #tpu.memory_space<vmem>>
      %dma_wait3A_739 = arith.constant 0 : i32
      %dma_wait3A_740 = tpu.memref_slice %arg6[%dma_wait3A_733, %dma_wait3A_734, %dma_wait3A_739] : memref<4x2x125xi32, #tpu.memory_space<vmem>> -> memref<1x1x125xi32, #tpu.memory_space<vmem>>
      %dma_wait3A_741 = tpu.memref_squeeze %dma_wait3A_740 : memref<1x1x125xi32, #tpu.memory_space<vmem>> -> memref<125xi32, #tpu.memory_space<vmem>>
      %dma_wait3A_742 = arith.constant 0 : i32
      %dma_wait3A_743 = arith.constant 0 : i32
      %dma_wait3A_744 = tpu.memref_slice %arg8[%dma_wait3A_742, %dma_wait3A_743] : memref<10000x128xf32, #tpu.memory_space<vmem_shared>> -> memref<10000x128xf32, #tpu.memory_space<vmem_shared>>
      tpu.wait_indirect_dma semaphore(%arg15 : memref<!tpu.dma_semaphore, #tpu.memory_space<semaphore_mem>>) src(%dma_wait3A_738 : memref<125x128xf32, #tpu.memory_space<vmem>>) dst(%dma_wait3A_744 : memref<10000x128xf32, #tpu.memory_space<vmem_shared>>)
      %add3A_745 = arith.constant 3 : i32
      %add3A_746 = arith.addi %add3A_731, %add3A_745 : i32
      %dma_start3A_747 = arith.constant 0 : i32
      %dma_start3A_748 = arith.constant 0 : i32
      %dma_start3A_749 = arith.constant 0 : i32
      %dma_start3A_750 = tpu.memref_slice %arg6[%dma_start3A_747, %dma_start3A_748, %dma_start3A_749] : memref<4x2x125xi32, #tpu.memory_space<vmem>> -> memref<1x2x125xi32, #tpu.memory_space<vmem>>
      %dma_start3A_751 = tpu.memref_squeeze %dma_start3A_750 : memref<1x2x125xi32, #tpu.memory_space<vmem>> -> memref<2x125xi32, #tpu.memory_space<vmem>>
      %dma_start3A_752 = arith.constant 0 : i32
      %dma_start3A_753 = arith.constant 0 : i32
      %dma_start3A_754 = tpu.memref_slice %arg3[%add3A, %add3A_746, %dma_start3A_752, %dma_start3A_753] : memref<32x80x2x125xi32, #tpu.memory_space<hbm>> -> memref<1x1x2x125xi32, #tpu.memory_space<hbm>>
      %dma_start3A_755 = tpu.memref_squeeze %dma_start3A_754 : memref<1x1x2x125xi32, #tpu.memory_space<hbm>> -> memref<2x125xi32, #tpu.memory_space<hbm>>
      %dma_start3A_756 = arith.constant 0 : i32
      %dma_start3A_757 = arith.constant 0 : i32
      %dma_start3A_758 = tpu.memref_slice %arg6[%dma_start3A_747, %dma_start3A_756, %dma_start3A_757] : memref<4x2x125xi32, #tpu.memory_space<vmem>> -> memref<1x2x125xi32, #tpu.memory_space<vmem>>
      %dma_start3A_759 = tpu.memref_squeeze %dma_start3A_758 : memref<1x2x125xi32, #tpu.memory_space<vmem>> -> memref<2x125xi32, #tpu.memory_space<vmem>>
      %dma_start3A_760 = arith.constant 0 : i32
      %dma_start3A_761 = arith.constant 0 : i32
      %dma_start3A_762 = tpu.memref_slice %arg3[%add3A, %add3A_746, %dma_start3A_760, %dma_start3A_761] : memref<32x80x2x125xi32, #tpu.memory_space<hbm>> -> memref<1x1x2x125xi32, #tpu.memory_space<hbm>>
      %dma_start3A_763 = tpu.memref_squeeze %dma_start3A_762 : memref<1x1x2x125xi32, #tpu.memory_space<hbm>> -> memref<2x125xi32, #tpu.memory_space<hbm>>
      tpu.enqueue_dma source(%dma_start3A_763 : memref<2x125xi32, #tpu.memory_space<hbm>>) target(%dma_start3A_759 : memref<2x125xi32, #tpu.memory_space<vmem>>) target_semaphore(%arg9 : memref<!tpu.dma_semaphore, #tpu.memory_space<semaphore_mem>>)
      %dma_start3A_764 = arith.constant 2 : i32
      %dma_start3A_765 = arith.constant 0 : i32
      %dma_start3A_766 = arith.constant 0 : i32
      %dma_start3A_767 = arith.constant 0 : i32
      %dma_start3A_768 = arith.constant 0 : i32
      %dma_start3A_769 = tpu.memref_slice %arg7[%dma_start3A_766, %dma_start3A_767, %dma_start3A_768] : memref<2x125x128xf32, #tpu.memory_space<vmem>> -> memref<1x125x128xf32, #tpu.memory_space<vmem>>
      %dma_start3A_770 = tpu.memref_squeeze %dma_start3A_769 : memref<1x125x128xf32, #tpu.memory_space<vmem>> -> memref<125x128xf32, #tpu.memory_space<vmem>>
      %dma_start3A_771 = arith.constant 0 : i32
      %dma_start3A_772 = tpu.memref_slice %arg6[%dma_start3A_764, %dma_start3A_765, %dma_start3A_771] : memref<4x2x125xi32, #tpu.memory_space<vmem>> -> memref<1x1x125xi32, #tpu.memory_space<vmem>>
      %dma_start3A_773 = tpu.memref_squeeze %dma_start3A_772 : memref<1x1x125xi32, #tpu.memory_space<vmem>> -> memref<125xi32, #tpu.memory_space<vmem>>
      %dma_start3A_774 = arith.constant 0 : i32
      %dma_start3A_775 = arith.constant 0 : i32
      %dma_start3A_776 = tpu.memref_slice %arg2[%dma_start3A_774, %dma_start3A_775] : memref<10000x128xf32, #tpu.memory_space<hbm>> -> memref<10000x128xf32, #tpu.memory_space<hbm>>
      tpu.enqueue_indirect_dma source(%dma_start3A_776 : memref<10000x128xf32, #tpu.memory_space<hbm>>) target(%dma_start3A_770 : memref<125x128xf32, #tpu.memory_space<vmem>>) offsets(%dma_start3A_773 : memref<125xi32, #tpu.memory_space<vmem>>) semaphore(%arg13 : memref<!tpu.dma_semaphore, #tpu.memory_space<semaphore_mem>>)
      %dma_wait3A_777 = arith.constant 1 : i32
      %dma_wait3A_778 = arith.constant 0 : i32
      %dma_wait3A_779 = arith.constant 1 : i32
      %dma_wait3A_780 = arith.constant 0 : i32
      %dma_wait3A_781 = arith.constant 0 : i32
      %dma_wait3A_782 = tpu.memref_slice %arg7[%dma_wait3A_779, %dma_wait3A_780, %dma_wait3A_781] : memref<2x125x128xf32, #tpu.memory_space<vmem>> -> memref<1x125x128xf32, #tpu.memory_space<vmem>>
      %dma_wait3A_783 = tpu.memref_squeeze %dma_wait3A_782 : memref<1x125x128xf32, #tpu.memory_space<vmem>> -> memref<125x128xf32, #tpu.memory_space<vmem>>
      %dma_wait3A_784 = arith.constant 0 : i32
      %dma_wait3A_785 = tpu.memref_slice %arg6[%dma_wait3A_777, %dma_wait3A_778, %dma_wait3A_784] : memref<4x2x125xi32, #tpu.memory_space<vmem>> -> memref<1x1x125xi32, #tpu.memory_space<vmem>>
      %dma_wait3A_786 = tpu.memref_squeeze %dma_wait3A_785 : memref<1x1x125xi32, #tpu.memory_space<vmem>> -> memref<125xi32, #tpu.memory_space<vmem>>
      %dma_wait3A_787 = arith.constant 0 : i32
      %dma_wait3A_788 = arith.constant 0 : i32
      %dma_wait3A_789 = tpu.memref_slice %arg2[%dma_wait3A_787, %dma_wait3A_788] : memref<10000x128xf32, #tpu.memory_space<hbm>> -> memref<10000x128xf32, #tpu.memory_space<hbm>>
      tpu.wait_indirect_dma semaphore(%arg14 : memref<!tpu.dma_semaphore, #tpu.memory_space<semaphore_mem>>) src(%dma_wait3A_789 : memref<10000x128xf32, #tpu.memory_space<hbm>>) dst(%dma_wait3A_783 : memref<125x128xf32, #tpu.memory_space<vmem>>)
      %dma_start3A_790 = arith.constant 1 : i32
      %dma_start3A_791 = arith.constant 1 : i32
      %dma_start3A_792 = arith.constant 1 : i32
      %dma_start3A_793 = arith.constant 0 : i32
      %dma_start3A_794 = arith.constant 0 : i32
      %dma_start3A_795 = tpu.memref_slice %arg7[%dma_start3A_790, %dma_start3A_793, %dma_start3A_794] : memref<2x125x128xf32, #tpu.memory_space<vmem>> -> memref<1x125x128xf32, #tpu.memory_space<vmem>>
      %dma_start3A_796 = tpu.memref_squeeze %dma_start3A_795 : memref<1x125x128xf32, #tpu.memory_space<vmem>> -> memref<125x128xf32, #tpu.memory_space<vmem>>
      %dma_start3A_797 = arith.constant 0 : i32
      %dma_start3A_798 = tpu.memref_slice %arg6[%dma_start3A_791, %dma_start3A_792, %dma_start3A_797] : memref<4x2x125xi32, #tpu.memory_space<vmem>> -> memref<1x1x125xi32, #tpu.memory_space<vmem>>
      %dma_start3A_799 = tpu.memref_squeeze %dma_start3A_798 : memref<1x1x125xi32, #tpu.memory_space<vmem>> -> memref<125xi32, #tpu.memory_space<vmem>>
      %dma_start3A_800 = arith.constant 0 : i32
      %dma_start3A_801 = arith.constant 0 : i32
      %dma_start3A_802 = tpu.memref_slice %arg8[%dma_start3A_800, %dma_start3A_801] : memref<10000x128xf32, #tpu.memory_space<vmem_shared>> -> memref<10000x128xf32, #tpu.memory_space<vmem_shared>>
      tpu.enqueue_indirect_dma source(%dma_start3A_796 : memref<125x128xf32, #tpu.memory_space<vmem>>) target(%dma_start3A_802 : memref<10000x128xf32, #tpu.memory_space<vmem_shared>>) offsets(%dma_start3A_799 : memref<125xi32, #tpu.memory_space<vmem>>) semaphore(%arg16 : memref<!tpu.dma_semaphore, #tpu.memory_space<semaphore_mem>>) {add = true}
      %dma_wait3A_803 = arith.constant 0 : i32
      %dma_wait3A_804 = arith.constant 3 : i32
      %dma_wait3A_805 = arith.constant 0 : i32
      %dma_wait3A_806 = arith.constant 0 : i32
      %dma_wait3A_807 = tpu.memref_slice %arg6[%dma_wait3A_804, %dma_wait3A_805, %dma_wait3A_806] : memref<4x2x125xi32, #tpu.memory_space<vmem>> -> memref<1x2x125xi32, #tpu.memory_space<vmem>>
      %dma_wait3A_808 = tpu.memref_squeeze %dma_wait3A_807 : memref<1x2x125xi32, #tpu.memory_space<vmem>> -> memref<2x125xi32, #tpu.memory_space<vmem>>
      %dma_wait3A_809 = arith.constant 0 : i32
      %dma_wait3A_810 = arith.constant 0 : i32
      %dma_wait3A_811 = tpu.memref_slice %arg3[%add3A, %dma_wait3A_803, %dma_wait3A_809, %dma_wait3A_810] : memref<32x80x2x125xi32, #tpu.memory_space<hbm>> -> memref<1x1x2x125xi32, #tpu.memory_space<hbm>>
      %dma_wait3A_812 = tpu.memref_squeeze %dma_wait3A_811 : memref<1x1x2x125xi32, #tpu.memory_space<hbm>> -> memref<2x125xi32, #tpu.memory_space<hbm>>
      %dma_wait3A_813 = arith.constant 0 : i32
      %dma_wait3A_814 = arith.constant 0 : i32
      %dma_wait3A_815 = tpu.memref_slice %arg6[%dma_wait3A_804, %dma_wait3A_813, %dma_wait3A_814] : memref<4x2x125xi32, #tpu.memory_space<vmem>> -> memref<1x2x125xi32, #tpu.memory_space<vmem>>
      %dma_wait3A_816 = tpu.memref_squeeze %dma_wait3A_815 : memref<1x2x125xi32, #tpu.memory_space<vmem>> -> memref<2x125xi32, #tpu.memory_space<vmem>>
      %dma_wait3A_817 = arith.constant 0 : i32
      %dma_wait3A_818 = arith.constant 0 : i32
      %dma_wait3A_819 = tpu.memref_slice %arg3[%add3A, %dma_wait3A_803, %dma_wait3A_817, %dma_wait3A_818] : memref<32x80x2x125xi32, #tpu.memory_space<hbm>> -> memref<1x1x2x125xi32, #tpu.memory_space<hbm>>
      %dma_wait3A_820 = tpu.memref_squeeze %dma_wait3A_819 : memref<1x1x2x125xi32, #tpu.memory_space<hbm>> -> memref<2x125xi32, #tpu.memory_space<hbm>>
      tpu.wait_dma2 semaphore(%arg12 : memref<!tpu.dma_semaphore, #tpu.memory_space<semaphore_mem>>) src(%dma_wait3A_820 : memref<2x125xi32, #tpu.memory_space<hbm>>) dst(%dma_wait3A_816 : memref<2x125xi32, #tpu.memory_space<vmem>>)
      %mul3A_821 = arith.constant 4 : i32
      %mul3A_822 = arith.muli %scan3A_725, %mul3A_821 : i32
      %add3A_823 = arith.constant 1 : i32
      %add3A_824 = arith.addi %mul3A_822, %add3A_823 : i32
      %add3A_825 = arith.constant 1 : i32
      %add3A_826 = arith.addi %add3A_824, %add3A_825 : i32
      %dma_wait3A_827 = arith.constant 1 : i32
      %dma_wait3A_828 = arith.constant 1 : i32
      %dma_wait3A_829 = arith.constant 1 : i32
      %dma_wait3A_830 = arith.constant 0 : i32
      %dma_wait3A_831 = arith.constant 0 : i32
      %dma_wait3A_832 = tpu.memref_slice %arg7[%dma_wait3A_827, %dma_wait3A_830, %dma_wait3A_831] : memref<2x125x128xf32, #tpu.memory_space<vmem>> -> memref<1x125x128xf32, #tpu.memory_space<vmem>>
      %dma_wait3A_833 = tpu.memref_squeeze %dma_wait3A_832 : memref<1x125x128xf32, #tpu.memory_space<vmem>> -> memref<125x128xf32, #tpu.memory_space<vmem>>
      %dma_wait3A_834 = arith.constant 0 : i32
      %dma_wait3A_835 = tpu.memref_slice %arg6[%dma_wait3A_828, %dma_wait3A_829, %dma_wait3A_834] : memref<4x2x125xi32, #tpu.memory_space<vmem>> -> memref<1x1x125xi32, #tpu.memory_space<vmem>>
      %dma_wait3A_836 = tpu.memref_squeeze %dma_wait3A_835 : memref<1x1x125xi32, #tpu.memory_space<vmem>> -> memref<125xi32, #tpu.memory_space<vmem>>
      %dma_wait3A_837 = arith.constant 0 : i32
      %dma_wait3A_838 = arith.constant 0 : i32
      %dma_wait3A_839 = tpu.memref_slice %arg8[%dma_wait3A_837, %dma_wait3A_838] : memref<10000x128xf32, #tpu.memory_space<vmem_shared>> -> memref<10000x128xf32, #tpu.memory_space<vmem_shared>>
      tpu.wait_indirect_dma semaphore(%arg16 : memref<!tpu.dma_semaphore, #tpu.memory_space<semaphore_mem>>) src(%dma_wait3A_833 : memref<125x128xf32, #tpu.memory_space<vmem>>) dst(%dma_wait3A_839 : memref<10000x128xf32, #tpu.memory_space<vmem_shared>>)
      %add3A_840 = arith.constant 3 : i32
      %add3A_841 = arith.addi %add3A_826, %add3A_840 : i32
      %dma_start3A_842 = arith.constant 1 : i32
      %dma_start3A_843 = arith.constant 0 : i32
      %dma_start3A_844 = arith.constant 0 : i32
      %dma_start3A_845 = tpu.memref_slice %arg6[%dma_start3A_842, %dma_start3A_843, %dma_start3A_844] : memref<4x2x125xi32, #tpu.memory_space<vmem>> -> memref<1x2x125xi32, #tpu.memory_space<vmem>>
      %dma_start3A_846 = tpu.memref_squeeze %dma_start3A_845 : memref<1x2x125xi32, #tpu.memory_space<vmem>> -> memref<2x125xi32, #tpu.memory_space<vmem>>
      %dma_start3A_847 = arith.constant 0 : i32
      %dma_start3A_848 = arith.constant 0 : i32
      %dma_start3A_849 = tpu.memref_slice %arg3[%add3A, %add3A_841, %dma_start3A_847, %dma_start3A_848] : memref<32x80x2x125xi32, #tpu.memory_space<hbm>> -> memref<1x1x2x125xi32, #tpu.memory_space<hbm>>
      %dma_start3A_850 = tpu.memref_squeeze %dma_start3A_849 : memref<1x1x2x125xi32, #tpu.memory_space<hbm>> -> memref<2x125xi32, #tpu.memory_space<hbm>>
      %dma_start3A_851 = arith.constant 0 : i32
      %dma_start3A_852 = arith.constant 0 : i32
      %dma_start3A_853 = tpu.memref_slice %arg6[%dma_start3A_842, %dma_start3A_851, %dma_start3A_852] : memref<4x2x125xi32, #tpu.memory_space<vmem>> -> memref<1x2x125xi32, #tpu.memory_space<vmem>>
      %dma_start3A_854 = tpu.memref_squeeze %dma_start3A_853 : memref<1x2x125xi32, #tpu.memory_space<vmem>> -> memref<2x125xi32, #tpu.memory_space<vmem>>
      %dma_start3A_855 = arith.constant 0 : i32
      %dma_start3A_856 = arith.constant 0 : i32
      %dma_start3A_857 = tpu.memref_slice %arg3[%add3A, %add3A_841, %dma_start3A_855, %dma_start3A_856] : memref<32x80x2x125xi32, #tpu.memory_space<hbm>> -> memref<1x1x2x125xi32, #tpu.memory_space<hbm>>
      %dma_start3A_858 = tpu.memref_squeeze %dma_start3A_857 : memref<1x1x2x125xi32, #tpu.memory_space<hbm>> -> memref<2x125xi32, #tpu.memory_space<hbm>>
      tpu.enqueue_dma source(%dma_start3A_858 : memref<2x125xi32, #tpu.memory_space<hbm>>) target(%dma_start3A_854 : memref<2x125xi32, #tpu.memory_space<vmem>>) target_semaphore(%arg10 : memref<!tpu.dma_semaphore, #tpu.memory_space<semaphore_mem>>)
      %dma_start3A_859 = arith.constant 3 : i32
      %dma_start3A_860 = arith.constant 0 : i32
      %dma_start3A_861 = arith.constant 1 : i32
      %dma_start3A_862 = arith.constant 0 : i32
      %dma_start3A_863 = arith.constant 0 : i32
      %dma_start3A_864 = tpu.memref_slice %arg7[%dma_start3A_861, %dma_start3A_862, %dma_start3A_863] : memref<2x125x128xf32, #tpu.memory_space<vmem>> -> memref<1x125x128xf32, #tpu.memory_space<vmem>>
      %dma_start3A_865 = tpu.memref_squeeze %dma_start3A_864 : memref<1x125x128xf32, #tpu.memory_space<vmem>> -> memref<125x128xf32, #tpu.memory_space<vmem>>
      %dma_start3A_866 = arith.constant 0 : i32
      %dma_start3A_867 = tpu.memref_slice %arg6[%dma_start3A_859, %dma_start3A_860, %dma_start3A_866] : memref<4x2x125xi32, #tpu.memory_space<vmem>> -> memref<1x1x125xi32, #tpu.memory_space<vmem>>
      %dma_start3A_868 = tpu.memref_squeeze %dma_start3A_867 : memref<1x1x125xi32, #tpu.memory_space<vmem>> -> memref<125xi32, #tpu.memory_space<vmem>>
      %dma_start3A_869 = arith.constant 0 : i32
      %dma_start3A_870 = arith.constant 0 : i32
      %dma_start3A_871 = tpu.memref_slice %arg2[%dma_start3A_869, %dma_start3A_870] : memref<10000x128xf32, #tpu.memory_space<hbm>> -> memref<10000x128xf32, #tpu.memory_space<hbm>>
      tpu.enqueue_indirect_dma source(%dma_start3A_871 : memref<10000x128xf32, #tpu.memory_space<hbm>>) target(%dma_start3A_865 : memref<125x128xf32, #tpu.memory_space<vmem>>) offsets(%dma_start3A_868 : memref<125xi32, #tpu.memory_space<vmem>>) semaphore(%arg14 : memref<!tpu.dma_semaphore, #tpu.memory_space<semaphore_mem>>)
      %dma_wait3A_872 = arith.constant 2 : i32
      %dma_wait3A_873 = arith.constant 0 : i32
      %dma_wait3A_874 = arith.constant 0 : i32
      %dma_wait3A_875 = arith.constant 0 : i32
      %dma_wait3A_876 = arith.constant 0 : i32
      %dma_wait3A_877 = tpu.memref_slice %arg7[%dma_wait3A_874, %dma_wait3A_875, %dma_wait3A_876] : memref<2x125x128xf32, #tpu.memory_space<vmem>> -> memref<1x125x128xf32, #tpu.memory_space<vmem>>
      %dma_wait3A_878 = tpu.memref_squeeze %dma_wait3A_877 : memref<1x125x128xf32, #tpu.memory_space<vmem>> -> memref<125x128xf32, #tpu.memory_space<vmem>>
      %dma_wait3A_879 = arith.constant 0 : i32
      %dma_wait3A_880 = tpu.memref_slice %arg6[%dma_wait3A_872, %dma_wait3A_873, %dma_wait3A_879] : memref<4x2x125xi32, #tpu.memory_space<vmem>> -> memref<1x1x125xi32, #tpu.memory_space<vmem>>
      %dma_wait3A_881 = tpu.memref_squeeze %dma_wait3A_880 : memref<1x1x125xi32, #tpu.memory_space<vmem>> -> memref<125xi32, #tpu.memory_space<vmem>>
      %dma_wait3A_882 = arith.constant 0 : i32
      %dma_wait3A_883 = arith.constant 0 : i32
      %dma_wait3A_884 = tpu.memref_slice %arg2[%dma_wait3A_882, %dma_wait3A_883] : memref<10000x128xf32, #tpu.memory_space<hbm>> -> memref<10000x128xf32, #tpu.memory_space<hbm>>
      tpu.wait_indirect_dma semaphore(%arg13 : memref<!tpu.dma_semaphore, #tpu.memory_space<semaphore_mem>>) src(%dma_wait3A_884 : memref<10000x128xf32, #tpu.memory_space<hbm>>) dst(%dma_wait3A_878 : memref<125x128xf32, #tpu.memory_space<vmem>>)
      %dma_start3A_885 = arith.constant 0 : i32
      %dma_start3A_886 = arith.constant 2 : i32
      %dma_start3A_887 = arith.constant 1 : i32
      %dma_start3A_888 = arith.constant 0 : i32
      %dma_start3A_889 = arith.constant 0 : i32
      %dma_start3A_890 = tpu.memref_slice %arg7[%dma_start3A_885, %dma_start3A_888, %dma_start3A_889] : memref<2x125x128xf32, #tpu.memory_space<vmem>> -> memref<1x125x128xf32, #tpu.memory_space<vmem>>
      %dma_start3A_891 = tpu.memref_squeeze %dma_start3A_890 : memref<1x125x128xf32, #tpu.memory_space<vmem>> -> memref<125x128xf32, #tpu.memory_space<vmem>>
      %dma_start3A_892 = arith.constant 0 : i32
      %dma_start3A_893 = tpu.memref_slice %arg6[%dma_start3A_886, %dma_start3A_887, %dma_start3A_892] : memref<4x2x125xi32, #tpu.memory_space<vmem>> -> memref<1x1x125xi32, #tpu.memory_space<vmem>>
      %dma_start3A_894 = tpu.memref_squeeze %dma_start3A_893 : memref<1x1x125xi32, #tpu.memory_space<vmem>> -> memref<125xi32, #tpu.memory_space<vmem>>
      %dma_start3A_895 = arith.constant 0 : i32
      %dma_start3A_896 = arith.constant 0 : i32
      %dma_start3A_897 = tpu.memref_slice %arg8[%dma_start3A_895, %dma_start3A_896] : memref<10000x128xf32, #tpu.memory_space<vmem_shared>> -> memref<10000x128xf32, #tpu.memory_space<vmem_shared>>
      tpu.enqueue_indirect_dma source(%dma_start3A_891 : memref<125x128xf32, #tpu.memory_space<vmem>>) target(%dma_start3A_897 : memref<10000x128xf32, #tpu.memory_space<vmem_shared>>) offsets(%dma_start3A_894 : memref<125xi32, #tpu.memory_space<vmem>>) semaphore(%arg15 : memref<!tpu.dma_semaphore, #tpu.memory_space<semaphore_mem>>) {add = true}
      %dma_wait3A_898 = arith.constant 0 : i32
      %dma_wait3A_899 = arith.constant 0 : i32
      %dma_wait3A_900 = arith.constant 0 : i32
      %dma_wait3A_901 = arith.constant 0 : i32
      %dma_wait3A_902 = tpu.memref_slice %arg6[%dma_wait3A_899, %dma_wait3A_900, %dma_wait3A_901] : memref<4x2x125xi32, #tpu.memory_space<vmem>> -> memref<1x2x125xi32, #tpu.memory_space<vmem>>
      %dma_wait3A_903 = tpu.memref_squeeze %dma_wait3A_902 : memref<1x2x125xi32, #tpu.memory_space<vmem>> -> memref<2x125xi32, #tpu.memory_space<vmem>>
      %dma_wait3A_904 = arith.constant 0 : i32
      %dma_wait3A_905 = arith.constant 0 : i32
      %dma_wait3A_906 = tpu.memref_slice %arg3[%add3A, %dma_wait3A_898, %dma_wait3A_904, %dma_wait3A_905] : memref<32x80x2x125xi32, #tpu.memory_space<hbm>> -> memref<1x1x2x125xi32, #tpu.memory_space<hbm>>
      %dma_wait3A_907 = tpu.memref_squeeze %dma_wait3A_906 : memref<1x1x2x125xi32, #tpu.memory_space<hbm>> -> memref<2x125xi32, #tpu.memory_space<hbm>>
      %dma_wait3A_908 = arith.constant 0 : i32
      %dma_wait3A_909 = arith.constant 0 : i32
      %dma_wait3A_910 = tpu.memref_slice %arg6[%dma_wait3A_899, %dma_wait3A_908, %dma_wait3A_909] : memref<4x2x125xi32, #tpu.memory_space<vmem>> -> memref<1x2x125xi32, #tpu.memory_space<vmem>>
      %dma_wait3A_911 = tpu.memref_squeeze %dma_wait3A_910 : memref<1x2x125xi32, #tpu.memory_space<vmem>> -> memref<2x125xi32, #tpu.memory_space<vmem>>
      %dma_wait3A_912 = arith.constant 0 : i32
      %dma_wait3A_913 = arith.constant 0 : i32
      %dma_wait3A_914 = tpu.memref_slice %arg3[%add3A, %dma_wait3A_898, %dma_wait3A_912, %dma_wait3A_913] : memref<32x80x2x125xi32, #tpu.memory_space<hbm>> -> memref<1x1x2x125xi32, #tpu.memory_space<hbm>>
      %dma_wait3A_915 = tpu.memref_squeeze %dma_wait3A_914 : memref<1x1x2x125xi32, #tpu.memory_space<hbm>> -> memref<2x125xi32, #tpu.memory_space<hbm>>
      tpu.wait_dma2 semaphore(%arg9 : memref<!tpu.dma_semaphore, #tpu.memory_space<semaphore_mem>>) src(%dma_wait3A_915 : memref<2x125xi32, #tpu.memory_space<hbm>>) dst(%dma_wait3A_911 : memref<2x125xi32, #tpu.memory_space<vmem>>)
      %mul3A_916 = arith.constant 4 : i32
      %mul3A_917 = arith.muli %scan3A_725, %mul3A_916 : i32
      %add3A_918 = arith.constant 1 : i32
      %add3A_919 = arith.addi %mul3A_917, %add3A_918 : i32
      %add3A_920 = arith.constant 2 : i32
      %add3A_921 = arith.addi %add3A_919, %add3A_920 : i32
      %dma_wait3A_922 = arith.constant 0 : i32
      %dma_wait3A_923 = arith.constant 2 : i32
      %dma_wait3A_924 = arith.constant 1 : i32
      %dma_wait3A_925 = arith.constant 0 : i32
      %dma_wait3A_926 = arith.constant 0 : i32
      %dma_wait3A_927 = tpu.memref_slice %arg7[%dma_wait3A_922, %dma_wait3A_925, %dma_wait3A_926] : memref<2x125x128xf32, #tpu.memory_space<vmem>> -> memref<1x125x128xf32, #tpu.memory_space<vmem>>
      %dma_wait3A_928 = tpu.memref_squeeze %dma_wait3A_927 : memref<1x125x128xf32, #tpu.memory_space<vmem>> -> memref<125x128xf32, #tpu.memory_space<vmem>>
      %dma_wait3A_929 = arith.constant 0 : i32
      %dma_wait3A_930 = tpu.memref_slice %arg6[%dma_wait3A_923, %dma_wait3A_924, %dma_wait3A_929] : memref<4x2x125xi32, #tpu.memory_space<vmem>> -> memref<1x1x125xi32, #tpu.memory_space<vmem>>
      %dma_wait3A_931 = tpu.memref_squeeze %dma_wait3A_930 : memref<1x1x125xi32, #tpu.memory_space<vmem>> -> memref<125xi32, #tpu.memory_space<vmem>>
      %dma_wait3A_932 = arith.constant 0 : i32
      %dma_wait3A_933 = arith.constant 0 : i32
      %dma_wait3A_934 = tpu.memref_slice %arg8[%dma_wait3A_932, %dma_wait3A_933] : memref<10000x128xf32, #tpu.memory_space<vmem_shared>> -> memref<10000x128xf32, #tpu.memory_space<vmem_shared>>
      tpu.wait_indirect_dma semaphore(%arg15 : memref<!tpu.dma_semaphore, #tpu.memory_space<semaphore_mem>>) src(%dma_wait3A_928 : memref<125x128xf32, #tpu.memory_space<vmem>>) dst(%dma_wait3A_934 : memref<10000x128xf32, #tpu.memory_space<vmem_shared>>)
      %add3A_935 = arith.constant 3 : i32
      %add3A_936 = arith.addi %add3A_921, %add3A_935 : i32
      %dma_start3A_937 = arith.constant 2 : i32
      %dma_start3A_938 = arith.constant 0 : i32
      %dma_start3A_939 = arith.constant 0 : i32
      %dma_start3A_940 = tpu.memref_slice %arg6[%dma_start3A_937, %dma_start3A_938, %dma_start3A_939] : memref<4x2x125xi32, #tpu.memory_space<vmem>> -> memref<1x2x125xi32, #tpu.memory_space<vmem>>
      %dma_start3A_941 = tpu.memref_squeeze %dma_start3A_940 : memref<1x2x125xi32, #tpu.memory_space<vmem>> -> memref<2x125xi32, #tpu.memory_space<vmem>>
      %dma_start3A_942 = arith.constant 0 : i32
      %dma_start3A_943 = arith.constant 0 : i32
      %dma_start3A_944 = tpu.memref_slice %arg3[%add3A, %add3A_936, %dma_start3A_942, %dma_start3A_943] : memref<32x80x2x125xi32, #tpu.memory_space<hbm>> -> memref<1x1x2x125xi32, #tpu.memory_space<hbm>>
      %dma_start3A_945 = tpu.memref_squeeze %dma_start3A_944 : memref<1x1x2x125xi32, #tpu.memory_space<hbm>> -> memref<2x125xi32, #tpu.memory_space<hbm>>
      %dma_start3A_946 = arith.constant 0 : i32
      %dma_start3A_947 = arith.constant 0 : i32
      %dma_start3A_948 = tpu.memref_slice %arg6[%dma_start3A_937, %dma_start3A_946, %dma_start3A_947] : memref<4x2x125xi32, #tpu.memory_space<vmem>> -> memref<1x2x125xi32, #tpu.memory_space<vmem>>
      %dma_start3A_949 = tpu.memref_squeeze %dma_start3A_948 : memref<1x2x125xi32, #tpu.memory_space<vmem>> -> memref<2x125xi32, #tpu.memory_space<vmem>>
      %dma_start3A_950 = arith.constant 0 : i32
      %dma_start3A_951 = arith.constant 0 : i32
      %dma_start3A_952 = tpu.memref_slice %arg3[%add3A, %add3A_936, %dma_start3A_950, %dma_start3A_951] : memref<32x80x2x125xi32, #tpu.memory_space<hbm>> -> memref<1x1x2x125xi32, #tpu.memory_space<hbm>>
      %dma_start3A_953 = tpu.memref_squeeze %dma_start3A_952 : memref<1x1x2x125xi32, #tpu.memory_space<hbm>> -> memref<2x125xi32, #tpu.memory_space<hbm>>
      tpu.enqueue_dma source(%dma_start3A_953 : memref<2x125xi32, #tpu.memory_space<hbm>>) target(%dma_start3A_949 : memref<2x125xi32, #tpu.memory_space<vmem>>) target_semaphore(%arg11 : memref<!tpu.dma_semaphore, #tpu.memory_space<semaphore_mem>>)
      %dma_start3A_954 = arith.constant 0 : i32
      %dma_start3A_955 = arith.constant 0 : i32
      %dma_start3A_956 = arith.constant 0 : i32
      %dma_start3A_957 = arith.constant 0 : i32
      %dma_start3A_958 = arith.constant 0 : i32
      %dma_start3A_959 = tpu.memref_slice %arg7[%dma_start3A_956, %dma_start3A_957, %dma_start3A_958] : memref<2x125x128xf32, #tpu.memory_space<vmem>> -> memref<1x125x128xf32, #tpu.memory_space<vmem>>
      %dma_start3A_960 = tpu.memref_squeeze %dma_start3A_959 : memref<1x125x128xf32, #tpu.memory_space<vmem>> -> memref<125x128xf32, #tpu.memory_space<vmem>>
      %dma_start3A_961 = arith.constant 0 : i32
      %dma_start3A_962 = tpu.memref_slice %arg6[%dma_start3A_954, %dma_start3A_955, %dma_start3A_961] : memref<4x2x125xi32, #tpu.memory_space<vmem>> -> memref<1x1x125xi32, #tpu.memory_space<vmem>>
      %dma_start3A_963 = tpu.memref_squeeze %dma_start3A_962 : memref<1x1x125xi32, #tpu.memory_space<vmem>> -> memref<125xi32, #tpu.memory_space<vmem>>
      %dma_start3A_964 = arith.constant 0 : i32
      %dma_start3A_965 = arith.constant 0 : i32
      %dma_start3A_966 = tpu.memref_slice %arg2[%dma_start3A_964, %dma_start3A_965] : memref<10000x128xf32, #tpu.memory_space<hbm>> -> memref<10000x128xf32, #tpu.memory_space<hbm>>
      tpu.enqueue_indirect_dma source(%dma_start3A_966 : memref<10000x128xf32, #tpu.memory_space<hbm>>) target(%dma_start3A_960 : memref<125x128xf32, #tpu.memory_space<vmem>>) offsets(%dma_start3A_963 : memref<125xi32, #tpu.memory_space<vmem>>) semaphore(%arg13 : memref<!tpu.dma_semaphore, #tpu.memory_space<semaphore_mem>>)
      %dma_wait3A_967 = arith.constant 3 : i32
      %dma_wait3A_968 = arith.constant 0 : i32
      %dma_wait3A_969 = arith.constant 1 : i32
      %dma_wait3A_970 = arith.constant 0 : i32
      %dma_wait3A_971 = arith.constant 0 : i32
      %dma_wait3A_972 = tpu.memref_slice %arg7[%dma_wait3A_969, %dma_wait3A_970, %dma_wait3A_971] : memref<2x125x128xf32, #tpu.memory_space<vmem>> -> memref<1x125x128xf32, #tpu.memory_space<vmem>>
      %dma_wait3A_973 = tpu.memref_squeeze %dma_wait3A_972 : memref<1x125x128xf32, #tpu.memory_space<vmem>> -> memref<125x128xf32, #tpu.memory_space<vmem>>
      %dma_wait3A_974 = arith.constant 0 : i32
      %dma_wait3A_975 = tpu.memref_slice %arg6[%dma_wait3A_967, %dma_wait3A_968, %dma_wait3A_974] : memref<4x2x125xi32, #tpu.memory_space<vmem>> -> memref<1x1x125xi32, #tpu.memory_space<vmem>>
      %dma_wait3A_976 = tpu.memref_squeeze %dma_wait3A_975 : memref<1x1x125xi32, #tpu.memory_space<vmem>> -> memref<125xi32, #tpu.memory_space<vmem>>
      %dma_wait3A_977 = arith.constant 0 : i32
      %dma_wait3A_978 = arith.constant 0 : i32
      %dma_wait3A_979 = tpu.memref_slice %arg2[%dma_wait3A_977, %dma_wait3A_978] : memref<10000x128xf32, #tpu.memory_space<hbm>> -> memref<10000x128xf32, #tpu.memory_space<hbm>>
      tpu.wait_indirect_dma semaphore(%arg14 : memref<!tpu.dma_semaphore, #tpu.memory_space<semaphore_mem>>) src(%dma_wait3A_979 : memref<10000x128xf32, #tpu.memory_space<hbm>>) dst(%dma_wait3A_973 : memref<125x128xf32, #tpu.memory_space<vmem>>)
      %dma_start3A_980 = arith.constant 1 : i32
      %dma_start3A_981 = arith.constant 3 : i32
      %dma_start3A_982 = arith.constant 1 : i32
      %dma_start3A_983 = arith.constant 0 : i32
      %dma_start3A_984 = arith.constant 0 : i32
      %dma_start3A_985 = tpu.memref_slice %arg7[%dma_start3A_980, %dma_start3A_983, %dma_start3A_984] : memref<2x125x128xf32, #tpu.memory_space<vmem>> -> memref<1x125x128xf32, #tpu.memory_space<vmem>>
      %dma_start3A_986 = tpu.memref_squeeze %dma_start3A_985 : memref<1x125x128xf32, #tpu.memory_space<vmem>> -> memref<125x128xf32, #tpu.memory_space<vmem>>
      %dma_start3A_987 = arith.constant 0 : i32
      %dma_start3A_988 = tpu.memref_slice %arg6[%dma_start3A_981, %dma_start3A_982, %dma_start3A_987] : memref<4x2x125xi32, #tpu.memory_space<vmem>> -> memref<1x1x125xi32, #tpu.memory_space<vmem>>
      %dma_start3A_989 = tpu.memref_squeeze %dma_start3A_988 : memref<1x1x125xi32, #tpu.memory_space<vmem>> -> memref<125xi32, #tpu.memory_space<vmem>>
      %dma_start3A_990 = arith.constant 0 : i32
      %dma_start3A_991 = arith.constant 0 : i32
      %dma_start3A_992 = tpu.memref_slice %arg8[%dma_start3A_990, %dma_start3A_991] : memref<10000x128xf32, #tpu.memory_space<vmem_shared>> -> memref<10000x128xf32, #tpu.memory_space<vmem_shared>>
      tpu.enqueue_indirect_dma source(%dma_start3A_986 : memref<125x128xf32, #tpu.memory_space<vmem>>) target(%dma_start3A_992 : memref<10000x128xf32, #tpu.memory_space<vmem_shared>>) offsets(%dma_start3A_989 : memref<125xi32, #tpu.memory_space<vmem>>) semaphore(%arg16 : memref<!tpu.dma_semaphore, #tpu.memory_space<semaphore_mem>>) {add = true}
      %dma_wait3A_993 = arith.constant 0 : i32
      %dma_wait3A_994 = arith.constant 1 : i32
      %dma_wait3A_995 = arith.constant 0 : i32
      %dma_wait3A_996 = arith.constant 0 : i32
      %dma_wait3A_997 = tpu.memref_slice %arg6[%dma_wait3A_994, %dma_wait3A_995, %dma_wait3A_996] : memref<4x2x125xi32, #tpu.memory_space<vmem>> -> memref<1x2x125xi32, #tpu.memory_space<vmem>>
      %dma_wait3A_998 = tpu.memref_squeeze %dma_wait3A_997 : memref<1x2x125xi32, #tpu.memory_space<vmem>> -> memref<2x125xi32, #tpu.memory_space<vmem>>
      %dma_wait3A_999 = arith.constant 0 : i32
      %dma_wait3A_1000 = arith.constant 0 : i32
      %dma_wait3A_1001 = tpu.memref_slice %arg3[%add3A, %dma_wait3A_993, %dma_wait3A_999, %dma_wait3A_1000] : memref<32x80x2x125xi32, #tpu.memory_space<hbm>> -> memref<1x1x2x125xi32, #tpu.memory_space<hbm>>
      %dma_wait3A_1002 = tpu.memref_squeeze %dma_wait3A_1001 : memref<1x1x2x125xi32, #tpu.memory_space<hbm>> -> memref<2x125xi32, #tpu.memory_space<hbm>>
      %dma_wait3A_1003 = arith.constant 0 : i32
      %dma_wait3A_1004 = arith.constant 0 : i32
      %dma_wait3A_1005 = tpu.memref_slice %arg6[%dma_wait3A_994, %dma_wait3A_1003, %dma_wait3A_1004] : memref<4x2x125xi32, #tpu.memory_space<vmem>> -> memref<1x2x125xi32, #tpu.memory_space<vmem>>
      %dma_wait3A_1006 = tpu.memref_squeeze %dma_wait3A_1005 : memref<1x2x125xi32, #tpu.memory_space<vmem>> -> memref<2x125xi32, #tpu.memory_space<vmem>>
      %dma_wait3A_1007 = arith.constant 0 : i32
      %dma_wait3A_1008 = arith.constant 0 : i32
      %dma_wait3A_1009 = tpu.memref_slice %arg3[%add3A, %dma_wait3A_993, %dma_wait3A_1007, %dma_wait3A_1008] : memref<32x80x2x125xi32, #tpu.memory_space<hbm>> -> memref<1x1x2x125xi32, #tpu.memory_space<hbm>>
      %dma_wait3A_1010 = tpu.memref_squeeze %dma_wait3A_1009 : memref<1x1x2x125xi32, #tpu.memory_space<hbm>> -> memref<2x125xi32, #tpu.memory_space<hbm>>
      tpu.wait_dma2 semaphore(%arg10 : memref<!tpu.dma_semaphore, #tpu.memory_space<semaphore_mem>>) src(%dma_wait3A_1010 : memref<2x125xi32, #tpu.memory_space<hbm>>) dst(%dma_wait3A_1006 : memref<2x125xi32, #tpu.memory_space<vmem>>)
      %mul3A_1011 = arith.constant 4 : i32
      %mul3A_1012 = arith.muli %scan3A_725, %mul3A_1011 : i32
      %add3A_1013 = arith.constant 1 : i32
      %add3A_1014 = arith.addi %mul3A_1012, %add3A_1013 : i32
      %add3A_1015 = arith.constant 3 : i32
      %add3A_1016 = arith.addi %add3A_1014, %add3A_1015 : i32
      %dma_wait3A_1017 = arith.constant 1 : i32
      %dma_wait3A_1018 = arith.constant 3 : i32
      %dma_wait3A_1019 = arith.constant 1 : i32
      %dma_wait3A_1020 = arith.constant 0 : i32
      %dma_wait3A_1021 = arith.constant 0 : i32
      %dma_wait3A_1022 = tpu.memref_slice %arg7[%dma_wait3A_1017, %dma_wait3A_1020, %dma_wait3A_1021] : memref<2x125x128xf32, #tpu.memory_space<vmem>> -> memref<1x125x128xf32, #tpu.memory_space<vmem>>
      %dma_wait3A_1023 = tpu.memref_squeeze %dma_wait3A_1022 : memref<1x125x128xf32, #tpu.memory_space<vmem>> -> memref<125x128xf32, #tpu.memory_space<vmem>>
      %dma_wait3A_1024 = arith.constant 0 : i32
      %dma_wait3A_1025 = tpu.memref_slice %arg6[%dma_wait3A_1018, %dma_wait3A_1019, %dma_wait3A_1024] : memref<4x2x125xi32, #tpu.memory_space<vmem>> -> memref<1x1x125xi32, #tpu.memory_space<vmem>>
      %dma_wait3A_1026 = tpu.memref_squeeze %dma_wait3A_1025 : memref<1x1x125xi32, #tpu.memory_space<vmem>> -> memref<125xi32, #tpu.memory_space<vmem>>
      %dma_wait3A_1027 = arith.constant 0 : i32
      %dma_wait3A_1028 = arith.constant 0 : i32
      %dma_wait3A_1029 = tpu.memref_slice %arg8[%dma_wait3A_1027, %dma_wait3A_1028] : memref<10000x128xf32, #tpu.memory_space<vmem_shared>> -> memref<10000x128xf32, #tpu.memory_space<vmem_shared>>
      tpu.wait_indirect_dma semaphore(%arg16 : memref<!tpu.dma_semaphore, #tpu.memory_space<semaphore_mem>>) src(%dma_wait3A_1023 : memref<125x128xf32, #tpu.memory_space<vmem>>) dst(%dma_wait3A_1029 : memref<10000x128xf32, #tpu.memory_space<vmem_shared>>)
      %add3A_1030 = arith.constant 3 : i32
      %add3A_1031 = arith.addi %add3A_1016, %add3A_1030 : i32
      %dma_start3A_1032 = arith.constant 3 : i32
      %dma_start3A_1033 = arith.constant 0 : i32
      %dma_start3A_1034 = arith.constant 0 : i32
      %dma_start3A_1035 = tpu.memref_slice %arg6[%dma_start3A_1032, %dma_start3A_1033, %dma_start3A_1034] : memref<4x2x125xi32, #tpu.memory_space<vmem>> -> memref<1x2x125xi32, #tpu.memory_space<vmem>>
      %dma_start3A_1036 = tpu.memref_squeeze %dma_start3A_1035 : memref<1x2x125xi32, #tpu.memory_space<vmem>> -> memref<2x125xi32, #tpu.memory_space<vmem>>
      %dma_start3A_1037 = arith.constant 0 : i32
      %dma_start3A_1038 = arith.constant 0 : i32
      %dma_start3A_1039 = tpu.memref_slice %arg3[%add3A, %add3A_1031, %dma_start3A_1037, %dma_start3A_1038] : memref<32x80x2x125xi32, #tpu.memory_space<hbm>> -> memref<1x1x2x125xi32, #tpu.memory_space<hbm>>
      %dma_start3A_1040 = tpu.memref_squeeze %dma_start3A_1039 : memref<1x1x2x125xi32, #tpu.memory_space<hbm>> -> memref<2x125xi32, #tpu.memory_space<hbm>>
      %dma_start3A_1041 = arith.constant 0 : i32
      %dma_start3A_1042 = arith.constant 0 : i32
      %dma_start3A_1043 = tpu.memref_slice %arg6[%dma_start3A_1032, %dma_start3A_1041, %dma_start3A_1042] : memref<4x2x125xi32, #tpu.memory_space<vmem>> -> memref<1x2x125xi32, #tpu.memory_space<vmem>>
      %dma_start3A_1044 = tpu.memref_squeeze %dma_start3A_1043 : memref<1x2x125xi32, #tpu.memory_space<vmem>> -> memref<2x125xi32, #tpu.memory_space<vmem>>
      %dma_start3A_1045 = arith.constant 0 : i32
      %dma_start3A_1046 = arith.constant 0 : i32
      %dma_start3A_1047 = tpu.memref_slice %arg3[%add3A, %add3A_1031, %dma_start3A_1045, %dma_start3A_1046] : memref<32x80x2x125xi32, #tpu.memory_space<hbm>> -> memref<1x1x2x125xi32, #tpu.memory_space<hbm>>
      %dma_start3A_1048 = tpu.memref_squeeze %dma_start3A_1047 : memref<1x1x2x125xi32, #tpu.memory_space<hbm>> -> memref<2x125xi32, #tpu.memory_space<hbm>>
      tpu.enqueue_dma source(%dma_start3A_1048 : memref<2x125xi32, #tpu.memory_space<hbm>>) target(%dma_start3A_1044 : memref<2x125xi32, #tpu.memory_space<vmem>>) target_semaphore(%arg12 : memref<!tpu.dma_semaphore, #tpu.memory_space<semaphore_mem>>)
      %dma_start3A_1049 = arith.constant 1 : i32
      %dma_start3A_1050 = arith.constant 0 : i32
      %dma_start3A_1051 = arith.constant 1 : i32
      %dma_start3A_1052 = arith.constant 0 : i32
      %dma_start3A_1053 = arith.constant 0 : i32
      %dma_start3A_1054 = tpu.memref_slice %arg7[%dma_start3A_1051, %dma_start3A_1052, %dma_start3A_1053] : memref<2x125x128xf32, #tpu.memory_space<vmem>> -> memref<1x125x128xf32, #tpu.memory_space<vmem>>
      %dma_start3A_1055 = tpu.memref_squeeze %dma_start3A_1054 : memref<1x125x128xf32, #tpu.memory_space<vmem>> -> memref<125x128xf32, #tpu.memory_space<vmem>>
      %dma_start3A_1056 = arith.constant 0 : i32
      %dma_start3A_1057 = tpu.memref_slice %arg6[%dma_start3A_1049, %dma_start3A_1050, %dma_start3A_1056] : memref<4x2x125xi32, #tpu.memory_space<vmem>> -> memref<1x1x125xi32, #tpu.memory_space<vmem>>
      %dma_start3A_1058 = tpu.memref_squeeze %dma_start3A_1057 : memref<1x1x125xi32, #tpu.memory_space<vmem>> -> memref<125xi32, #tpu.memory_space<vmem>>
      %dma_start3A_1059 = arith.constant 0 : i32
      %dma_start3A_1060 = arith.constant 0 : i32
      %dma_start3A_1061 = tpu.memref_slice %arg2[%dma_start3A_1059, %dma_start3A_1060] : memref<10000x128xf32, #tpu.memory_space<hbm>> -> memref<10000x128xf32, #tpu.memory_space<hbm>>
      tpu.enqueue_indirect_dma source(%dma_start3A_1061 : memref<10000x128xf32, #tpu.memory_space<hbm>>) target(%dma_start3A_1055 : memref<125x128xf32, #tpu.memory_space<vmem>>) offsets(%dma_start3A_1058 : memref<125xi32, #tpu.memory_space<vmem>>) semaphore(%arg14 : memref<!tpu.dma_semaphore, #tpu.memory_space<semaphore_mem>>)
      %dma_wait3A_1062 = arith.constant 0 : i32
      %dma_wait3A_1063 = arith.constant 0 : i32
      %dma_wait3A_1064 = arith.constant 0 : i32
      %dma_wait3A_1065 = arith.constant 0 : i32
      %dma_wait3A_1066 = arith.constant 0 : i32
      %dma_wait3A_1067 = tpu.memref_slice %arg7[%dma_wait3A_1064, %dma_wait3A_1065, %dma_wait3A_1066] : memref<2x125x128xf32, #tpu.memory_space<vmem>> -> memref<1x125x128xf32, #tpu.memory_space<vmem>>
      %dma_wait3A_1068 = tpu.memref_squeeze %dma_wait3A_1067 : memref<1x125x128xf32, #tpu.memory_space<vmem>> -> memref<125x128xf32, #tpu.memory_space<vmem>>
      %dma_wait3A_1069 = arith.constant 0 : i32
      %dma_wait3A_1070 = tpu.memref_slice %arg6[%dma_wait3A_1062, %dma_wait3A_1063, %dma_wait3A_1069] : memref<4x2x125xi32, #tpu.memory_space<vmem>> -> memref<1x1x125xi32, #tpu.memory_space<vmem>>
      %dma_wait3A_1071 = tpu.memref_squeeze %dma_wait3A_1070 : memref<1x1x125xi32, #tpu.memory_space<vmem>> -> memref<125xi32, #tpu.memory_space<vmem>>
      %dma_wait3A_1072 = arith.constant 0 : i32
      %dma_wait3A_1073 = arith.constant 0 : i32
      %dma_wait3A_1074 = tpu.memref_slice %arg2[%dma_wait3A_1072, %dma_wait3A_1073] : memref<10000x128xf32, #tpu.memory_space<hbm>> -> memref<10000x128xf32, #tpu.memory_space<hbm>>
      tpu.wait_indirect_dma semaphore(%arg13 : memref<!tpu.dma_semaphore, #tpu.memory_space<semaphore_mem>>) src(%dma_wait3A_1074 : memref<10000x128xf32, #tpu.memory_space<hbm>>) dst(%dma_wait3A_1068 : memref<125x128xf32, #tpu.memory_space<vmem>>)
      %dma_start3A_1075 = arith.constant 0 : i32
      %dma_start3A_1076 = arith.constant 0 : i32
      %dma_start3A_1077 = arith.constant 1 : i32
      %dma_start3A_1078 = arith.constant 0 : i32
      %dma_start3A_1079 = arith.constant 0 : i32
      %dma_start3A_1080 = tpu.memref_slice %arg7[%dma_start3A_1075, %dma_start3A_1078, %dma_start3A_1079] : memref<2x125x128xf32, #tpu.memory_space<vmem>> -> memref<1x125x128xf32, #tpu.memory_space<vmem>>
      %dma_start3A_1081 = tpu.memref_squeeze %dma_start3A_1080 : memref<1x125x128xf32, #tpu.memory_space<vmem>> -> memref<125x128xf32, #tpu.memory_space<vmem>>
      %dma_start3A_1082 = arith.constant 0 : i32
      %dma_start3A_1083 = tpu.memref_slice %arg6[%dma_start3A_1076, %dma_start3A_1077, %dma_start3A_1082] : memref<4x2x125xi32, #tpu.memory_space<vmem>> -> memref<1x1x125xi32, #tpu.memory_space<vmem>>
      %dma_start3A_1084 = tpu.memref_squeeze %dma_start3A_1083 : memref<1x1x125xi32, #tpu.memory_space<vmem>> -> memref<125xi32, #tpu.memory_space<vmem>>
      %dma_start3A_1085 = arith.constant 0 : i32
      %dma_start3A_1086 = arith.constant 0 : i32
      %dma_start3A_1087 = tpu.memref_slice %arg8[%dma_start3A_1085, %dma_start3A_1086] : memref<10000x128xf32, #tpu.memory_space<vmem_shared>> -> memref<10000x128xf32, #tpu.memory_space<vmem_shared>>
      tpu.enqueue_indirect_dma source(%dma_start3A_1081 : memref<125x128xf32, #tpu.memory_space<vmem>>) target(%dma_start3A_1087 : memref<10000x128xf32, #tpu.memory_space<vmem_shared>>) offsets(%dma_start3A_1084 : memref<125xi32, #tpu.memory_space<vmem>>) semaphore(%arg15 : memref<!tpu.dma_semaphore, #tpu.memory_space<semaphore_mem>>) {add = true}
      %dma_wait3A_1088 = arith.constant 0 : i32
      %dma_wait3A_1089 = arith.constant 2 : i32
      %dma_wait3A_1090 = arith.constant 0 : i32
      %dma_wait3A_1091 = arith.constant 0 : i32
      %dma_wait3A_1092 = tpu.memref_slice %arg6[%dma_wait3A_1089, %dma_wait3A_1090, %dma_wait3A_1091] : memref<4x2x125xi32, #tpu.memory_space<vmem>> -> memref<1x2x125xi32, #tpu.memory_space<vmem>>
      %dma_wait3A_1093 = tpu.memref_squeeze %dma_wait3A_1092 : memref<1x2x125xi32, #tpu.memory_space<vmem>> -> memref<2x125xi32, #tpu.memory_space<vmem>>
      %dma_wait3A_1094 = arith.constant 0 : i32
      %dma_wait3A_1095 = arith.constant 0 : i32
      %dma_wait3A_1096 = tpu.memref_slice %arg3[%add3A, %dma_wait3A_1088, %dma_wait3A_1094, %dma_wait3A_1095] : memref<32x80x2x125xi32, #tpu.memory_space<hbm>> -> memref<1x1x2x125xi32, #tpu.memory_space<hbm>>
      %dma_wait3A_1097 = tpu.memref_squeeze %dma_wait3A_1096 : memref<1x1x2x125xi32, #tpu.memory_space<hbm>> -> memref<2x125xi32, #tpu.memory_space<hbm>>
      %dma_wait3A_1098 = arith.constant 0 : i32
      %dma_wait3A_1099 = arith.constant 0 : i32
      %dma_wait3A_1100 = tpu.memref_slice %arg6[%dma_wait3A_1089, %dma_wait3A_1098, %dma_wait3A_1099] : memref<4x2x125xi32, #tpu.memory_space<vmem>> -> memref<1x2x125xi32, #tpu.memory_space<vmem>>
      %dma_wait3A_1101 = tpu.memref_squeeze %dma_wait3A_1100 : memref<1x2x125xi32, #tpu.memory_space<vmem>> -> memref<2x125xi32, #tpu.memory_space<vmem>>
      %dma_wait3A_1102 = arith.constant 0 : i32
      %dma_wait3A_1103 = arith.constant 0 : i32
      %dma_wait3A_1104 = tpu.memref_slice %arg3[%add3A, %dma_wait3A_1088, %dma_wait3A_1102, %dma_wait3A_1103] : memref<32x80x2x125xi32, #tpu.memory_space<hbm>> -> memref<1x1x2x125xi32, #tpu.memory_space<hbm>>
      %dma_wait3A_1105 = tpu.memref_squeeze %dma_wait3A_1104 : memref<1x1x2x125xi32, #tpu.memory_space<hbm>> -> memref<2x125xi32, #tpu.memory_space<hbm>>
      tpu.wait_dma2 semaphore(%arg11 : memref<!tpu.dma_semaphore, #tpu.memory_space<semaphore_mem>>) src(%dma_wait3A_1105 : memref<2x125xi32, #tpu.memory_space<hbm>>) dst(%dma_wait3A_1101 : memref<2x125xi32, #tpu.memory_space<vmem>>)
    }
    %scan3A_187 = arith.constant 18 : i32
    %dma_wait3A_188 = arith.constant 0 : i32
    %dma_wait3A_189 = arith.constant 0 : i32
    %dma_wait3A_190 = arith.constant 1 : i32
    %dma_wait3A_191 = arith.constant 0 : i32
    %dma_wait3A_192 = arith.constant 0 : i32
    %dma_wait3A_193 = tpu.memref_slice %arg7[%dma_wait3A_188, %dma_wait3A_191, %dma_wait3A_192] : memref<2x125x128xf32, #tpu.memory_space<vmem>> -> memref<1x125x128xf32, #tpu.memory_space<vmem>>
    %dma_wait3A_194 = tpu.memref_squeeze %dma_wait3A_193 : memref<1x125x128xf32, #tpu.memory_space<vmem>> -> memref<125x128xf32, #tpu.memory_space<vmem>>
    %dma_wait3A_195 = arith.constant 0 : i32
    %dma_wait3A_196 = tpu.memref_slice %arg6[%dma_wait3A_189, %dma_wait3A_190, %dma_wait3A_195] : memref<4x2x125xi32, #tpu.memory_space<vmem>> -> memref<1x1x125xi32, #tpu.memory_space<vmem>>
    %dma_wait3A_197 = tpu.memref_squeeze %dma_wait3A_196 : memref<1x1x125xi32, #tpu.memory_space<vmem>> -> memref<125xi32, #tpu.memory_space<vmem>>
    %dma_wait3A_198 = arith.constant 0 : i32
    %dma_wait3A_199 = arith.constant 0 : i32
    %dma_wait3A_200 = tpu.memref_slice %arg8[%dma_wait3A_198, %dma_wait3A_199] : memref<10000x128xf32, #tpu.memory_space<vmem_shared>> -> memref<10000x128xf32, #tpu.memory_space<vmem_shared>>
    tpu.wait_indirect_dma semaphore(%arg15 : memref<!tpu.dma_semaphore, #tpu.memory_space<semaphore_mem>>) src(%dma_wait3A_194 : memref<125x128xf32, #tpu.memory_space<vmem>>) dst(%dma_wait3A_200 : memref<10000x128xf32, #tpu.memory_space<vmem_shared>>)
    %dma_start3A_201 = arith.constant 76 : i32
    %dma_start3A_202 = arith.constant 0 : i32
    %dma_start3A_203 = arith.constant 0 : i32
    %dma_start3A_204 = arith.constant 0 : i32
    %dma_start3A_205 = tpu.memref_slice %arg6[%dma_start3A_202, %dma_start3A_203, %dma_start3A_204] : memref<4x2x125xi32, #tpu.memory_space<vmem>> -> memref<1x2x125xi32, #tpu.memory_space<vmem>>
    %dma_start3A_206 = tpu.memref_squeeze %dma_start3A_205 : memref<1x2x125xi32, #tpu.memory_space<vmem>> -> memref<2x125xi32, #tpu.memory_space<vmem>>
    %dma_start3A_207 = arith.constant 0 : i32
    %dma_start3A_208 = arith.constant 0 : i32
    %dma_start3A_209 = tpu.memref_slice %arg3[%add3A, %dma_start3A_201, %dma_start3A_207, %dma_start3A_208] : memref<32x80x2x125xi32, #tpu.memory_space<hbm>> -> memref<1x1x2x125xi32, #tpu.memory_space<hbm>>
    %dma_start3A_210 = tpu.memref_squeeze %dma_start3A_209 : memref<1x1x2x125xi32, #tpu.memory_space<hbm>> -> memref<2x125xi32, #tpu.memory_space<hbm>>
    %dma_start3A_211 = arith.constant 0 : i32
    %dma_start3A_212 = arith.constant 0 : i32
    %dma_start3A_213 = tpu.memref_slice %arg6[%dma_start3A_202, %dma_start3A_211, %dma_start3A_212] : memref<4x2x125xi32, #tpu.memory_space<vmem>> -> memref<1x2x125xi32, #tpu.memory_space<vmem>>
    %dma_start3A_214 = tpu.memref_squeeze %dma_start3A_213 : memref<1x2x125xi32, #tpu.memory_space<vmem>> -> memref<2x125xi32, #tpu.memory_space<vmem>>
    %dma_start3A_215 = arith.constant 0 : i32
    %dma_start3A_216 = arith.constant 0 : i32
    %dma_start3A_217 = tpu.memref_slice %arg3[%add3A, %dma_start3A_201, %dma_start3A_215, %dma_start3A_216] : memref<32x80x2x125xi32, #tpu.memory_space<hbm>> -> memref<1x1x2x125xi32, #tpu.memory_space<hbm>>
    %dma_start3A_218 = tpu.memref_squeeze %dma_start3A_217 : memref<1x1x2x125xi32, #tpu.memory_space<hbm>> -> memref<2x125xi32, #tpu.memory_space<hbm>>
    tpu.enqueue_dma source(%dma_start3A_218 : memref<2x125xi32, #tpu.memory_space<hbm>>) target(%dma_start3A_214 : memref<2x125xi32, #tpu.memory_space<vmem>>) target_semaphore(%arg9 : memref<!tpu.dma_semaphore, #tpu.memory_space<semaphore_mem>>)
    %dma_start3A_219 = arith.constant 2 : i32
    %dma_start3A_220 = arith.constant 0 : i32
    %dma_start3A_221 = arith.constant 0 : i32
    %dma_start3A_222 = arith.constant 0 : i32
    %dma_start3A_223 = arith.constant 0 : i32
    %dma_start3A_224 = tpu.memref_slice %arg7[%dma_start3A_221, %dma_start3A_222, %dma_start3A_223] : memref<2x125x128xf32, #tpu.memory_space<vmem>> -> memref<1x125x128xf32, #tpu.memory_space<vmem>>
    %dma_start3A_225 = tpu.memref_squeeze %dma_start3A_224 : memref<1x125x128xf32, #tpu.memory_space<vmem>> -> memref<125x128xf32, #tpu.memory_space<vmem>>
    %dma_start3A_226 = arith.constant 0 : i32
    %dma_start3A_227 = tpu.memref_slice %arg6[%dma_start3A_219, %dma_start3A_220, %dma_start3A_226] : memref<4x2x125xi32, #tpu.memory_space<vmem>> -> memref<1x1x125xi32, #tpu.memory_space<vmem>>
    %dma_start3A_228 = tpu.memref_squeeze %dma_start3A_227 : memref<1x1x125xi32, #tpu.memory_space<vmem>> -> memref<125xi32, #tpu.memory_space<vmem>>
    %dma_start3A_229 = arith.constant 0 : i32
    %dma_start3A_230 = arith.constant 0 : i32
    %dma_start3A_231 = tpu.memref_slice %arg2[%dma_start3A_229, %dma_start3A_230] : memref<10000x128xf32, #tpu.memory_space<hbm>> -> memref<10000x128xf32, #tpu.memory_space<hbm>>
    tpu.enqueue_indirect_dma source(%dma_start3A_231 : memref<10000x128xf32, #tpu.memory_space<hbm>>) target(%dma_start3A_225 : memref<125x128xf32, #tpu.memory_space<vmem>>) offsets(%dma_start3A_228 : memref<125xi32, #tpu.memory_space<vmem>>) semaphore(%arg13 : memref<!tpu.dma_semaphore, #tpu.memory_space<semaphore_mem>>)
    %dma_wait3A_232 = arith.constant 1 : i32
    %dma_wait3A_233 = arith.constant 0 : i32
    %dma_wait3A_234 = arith.constant 1 : i32
    %dma_wait3A_235 = arith.constant 0 : i32
    %dma_wait3A_236 = arith.constant 0 : i32
    %dma_wait3A_237 = tpu.memref_slice %arg7[%dma_wait3A_234, %dma_wait3A_235, %dma_wait3A_236] : memref<2x125x128xf32, #tpu.memory_space<vmem>> -> memref<1x125x128xf32, #tpu.memory_space<vmem>>
    %dma_wait3A_238 = tpu.memref_squeeze %dma_wait3A_237 : memref<1x125x128xf32, #tpu.memory_space<vmem>> -> memref<125x128xf32, #tpu.memory_space<vmem>>
    %dma_wait3A_239 = arith.constant 0 : i32
    %dma_wait3A_240 = tpu.memref_slice %arg6[%dma_wait3A_232, %dma_wait3A_233, %dma_wait3A_239] : memref<4x2x125xi32, #tpu.memory_space<vmem>> -> memref<1x1x125xi32, #tpu.memory_space<vmem>>
    %dma_wait3A_241 = tpu.memref_squeeze %dma_wait3A_240 : memref<1x1x125xi32, #tpu.memory_space<vmem>> -> memref<125xi32, #tpu.memory_space<vmem>>
    %dma_wait3A_242 = arith.constant 0 : i32
    %dma_wait3A_243 = arith.constant 0 : i32
    %dma_wait3A_244 = tpu.memref_slice %arg2[%dma_wait3A_242, %dma_wait3A_243] : memref<10000x128xf32, #tpu.memory_space<hbm>> -> memref<10000x128xf32, #tpu.memory_space<hbm>>
    tpu.wait_indirect_dma semaphore(%arg14 : memref<!tpu.dma_semaphore, #tpu.memory_space<semaphore_mem>>) src(%dma_wait3A_244 : memref<10000x128xf32, #tpu.memory_space<hbm>>) dst(%dma_wait3A_238 : memref<125x128xf32, #tpu.memory_space<vmem>>)
    %dma_start3A_245 = arith.constant 1 : i32
    %dma_start3A_246 = arith.constant 1 : i32
    %dma_start3A_247 = arith.constant 1 : i32
    %dma_start3A_248 = arith.constant 0 : i32
    %dma_start3A_249 = arith.constant 0 : i32
    %dma_start3A_250 = tpu.memref_slice %arg7[%dma_start3A_245, %dma_start3A_248, %dma_start3A_249] : memref<2x125x128xf32, #tpu.memory_space<vmem>> -> memref<1x125x128xf32, #tpu.memory_space<vmem>>
    %dma_start3A_251 = tpu.memref_squeeze %dma_start3A_250 : memref<1x125x128xf32, #tpu.memory_space<vmem>> -> memref<125x128xf32, #tpu.memory_space<vmem>>
    %dma_start3A_252 = arith.constant 0 : i32
    %dma_start3A_253 = tpu.memref_slice %arg6[%dma_start3A_246, %dma_start3A_247, %dma_start3A_252] : memref<4x2x125xi32, #tpu.memory_space<vmem>> -> memref<1x1x125xi32, #tpu.memory_space<vmem>>
    %dma_start3A_254 = tpu.memref_squeeze %dma_start3A_253 : memref<1x1x125xi32, #tpu.memory_space<vmem>> -> memref<125xi32, #tpu.memory_space<vmem>>
    %dma_start3A_255 = arith.constant 0 : i32
    %dma_start3A_256 = arith.constant 0 : i32
    %dma_start3A_257 = tpu.memref_slice %arg8[%dma_start3A_255, %dma_start3A_256] : memref<10000x128xf32, #tpu.memory_space<vmem_shared>> -> memref<10000x128xf32, #tpu.memory_space<vmem_shared>>
    tpu.enqueue_indirect_dma source(%dma_start3A_251 : memref<125x128xf32, #tpu.memory_space<vmem>>) target(%dma_start3A_257 : memref<10000x128xf32, #tpu.memory_space<vmem_shared>>) offsets(%dma_start3A_254 : memref<125xi32, #tpu.memory_space<vmem>>) semaphore(%arg16 : memref<!tpu.dma_semaphore, #tpu.memory_space<semaphore_mem>>) {add = true}
    %dma_wait3A_258 = arith.constant 0 : i32
    %dma_wait3A_259 = arith.constant 3 : i32
    %dma_wait3A_260 = arith.constant 0 : i32
    %dma_wait3A_261 = arith.constant 0 : i32
    %dma_wait3A_262 = tpu.memref_slice %arg6[%dma_wait3A_259, %dma_wait3A_260, %dma_wait3A_261] : memref<4x2x125xi32, #tpu.memory_space<vmem>> -> memref<1x2x125xi32, #tpu.memory_space<vmem>>
    %dma_wait3A_263 = tpu.memref_squeeze %dma_wait3A_262 : memref<1x2x125xi32, #tpu.memory_space<vmem>> -> memref<2x125xi32, #tpu.memory_space<vmem>>
    %dma_wait3A_264 = arith.constant 0 : i32
    %dma_wait3A_265 = arith.constant 0 : i32
    %dma_wait3A_266 = tpu.memref_slice %arg3[%add3A, %dma_wait3A_258, %dma_wait3A_264, %dma_wait3A_265] : memref<32x80x2x125xi32, #tpu.memory_space<hbm>> -> memref<1x1x2x125xi32, #tpu.memory_space<hbm>>
    %dma_wait3A_267 = tpu.memref_squeeze %dma_wait3A_266 : memref<1x1x2x125xi32, #tpu.memory_space<hbm>> -> memref<2x125xi32, #tpu.memory_space<hbm>>
    %dma_wait3A_268 = arith.constant 0 : i32
    %dma_wait3A_269 = arith.constant 0 : i32
    %dma_wait3A_270 = tpu.memref_slice %arg6[%dma_wait3A_259, %dma_wait3A_268, %dma_wait3A_269] : memref<4x2x125xi32, #tpu.memory_space<vmem>> -> memref<1x2x125xi32, #tpu.memory_space<vmem>>
    %dma_wait3A_271 = tpu.memref_squeeze %dma_wait3A_270 : memref<1x2x125xi32, #tpu.memory_space<vmem>> -> memref<2x125xi32, #tpu.memory_space<vmem>>
    %dma_wait3A_272 = arith.constant 0 : i32
    %dma_wait3A_273 = arith.constant 0 : i32
    %dma_wait3A_274 = tpu.memref_slice %arg3[%add3A, %dma_wait3A_258, %dma_wait3A_272, %dma_wait3A_273] : memref<32x80x2x125xi32, #tpu.memory_space<hbm>> -> memref<1x1x2x125xi32, #tpu.memory_space<hbm>>
    %dma_wait3A_275 = tpu.memref_squeeze %dma_wait3A_274 : memref<1x1x2x125xi32, #tpu.memory_space<hbm>> -> memref<2x125xi32, #tpu.memory_space<hbm>>
    tpu.wait_dma2 semaphore(%arg12 : memref<!tpu.dma_semaphore, #tpu.memory_space<semaphore_mem>>) src(%dma_wait3A_275 : memref<2x125xi32, #tpu.memory_space<hbm>>) dst(%dma_wait3A_271 : memref<2x125xi32, #tpu.memory_space<vmem>>)
    %dma_wait3A_276 = arith.constant 1 : i32
    %dma_wait3A_277 = arith.constant 1 : i32
    %dma_wait3A_278 = arith.constant 1 : i32
    %dma_wait3A_279 = arith.constant 0 : i32
    %dma_wait3A_280 = arith.constant 0 : i32
    %dma_wait3A_281 = tpu.memref_slice %arg7[%dma_wait3A_276, %dma_wait3A_279, %dma_wait3A_280] : memref<2x125x128xf32, #tpu.memory_space<vmem>> -> memref<1x125x128xf32, #tpu.memory_space<vmem>>
    %dma_wait3A_282 = tpu.memref_squeeze %dma_wait3A_281 : memref<1x125x128xf32, #tpu.memory_space<vmem>> -> memref<125x128xf32, #tpu.memory_space<vmem>>
    %dma_wait3A_283 = arith.constant 0 : i32
    %dma_wait3A_284 = tpu.memref_slice %arg6[%dma_wait3A_277, %dma_wait3A_278, %dma_wait3A_283] : memref<4x2x125xi32, #tpu.memory_space<vmem>> -> memref<1x1x125xi32, #tpu.memory_space<vmem>>
    %dma_wait3A_285 = tpu.memref_squeeze %dma_wait3A_284 : memref<1x1x125xi32, #tpu.memory_space<vmem>> -> memref<125xi32, #tpu.memory_space<vmem>>
    %dma_wait3A_286 = arith.constant 0 : i32
    %dma_wait3A_287 = arith.constant 0 : i32
    %dma_wait3A_288 = tpu.memref_slice %arg8[%dma_wait3A_286, %dma_wait3A_287] : memref<10000x128xf32, #tpu.memory_space<vmem_shared>> -> memref<10000x128xf32, #tpu.memory_space<vmem_shared>>
    tpu.wait_indirect_dma semaphore(%arg16 : memref<!tpu.dma_semaphore, #tpu.memory_space<semaphore_mem>>) src(%dma_wait3A_282 : memref<125x128xf32, #tpu.memory_space<vmem>>) dst(%dma_wait3A_288 : memref<10000x128xf32, #tpu.memory_space<vmem_shared>>)
    %dma_start3A_289 = arith.constant 77 : i32
    %dma_start3A_290 = arith.constant 1 : i32
    %dma_start3A_291 = arith.constant 0 : i32
    %dma_start3A_292 = arith.constant 0 : i32
    %dma_start3A_293 = tpu.memref_slice %arg6[%dma_start3A_290, %dma_start3A_291, %dma_start3A_292] : memref<4x2x125xi32, #tpu.memory_space<vmem>> -> memref<1x2x125xi32, #tpu.memory_space<vmem>>
    %dma_start3A_294 = tpu.memref_squeeze %dma_start3A_293 : memref<1x2x125xi32, #tpu.memory_space<vmem>> -> memref<2x125xi32, #tpu.memory_space<vmem>>
    %dma_start3A_295 = arith.constant 0 : i32
    %dma_start3A_296 = arith.constant 0 : i32
    %dma_start3A_297 = tpu.memref_slice %arg3[%add3A, %dma_start3A_289, %dma_start3A_295, %dma_start3A_296] : memref<32x80x2x125xi32, #tpu.memory_space<hbm>> -> memref<1x1x2x125xi32, #tpu.memory_space<hbm>>
    %dma_start3A_298 = tpu.memref_squeeze %dma_start3A_297 : memref<1x1x2x125xi32, #tpu.memory_space<hbm>> -> memref<2x125xi32, #tpu.memory_space<hbm>>
    %dma_start3A_299 = arith.constant 0 : i32
    %dma_start3A_300 = arith.constant 0 : i32
    %dma_start3A_301 = tpu.memref_slice %arg6[%dma_start3A_290, %dma_start3A_299, %dma_start3A_300] : memref<4x2x125xi32, #tpu.memory_space<vmem>> -> memref<1x2x125xi32, #tpu.memory_space<vmem>>
    %dma_start3A_302 = tpu.memref_squeeze %dma_start3A_301 : memref<1x2x125xi32, #tpu.memory_space<vmem>> -> memref<2x125xi32, #tpu.memory_space<vmem>>
    %dma_start3A_303 = arith.constant 0 : i32
    %dma_start3A_304 = arith.constant 0 : i32
    %dma_start3A_305 = tpu.memref_slice %arg3[%add3A, %dma_start3A_289, %dma_start3A_303, %dma_start3A_304] : memref<32x80x2x125xi32, #tpu.memory_space<hbm>> -> memref<1x1x2x125xi32, #tpu.memory_space<hbm>>
    %dma_start3A_306 = tpu.memref_squeeze %dma_start3A_305 : memref<1x1x2x125xi32, #tpu.memory_space<hbm>> -> memref<2x125xi32, #tpu.memory_space<hbm>>
    tpu.enqueue_dma source(%dma_start3A_306 : memref<2x125xi32, #tpu.memory_space<hbm>>) target(%dma_start3A_302 : memref<2x125xi32, #tpu.memory_space<vmem>>) target_semaphore(%arg10 : memref<!tpu.dma_semaphore, #tpu.memory_space<semaphore_mem>>)
    %dma_start3A_307 = arith.constant 3 : i32
    %dma_start3A_308 = arith.constant 0 : i32
    %dma_start3A_309 = arith.constant 1 : i32
    %dma_start3A_310 = arith.constant 0 : i32
    %dma_start3A_311 = arith.constant 0 : i32
    %dma_start3A_312 = tpu.memref_slice %arg7[%dma_start3A_309, %dma_start3A_310, %dma_start3A_311] : memref<2x125x128xf32, #tpu.memory_space<vmem>> -> memref<1x125x128xf32, #tpu.memory_space<vmem>>
    %dma_start3A_313 = tpu.memref_squeeze %dma_start3A_312 : memref<1x125x128xf32, #tpu.memory_space<vmem>> -> memref<125x128xf32, #tpu.memory_space<vmem>>
    %dma_start3A_314 = arith.constant 0 : i32
    %dma_start3A_315 = tpu.memref_slice %arg6[%dma_start3A_307, %dma_start3A_308, %dma_start3A_314] : memref<4x2x125xi32, #tpu.memory_space<vmem>> -> memref<1x1x125xi32, #tpu.memory_space<vmem>>
    %dma_start3A_316 = tpu.memref_squeeze %dma_start3A_315 : memref<1x1x125xi32, #tpu.memory_space<vmem>> -> memref<125xi32, #tpu.memory_space<vmem>>
    %dma_start3A_317 = arith.constant 0 : i32
    %dma_start3A_318 = arith.constant 0 : i32
    %dma_start3A_319 = tpu.memref_slice %arg2[%dma_start3A_317, %dma_start3A_318] : memref<10000x128xf32, #tpu.memory_space<hbm>> -> memref<10000x128xf32, #tpu.memory_space<hbm>>
    tpu.enqueue_indirect_dma source(%dma_start3A_319 : memref<10000x128xf32, #tpu.memory_space<hbm>>) target(%dma_start3A_313 : memref<125x128xf32, #tpu.memory_space<vmem>>) offsets(%dma_start3A_316 : memref<125xi32, #tpu.memory_space<vmem>>) semaphore(%arg14 : memref<!tpu.dma_semaphore, #tpu.memory_space<semaphore_mem>>)
    %dma_wait3A_320 = arith.constant 2 : i32
    %dma_wait3A_321 = arith.constant 0 : i32
    %dma_wait3A_322 = arith.constant 0 : i32
    %dma_wait3A_323 = arith.constant 0 : i32
    %dma_wait3A_324 = arith.constant 0 : i32
    %dma_wait3A_325 = tpu.memref_slice %arg7[%dma_wait3A_322, %dma_wait3A_323, %dma_wait3A_324] : memref<2x125x128xf32, #tpu.memory_space<vmem>> -> memref<1x125x128xf32, #tpu.memory_space<vmem>>
    %dma_wait3A_326 = tpu.memref_squeeze %dma_wait3A_325 : memref<1x125x128xf32, #tpu.memory_space<vmem>> -> memref<125x128xf32, #tpu.memory_space<vmem>>
    %dma_wait3A_327 = arith.constant 0 : i32
    %dma_wait3A_328 = tpu.memref_slice %arg6[%dma_wait3A_320, %dma_wait3A_321, %dma_wait3A_327] : memref<4x2x125xi32, #tpu.memory_space<vmem>> -> memref<1x1x125xi32, #tpu.memory_space<vmem>>
    %dma_wait3A_329 = tpu.memref_squeeze %dma_wait3A_328 : memref<1x1x125xi32, #tpu.memory_space<vmem>> -> memref<125xi32, #tpu.memory_space<vmem>>
    %dma_wait3A_330 = arith.constant 0 : i32
    %dma_wait3A_331 = arith.constant 0 : i32
    %dma_wait3A_332 = tpu.memref_slice %arg2[%dma_wait3A_330, %dma_wait3A_331] : memref<10000x128xf32, #tpu.memory_space<hbm>> -> memref<10000x128xf32, #tpu.memory_space<hbm>>
    tpu.wait_indirect_dma semaphore(%arg13 : memref<!tpu.dma_semaphore, #tpu.memory_space<semaphore_mem>>) src(%dma_wait3A_332 : memref<10000x128xf32, #tpu.memory_space<hbm>>) dst(%dma_wait3A_326 : memref<125x128xf32, #tpu.memory_space<vmem>>)
    %dma_start3A_333 = arith.constant 0 : i32
    %dma_start3A_334 = arith.constant 2 : i32
    %dma_start3A_335 = arith.constant 1 : i32
    %dma_start3A_336 = arith.constant 0 : i32
    %dma_start3A_337 = arith.constant 0 : i32
    %dma_start3A_338 = tpu.memref_slice %arg7[%dma_start3A_333, %dma_start3A_336, %dma_start3A_337] : memref<2x125x128xf32, #tpu.memory_space<vmem>> -> memref<1x125x128xf32, #tpu.memory_space<vmem>>
    %dma_start3A_339 = tpu.memref_squeeze %dma_start3A_338 : memref<1x125x128xf32, #tpu.memory_space<vmem>> -> memref<125x128xf32, #tpu.memory_space<vmem>>
    %dma_start3A_340 = arith.constant 0 : i32
    %dma_start3A_341 = tpu.memref_slice %arg6[%dma_start3A_334, %dma_start3A_335, %dma_start3A_340] : memref<4x2x125xi32, #tpu.memory_space<vmem>> -> memref<1x1x125xi32, #tpu.memory_space<vmem>>
    %dma_start3A_342 = tpu.memref_squeeze %dma_start3A_341 : memref<1x1x125xi32, #tpu.memory_space<vmem>> -> memref<125xi32, #tpu.memory_space<vmem>>
    %dma_start3A_343 = arith.constant 0 : i32
    %dma_start3A_344 = arith.constant 0 : i32
    %dma_start3A_345 = tpu.memref_slice %arg8[%dma_start3A_343, %dma_start3A_344] : memref<10000x128xf32, #tpu.memory_space<vmem_shared>> -> memref<10000x128xf32, #tpu.memory_space<vmem_shared>>
    tpu.enqueue_indirect_dma source(%dma_start3A_339 : memref<125x128xf32, #tpu.memory_space<vmem>>) target(%dma_start3A_345 : memref<10000x128xf32, #tpu.memory_space<vmem_shared>>) offsets(%dma_start3A_342 : memref<125xi32, #tpu.memory_space<vmem>>) semaphore(%arg15 : memref<!tpu.dma_semaphore, #tpu.memory_space<semaphore_mem>>) {add = true}
    %dma_wait3A_346 = arith.constant 0 : i32
    %dma_wait3A_347 = arith.constant 0 : i32
    %dma_wait3A_348 = arith.constant 0 : i32
    %dma_wait3A_349 = arith.constant 0 : i32
    %dma_wait3A_350 = tpu.memref_slice %arg6[%dma_wait3A_347, %dma_wait3A_348, %dma_wait3A_349] : memref<4x2x125xi32, #tpu.memory_space<vmem>> -> memref<1x2x125xi32, #tpu.memory_space<vmem>>
    %dma_wait3A_351 = tpu.memref_squeeze %dma_wait3A_350 : memref<1x2x125xi32, #tpu.memory_space<vmem>> -> memref<2x125xi32, #tpu.memory_space<vmem>>
    %dma_wait3A_352 = arith.constant 0 : i32
    %dma_wait3A_353 = arith.constant 0 : i32
    %dma_wait3A_354 = tpu.memref_slice %arg3[%add3A, %dma_wait3A_346, %dma_wait3A_352, %dma_wait3A_353] : memref<32x80x2x125xi32, #tpu.memory_space<hbm>> -> memref<1x1x2x125xi32, #tpu.memory_space<hbm>>
    %dma_wait3A_355 = tpu.memref_squeeze %dma_wait3A_354 : memref<1x1x2x125xi32, #tpu.memory_space<hbm>> -> memref<2x125xi32, #tpu.memory_space<hbm>>
    %dma_wait3A_356 = arith.constant 0 : i32
    %dma_wait3A_357 = arith.constant 0 : i32
    %dma_wait3A_358 = tpu.memref_slice %arg6[%dma_wait3A_347, %dma_wait3A_356, %dma_wait3A_357] : memref<4x2x125xi32, #tpu.memory_space<vmem>> -> memref<1x2x125xi32, #tpu.memory_space<vmem>>
    %dma_wait3A_359 = tpu.memref_squeeze %dma_wait3A_358 : memref<1x2x125xi32, #tpu.memory_space<vmem>> -> memref<2x125xi32, #tpu.memory_space<vmem>>
    %dma_wait3A_360 = arith.constant 0 : i32
    %dma_wait3A_361 = arith.constant 0 : i32
    %dma_wait3A_362 = tpu.memref_slice %arg3[%add3A, %dma_wait3A_346, %dma_wait3A_360, %dma_wait3A_361] : memref<32x80x2x125xi32, #tpu.memory_space<hbm>> -> memref<1x1x2x125xi32, #tpu.memory_space<hbm>>
    %dma_wait3A_363 = tpu.memref_squeeze %dma_wait3A_362 : memref<1x1x2x125xi32, #tpu.memory_space<hbm>> -> memref<2x125xi32, #tpu.memory_space<hbm>>
    tpu.wait_dma2 semaphore(%arg9 : memref<!tpu.dma_semaphore, #tpu.memory_space<semaphore_mem>>) src(%dma_wait3A_363 : memref<2x125xi32, #tpu.memory_space<hbm>>) dst(%dma_wait3A_359 : memref<2x125xi32, #tpu.memory_space<vmem>>)
    %dma_wait3A_364 = arith.constant 0 : i32
    %dma_wait3A_365 = arith.constant 2 : i32
    %dma_wait3A_366 = arith.constant 1 : i32
    %dma_wait3A_367 = arith.constant 0 : i32
    %dma_wait3A_368 = arith.constant 0 : i32
    %dma_wait3A_369 = tpu.memref_slice %arg7[%dma_wait3A_364, %dma_wait3A_367, %dma_wait3A_368] : memref<2x125x128xf32, #tpu.memory_space<vmem>> -> memref<1x125x128xf32, #tpu.memory_space<vmem>>
    %dma_wait3A_370 = tpu.memref_squeeze %dma_wait3A_369 : memref<1x125x128xf32, #tpu.memory_space<vmem>> -> memref<125x128xf32, #tpu.memory_space<vmem>>
    %dma_wait3A_371 = arith.constant 0 : i32
    %dma_wait3A_372 = tpu.memref_slice %arg6[%dma_wait3A_365, %dma_wait3A_366, %dma_wait3A_371] : memref<4x2x125xi32, #tpu.memory_space<vmem>> -> memref<1x1x125xi32, #tpu.memory_space<vmem>>
    %dma_wait3A_373 = tpu.memref_squeeze %dma_wait3A_372 : memref<1x1x125xi32, #tpu.memory_space<vmem>> -> memref<125xi32, #tpu.memory_space<vmem>>
    %dma_wait3A_374 = arith.constant 0 : i32
    %dma_wait3A_375 = arith.constant 0 : i32
    %dma_wait3A_376 = tpu.memref_slice %arg8[%dma_wait3A_374, %dma_wait3A_375] : memref<10000x128xf32, #tpu.memory_space<vmem_shared>> -> memref<10000x128xf32, #tpu.memory_space<vmem_shared>>
    tpu.wait_indirect_dma semaphore(%arg15 : memref<!tpu.dma_semaphore, #tpu.memory_space<semaphore_mem>>) src(%dma_wait3A_370 : memref<125x128xf32, #tpu.memory_space<vmem>>) dst(%dma_wait3A_376 : memref<10000x128xf32, #tpu.memory_space<vmem_shared>>)
    %dma_start3A_377 = arith.constant 78 : i32
    %dma_start3A_378 = arith.constant 2 : i32
    %dma_start3A_379 = arith.constant 0 : i32
    %dma_start3A_380 = arith.constant 0 : i32
    %dma_start3A_381 = tpu.memref_slice %arg6[%dma_start3A_378, %dma_start3A_379, %dma_start3A_380] : memref<4x2x125xi32, #tpu.memory_space<vmem>> -> memref<1x2x125xi32, #tpu.memory_space<vmem>>
    %dma_start3A_382 = tpu.memref_squeeze %dma_start3A_381 : memref<1x2x125xi32, #tpu.memory_space<vmem>> -> memref<2x125xi32, #tpu.memory_space<vmem>>
    %dma_start3A_383 = arith.constant 0 : i32
    %dma_start3A_384 = arith.constant 0 : i32
    %dma_start3A_385 = tpu.memref_slice %arg3[%add3A, %dma_start3A_377, %dma_start3A_383, %dma_start3A_384] : memref<32x80x2x125xi32, #tpu.memory_space<hbm>> -> memref<1x1x2x125xi32, #tpu.memory_space<hbm>>
    %dma_start3A_386 = tpu.memref_squeeze %dma_start3A_385 : memref<1x1x2x125xi32, #tpu.memory_space<hbm>> -> memref<2x125xi32, #tpu.memory_space<hbm>>
    %dma_start3A_387 = arith.constant 0 : i32
    %dma_start3A_388 = arith.constant 0 : i32
    %dma_start3A_389 = tpu.memref_slice %arg6[%dma_start3A_378, %dma_start3A_387, %dma_start3A_388] : memref<4x2x125xi32, #tpu.memory_space<vmem>> -> memref<1x2x125xi32, #tpu.memory_space<vmem>>
    %dma_start3A_390 = tpu.memref_squeeze %dma_start3A_389 : memref<1x2x125xi32, #tpu.memory_space<vmem>> -> memref<2x125xi32, #tpu.memory_space<vmem>>
    %dma_start3A_391 = arith.constant 0 : i32
    %dma_start3A_392 = arith.constant 0 : i32
    %dma_start3A_393 = tpu.memref_slice %arg3[%add3A, %dma_start3A_377, %dma_start3A_391, %dma_start3A_392] : memref<32x80x2x125xi32, #tpu.memory_space<hbm>> -> memref<1x1x2x125xi32, #tpu.memory_space<hbm>>
    %dma_start3A_394 = tpu.memref_squeeze %dma_start3A_393 : memref<1x1x2x125xi32, #tpu.memory_space<hbm>> -> memref<2x125xi32, #tpu.memory_space<hbm>>
    tpu.enqueue_dma source(%dma_start3A_394 : memref<2x125xi32, #tpu.memory_space<hbm>>) target(%dma_start3A_390 : memref<2x125xi32, #tpu.memory_space<vmem>>) target_semaphore(%arg11 : memref<!tpu.dma_semaphore, #tpu.memory_space<semaphore_mem>>)
    %dma_start3A_395 = arith.constant 0 : i32
    %dma_start3A_396 = arith.constant 0 : i32
    %dma_start3A_397 = arith.constant 0 : i32
    %dma_start3A_398 = arith.constant 0 : i32
    %dma_start3A_399 = arith.constant 0 : i32
    %dma_start3A_400 = tpu.memref_slice %arg7[%dma_start3A_397, %dma_start3A_398, %dma_start3A_399] : memref<2x125x128xf32, #tpu.memory_space<vmem>> -> memref<1x125x128xf32, #tpu.memory_space<vmem>>
    %dma_start3A_401 = tpu.memref_squeeze %dma_start3A_400 : memref<1x125x128xf32, #tpu.memory_space<vmem>> -> memref<125x128xf32, #tpu.memory_space<vmem>>
    %dma_start3A_402 = arith.constant 0 : i32
    %dma_start3A_403 = tpu.memref_slice %arg6[%dma_start3A_395, %dma_start3A_396, %dma_start3A_402] : memref<4x2x125xi32, #tpu.memory_space<vmem>> -> memref<1x1x125xi32, #tpu.memory_space<vmem>>
    %dma_start3A_404 = tpu.memref_squeeze %dma_start3A_403 : memref<1x1x125xi32, #tpu.memory_space<vmem>> -> memref<125xi32, #tpu.memory_space<vmem>>
    %dma_start3A_405 = arith.constant 0 : i32
    %dma_start3A_406 = arith.constant 0 : i32
    %dma_start3A_407 = tpu.memref_slice %arg2[%dma_start3A_405, %dma_start3A_406] : memref<10000x128xf32, #tpu.memory_space<hbm>> -> memref<10000x128xf32, #tpu.memory_space<hbm>>
    tpu.enqueue_indirect_dma source(%dma_start3A_407 : memref<10000x128xf32, #tpu.memory_space<hbm>>) target(%dma_start3A_401 : memref<125x128xf32, #tpu.memory_space<vmem>>) offsets(%dma_start3A_404 : memref<125xi32, #tpu.memory_space<vmem>>) semaphore(%arg13 : memref<!tpu.dma_semaphore, #tpu.memory_space<semaphore_mem>>)
    %dma_wait3A_408 = arith.constant 3 : i32
    %dma_wait3A_409 = arith.constant 0 : i32
    %dma_wait3A_410 = arith.constant 1 : i32
    %dma_wait3A_411 = arith.constant 0 : i32
    %dma_wait3A_412 = arith.constant 0 : i32
    %dma_wait3A_413 = tpu.memref_slice %arg7[%dma_wait3A_410, %dma_wait3A_411, %dma_wait3A_412] : memref<2x125x128xf32, #tpu.memory_space<vmem>> -> memref<1x125x128xf32, #tpu.memory_space<vmem>>
    %dma_wait3A_414 = tpu.memref_squeeze %dma_wait3A_413 : memref<1x125x128xf32, #tpu.memory_space<vmem>> -> memref<125x128xf32, #tpu.memory_space<vmem>>
    %dma_wait3A_415 = arith.constant 0 : i32
    %dma_wait3A_416 = tpu.memref_slice %arg6[%dma_wait3A_408, %dma_wait3A_409, %dma_wait3A_415] : memref<4x2x125xi32, #tpu.memory_space<vmem>> -> memref<1x1x125xi32, #tpu.memory_space<vmem>>
    %dma_wait3A_417 = tpu.memref_squeeze %dma_wait3A_416 : memref<1x1x125xi32, #tpu.memory_space<vmem>> -> memref<125xi32, #tpu.memory_space<vmem>>
    %dma_wait3A_418 = arith.constant 0 : i32
    %dma_wait3A_419 = arith.constant 0 : i32
    %dma_wait3A_420 = tpu.memref_slice %arg2[%dma_wait3A_418, %dma_wait3A_419] : memref<10000x128xf32, #tpu.memory_space<hbm>> -> memref<10000x128xf32, #tpu.memory_space<hbm>>
    tpu.wait_indirect_dma semaphore(%arg14 : memref<!tpu.dma_semaphore, #tpu.memory_space<semaphore_mem>>) src(%dma_wait3A_420 : memref<10000x128xf32, #tpu.memory_space<hbm>>) dst(%dma_wait3A_414 : memref<125x128xf32, #tpu.memory_space<vmem>>)
    %dma_start3A_421 = arith.constant 1 : i32
    %dma_start3A_422 = arith.constant 3 : i32
    %dma_start3A_423 = arith.constant 1 : i32
    %dma_start3A_424 = arith.constant 0 : i32
    %dma_start3A_425 = arith.constant 0 : i32
    %dma_start3A_426 = tpu.memref_slice %arg7[%dma_start3A_421, %dma_start3A_424, %dma_start3A_425] : memref<2x125x128xf32, #tpu.memory_space<vmem>> -> memref<1x125x128xf32, #tpu.memory_space<vmem>>
    %dma_start3A_427 = tpu.memref_squeeze %dma_start3A_426 : memref<1x125x128xf32, #tpu.memory_space<vmem>> -> memref<125x128xf32, #tpu.memory_space<vmem>>
    %dma_start3A_428 = arith.constant 0 : i32
    %dma_start3A_429 = tpu.memref_slice %arg6[%dma_start3A_422, %dma_start3A_423, %dma_start3A_428] : memref<4x2x125xi32, #tpu.memory_space<vmem>> -> memref<1x1x125xi32, #tpu.memory_space<vmem>>
    %dma_start3A_430 = tpu.memref_squeeze %dma_start3A_429 : memref<1x1x125xi32, #tpu.memory_space<vmem>> -> memref<125xi32, #tpu.memory_space<vmem>>
    %dma_start3A_431 = arith.constant 0 : i32
    %dma_start3A_432 = arith.constant 0 : i32
    %dma_start3A_433 = tpu.memref_slice %arg8[%dma_start3A_431, %dma_start3A_432] : memref<10000x128xf32, #tpu.memory_space<vmem_shared>> -> memref<10000x128xf32, #tpu.memory_space<vmem_shared>>
    tpu.enqueue_indirect_dma source(%dma_start3A_427 : memref<125x128xf32, #tpu.memory_space<vmem>>) target(%dma_start3A_433 : memref<10000x128xf32, #tpu.memory_space<vmem_shared>>) offsets(%dma_start3A_430 : memref<125xi32, #tpu.memory_space<vmem>>) semaphore(%arg16 : memref<!tpu.dma_semaphore, #tpu.memory_space<semaphore_mem>>) {add = true}
    %dma_wait3A_434 = arith.constant 0 : i32
    %dma_wait3A_435 = arith.constant 1 : i32
    %dma_wait3A_436 = arith.constant 0 : i32
    %dma_wait3A_437 = arith.constant 0 : i32
    %dma_wait3A_438 = tpu.memref_slice %arg6[%dma_wait3A_435, %dma_wait3A_436, %dma_wait3A_437] : memref<4x2x125xi32, #tpu.memory_space<vmem>> -> memref<1x2x125xi32, #tpu.memory_space<vmem>>
    %dma_wait3A_439 = tpu.memref_squeeze %dma_wait3A_438 : memref<1x2x125xi32, #tpu.memory_space<vmem>> -> memref<2x125xi32, #tpu.memory_space<vmem>>
    %dma_wait3A_440 = arith.constant 0 : i32
    %dma_wait3A_441 = arith.constant 0 : i32
    %dma_wait3A_442 = tpu.memref_slice %arg3[%add3A, %dma_wait3A_434, %dma_wait3A_440, %dma_wait3A_441] : memref<32x80x2x125xi32, #tpu.memory_space<hbm>> -> memref<1x1x2x125xi32, #tpu.memory_space<hbm>>
    %dma_wait3A_443 = tpu.memref_squeeze %dma_wait3A_442 : memref<1x1x2x125xi32, #tpu.memory_space<hbm>> -> memref<2x125xi32, #tpu.memory_space<hbm>>
    %dma_wait3A_444 = arith.constant 0 : i32
    %dma_wait3A_445 = arith.constant 0 : i32
    %dma_wait3A_446 = tpu.memref_slice %arg6[%dma_wait3A_435, %dma_wait3A_444, %dma_wait3A_445] : memref<4x2x125xi32, #tpu.memory_space<vmem>> -> memref<1x2x125xi32, #tpu.memory_space<vmem>>
    %dma_wait3A_447 = tpu.memref_squeeze %dma_wait3A_446 : memref<1x2x125xi32, #tpu.memory_space<vmem>> -> memref<2x125xi32, #tpu.memory_space<vmem>>
    %dma_wait3A_448 = arith.constant 0 : i32
    %dma_wait3A_449 = arith.constant 0 : i32
    %dma_wait3A_450 = tpu.memref_slice %arg3[%add3A, %dma_wait3A_434, %dma_wait3A_448, %dma_wait3A_449] : memref<32x80x2x125xi32, #tpu.memory_space<hbm>> -> memref<1x1x2x125xi32, #tpu.memory_space<hbm>>
    %dma_wait3A_451 = tpu.memref_squeeze %dma_wait3A_450 : memref<1x1x2x125xi32, #tpu.memory_space<hbm>> -> memref<2x125xi32, #tpu.memory_space<hbm>>
    tpu.wait_dma2 semaphore(%arg10 : memref<!tpu.dma_semaphore, #tpu.memory_space<semaphore_mem>>) src(%dma_wait3A_451 : memref<2x125xi32, #tpu.memory_space<hbm>>) dst(%dma_wait3A_447 : memref<2x125xi32, #tpu.memory_space<vmem>>)
    %dma_wait3A_452 = arith.constant 1 : i32
    %dma_wait3A_453 = arith.constant 3 : i32
    %dma_wait3A_454 = arith.constant 1 : i32
    %dma_wait3A_455 = arith.constant 0 : i32
    %dma_wait3A_456 = arith.constant 0 : i32
    %dma_wait3A_457 = tpu.memref_slice %arg7[%dma_wait3A_452, %dma_wait3A_455, %dma_wait3A_456] : memref<2x125x128xf32, #tpu.memory_space<vmem>> -> memref<1x125x128xf32, #tpu.memory_space<vmem>>
    %dma_wait3A_458 = tpu.memref_squeeze %dma_wait3A_457 : memref<1x125x128xf32, #tpu.memory_space<vmem>> -> memref<125x128xf32, #tpu.memory_space<vmem>>
    %dma_wait3A_459 = arith.constant 0 : i32
    %dma_wait3A_460 = tpu.memref_slice %arg6[%dma_wait3A_453, %dma_wait3A_454, %dma_wait3A_459] : memref<4x2x125xi32, #tpu.memory_space<vmem>> -> memref<1x1x125xi32, #tpu.memory_space<vmem>>
    %dma_wait3A_461 = tpu.memref_squeeze %dma_wait3A_460 : memref<1x1x125xi32, #tpu.memory_space<vmem>> -> memref<125xi32, #tpu.memory_space<vmem>>
    %dma_wait3A_462 = arith.constant 0 : i32
    %dma_wait3A_463 = arith.constant 0 : i32
    %dma_wait3A_464 = tpu.memref_slice %arg8[%dma_wait3A_462, %dma_wait3A_463] : memref<10000x128xf32, #tpu.memory_space<vmem_shared>> -> memref<10000x128xf32, #tpu.memory_space<vmem_shared>>
    tpu.wait_indirect_dma semaphore(%arg16 : memref<!tpu.dma_semaphore, #tpu.memory_space<semaphore_mem>>) src(%dma_wait3A_458 : memref<125x128xf32, #tpu.memory_space<vmem>>) dst(%dma_wait3A_464 : memref<10000x128xf32, #tpu.memory_space<vmem_shared>>)
    %dma_start3A_465 = arith.constant 79 : i32
    %dma_start3A_466 = arith.constant 3 : i32
    %dma_start3A_467 = arith.constant 0 : i32
    %dma_start3A_468 = arith.constant 0 : i32
    %dma_start3A_469 = tpu.memref_slice %arg6[%dma_start3A_466, %dma_start3A_467, %dma_start3A_468] : memref<4x2x125xi32, #tpu.memory_space<vmem>> -> memref<1x2x125xi32, #tpu.memory_space<vmem>>
    %dma_start3A_470 = tpu.memref_squeeze %dma_start3A_469 : memref<1x2x125xi32, #tpu.memory_space<vmem>> -> memref<2x125xi32, #tpu.memory_space<vmem>>
    %dma_start3A_471 = arith.constant 0 : i32
    %dma_start3A_472 = arith.constant 0 : i32
    %dma_start3A_473 = tpu.memref_slice %arg3[%add3A, %dma_start3A_465, %dma_start3A_471, %dma_start3A_472] : memref<32x80x2x125xi32, #tpu.memory_space<hbm>> -> memref<1x1x2x125xi32, #tpu.memory_space<hbm>>
    %dma_start3A_474 = tpu.memref_squeeze %dma_start3A_473 : memref<1x1x2x125xi32, #tpu.memory_space<hbm>> -> memref<2x125xi32, #tpu.memory_space<hbm>>
    %dma_start3A_475 = arith.constant 0 : i32
    %dma_start3A_476 = arith.constant 0 : i32
    %dma_start3A_477 = tpu.memref_slice %arg6[%dma_start3A_466, %dma_start3A_475, %dma_start3A_476] : memref<4x2x125xi32, #tpu.memory_space<vmem>> -> memref<1x2x125xi32, #tpu.memory_space<vmem>>
    %dma_start3A_478 = tpu.memref_squeeze %dma_start3A_477 : memref<1x2x125xi32, #tpu.memory_space<vmem>> -> memref<2x125xi32, #tpu.memory_space<vmem>>
    %dma_start3A_479 = arith.constant 0 : i32
    %dma_start3A_480 = arith.constant 0 : i32
    %dma_start3A_481 = tpu.memref_slice %arg3[%add3A, %dma_start3A_465, %dma_start3A_479, %dma_start3A_480] : memref<32x80x2x125xi32, #tpu.memory_space<hbm>> -> memref<1x1x2x125xi32, #tpu.memory_space<hbm>>
    %dma_start3A_482 = tpu.memref_squeeze %dma_start3A_481 : memref<1x1x2x125xi32, #tpu.memory_space<hbm>> -> memref<2x125xi32, #tpu.memory_space<hbm>>
    tpu.enqueue_dma source(%dma_start3A_482 : memref<2x125xi32, #tpu.memory_space<hbm>>) target(%dma_start3A_478 : memref<2x125xi32, #tpu.memory_space<vmem>>) target_semaphore(%arg12 : memref<!tpu.dma_semaphore, #tpu.memory_space<semaphore_mem>>)
    %dma_start3A_483 = arith.constant 1 : i32
    %dma_start3A_484 = arith.constant 0 : i32
    %dma_start3A_485 = arith.constant 1 : i32
    %dma_start3A_486 = arith.constant 0 : i32
    %dma_start3A_487 = arith.constant 0 : i32
    %dma_start3A_488 = tpu.memref_slice %arg7[%dma_start3A_485, %dma_start3A_486, %dma_start3A_487] : memref<2x125x128xf32, #tpu.memory_space<vmem>> -> memref<1x125x128xf32, #tpu.memory_space<vmem>>
    %dma_start3A_489 = tpu.memref_squeeze %dma_start3A_488 : memref<1x125x128xf32, #tpu.memory_space<vmem>> -> memref<125x128xf32, #tpu.memory_space<vmem>>
    %dma_start3A_490 = arith.constant 0 : i32
    %dma_start3A_491 = tpu.memref_slice %arg6[%dma_start3A_483, %dma_start3A_484, %dma_start3A_490] : memref<4x2x125xi32, #tpu.memory_space<vmem>> -> memref<1x1x125xi32, #tpu.memory_space<vmem>>
    %dma_start3A_492 = tpu.memref_squeeze %dma_start3A_491 : memref<1x1x125xi32, #tpu.memory_space<vmem>> -> memref<125xi32, #tpu.memory_space<vmem>>
    %dma_start3A_493 = arith.constant 0 : i32
    %dma_start3A_494 = arith.constant 0 : i32
    %dma_start3A_495 = tpu.memref_slice %arg2[%dma_start3A_493, %dma_start3A_494] : memref<10000x128xf32, #tpu.memory_space<hbm>> -> memref<10000x128xf32, #tpu.memory_space<hbm>>
    tpu.enqueue_indirect_dma source(%dma_start3A_495 : memref<10000x128xf32, #tpu.memory_space<hbm>>) target(%dma_start3A_489 : memref<125x128xf32, #tpu.memory_space<vmem>>) offsets(%dma_start3A_492 : memref<125xi32, #tpu.memory_space<vmem>>) semaphore(%arg14 : memref<!tpu.dma_semaphore, #tpu.memory_space<semaphore_mem>>)
    %dma_wait3A_496 = arith.constant 0 : i32
    %dma_wait3A_497 = arith.constant 0 : i32
    %dma_wait3A_498 = arith.constant 0 : i32
    %dma_wait3A_499 = arith.constant 0 : i32
    %dma_wait3A_500 = arith.constant 0 : i32
    %dma_wait3A_501 = tpu.memref_slice %arg7[%dma_wait3A_498, %dma_wait3A_499, %dma_wait3A_500] : memref<2x125x128xf32, #tpu.memory_space<vmem>> -> memref<1x125x128xf32, #tpu.memory_space<vmem>>
    %dma_wait3A_502 = tpu.memref_squeeze %dma_wait3A_501 : memref<1x125x128xf32, #tpu.memory_space<vmem>> -> memref<125x128xf32, #tpu.memory_space<vmem>>
    %dma_wait3A_503 = arith.constant 0 : i32
    %dma_wait3A_504 = tpu.memref_slice %arg6[%dma_wait3A_496, %dma_wait3A_497, %dma_wait3A_503] : memref<4x2x125xi32, #tpu.memory_space<vmem>> -> memref<1x1x125xi32, #tpu.memory_space<vmem>>
    %dma_wait3A_505 = tpu.memref_squeeze %dma_wait3A_504 : memref<1x1x125xi32, #tpu.memory_space<vmem>> -> memref<125xi32, #tpu.memory_space<vmem>>
    %dma_wait3A_506 = arith.constant 0 : i32
    %dma_wait3A_507 = arith.constant 0 : i32
    %dma_wait3A_508 = tpu.memref_slice %arg2[%dma_wait3A_506, %dma_wait3A_507] : memref<10000x128xf32, #tpu.memory_space<hbm>> -> memref<10000x128xf32, #tpu.memory_space<hbm>>
    tpu.wait_indirect_dma semaphore(%arg13 : memref<!tpu.dma_semaphore, #tpu.memory_space<semaphore_mem>>) src(%dma_wait3A_508 : memref<10000x128xf32, #tpu.memory_space<hbm>>) dst(%dma_wait3A_502 : memref<125x128xf32, #tpu.memory_space<vmem>>)
    %dma_start3A_509 = arith.constant 0 : i32
    %dma_start3A_510 = arith.constant 0 : i32
    %dma_start3A_511 = arith.constant 1 : i32
    %dma_start3A_512 = arith.constant 0 : i32
    %dma_start3A_513 = arith.constant 0 : i32
    %dma_start3A_514 = tpu.memref_slice %arg7[%dma_start3A_509, %dma_start3A_512, %dma_start3A_513] : memref<2x125x128xf32, #tpu.memory_space<vmem>> -> memref<1x125x128xf32, #tpu.memory_space<vmem>>
    %dma_start3A_515 = tpu.memref_squeeze %dma_start3A_514 : memref<1x125x128xf32, #tpu.memory_space<vmem>> -> memref<125x128xf32, #tpu.memory_space<vmem>>
    %dma_start3A_516 = arith.constant 0 : i32
    %dma_start3A_517 = tpu.memref_slice %arg6[%dma_start3A_510, %dma_start3A_511, %dma_start3A_516] : memref<4x2x125xi32, #tpu.memory_space<vmem>> -> memref<1x1x125xi32, #tpu.memory_space<vmem>>
    %dma_start3A_518 = tpu.memref_squeeze %dma_start3A_517 : memref<1x1x125xi32, #tpu.memory_space<vmem>> -> memref<125xi32, #tpu.memory_space<vmem>>
    %dma_start3A_519 = arith.constant 0 : i32
    %dma_start3A_520 = arith.constant 0 : i32
    %dma_start3A_521 = tpu.memref_slice %arg8[%dma_start3A_519, %dma_start3A_520] : memref<10000x128xf32, #tpu.memory_space<vmem_shared>> -> memref<10000x128xf32, #tpu.memory_space<vmem_shared>>
    tpu.enqueue_indirect_dma source(%dma_start3A_515 : memref<125x128xf32, #tpu.memory_space<vmem>>) target(%dma_start3A_521 : memref<10000x128xf32, #tpu.memory_space<vmem_shared>>) offsets(%dma_start3A_518 : memref<125xi32, #tpu.memory_space<vmem>>) semaphore(%arg15 : memref<!tpu.dma_semaphore, #tpu.memory_space<semaphore_mem>>) {add = true}
    %dma_wait3A_522 = arith.constant 0 : i32
    %dma_wait3A_523 = arith.constant 2 : i32
    %dma_wait3A_524 = arith.constant 0 : i32
    %dma_wait3A_525 = arith.constant 0 : i32
    %dma_wait3A_526 = tpu.memref_slice %arg6[%dma_wait3A_523, %dma_wait3A_524, %dma_wait3A_525] : memref<4x2x125xi32, #tpu.memory_space<vmem>> -> memref<1x2x125xi32, #tpu.memory_space<vmem>>
    %dma_wait3A_527 = tpu.memref_squeeze %dma_wait3A_526 : memref<1x2x125xi32, #tpu.memory_space<vmem>> -> memref<2x125xi32, #tpu.memory_space<vmem>>
    %dma_wait3A_528 = arith.constant 0 : i32
    %dma_wait3A_529 = arith.constant 0 : i32
    %dma_wait3A_530 = tpu.memref_slice %arg3[%add3A, %dma_wait3A_522, %dma_wait3A_528, %dma_wait3A_529] : memref<32x80x2x125xi32, #tpu.memory_space<hbm>> -> memref<1x1x2x125xi32, #tpu.memory_space<hbm>>
    %dma_wait3A_531 = tpu.memref_squeeze %dma_wait3A_530 : memref<1x1x2x125xi32, #tpu.memory_space<hbm>> -> memref<2x125xi32, #tpu.memory_space<hbm>>
    %dma_wait3A_532 = arith.constant 0 : i32
    %dma_wait3A_533 = arith.constant 0 : i32
    %dma_wait3A_534 = tpu.memref_slice %arg6[%dma_wait3A_523, %dma_wait3A_532, %dma_wait3A_533] : memref<4x2x125xi32, #tpu.memory_space<vmem>> -> memref<1x2x125xi32, #tpu.memory_space<vmem>>
    %dma_wait3A_535 = tpu.memref_squeeze %dma_wait3A_534 : memref<1x2x125xi32, #tpu.memory_space<vmem>> -> memref<2x125xi32, #tpu.memory_space<vmem>>
    %dma_wait3A_536 = arith.constant 0 : i32
    %dma_wait3A_537 = arith.constant 0 : i32
    %dma_wait3A_538 = tpu.memref_slice %arg3[%add3A, %dma_wait3A_522, %dma_wait3A_536, %dma_wait3A_537] : memref<32x80x2x125xi32, #tpu.memory_space<hbm>> -> memref<1x1x2x125xi32, #tpu.memory_space<hbm>>
    %dma_wait3A_539 = tpu.memref_squeeze %dma_wait3A_538 : memref<1x1x2x125xi32, #tpu.memory_space<hbm>> -> memref<2x125xi32, #tpu.memory_space<hbm>>
    tpu.wait_dma2 semaphore(%arg11 : memref<!tpu.dma_semaphore, #tpu.memory_space<semaphore_mem>>) src(%dma_wait3A_539 : memref<2x125xi32, #tpu.memory_space<hbm>>) dst(%dma_wait3A_535 : memref<2x125xi32, #tpu.memory_space<vmem>>)
    %dma_wait3A_540 = arith.constant 0 : i32
    %dma_wait3A_541 = arith.constant 0 : i32
    %dma_wait3A_542 = arith.constant 1 : i32
    %dma_wait3A_543 = arith.constant 0 : i32
    %dma_wait3A_544 = arith.constant 0 : i32
    %dma_wait3A_545 = tpu.memref_slice %arg7[%dma_wait3A_540, %dma_wait3A_543, %dma_wait3A_544] : memref<2x125x128xf32, #tpu.memory_space<vmem>> -> memref<1x125x128xf32, #tpu.memory_space<vmem>>
    %dma_wait3A_546 = tpu.memref_squeeze %dma_wait3A_545 : memref<1x125x128xf32, #tpu.memory_space<vmem>> -> memref<125x128xf32, #tpu.memory_space<vmem>>
    %dma_wait3A_547 = arith.constant 0 : i32
    %dma_wait3A_548 = tpu.memref_slice %arg6[%dma_wait3A_541, %dma_wait3A_542, %dma_wait3A_547] : memref<4x2x125xi32, #tpu.memory_space<vmem>> -> memref<1x1x125xi32, #tpu.memory_space<vmem>>
    %dma_wait3A_549 = tpu.memref_squeeze %dma_wait3A_548 : memref<1x1x125xi32, #tpu.memory_space<vmem>> -> memref<125xi32, #tpu.memory_space<vmem>>
    %dma_wait3A_550 = arith.constant 0 : i32
    %dma_wait3A_551 = arith.constant 0 : i32
    %dma_wait3A_552 = tpu.memref_slice %arg8[%dma_wait3A_550, %dma_wait3A_551] : memref<10000x128xf32, #tpu.memory_space<vmem_shared>> -> memref<10000x128xf32, #tpu.memory_space<vmem_shared>>
    tpu.wait_indirect_dma semaphore(%arg15 : memref<!tpu.dma_semaphore, #tpu.memory_space<semaphore_mem>>) src(%dma_wait3A_546 : memref<125x128xf32, #tpu.memory_space<vmem>>) dst(%dma_wait3A_552 : memref<10000x128xf32, #tpu.memory_space<vmem_shared>>)
    %dma_start3A_553 = arith.constant 2 : i32
    %dma_start3A_554 = arith.constant 0 : i32
    %dma_start3A_555 = arith.constant 0 : i32
    %dma_start3A_556 = arith.constant 0 : i32
    %dma_start3A_557 = arith.constant 0 : i32
    %dma_start3A_558 = tpu.memref_slice %arg7[%dma_start3A_555, %dma_start3A_556, %dma_start3A_557] : memref<2x125x128xf32, #tpu.memory_space<vmem>> -> memref<1x125x128xf32, #tpu.memory_space<vmem>>
    %dma_start3A_559 = tpu.memref_squeeze %dma_start3A_558 : memref<1x125x128xf32, #tpu.memory_space<vmem>> -> memref<125x128xf32, #tpu.memory_space<vmem>>
    %dma_start3A_560 = arith.constant 0 : i32
    %dma_start3A_561 = tpu.memref_slice %arg6[%dma_start3A_553, %dma_start3A_554, %dma_start3A_560] : memref<4x2x125xi32, #tpu.memory_space<vmem>> -> memref<1x1x125xi32, #tpu.memory_space<vmem>>
    %dma_start3A_562 = tpu.memref_squeeze %dma_start3A_561 : memref<1x1x125xi32, #tpu.memory_space<vmem>> -> memref<125xi32, #tpu.memory_space<vmem>>
    %dma_start3A_563 = arith.constant 0 : i32
    %dma_start3A_564 = arith.constant 0 : i32
    %dma_start3A_565 = tpu.memref_slice %arg2[%dma_start3A_563, %dma_start3A_564] : memref<10000x128xf32, #tpu.memory_space<hbm>> -> memref<10000x128xf32, #tpu.memory_space<hbm>>
    tpu.enqueue_indirect_dma source(%dma_start3A_565 : memref<10000x128xf32, #tpu.memory_space<hbm>>) target(%dma_start3A_559 : memref<125x128xf32, #tpu.memory_space<vmem>>) offsets(%dma_start3A_562 : memref<125xi32, #tpu.memory_space<vmem>>) semaphore(%arg13 : memref<!tpu.dma_semaphore, #tpu.memory_space<semaphore_mem>>)
    %dma_wait3A_566 = arith.constant 1 : i32
    %dma_wait3A_567 = arith.constant 0 : i32
    %dma_wait3A_568 = arith.constant 1 : i32
    %dma_wait3A_569 = arith.constant 0 : i32
    %dma_wait3A_570 = arith.constant 0 : i32
    %dma_wait3A_571 = tpu.memref_slice %arg7[%dma_wait3A_568, %dma_wait3A_569, %dma_wait3A_570] : memref<2x125x128xf32, #tpu.memory_space<vmem>> -> memref<1x125x128xf32, #tpu.memory_space<vmem>>
    %dma_wait3A_572 = tpu.memref_squeeze %dma_wait3A_571 : memref<1x125x128xf32, #tpu.memory_space<vmem>> -> memref<125x128xf32, #tpu.memory_space<vmem>>
    %dma_wait3A_573 = arith.constant 0 : i32
    %dma_wait3A_574 = tpu.memref_slice %arg6[%dma_wait3A_566, %dma_wait3A_567, %dma_wait3A_573] : memref<4x2x125xi32, #tpu.memory_space<vmem>> -> memref<1x1x125xi32, #tpu.memory_space<vmem>>
    %dma_wait3A_575 = tpu.memref_squeeze %dma_wait3A_574 : memref<1x1x125xi32, #tpu.memory_space<vmem>> -> memref<125xi32, #tpu.memory_space<vmem>>
    %dma_wait3A_576 = arith.constant 0 : i32
    %dma_wait3A_577 = arith.constant 0 : i32
    %dma_wait3A_578 = tpu.memref_slice %arg2[%dma_wait3A_576, %dma_wait3A_577] : memref<10000x128xf32, #tpu.memory_space<hbm>> -> memref<10000x128xf32, #tpu.memory_space<hbm>>
    tpu.wait_indirect_dma semaphore(%arg14 : memref<!tpu.dma_semaphore, #tpu.memory_space<semaphore_mem>>) src(%dma_wait3A_578 : memref<10000x128xf32, #tpu.memory_space<hbm>>) dst(%dma_wait3A_572 : memref<125x128xf32, #tpu.memory_space<vmem>>)
    %dma_start3A_579 = arith.constant 1 : i32
    %dma_start3A_580 = arith.constant 1 : i32
    %dma_start3A_581 = arith.constant 1 : i32
    %dma_start3A_582 = arith.constant 0 : i32
    %dma_start3A_583 = arith.constant 0 : i32
    %dma_start3A_584 = tpu.memref_slice %arg7[%dma_start3A_579, %dma_start3A_582, %dma_start3A_583] : memref<2x125x128xf32, #tpu.memory_space<vmem>> -> memref<1x125x128xf32, #tpu.memory_space<vmem>>
    %dma_start3A_585 = tpu.memref_squeeze %dma_start3A_584 : memref<1x125x128xf32, #tpu.memory_space<vmem>> -> memref<125x128xf32, #tpu.memory_space<vmem>>
    %dma_start3A_586 = arith.constant 0 : i32
    %dma_start3A_587 = tpu.memref_slice %arg6[%dma_start3A_580, %dma_start3A_581, %dma_start3A_586] : memref<4x2x125xi32, #tpu.memory_space<vmem>> -> memref<1x1x125xi32, #tpu.memory_space<vmem>>
    %dma_start3A_588 = tpu.memref_squeeze %dma_start3A_587 : memref<1x1x125xi32, #tpu.memory_space<vmem>> -> memref<125xi32, #tpu.memory_space<vmem>>
    %dma_start3A_589 = arith.constant 0 : i32
    %dma_start3A_590 = arith.constant 0 : i32
    %dma_start3A_591 = tpu.memref_slice %arg8[%dma_start3A_589, %dma_start3A_590] : memref<10000x128xf32, #tpu.memory_space<vmem_shared>> -> memref<10000x128xf32, #tpu.memory_space<vmem_shared>>
    tpu.enqueue_indirect_dma source(%dma_start3A_585 : memref<125x128xf32, #tpu.memory_space<vmem>>) target(%dma_start3A_591 : memref<10000x128xf32, #tpu.memory_space<vmem_shared>>) offsets(%dma_start3A_588 : memref<125xi32, #tpu.memory_space<vmem>>) semaphore(%arg16 : memref<!tpu.dma_semaphore, #tpu.memory_space<semaphore_mem>>) {add = true}
    %dma_wait3A_592 = arith.constant 0 : i32
    %dma_wait3A_593 = arith.constant 3 : i32
    %dma_wait3A_594 = arith.constant 0 : i32
    %dma_wait3A_595 = arith.constant 0 : i32
    %dma_wait3A_596 = tpu.memref_slice %arg6[%dma_wait3A_593, %dma_wait3A_594, %dma_wait3A_595] : memref<4x2x125xi32, #tpu.memory_space<vmem>> -> memref<1x2x125xi32, #tpu.memory_space<vmem>>
    %dma_wait3A_597 = tpu.memref_squeeze %dma_wait3A_596 : memref<1x2x125xi32, #tpu.memory_space<vmem>> -> memref<2x125xi32, #tpu.memory_space<vmem>>
    %dma_wait3A_598 = arith.constant 0 : i32
    %dma_wait3A_599 = arith.constant 0 : i32
    %dma_wait3A_600 = tpu.memref_slice %arg3[%add3A, %dma_wait3A_592, %dma_wait3A_598, %dma_wait3A_599] : memref<32x80x2x125xi32, #tpu.memory_space<hbm>> -> memref<1x1x2x125xi32, #tpu.memory_space<hbm>>
    %dma_wait3A_601 = tpu.memref_squeeze %dma_wait3A_600 : memref<1x1x2x125xi32, #tpu.memory_space<hbm>> -> memref<2x125xi32, #tpu.memory_space<hbm>>
    %dma_wait3A_602 = arith.constant 0 : i32
    %dma_wait3A_603 = arith.constant 0 : i32
    %dma_wait3A_604 = tpu.memref_slice %arg6[%dma_wait3A_593, %dma_wait3A_602, %dma_wait3A_603] : memref<4x2x125xi32, #tpu.memory_space<vmem>> -> memref<1x2x125xi32, #tpu.memory_space<vmem>>
    %dma_wait3A_605 = tpu.memref_squeeze %dma_wait3A_604 : memref<1x2x125xi32, #tpu.memory_space<vmem>> -> memref<2x125xi32, #tpu.memory_space<vmem>>
    %dma_wait3A_606 = arith.constant 0 : i32
    %dma_wait3A_607 = arith.constant 0 : i32
    %dma_wait3A_608 = tpu.memref_slice %arg3[%add3A, %dma_wait3A_592, %dma_wait3A_606, %dma_wait3A_607] : memref<32x80x2x125xi32, #tpu.memory_space<hbm>> -> memref<1x1x2x125xi32, #tpu.memory_space<hbm>>
    %dma_wait3A_609 = tpu.memref_squeeze %dma_wait3A_608 : memref<1x1x2x125xi32, #tpu.memory_space<hbm>> -> memref<2x125xi32, #tpu.memory_space<hbm>>
    tpu.wait_dma2 semaphore(%arg12 : memref<!tpu.dma_semaphore, #tpu.memory_space<semaphore_mem>>) src(%dma_wait3A_609 : memref<2x125xi32, #tpu.memory_space<hbm>>) dst(%dma_wait3A_605 : memref<2x125xi32, #tpu.memory_space<vmem>>)
    %dma_wait3A_610 = arith.constant 1 : i32
    %dma_wait3A_611 = arith.constant 1 : i32
    %dma_wait3A_612 = arith.constant 1 : i32
    %dma_wait3A_613 = arith.constant 0 : i32
    %dma_wait3A_614 = arith.constant 0 : i32
    %dma_wait3A_615 = tpu.memref_slice %arg7[%dma_wait3A_610, %dma_wait3A_613, %dma_wait3A_614] : memref<2x125x128xf32, #tpu.memory_space<vmem>> -> memref<1x125x128xf32, #tpu.memory_space<vmem>>
    %dma_wait3A_616 = tpu.memref_squeeze %dma_wait3A_615 : memref<1x125x128xf32, #tpu.memory_space<vmem>> -> memref<125x128xf32, #tpu.memory_space<vmem>>
    %dma_wait3A_617 = arith.constant 0 : i32
    %dma_wait3A_618 = tpu.memref_slice %arg6[%dma_wait3A_611, %dma_wait3A_612, %dma_wait3A_617] : memref<4x2x125xi32, #tpu.memory_space<vmem>> -> memref<1x1x125xi32, #tpu.memory_space<vmem>>
    %dma_wait3A_619 = tpu.memref_squeeze %dma_wait3A_618 : memref<1x1x125xi32, #tpu.memory_space<vmem>> -> memref<125xi32, #tpu.memory_space<vmem>>
    %dma_wait3A_620 = arith.constant 0 : i32
    %dma_wait3A_621 = arith.constant 0 : i32
    %dma_wait3A_622 = tpu.memref_slice %arg8[%dma_wait3A_620, %dma_wait3A_621] : memref<10000x128xf32, #tpu.memory_space<vmem_shared>> -> memref<10000x128xf32, #tpu.memory_space<vmem_shared>>
    tpu.wait_indirect_dma semaphore(%arg16 : memref<!tpu.dma_semaphore, #tpu.memory_space<semaphore_mem>>) src(%dma_wait3A_616 : memref<125x128xf32, #tpu.memory_space<vmem>>) dst(%dma_wait3A_622 : memref<10000x128xf32, #tpu.memory_space<vmem_shared>>)
    %dma_start3A_623 = arith.constant 3 : i32
    %dma_start3A_624 = arith.constant 0 : i32
    %dma_start3A_625 = arith.constant 1 : i32
    %dma_start3A_626 = arith.constant 0 : i32
    %dma_start3A_627 = arith.constant 0 : i32
    %dma_start3A_628 = tpu.memref_slice %arg7[%dma_start3A_625, %dma_start3A_626, %dma_start3A_627] : memref<2x125x128xf32, #tpu.memory_space<vmem>> -> memref<1x125x128xf32, #tpu.memory_space<vmem>>
    %dma_start3A_629 = tpu.memref_squeeze %dma_start3A_628 : memref<1x125x128xf32, #tpu.memory_space<vmem>> -> memref<125x128xf32, #tpu.memory_space<vmem>>
    %dma_start3A_630 = arith.constant 0 : i32
    %dma_start3A_631 = tpu.memref_slice %arg6[%dma_start3A_623, %dma_start3A_624, %dma_start3A_630] : memref<4x2x125xi32, #tpu.memory_space<vmem>> -> memref<1x1x125xi32, #tpu.memory_space<vmem>>
    %dma_start3A_632 = tpu.memref_squeeze %dma_start3A_631 : memref<1x1x125xi32, #tpu.memory_space<vmem>> -> memref<125xi32, #tpu.memory_space<vmem>>
    %dma_start3A_633 = arith.constant 0 : i32
    %dma_start3A_634 = arith.constant 0 : i32
    %dma_start3A_635 = tpu.memref_slice %arg2[%dma_start3A_633, %dma_start3A_634] : memref<10000x128xf32, #tpu.memory_space<hbm>> -> memref<10000x128xf32, #tpu.memory_space<hbm>>
    tpu.enqueue_indirect_dma source(%dma_start3A_635 : memref<10000x128xf32, #tpu.memory_space<hbm>>) target(%dma_start3A_629 : memref<125x128xf32, #tpu.memory_space<vmem>>) offsets(%dma_start3A_632 : memref<125xi32, #tpu.memory_space<vmem>>) semaphore(%arg14 : memref<!tpu.dma_semaphore, #tpu.memory_space<semaphore_mem>>)
    %dma_wait3A_636 = arith.constant 2 : i32
    %dma_wait3A_637 = arith.constant 0 : i32
    %dma_wait3A_638 = arith.constant 0 : i32
    %dma_wait3A_639 = arith.constant 0 : i32
    %dma_wait3A_640 = arith.constant 0 : i32
    %dma_wait3A_641 = tpu.memref_slice %arg7[%dma_wait3A_638, %dma_wait3A_639, %dma_wait3A_640] : memref<2x125x128xf32, #tpu.memory_space<vmem>> -> memref<1x125x128xf32, #tpu.memory_space<vmem>>
    %dma_wait3A_642 = tpu.memref_squeeze %dma_wait3A_641 : memref<1x125x128xf32, #tpu.memory_space<vmem>> -> memref<125x128xf32, #tpu.memory_space<vmem>>
    %dma_wait3A_643 = arith.constant 0 : i32
    %dma_wait3A_644 = tpu.memref_slice %arg6[%dma_wait3A_636, %dma_wait3A_637, %dma_wait3A_643] : memref<4x2x125xi32, #tpu.memory_space<vmem>> -> memref<1x1x125xi32, #tpu.memory_space<vmem>>
    %dma_wait3A_645 = tpu.memref_squeeze %dma_wait3A_644 : memref<1x1x125xi32, #tpu.memory_space<vmem>> -> memref<125xi32, #tpu.memory_space<vmem>>
    %dma_wait3A_646 = arith.constant 0 : i32
    %dma_wait3A_647 = arith.constant 0 : i32
    %dma_wait3A_648 = tpu.memref_slice %arg2[%dma_wait3A_646, %dma_wait3A_647] : memref<10000x128xf32, #tpu.memory_space<hbm>> -> memref<10000x128xf32, #tpu.memory_space<hbm>>
    tpu.wait_indirect_dma semaphore(%arg13 : memref<!tpu.dma_semaphore, #tpu.memory_space<semaphore_mem>>) src(%dma_wait3A_648 : memref<10000x128xf32, #tpu.memory_space<hbm>>) dst(%dma_wait3A_642 : memref<125x128xf32, #tpu.memory_space<vmem>>)
    %dma_start3A_649 = arith.constant 0 : i32
    %dma_start3A_650 = arith.constant 2 : i32
    %dma_start3A_651 = arith.constant 1 : i32
    %dma_start3A_652 = arith.constant 0 : i32
    %dma_start3A_653 = arith.constant 0 : i32
    %dma_start3A_654 = tpu.memref_slice %arg7[%dma_start3A_649, %dma_start3A_652, %dma_start3A_653] : memref<2x125x128xf32, #tpu.memory_space<vmem>> -> memref<1x125x128xf32, #tpu.memory_space<vmem>>
    %dma_start3A_655 = tpu.memref_squeeze %dma_start3A_654 : memref<1x125x128xf32, #tpu.memory_space<vmem>> -> memref<125x128xf32, #tpu.memory_space<vmem>>
    %dma_start3A_656 = arith.constant 0 : i32
    %dma_start3A_657 = tpu.memref_slice %arg6[%dma_start3A_650, %dma_start3A_651, %dma_start3A_656] : memref<4x2x125xi32, #tpu.memory_space<vmem>> -> memref<1x1x125xi32, #tpu.memory_space<vmem>>
    %dma_start3A_658 = tpu.memref_squeeze %dma_start3A_657 : memref<1x1x125xi32, #tpu.memory_space<vmem>> -> memref<125xi32, #tpu.memory_space<vmem>>
    %dma_start3A_659 = arith.constant 0 : i32
    %dma_start3A_660 = arith.constant 0 : i32
    %dma_start3A_661 = tpu.memref_slice %arg8[%dma_start3A_659, %dma_start3A_660] : memref<10000x128xf32, #tpu.memory_space<vmem_shared>> -> memref<10000x128xf32, #tpu.memory_space<vmem_shared>>
    tpu.enqueue_indirect_dma source(%dma_start3A_655 : memref<125x128xf32, #tpu.memory_space<vmem>>) target(%dma_start3A_661 : memref<10000x128xf32, #tpu.memory_space<vmem_shared>>) offsets(%dma_start3A_658 : memref<125xi32, #tpu.memory_space<vmem>>) semaphore(%arg15 : memref<!tpu.dma_semaphore, #tpu.memory_space<semaphore_mem>>) {add = true}
    %dma_wait3A_662 = arith.constant 0 : i32
    %dma_wait3A_663 = arith.constant 2 : i32
    %dma_wait3A_664 = arith.constant 1 : i32
    %dma_wait3A_665 = arith.constant 0 : i32
    %dma_wait3A_666 = arith.constant 0 : i32
    %dma_wait3A_667 = tpu.memref_slice %arg7[%dma_wait3A_662, %dma_wait3A_665, %dma_wait3A_666] : memref<2x125x128xf32, #tpu.memory_space<vmem>> -> memref<1x125x128xf32, #tpu.memory_space<vmem>>
    %dma_wait3A_668 = tpu.memref_squeeze %dma_wait3A_667 : memref<1x125x128xf32, #tpu.memory_space<vmem>> -> memref<125x128xf32, #tpu.memory_space<vmem>>
    %dma_wait3A_669 = arith.constant 0 : i32
    %dma_wait3A_670 = tpu.memref_slice %arg6[%dma_wait3A_663, %dma_wait3A_664, %dma_wait3A_669] : memref<4x2x125xi32, #tpu.memory_space<vmem>> -> memref<1x1x125xi32, #tpu.memory_space<vmem>>
    %dma_wait3A_671 = tpu.memref_squeeze %dma_wait3A_670 : memref<1x1x125xi32, #tpu.memory_space<vmem>> -> memref<125xi32, #tpu.memory_space<vmem>>
    %dma_wait3A_672 = arith.constant 0 : i32
    %dma_wait3A_673 = arith.constant 0 : i32
    %dma_wait3A_674 = tpu.memref_slice %arg8[%dma_wait3A_672, %dma_wait3A_673] : memref<10000x128xf32, #tpu.memory_space<vmem_shared>> -> memref<10000x128xf32, #tpu.memory_space<vmem_shared>>
    tpu.wait_indirect_dma semaphore(%arg15 : memref<!tpu.dma_semaphore, #tpu.memory_space<semaphore_mem>>) src(%dma_wait3A_668 : memref<125x128xf32, #tpu.memory_space<vmem>>) dst(%dma_wait3A_674 : memref<10000x128xf32, #tpu.memory_space<vmem_shared>>)
    %dma_wait3A_675 = arith.constant 3 : i32
    %dma_wait3A_676 = arith.constant 0 : i32
    %dma_wait3A_677 = arith.constant 1 : i32
    %dma_wait3A_678 = arith.constant 0 : i32
    %dma_wait3A_679 = arith.constant 0 : i32
    %dma_wait3A_680 = tpu.memref_slice %arg7[%dma_wait3A_677, %dma_wait3A_678, %dma_wait3A_679] : memref<2x125x128xf32, #tpu.memory_space<vmem>> -> memref<1x125x128xf32, #tpu.memory_space<vmem>>
    %dma_wait3A_681 = tpu.memref_squeeze %dma_wait3A_680 : memref<1x125x128xf32, #tpu.memory_space<vmem>> -> memref<125x128xf32, #tpu.memory_space<vmem>>
    %dma_wait3A_682 = arith.constant 0 : i32
    %dma_wait3A_683 = tpu.memref_slice %arg6[%dma_wait3A_675, %dma_wait3A_676, %dma_wait3A_682] : memref<4x2x125xi32, #tpu.memory_space<vmem>> -> memref<1x1x125xi32, #tpu.memory_space<vmem>>
    %dma_wait3A_684 = tpu.memref_squeeze %dma_wait3A_683 : memref<1x1x125xi32, #tpu.memory_space<vmem>> -> memref<125xi32, #tpu.memory_space<vmem>>
    %dma_wait3A_685 = arith.constant 0 : i32
    %dma_wait3A_686 = arith.constant 0 : i32
    %dma_wait3A_687 = tpu.memref_slice %arg2[%dma_wait3A_685, %dma_wait3A_686] : memref<10000x128xf32, #tpu.memory_space<hbm>> -> memref<10000x128xf32, #tpu.memory_space<hbm>>
    tpu.wait_indirect_dma semaphore(%arg14 : memref<!tpu.dma_semaphore, #tpu.memory_space<semaphore_mem>>) src(%dma_wait3A_687 : memref<10000x128xf32, #tpu.memory_space<hbm>>) dst(%dma_wait3A_681 : memref<125x128xf32, #tpu.memory_space<vmem>>)
    %dma_start3A_688 = arith.constant 1 : i32
    %dma_start3A_689 = arith.constant 3 : i32
    %dma_start3A_690 = arith.constant 1 : i32
    %dma_start3A_691 = arith.constant 0 : i32
    %dma_start3A_692 = arith.constant 0 : i32
    %dma_start3A_693 = tpu.memref_slice %arg7[%dma_start3A_688, %dma_start3A_691, %dma_start3A_692] : memref<2x125x128xf32, #tpu.memory_space<vmem>> -> memref<1x125x128xf32, #tpu.memory_space<vmem>>
    %dma_start3A_694 = tpu.memref_squeeze %dma_start3A_693 : memref<1x125x128xf32, #tpu.memory_space<vmem>> -> memref<125x128xf32, #tpu.memory_space<vmem>>
    %dma_start3A_695 = arith.constant 0 : i32
    %dma_start3A_696 = tpu.memref_slice %arg6[%dma_start3A_689, %dma_start3A_690, %dma_start3A_695] : memref<4x2x125xi32, #tpu.memory_space<vmem>> -> memref<1x1x125xi32, #tpu.memory_space<vmem>>
    %dma_start3A_697 = tpu.memref_squeeze %dma_start3A_696 : memref<1x1x125xi32, #tpu.memory_space<vmem>> -> memref<125xi32, #tpu.memory_space<vmem>>
    %dma_start3A_698 = arith.constant 0 : i32
    %dma_start3A_699 = arith.constant 0 : i32
    %dma_start3A_700 = tpu.memref_slice %arg8[%dma_start3A_698, %dma_start3A_699] : memref<10000x128xf32, #tpu.memory_space<vmem_shared>> -> memref<10000x128xf32, #tpu.memory_space<vmem_shared>>
    tpu.enqueue_indirect_dma source(%dma_start3A_694 : memref<125x128xf32, #tpu.memory_space<vmem>>) target(%dma_start3A_700 : memref<10000x128xf32, #tpu.memory_space<vmem_shared>>) offsets(%dma_start3A_697 : memref<125xi32, #tpu.memory_space<vmem>>) semaphore(%arg16 : memref<!tpu.dma_semaphore, #tpu.memory_space<semaphore_mem>>) {add = true}
    %dma_wait3A_701 = arith.constant 1 : i32
    %dma_wait3A_702 = arith.constant 3 : i32
    %dma_wait3A_703 = arith.constant 1 : i32
    %dma_wait3A_704 = arith.constant 0 : i32
    %dma_wait3A_705 = arith.constant 0 : i32
    %dma_wait3A_706 = tpu.memref_slice %arg7[%dma_wait3A_701, %dma_wait3A_704, %dma_wait3A_705] : memref<2x125x128xf32, #tpu.memory_space<vmem>> -> memref<1x125x128xf32, #tpu.memory_space<vmem>>
    %dma_wait3A_707 = tpu.memref_squeeze %dma_wait3A_706 : memref<1x125x128xf32, #tpu.memory_space<vmem>> -> memref<125x128xf32, #tpu.memory_space<vmem>>
    %dma_wait3A_708 = arith.constant 0 : i32
    %dma_wait3A_709 = tpu.memref_slice %arg6[%dma_wait3A_702, %dma_wait3A_703, %dma_wait3A_708] : memref<4x2x125xi32, #tpu.memory_space<vmem>> -> memref<1x1x125xi32, #tpu.memory_space<vmem>>
    %dma_wait3A_710 = tpu.memref_squeeze %dma_wait3A_709 : memref<1x1x125xi32, #tpu.memory_space<vmem>> -> memref<125xi32, #tpu.memory_space<vmem>>
    %dma_wait3A_711 = arith.constant 0 : i32
    %dma_wait3A_712 = arith.constant 0 : i32
    %dma_wait3A_713 = tpu.memref_slice %arg8[%dma_wait3A_711, %dma_wait3A_712] : memref<10000x128xf32, #tpu.memory_space<vmem_shared>> -> memref<10000x128xf32, #tpu.memory_space<vmem_shared>>
    tpu.wait_indirect_dma semaphore(%arg16 : memref<!tpu.dma_semaphore, #tpu.memory_space<semaphore_mem>>) src(%dma_wait3A_707 : memref<125x128xf32, #tpu.memory_space<vmem>>) dst(%dma_wait3A_713 : memref<10000x128xf32, #tpu.memory_space<vmem_shared>>)
    %barrier3A_714 = arith.constant 0 : index
    tpu.barrier barrier_id(%barrier3A_714)
    %lt3A_715 = arith.constant 15 : i32
    %lt3A_716 = arith.cmpi slt, %arg1, %lt3A_715 : i32
    %convert_element_type3A_717 = arith.extui %lt3A_716 : i1 to i32
    %cond3A_718 = arith.constant 0 : i32
    %cond3A_719 = arith.cmpi ne, %convert_element_type3A_717, %cond3A_718 : i32
    scf.if %cond3A_719 {
      %mul3A_725 = arith.constant 624 : i32
      %mul3A_726 = arith.muli %arg1, %mul3A_725 : i32
      "tpu.region"() ({
        %run_scoped3A = tpu.sem_alloc : memref<!tpu.dma_semaphore, #tpu.memory_space<semaphore_mem>>
        %dma_start3A_727 = arith.constant 0 : i32
        %dma_start3A_728 = tpu.memref_slice %arg5[%arg0, %mul3A_726, %dma_start3A_727] : memref<2x10000x128xf32, #tpu.memory_space<hbm>> -> memref<1x624x128xf32, #tpu.memory_space<hbm>>
        %dma_start3A_729 = tpu.memref_squeeze %dma_start3A_728 : memref<1x624x128xf32, #tpu.memory_space<hbm>> -> memref<624x128xf32, #tpu.memory_space<hbm>>
        %dma_start3A_730 = arith.constant 0 : i32
        %dma_start3A_731 = tpu.memref_slice %arg8[%mul3A_726, %dma_start3A_730] : memref<10000x128xf32, #tpu.memory_space<vmem_shared>> -> memref<624x128xf32, #tpu.memory_space<vmem_shared>>
        tpu.enqueue_dma source(%dma_start3A_731 : memref<624x128xf32, #tpu.memory_space<vmem_shared>>) target(%dma_start3A_729 : memref<624x128xf32, #tpu.memory_space<hbm>>) target_semaphore(%run_scoped3A : memref<!tpu.dma_semaphore, #tpu.memory_space<semaphore_mem>>)
        %dma_wait3A_732 = arith.constant 0 : i32
        %dma_wait3A_733 = tpu.memref_slice %arg5[%arg0, %mul3A_726, %dma_wait3A_732] : memref<2x10000x128xf32, #tpu.memory_space<hbm>> -> memref<1x624x128xf32, #tpu.memory_space<hbm>>
        %dma_wait3A_734 = tpu.memref_squeeze %dma_wait3A_733 : memref<1x624x128xf32, #tpu.memory_space<hbm>> -> memref<624x128xf32, #tpu.memory_space<hbm>>
        %dma_wait3A_735 = arith.constant 0 : i32
        %dma_wait3A_736 = tpu.memref_slice %arg8[%mul3A_726, %dma_wait3A_735] : memref<10000x128xf32, #tpu.memory_space<vmem_shared>> -> memref<624x128xf32, #tpu.memory_space<vmem_shared>>
        tpu.wait_dma2 semaphore(%run_scoped3A : memref<!tpu.dma_semaphore, #tpu.memory_space<semaphore_mem>>) src(%dma_wait3A_736 : memref<624x128xf32, #tpu.memory_space<vmem_shared>>) dst(%dma_wait3A_734 : memref<624x128xf32, #tpu.memory_space<hbm>>)
        tpu.yield
      }) : () -> ()
    } else {
    }
    %eq3A_720 = arith.constant 15 : i32
    %eq3A_721 = arith.cmpi eq, %arg1, %eq3A_720 : i32
    %convert_element_type3A_722 = arith.extui %eq3A_721 : i1 to i32
    %cond3A_723 = arith.constant 0 : i32
    %cond3A_724 = arith.cmpi ne, %convert_element_type3A_722, %cond3A_723 : i32
    scf.if %cond3A_724 {
      "tpu.region"() ({
        %run_scoped3A = tpu.sem_alloc : memref<!tpu.dma_semaphore, #tpu.memory_space<semaphore_mem>>
        %dma_start3A_725 = arith.constant 9360 : i32
        %dma_start3A_726 = arith.constant 0 : i32
        %dma_start3A_727 = tpu.memref_slice %arg5[%arg0, %dma_start3A_725, %dma_start3A_726] : memref<2x10000x128xf32, #tpu.memory_space<hbm>> -> memref<1x640x128xf32, #tpu.memory_space<hbm>>
        %dma_start3A_728 = tpu.memref_squeeze %dma_start3A_727 : memref<1x640x128xf32, #tpu.memory_space<hbm>> -> memref<640x128xf32, #tpu.memory_space<hbm>>
        %dma_start3A_729 = arith.constant 9360 : i32
        %dma_start3A_730 = arith.constant 0 : i32
        %dma_start3A_731 = tpu.memref_slice %arg8[%dma_start3A_729, %dma_start3A_730] : memref<10000x128xf32, #tpu.memory_space<vmem_shared>> -> memref<640x128xf32, #tpu.memory_space<vmem_shared>>
        tpu.enqueue_dma source(%dma_start3A_731 : memref<640x128xf32, #tpu.memory_space<vmem_shared>>) target(%dma_start3A_728 : memref<640x128xf32, #tpu.memory_space<hbm>>) target_semaphore(%run_scoped3A : memref<!tpu.dma_semaphore, #tpu.memory_space<semaphore_mem>>)
        %dma_wait3A_732 = arith.constant 9360 : i32
        %dma_wait3A_733 = arith.constant 0 : i32
        %dma_wait3A_734 = tpu.memref_slice %arg5[%arg0, %dma_wait3A_732, %dma_wait3A_733] : memref<2x10000x128xf32, #tpu.memory_space<hbm>> -> memref<1x640x128xf32, #tpu.memory_space<hbm>>
        %dma_wait3A_735 = tpu.memref_squeeze %dma_wait3A_734 : memref<1x640x128xf32, #tpu.memory_space<hbm>> -> memref<640x128xf32, #tpu.memory_space<hbm>>
        %dma_wait3A_736 = arith.constant 9360 : i32
        %dma_wait3A_737 = arith.constant 0 : i32
        %dma_wait3A_738 = tpu.memref_slice %arg8[%dma_wait3A_736, %dma_wait3A_737] : memref<10000x128xf32, #tpu.memory_space<vmem_shared>> -> memref<640x128xf32, #tpu.memory_space<vmem_shared>>
        tpu.wait_dma2 semaphore(%run_scoped3A : memref<!tpu.dma_semaphore, #tpu.memory_space<semaphore_mem>>) src(%dma_wait3A_738 : memref<640x128xf32, #tpu.memory_space<vmem_shared>>) dst(%dma_wait3A_735 : memref<640x128xf32, #tpu.memory_space<hbm>>)
        tpu.yield
      }) : () -> ()
    } else {
    }
    return
  }
}

module attributes {stable_mosaic.version = 14 : i64} {
  func.func @_k2_body(%arg0: i32, %arg1: memref<1000x128xf32, #tpu.memory_space<vmem>>, %arg2: memref<128x128xf32, #tpu.memory_space<vmem>>, %arg3: memref<2x1000x128xf32, #tpu.memory_space<vmem>>, %arg4: memref<1000x128xf32, #tpu.memory_space<vmem>>, %arg5: memref<1000x8xf32, #tpu.memory_space<vmem>>) attributes {dimension_semantics = [#tpu.dimension_semantics<arbitrary>], iteration_bounds = array<i64: 10>, scalar_prefetch = 0 : i64, scratch_operands = 0 : i64, tpu.core_type = #tpu.core_type<tc>, window_params = [{transform_indices = @transform_0, window_bounds = array<i64: 1000, 128>}, {pipeline_mode = #tpu.pipeline_mode<synchronous>, transform_indices = @transform_1, window_bounds = array<i64: 128, 128>}, {transform_indices = @transform_2, window_bounds = array<i64: 2, 1000, 128>}, {transform_indices = @transform_3, window_bounds = array<i64: 1000, 128>}, {transform_indices = @transform_4, window_bounds = array<i64: 1000, 8>}]} {
    %get3A = arith.constant 0 : index
    %get3A_0 = arith.constant 0 : index
    %get3A_1 = arith.constant 0 : index
    %get3A_2 = vector.load %arg3[%get3A, %get3A_0, %get3A_1] : memref<2x1000x128xf32, #tpu.memory_space<vmem>>, vector<2x1000x128xf32>
    %slice3A = vector.extract_strided_slice %get3A_2 {offsets = [0, 0, 0], sizes = [1, 1000, 1], strides = [1, 1, 1]} : vector<2x1000x128xf32> to vector<1x1000x1xf32>
    %squeeze3A = vector.shape_cast %slice3A : vector<1x1000x1xf32> to vector<1000x1xf32>
    %slice3A_3 = vector.extract_strided_slice %get3A_2 {offsets = [1, 0, 0], sizes = [1, 1000, 1], strides = [1, 1, 1]} : vector<2x1000x128xf32> to vector<1x1000x1xf32>
    %squeeze3A_4 = vector.shape_cast %slice3A_3 : vector<1x1000x1xf32> to vector<1000x1xf32>
    %add3A = arith.addf %squeeze3A, %squeeze3A_4 : vector<1000x1xf32>
    %add3A_5 = arith.constant 1.000000e+00 : f32
    %add3A_6 = vector.broadcast %add3A_5 : f32 to vector<1000x1xf32>
    %add3A_7 = arith.addf %add3A, %add3A_6 : vector<1000x1xf32>
    %rsqrt3A = math.rsqrt %add3A_7 : vector<1000x1xf32>
    %get3A_8 = arith.constant 0 : index
    %get3A_9 = arith.constant 0 : index
    %get3A_10 = vector.load %arg1[%get3A_8, %get3A_9] : memref<1000x128xf32, #tpu.memory_space<vmem>>, vector<1000x128xf32>
    %get3A_11 = arith.constant 0 : index
    %get3A_12 = arith.constant 0 : index
    %get3A_13 = vector.load %arg2[%get3A_11, %get3A_12] : memref<128x128xf32, #tpu.memory_space<vmem>>, vector<128x128xf32>
    %dot_general3A = arith.constant dense<0.000000e+00> : vector<1000x128xf32>
    %dot_general3A_14 = tpu.matmul %get3A_10, %get3A_13, %dot_general3A {dimension_numbers = #tpu.dot_dimension_numbers<[1], [0], [0], [1], [0, 0, 1, 1], [], []>, transpose_lhs_hint = false} : vector<1000x128xf32>, vector<128x128xf32>, vector<1000x128xf32> -> vector<1000x128xf32>
    %mul3A = vector.broadcast %rsqrt3A : vector<1000x1xf32> to vector<1000x128xf32>
    %mul3A_15 = arith.mulf %dot_general3A_14, %mul3A : vector<1000x128xf32>
    %swap3A = arith.constant 0 : index
    %swap3A_16 = arith.constant 0 : index
    %swap3A_17 = vector.load %arg4[%swap3A, %swap3A_16] : memref<1000x128xf32, #tpu.memory_space<vmem>>, vector<1000x128xf32>
    tpu.vector_store %arg4[%swap3A, %swap3A_16], %mul3A_15 {strides = array<i32>} : memref<1000x128xf32, #tpu.memory_space<vmem>>, vector<1000x128xf32>,
    %broadcast_in_dim3A = vector.shape_cast %rsqrt3A : vector<1000x1xf32> to vector<1000x1xf32>
    %broadcast_in_dim3A_18 = vector.broadcast %broadcast_in_dim3A : vector<1000x1xf32> to vector<1000x8xf32>
    %swap3A_19 = arith.constant 0 : index
    %swap3A_20 = arith.constant 0 : index
    %swap3A_21 = vector.load %arg5[%swap3A_19, %swap3A_20] : memref<1000x8xf32, #tpu.memory_space<vmem>>, vector<1000x8xf32>
    tpu.vector_store %arg5[%swap3A_19, %swap3A_20], %broadcast_in_dim3A_18 {strides = array<i32>} : memref<1000x8xf32, #tpu.memory_space<vmem>>, vector<1000x8xf32>,
    return
  }
  func.func @transform_0(%arg0: i32) -> (i32, i32) {
    %c0_i32 = arith.constant 0 : i32
    %c0_i32_0 = arith.constant 0 : i32
    return %arg0, %c0_i32 : i32, i32
  }
  func.func @transform_1(%arg0: i32) -> (i32, i32) {
    %c0_i32 = arith.constant 0 : i32
    %c0_i32_0 = arith.constant 0 : i32
    %c0_i32_1 = arith.constant 0 : i32
    return %c0_i32, %c0_i32_0 : i32, i32
  }
  func.func @transform_2(%arg0: i32) -> (i32, i32, i32) {
    %c0_i32 = arith.constant 0 : i32
    %c0_i32_0 = arith.constant 0 : i32
    %c0_i32_1 = arith.constant 0 : i32
    return %c0_i32, %arg0, %c0_i32_0 : i32, i32, i32
  }
  func.func @transform_3(%arg0: i32) -> (i32, i32) {
    %c0_i32 = arith.constant 0 : i32
    %c0_i32_0 = arith.constant 0 : i32
    return %arg0, %c0_i32 : i32, i32
  }
  func.func @transform_4(%arg0: i32) -> (i32, i32) {
    %c0_i32 = arith.constant 0 : i32
    %c0_i32_0 = arith.constant 0 : i32
    return %arg0, %c0_i32 : i32, i32
  }
}

module attributes {stable_mosaic.version = 14 : i64} {
  func.func @_k4_body(%arg0: i32, %arg1: memref<2x1000x128xf32, #tpu.memory_space<vmem>>, %arg2: memref<1000x128xf32, #tpu.memory_space<vmem>>, %arg3: memref<1000x8xf32, #tpu.memory_space<vmem>>, %arg4: memref<1x128xf32, #tpu.memory_space<vmem>>, %arg5: memref<1x128xf32, #tpu.memory_space<vmem>>, %arg6: memref<1x128xf32, #tpu.memory_space<vmem>>, %arg7: memref<1x128xf32, #tpu.memory_space<vmem>>, %arg8: memref<1x128xf32, #tpu.memory_space<vmem>>, %arg9: memref<128x40xf32, #tpu.memory_space<vmem>>, %arg10: memref<1000x128xf32, #tpu.memory_space<vmem>>) attributes {dimension_semantics = [#tpu.dimension_semantics<arbitrary>], iteration_bounds = array<i64: 10>, scalar_prefetch = 0 : i64, scratch_operands = 0 : i64, tpu.core_type = #tpu.core_type<tc>, window_params = [{transform_indices = @transform_0, window_bounds = array<i64: 2, 1000, 128>}, {transform_indices = @transform_1, window_bounds = array<i64: 1000, 128>}, {transform_indices = @transform_2, window_bounds = array<i64: 1000, 8>}, {pipeline_mode = #tpu.pipeline_mode<synchronous>, transform_indices = @transform_3, window_bounds = array<i64: 1, 128>}, {pipeline_mode = #tpu.pipeline_mode<synchronous>, transform_indices = @transform_4, window_bounds = array<i64: 1, 128>}, {pipeline_mode = #tpu.pipeline_mode<synchronous>, transform_indices = @transform_5, window_bounds = array<i64: 1, 128>}, {pipeline_mode = #tpu.pipeline_mode<synchronous>, transform_indices = @transform_6, window_bounds = array<i64: 1, 128>}, {pipeline_mode = #tpu.pipeline_mode<synchronous>, transform_indices = @transform_7, window_bounds = array<i64: 1, 128>}, {pipeline_mode = #tpu.pipeline_mode<synchronous>, transform_indices = @transform_8, window_bounds = array<i64: 128, 40>}, {transform_indices = @transform_9, window_bounds = array<i64: 1000, 128>}]} {
    %get3A = arith.constant 0 : index
    %get3A_0 = arith.constant 0 : index
    %get3A_1 = vector.load %arg3[%get3A, %get3A_0] : memref<1000x8xf32, #tpu.memory_space<vmem>>, vector<1000x8xf32>
    %slice3A = vector.extract_strided_slice %get3A_1 {offsets = [0, 0], sizes = [1000, 1], strides = [1, 1]} : vector<1000x8xf32> to vector<1000x1xf32>
    %get3A_2 = arith.constant 0 : index
    %get3A_3 = arith.constant 0 : index
    %get3A_4 = arith.constant 0 : index
    %get3A_5 = vector.load %arg1[%get3A_2, %get3A_3, %get3A_4] : memref<2x1000x128xf32, #tpu.memory_space<vmem>>, vector<2x1000x128xf32>
    %slice3A_6 = vector.extract_strided_slice %get3A_5 {offsets = [0, 0, 0], sizes = [1, 1000, 128], strides = [1, 1, 1]} : vector<2x1000x128xf32> to vector<1x1000x128xf32>
    %squeeze3A = vector.shape_cast %slice3A_6 : vector<1x1000x128xf32> to vector<1000x128xf32>
    %slice3A_7 = vector.extract_strided_slice %get3A_5 {offsets = [1, 0, 0], sizes = [1, 1000, 128], strides = [1, 1, 1]} : vector<2x1000x128xf32> to vector<1x1000x128xf32>
    %squeeze3A_8 = vector.shape_cast %slice3A_7 : vector<1x1000x128xf32> to vector<1000x128xf32>
    %add3A = arith.addf %squeeze3A, %squeeze3A_8 : vector<1000x128xf32>
    %get3A_9 = arith.constant 0 : index
    %get3A_10 = arith.constant 0 : index
    %get3A_11 = vector.load %arg2[%get3A_9, %get3A_10] : memref<1000x128xf32, #tpu.memory_space<vmem>>, vector<1000x128xf32>
    %add3A_12 = arith.addf %add3A, %get3A_11 : vector<1000x128xf32>
    %mul3A = vector.broadcast %slice3A : vector<1000x1xf32> to vector<1000x128xf32>
    %mul3A_13 = arith.mulf %add3A_12, %mul3A : vector<1000x128xf32>
    %get3A_14 = arith.constant 0 : index
    %get3A_15 = arith.constant 0 : index
    %get3A_16 = vector.load %arg8[%get3A_14, %get3A_15] : memref<1x128xf32, #tpu.memory_space<vmem>>, vector<1x128xf32>
    %add3A_17 = vector.broadcast %get3A_16 : vector<1x128xf32> to vector<1000x128xf32>
    %add3A_18 = arith.addf %mul3A_13, %add3A_17 : vector<1000x128xf32>
    %get3A_19 = arith.constant 0 : index
    %get3A_20 = arith.constant 0 : index
    %get3A_21 = vector.load %arg4[%get3A_19, %get3A_20] : memref<1x128xf32, #tpu.memory_space<vmem>>, vector<1x128xf32>
    %get3A_22 = arith.constant 0 : index
    %get3A_23 = arith.constant 0 : index
    %get3A_24 = vector.load %arg6[%get3A_22, %get3A_23] : memref<1x128xf32, #tpu.memory_space<vmem>>, vector<1x128xf32>
    %sub3A = vector.broadcast %get3A_24 : vector<1x128xf32> to vector<1000x128xf32>
    %sub3A_25 = arith.subf %add3A_18, %sub3A : vector<1000x128xf32>
    %mul3A_26 = vector.broadcast %get3A_21 : vector<1x128xf32> to vector<1000x128xf32>
    %mul3A_27 = arith.mulf %mul3A_26, %sub3A_25 : vector<1000x128xf32>
    %get3A_28 = arith.constant 0 : index
    %get3A_29 = arith.constant 0 : index
    %get3A_30 = vector.load %arg7[%get3A_28, %get3A_29] : memref<1x128xf32, #tpu.memory_space<vmem>>, vector<1x128xf32>
    %add3A_31 = arith.constant 9.99999974E-6 : f32
    %add3A_32 = vector.broadcast %add3A_31 : f32 to vector<1x128xf32>
    %add3A_33 = arith.addf %get3A_30, %add3A_32 : vector<1x128xf32>
    %rsqrt3A = math.rsqrt %add3A_33 : vector<1x128xf32>
    %mul3A_34 = vector.broadcast %rsqrt3A : vector<1x128xf32> to vector<1000x128xf32>
    %mul3A_35 = arith.mulf %mul3A_27, %mul3A_34 : vector<1000x128xf32>
    %get3A_36 = arith.constant 0 : index
    %get3A_37 = arith.constant 0 : index
    %get3A_38 = vector.load %arg5[%get3A_36, %get3A_37] : memref<1x128xf32, #tpu.memory_space<vmem>>, vector<1x128xf32>
    %add3A_39 = vector.broadcast %get3A_38 : vector<1x128xf32> to vector<1000x128xf32>
    %add3A_40 = arith.addf %mul3A_35, %add3A_39 : vector<1000x128xf32>
    %max3A = arith.constant 0.000000e+00 : f32
    %max3A_41 = vector.broadcast %max3A : f32 to vector<1000x128xf32>
    %max3A_42 = arith.maximumf %add3A_40, %max3A_41 : vector<1000x128xf32>
    %get3A_43 = arith.constant 0 : index
    %get3A_44 = arith.constant 0 : index
    %get3A_45 = vector.load %arg9[%get3A_43, %get3A_44] : memref<128x40xf32, #tpu.memory_space<vmem>>, vector<128x40xf32>
    %dot_general3A = arith.constant dense<0.000000e+00> : vector<1000x40xf32>
    %dot_general3A_46 = tpu.matmul %max3A_42, %get3A_45, %dot_general3A {dimension_numbers = #tpu.dot_dimension_numbers<[1], [0], [0], [1], [0, 0, 1, 1], [], []>, transpose_lhs_hint = false} : vector<1000x128xf32>, vector<128x40xf32>, vector<1000x40xf32> -> vector<1000x40xf32>
    %mul3A_47 = vector.broadcast %slice3A : vector<1000x1xf32> to vector<1000x40xf32>
    %mul3A_48 = arith.mulf %dot_general3A_46, %mul3A_47 : vector<1000x40xf32>
    %broadcast_in_dim3A = arith.constant 0.000000e+00 : f32
    %broadcast_in_dim3A_49 = vector.broadcast %broadcast_in_dim3A : f32 to vector<1000x88xf32>
    %concatenate3A = tpu.concatenate %mul3A_48, %broadcast_in_dim3A_49 in 1 : vector<1000x40xf32>, vector<1000x88xf32> -> vector<1000x128xf32>
    %swap3A = arith.constant 0 : index
    %swap3A_50 = arith.constant 0 : index
    %swap3A_51 = vector.load %arg10[%swap3A, %swap3A_50] : memref<1000x128xf32, #tpu.memory_space<vmem>>, vector<1000x128xf32>
    tpu.vector_store %arg10[%swap3A, %swap3A_50], %concatenate3A {strides = array<i32>} : memref<1000x128xf32, #tpu.memory_space<vmem>>, vector<1000x128xf32>,
    return
  }
  func.func @transform_0(%arg0: i32) -> (i32, i32, i32) {
    %c0_i32 = arith.constant 0 : i32
    %c0_i32_0 = arith.constant 0 : i32
    %c0_i32_1 = arith.constant 0 : i32
    return %c0_i32, %arg0, %c0_i32_0 : i32, i32, i32
  }
  func.func @transform_1(%arg0: i32) -> (i32, i32) {
    %c0_i32 = arith.constant 0 : i32
    %c0_i32_0 = arith.constant 0 : i32
    return %arg0, %c0_i32 : i32, i32
  }
  func.func @transform_2(%arg0: i32) -> (i32, i32) {
    %c0_i32 = arith.constant 0 : i32
    %c0_i32_0 = arith.constant 0 : i32
    return %arg0, %c0_i32 : i32, i32
  }
  func.func @transform_3(%arg0: i32) -> (i32, i32) {
    %c0_i32 = arith.constant 0 : i32
    %c0_i32_0 = arith.constant 0 : i32
    %c0_i32_1 = arith.constant 0 : i32
    return %c0_i32, %c0_i32_0 : i32, i32
  }
  func.func @transform_4(%arg0: i32) -> (i32, i32) {
    %c0_i32 = arith.constant 0 : i32
    %c0_i32_0 = arith.constant 0 : i32
    %c0_i32_1 = arith.constant 0 : i32
    return %c0_i32, %c0_i32_0 : i32, i32
  }
  func.func @transform_5(%arg0: i32) -> (i32, i32) {
    %c0_i32 = arith.constant 0 : i32
    %c0_i32_0 = arith.constant 0 : i32
    %c0_i32_1 = arith.constant 0 : i32
    return %c0_i32, %c0_i32_0 : i32, i32
  }
  func.func @transform_6(%arg0: i32) -> (i32, i32) {
    %c0_i32 = arith.constant 0 : i32
    %c0_i32_0 = arith.constant 0 : i32
    %c0_i32_1 = arith.constant 0 : i32
    return %c0_i32, %c0_i32_0 : i32, i32
  }
  func.func @transform_7(%arg0: i32) -> (i32, i32) {
    %c0_i32 = arith.constant 0 : i32
    %c0_i32_0 = arith.constant 0 : i32
    %c0_i32_1 = arith.constant 0 : i32
    return %c0_i32, %c0_i32_0 : i32, i32
  }
  func.func @transform_8(%arg0: i32) -> (i32, i32) {
    %c0_i32 = arith.constant 0 : i32
    %c0_i32_0 = arith.constant 0 : i32
    %c0_i32_1 = arith.constant 0 : i32
    return %c0_i32, %c0_i32_0 : i32, i32
  }
  func.func @transform_9(%arg0: i32) -> (i32, i32) {
    %c0_i32 = arith.constant 0 : i32
    %c0_i32_0 = arith.constant 0 : i32
    return %arg0, %c0_i32 : i32, i32
  }
}

module attributes {stable_mosaic.version = 14 : i64} {
  func.func @_k6_body(%arg0: i32, %arg1: memref<2x1000x128xf32, #tpu.memory_space<vmem>>, %arg2: memref<1000x128xf32, #tpu.memory_space<vmem>>, %arg3: memref<1000x8xf32, #tpu.memory_space<vmem>>, %arg4: memref<1x40xf32, #tpu.memory_space<vmem>>, %arg5: memref<1000x40xf32, #tpu.memory_space<vmem>>) attributes {dimension_semantics = [#tpu.dimension_semantics<arbitrary>], iteration_bounds = array<i64: 10>, scalar_prefetch = 0 : i64, scratch_operands = 0 : i64, tpu.core_type = #tpu.core_type<tc>, window_params = [{transform_indices = @transform_0, window_bounds = array<i64: 2, 1000, 128>}, {transform_indices = @transform_1, window_bounds = array<i64: 1000, 128>}, {transform_indices = @transform_2, window_bounds = array<i64: 1000, 8>}, {pipeline_mode = #tpu.pipeline_mode<synchronous>, transform_indices = @transform_3, window_bounds = array<i64: 1, 40>}, {transform_indices = @transform_4, window_bounds = array<i64: 1000, 40>}]} {
    %get3A = arith.constant 0 : index
    %get3A_0 = arith.constant 0 : index
    %get3A_1 = vector.load %arg3[%get3A, %get3A_0] : memref<1000x8xf32, #tpu.memory_space<vmem>>, vector<1000x8xf32>
    %slice3A = vector.extract_strided_slice %get3A_1 {offsets = [0, 0], sizes = [1000, 1], strides = [1, 1]} : vector<1000x8xf32> to vector<1000x1xf32>
    %get3A_2 = arith.constant 0 : index
    %get3A_3 = arith.constant 0 : index
    %get3A_4 = arith.constant 0 : index
    %get3A_5 = vector.load %arg1[%get3A_2, %get3A_3, %get3A_4] : memref<2x1000x128xf32, #tpu.memory_space<vmem>>, vector<2x1000x128xf32>
    %slice3A_6 = vector.extract_strided_slice %get3A_5 {offsets = [0, 0, 0], sizes = [1, 1000, 128], strides = [1, 1, 1]} : vector<2x1000x128xf32> to vector<1x1000x128xf32>
    %squeeze3A = vector.shape_cast %slice3A_6 : vector<1x1000x128xf32> to vector<1000x128xf32>
    %slice3A_7 = vector.extract_strided_slice %get3A_5 {offsets = [1, 0, 0], sizes = [1, 1000, 128], strides = [1, 1, 1]} : vector<2x1000x128xf32> to vector<1x1000x128xf32>
    %squeeze3A_8 = vector.shape_cast %slice3A_7 : vector<1x1000x128xf32> to vector<1000x128xf32>
    %add3A = arith.addf %squeeze3A, %squeeze3A_8 : vector<1000x128xf32>
    %get3A_9 = arith.constant 0 : index
    %get3A_10 = arith.constant 0 : index
    %get3A_11 = vector.load %arg2[%get3A_9, %get3A_10] : memref<1000x128xf32, #tpu.memory_space<vmem>>, vector<1000x128xf32>
    %add3A_12 = arith.addf %add3A, %get3A_11 : vector<1000x128xf32>
    %slice3A_13 = vector.extract_strided_slice %add3A_12 {offsets = [0, 0], sizes = [1000, 40], strides = [1, 1]} : vector<1000x128xf32> to vector<1000x40xf32>
    %mul3A = vector.broadcast %slice3A : vector<1000x1xf32> to vector<1000x40xf32>
    %mul3A_14 = arith.mulf %slice3A_13, %mul3A : vector<1000x40xf32>
    %get3A_15 = arith.constant 0 : index
    %get3A_16 = arith.constant 0 : index
    %get3A_17 = vector.load %arg4[%get3A_15, %get3A_16] : memref<1x40xf32, #tpu.memory_space<vmem>>, vector<1x40xf32>
    %add3A_18 = vector.broadcast %get3A_17 : vector<1x40xf32> to vector<1000x40xf32>
    %add3A_19 = arith.addf %mul3A_14, %add3A_18 : vector<1000x40xf32>
    %swap3A = arith.constant 0 : index
    %swap3A_20 = arith.constant 0 : index
    %swap3A_21 = vector.load %arg5[%swap3A, %swap3A_20] : memref<1000x40xf32, #tpu.memory_space<vmem>>, vector<1000x40xf32>
    tpu.vector_store %arg5[%swap3A, %swap3A_20], %add3A_19 {strides = array<i32>} : memref<1000x40xf32, #tpu.memory_space<vmem>>, vector<1000x40xf32>,
    return
  }
  func.func @transform_0(%arg0: i32) -> (i32, i32, i32) {
    %c0_i32 = arith.constant 0 : i32
    %c0_i32_0 = arith.constant 0 : i32
    %c0_i32_1 = arith.constant 0 : i32
    return %c0_i32, %arg0, %c0_i32_0 : i32, i32, i32
  }
  func.func @transform_1(%arg0: i32) -> (i32, i32) {
    %c0_i32 = arith.constant 0 : i32
    %c0_i32_0 = arith.constant 0 : i32
    return %arg0, %c0_i32 : i32, i32
  }
  func.func @transform_2(%arg0: i32) -> (i32, i32) {
    %c0_i32 = arith.constant 0 : i32
    %c0_i32_0 = arith.constant 0 : i32
    return %arg0, %c0_i32 : i32, i32
  }
  func.func @transform_3(%arg0: i32) -> (i32, i32) {
    %c0_i32 = arith.constant 0 : i32
    %c0_i32_0 = arith.constant 0 : i32
    %c0_i32_1 = arith.constant 0 : i32
    return %c0_i32, %c0_i32_0 : i32, i32
  }
  func.func @transform_4(%arg0: i32) -> (i32, i32) {
    %c0_i32 = arith.constant 0 : i32
    %c0_i32_0 = arith.constant 0 : i32
    return %arg0, %c0_i32 : i32, i32
  }
}

</mosaic_0001>

<sc_bundles>
// kernel: kernel.11.cloned.1.call-start
scs
__scs_entry_jumppad:
0x0: {  	(pc) =	sbr.rel $0x88, $3  }
0x1: {  	(tag) =	ssettag $0x0;
	lr =	simm.s32 $0x1  }
0x2: {  	[smem:$0x3F97] =	sst lr;
	_ =	strace $0xD0000000  }
0x3: {  	_ = 	snop  }
0x4: {  	_ = 	snop  }
0x5: {  	_ = 	snop  }
0x6: {  	_ = 	snop  }
0x7: {  	_ = 	snop  }
__scs_overlays_trampoline_lowered:
0x8: {  	[smem:$0x3FA6] =	sst s0  }
0x9: {  	[smem:$0x3FA7] =	sst s1  }
0xa: {  	[smem:$0x3FA8] =	sst s2  }
0xb: {  	[smem:$0x3FA9] =	sst s3  }
0xc: {  	[smem:$0x3FAA] =	sst s4  }
0xd: {  	[smem:$0x3FAB] =	sst s5  }
0xe: {  	[smem:$0x3FAC] =	sst s6  }
0xf: {  	[smem:$0x3FAD] =	sst s7  }
0x10: {  	[smem:$0x3FAE] =	sst s8  }
0x11: {  	[smem:$0x3FAF] =	sst s9;
	s0 =	simm.s32 @!p0 $0x0  }
0x12: {  	s1 =	sld [smem:$0x3F95];
	s0 =	simm.s32 @p0 $0x1  }
0x13: {  	[smem:$0x3FB0] =	sst s0;
	s0 =	simm.s32 @!p1 $0x0  }
0x14: {  	s2 =	sld [smem:$0x3F94];
	s0 =	simm.s32 @p1 $0x1  }
0x15: {  	[smem:$0x3FB1] =	sst s0;
	s0 =	simm.s32 @!p2 $0x0  }
0x16: {  	s3 =	sld [smem:$0x3FDB];
	s0 =	simm.s32 @p2 $0x1  }
0x17: {  	s4 =	simm.s32 $0x1BF5;
	[smem:$0x3FB3] =	sst s0  }
0x18: {  	s0 =	sld [smem:$0x3F96];
	_ =	swait.ge [sflag:s4], $0x0  }
0x19: {  	s7 =	sld [smem:$0x3F97]  }
0x1a: {  	s8 =	sadd.s32 $0xFFFFE003, lr  }
0x1b: {  	s9 =	sadd.s32 $0xFFFFFEF7, lr;
	s5 =	simm.s32 $0xFFFFFFFF;
	p2 =	slt.u32 s8, $0xFFFFF086  }
0x1c: {  	p1 =	slt.u32 s9, $0xF7A;
	s5 =	simm.s32 @!p2 $0x0  }
0x1d: {  	s5 =	simm.s32 @p1 $0x1;
	p0 =	seq.s32 s7, s2  }
0x1e: {  	s7 =	smul.u32 @!p0 $0xF7A, s2;
	p2 =	seq.s32 @!p0 s5, $0x0  }
0x1f: {  	s9 =	smul.u32 $0xF7A, s1;
	s8 =	simm.s32 @!p0 $0x1BF5;
	p2 =	por !p2, p0  }
0x20: {  	[sflag:s8] =	ssyncset.s32 @!p0 $0xFFFFF086;
	s6 =	sadd.s32 @!p0 s3, s7;
	s7 =	simm.s32 @!p0 $0x108  }
0x21: {  	s3 =	sadd.s32 s3, s9;
	s6 =	sadd.s32 @!p0 $0x88, s6;
	s7 =	simm.s32 @p2 $0x1082  }
0x22: {  	[simem:s7], [sflag:s8] =	dma.local @!p0 [hbm:s6], $0xF7A  }
0x23: {  	s9 =	sor.u32 $0xD0000000, s2;
	s6 =	simm.s32 $0x108;
	_ =	swait.ge @!p0 [sflag:s8], $0x0  }
0x24: {  	s3 =	sadd.s32 $0x88, s3;
	s6 =	simm.s32 @!p1 $0x1082;
	[sflag:s4] =	ssyncset.s32 $0xFFFFF086  }
0x25: {  	[simem:s6], [sflag:s4] =	dma.local [hbm:s3], $0xF7A  }
0x26: {  	[smem:$0x3F97] =	sst s1;
	(tag) =	ssettag s2;
	_ =	strace s9  }
0x27: {  	s1 =	sld [smem:$0x3FA7]  }
0x28: {  	s2 =	sld [smem:$0x3FA8]  }
0x29: {  	s4 =	sld [smem:$0x3FAA]  }
0x2a: {  	p0 =	seq.s32 s5, $0x0;
	s5 =	sld [smem:$0x3FAB]  }
0x2b: {  	s6 =	sld [smem:$0x3FAC]  }
0x2c: {  	s7 =	sld [smem:$0x3FAD]  }
0x2d: {  	s3 =	simm.s32 $0x108;
	s8 =	sld [smem:$0x3FAE]  }
0x2e: {  	s3 =	simm.s32 @!p0 $0x1082;
	s9 =	sld [smem:$0x3FAF]  }
0x2f: {  	lr =	sadd.s32 s0, s3;
	s0 =	sld [smem:$0x3FA6]  }
0x30: {  	s3 =	sld [smem:$0x3FA9]  }
0x31: {  	[smem:$0x3FB2] =	sst s10  }
0x32: {  	s10 =	sld [smem:$0x3FB0];
	_ =	sdelay $0x3  }
0x33: {  	p0 =	seq.s32 s10, $0x1;
	s10 =	sld [smem:$0x3FB2];
	_ =	sdelay $0x3  }
0x34: {  	[smem:$0x3FB2] =	sst s10  }
0x35: {  	s10 =	sld [smem:$0x3FB1];
	_ =	sdelay $0x3  }
0x36: {  	p1 =	seq.s32 s10, $0x1;
	s10 =	sld [smem:$0x3FB2];
	_ =	sdelay $0x3  }
0x37: {  	[smem:$0x3FB2] =	sst s10  }
0x38: {  	s10 =	sld [smem:$0x3FB3]  }
0x39: {  	_ = 	snop;
	(pc) =	sbr.ind lr, $3  }
0x3a: {  	_ = 	snop  }
0x3b: {  	_ = 	snop  }
0x3c: {  	p2 =	seq.s32 s10, $0x1;
	s10 =	sld [smem:$0x3FB2]  }
0x3d: {  	_ =	shalt  }
0x3e: {  	_ =	shalt  }
0x3f: {  	_ =	shalt  }
0x40: {  	_ =	shalt  }
0x41: {  	_ =	shalt  }
0x42: {  	_ =	shalt  }
0x43: {  	_ =	shalt  }
0x44: {  	_ =	shalt  }
0x45: {  	_ =	shalt  }
0x46: {  	_ =	shalt  }
0x47: {  	_ =	shalt  }
0x48: {  	_ =	shalt  }
0x49: {  	_ =	shalt  }
0x4a: {  	_ =	shalt  }
0x4b: {  	_ =	shalt  }
0x4c: {  	_ =	shalt  }
0x4d: {  	_ =	shalt  }
0x4e: {  	_ =	shalt  }
0x4f: {  	_ =	shalt  }
0x50: {  	_ =	shalt  }
0x51: {  	_ =	shalt  }
0x52: {  	_ =	shalt  }
0x53: {  	_ =	shalt  }
0x54: {  	_ =	shalt  }
0x55: {  	_ =	shalt  }
0x56: {  	_ =	shalt  }
0x57: {  	_ =	shalt  }
0x58: {  	_ =	shalt  }
0x59: {  	_ =	shalt  }
0x5a: {  	_ =	shalt  }
0x5b: {  	_ =	shalt  }
0x5c: {  	_ =	shalt  }
0x5d: {  	_ =	shalt  }
0x5e: {  	_ =	shalt  }
0x5f: {  	_ =	shalt  }
0x60: {  	_ =	shalt  }
0x61: {  	_ =	shalt  }
0x62: {  	_ =	shalt  }
0x63: {  	_ =	shalt  }
0x64: {  	_ =	shalt  }
0x65: {  	_ =	shalt  }
0x66: {  	_ =	shalt  }
0x67: {  	_ =	shalt  }
0x68: {  	_ =	shalt  }
0x69: {  	_ =	shalt  }
0x6a: {  	_ =	shalt  }
0x6b: {  	_ =	shalt  }
0x6c: {  	_ =	shalt  }
0x6d: {  	_ =	shalt  }
0x6e: {  	_ =	shalt  }
0x6f: {  	_ =	shalt  }
0x70: {  	_ =	shalt  }
0x71: {  	_ =	shalt  }
0x72: {  	_ =	shalt  }
0x73: {  	_ =	shalt  }
0x74: {  	_ =	shalt  }
0x75: {  	_ =	shalt  }
0x76: {  	_ =	shalt  }
0x77: {  	_ =	shalt  }
0x78: {  	_ =	shalt  }
0x79: {  	_ =	shalt  }
0x7a: {  	_ =	shalt  }
0x7b: {  	_ =	shalt  }
0x7c: {  	_ =	shalt  }
0x7d: {  	_ =	shalt  }
0x7e: {  	_ =	shalt  }
0x7f: {  	_ =	shalt  }
0x80: {  	_ =	shalt  }
0x81: {  	_ =	shalt  }
0x82: {  	_ =	shalt  }
0x83: {  	_ =	shalt  }
0x84: {  	_ =	shalt  }
0x85: {  	_ =	shalt  }
0x86: {  	_ =	shalt  }
0x87: {  	_ =	shalt  }
.Lfunc_end0:
.L_simem_size_0:
called_computation.1_lowered:
.L_overlay_start_0:
0x88: {  	s2 =	sld [smem:$0x3FD9]  }
0x89: {  	s3 =	sld [smem:$0x3FFE];
	_ =	sdelay $0x1  }
0x8a: {  	s1 =	srdreg.scid  }
0x8b: {  	s0 =	sand.u32 $0x1, s1  }
0x8c: {  	s16 =	sshll.u32 s0, $0xA;
	s2 =	sadd.s32 s3, s2  }
0x8d: {  	s2 =	sadd.s32 s2, s16  }
0x8e: {  	[smem:$0x3FBE] =	sst s2  }
0x8f: {  	_ = 	snop  }
0x90: {  	(tm) =	ssettm $0x1  }
0x91: {  	s17 =	sld [smem:$0x3FFB];
	_ =	sdelay $0x3  }
0x92: {  	_ =	strace s17  }
0x93: {  	s2 =	sld [smem:$0x3FFC];
	_ =	sdelay $0x3  }
0x94: {  	_ =	strace s2  }
0x95: {  	s2 =	sld [smem:$0x3FFD];
	_ =	sdelay $0x3  }
0x96: {  	_ =	strace s2  }
0x97: {  	_ =	strace $0x8FFFFFFF  }
0x98: {  	s18 =	sld [smem:$0x3FDB];
	_ =	sdelay $0x1  }
0x99: {  	s19 =	simm.s32 $_scs_section_size  }
0x9a: {  	s4 =	simm.s32 $_size__tile_overlayer_lowered;
	s5 =	simm.s32 $_tile_overlayer_lowered  }
0x9b: {  	s22 =	simm.s32 $0x1BFF;
	s21 =	sshll.u32 s5, $0x1;
	s2 =	sadd.s32 s19, s18  }
0x9c: {  	s6 =	simm.s32 $0x0;
	s20 =	sshll.u32 s4, $0x1;
	s4 =	sadd.s32 s21, s2  }
0x9d: {  	[timem:s6], [sflag:s22] =	dma.local [hbm:s4], s20  }
0x9e: {  	_ =	swait.ge [sflag:s22], s20  }
0x9f: {  	s3 =	ssub.s32 $0x0, s20;
	[sflag:s22] =	ssyncset.done $0x0  }
0xa0: {  	[sflag:s22] =	ssyncadd.s32 s3;
	_ =	sdelay $0x1  }
0xa1: {  	s23 =	simm.s32 $0x1B8B  }
0xa2: {  	_ =	swait.ge [sflag:s23], $0x1  }
0xa3: {  	[sflag:s23] =	ssyncset.done $0x0  }
0xa4: {  	s25 =	simm.s32 $0x1B8E;
	s24 =	sld [smem:$0x3FFE];
	[sflag:s23] =	ssyncadd.s32 $0xFFFFFFFF  }
0xa5: {  	s26 =	simm.s32 $execute0_lowered;
	[smem:$0x3FD2] =	sst s25  }
0xa6: {  	s4 =	sshll.u32 s26, $0x1;
	_ =	strace $0x80000049;
	[dreg:$0x1] =	wrdreg $0xFFFFFFFF  }
0xa7: {  	s28 =	simm.s32 $_size_execute0_lowered;
	s2 =	sadd.s32 s2, s4;
	[dreg:$0x0] =	wrdreg $0x0  }
0xa8: {  	s4 =	sshll.u32 s28, $0x1;
	[dreg:$0x2] =	wrdreg s2  }
0xa9: {  	[dreg:$0x3] =	wrdreg s4  }
0xaa: {  	[dreg:$0x4] =	wrdreg $0xC0  }
0xab: {  	_ =	task [dreg:s6], $0x5FFFF  }
0xac: {  	[dreg:$0x1] =	wrdreg $0xFFFFFFFF  }
0xad: {  	[dreg:$0x0] =	wrdreg $0x60  }
0xae: {  	[dreg:$0x2] =	wrdreg s24  }
0xaf: {  	[dreg:$0x3] =	wrdreg $0x84000  }
0xb0: {  	[dreg:$0x4] =	wrdreg $0x9  }
0xb1: {  	_ =	task.clear_ibuf [dreg:s6], $0x5FFFF;
	_ =	strace $0x90000049  }
0xb2: {  	s29 =	simm.s32 $0x9;
	_ =	strace $0x8000004B  }
0xb3: {  	_ =	swait.ge [sflag:s29], $0x1  }
0xb4: {  	[sflag:s29] =	ssyncadd.s32 $0xFFFFFFFF  }
0xb5: {  	_ =	strace $0x9000004B  }
0xb6: {  	_ =	sfence  }
0xb7: {  	s30 =	sld [smem:$0x0];
	_ =	sdelay $0x2  }
0xb8: {  	s31 =	sshll.u32 s1, $0xD;
	s1 =	sshrl.u32 s1, $0x2  }
0xb9: {  	s3 =	sand.u32 $0x4000, s31;
	s1 =	sadd.s32 s1, s30  }
0xba: {  	s0 =	sor.u32 s3, s0;
	s1 =	sshll.u32 s1, $0x11  }
0xbb: {  	s0 =	sor.u32 s1, s0  }
0xbc: {  	s0 =	sadd.s32 $0x8F2B, s0  }
0xbd: {  	[sflag:s0] =	ssyncadd.remote.s32 $0x1  }
0xbe: {  	_ =	sfence.sel $0xFFFF  }
0xbf: {  	[dreg:$0x0] =	wrdreg $0xFFFFFFFF;
	(pc) =	sbr.abs _section_cstart, $3  }
0xc0: {  	[dreg:$0x1] =	wrdreg $0xFFFFFFFF  }
0xc1: {  	_ =	task.clear_ibuf [dreg:s6], $0x2FFFF;
	_ =	strace $0x9FFFFFFF  }
0xc2: {  	(tm) =	ssettm $0x7FFFFFFF  }
0xc3: {  	_ =	shalt  }
tec
execute0_lowered:
.L_overlay_start_1:
0x0: {  	(tag) =	ssettag $0x1  }
0x1: {  	s0 =	rddreg [dreg:$0x0]  }
0x2: {  	s1 =	rddreg [dreg:$0x1];
	s2 =	simm.s32 $0x0  }
0x3: {  	s3 =	srdreg.scid;
	s11 =	stileid.u32;
	s28 =	simm.s32 $0x7D  }
0x4: {  	s29 =	simm.s32 $0x400;
	s30 =	simm.s32 $0x2;
	s31 =	simm.s32 $0x4400  }
0x5: {  	[smem:$0x7FF] =	sst s2;
	s3 =	sand.u32 $0x1, s3;
	s7 =	smul.u32 $0x4E000, s11  }
0x6: {  	s4 =	sadd.s32 $0x5C00, s0;
	s6 =	sadd.s32 $0x53E00, s0;
	s14 =	smul.u32 $0x13800, s11  }
0x7: {  	s8 =	sadd.s32 $0x3400, s0;
	s0 =	sadd.s32 $0x67E00, s0;
	s18 =	smul.u32 $0x5000, s11  }
0x8: {  	p0 =	seq.s32 s11, $0xF;
	_ =	strace $0x8000004A;
	s5 =	sshll.u32 s3, $0x4  }
0x9: {  	[dreg:$0x3] =	wrdreg s8;
	s25 =	ssub.s32 $0x2, s3;
	s26 =	smul.u32 $0x138800, s3  }
0xa: {  	s3 =	smul.u32 $0x50000, s3;
	s5 =	sor.u32 s11, s5;
	s9 =	sshrl.u32 s25, $0x1  }
0xb: {  	s7 =	sshrl.u32 s7, $0x2;
	s11 =	simm.s32 $0x4;
	s5 =	smul.u32 $0x5000, s5  }
0xc: {  	s8 =	ssub.s32 s25, s9;
	s7 =	sadd.s32 s7, s1;
	s9 =	sadd.s32 s14, s26  }
0xd: {  	s3 =	sadd.s32 s18, s3;
	s14 =	simm.s32 $0x380;
	[dreg:$0x4] =	wrdreg s7  }
0xe: {  	s7 =	sadd.s32 $0x124800, s1;
	s9 =	sshrl.u32 s9, $0x3;
	s20 =	sor.u32 $0x700, s3  }
0xf: {  	s21 =	smax.u32 s8, $0x1;
	s22 =	sor.u32 $0x600, s3;
	s24 =	sor.u32 $0x500, s3  }
0x10: {  	s3 =	sor.u32 $0x400, s3;
	s8 =	simm.s32 $0x7;
	s5 =	sshrl.u32 s5, $0x3  }
0x11: {  	[dreg:$0xf] =	wrdreg s21;
	s23 =	sshrl.u32 s22, $0x3;
	s25 =	sshrl.u32 s24, $0x3  }
0x12: {  	s7 =	sshrl.u32 @p0 s7, $0x3;
	s24 =	simm.s32 $0x200;
	s12 =	sadd.s32 s6, s5  }
0x13: {  	s5 =	sshrl.u32 s26, $0x3;
	s26 =	sshrl.u32 s3, $0x3;
	[dreg:$0x10] =	wrdreg s7  }
0x14: {  	s3 =	simm.s32 $0x80;
	s10 =	sadd.s32 $0x20, s12;
	[dreg:$0x5] =	wrdreg s12  }
0x15: {  	s13 =	sadd.s32 $0x40, s12;
	s15 =	sadd.s32 $0x980, s12;
	[dreg:$0x6] =	wrdreg s10  }
0x16: {  	s16 =	sadd.s32 $0x9A0, s12;
	s17 =	sadd.s32 $0x9C0, s12;
	[dreg:$0x7] =	wrdreg s13  }
0x17: {  	s5 =	sadd.s32 s0, s5;
	s0 =	sadd.s32 s0, s9;
	[dreg:$0x9] =	wrdreg s15  }
0x18: {  	s21 =	sadd.s32 s26, s6;
	s26 =	simm.s32 $0x1;
	[dreg:$0xa] =	wrdreg s16  }
0x19: {  	s9 =	simm.s32 $0x6;
	s10 =	sadd.s32 $0x60, s12;
	[dreg:$0xb] =	wrdreg s17  }
0x1a: {  	s12 =	sadd.s32 $0x9E0, s12;
	[dreg:$0xd] =	wrdreg s0;
	s19 =	sadd.s32 $0x24900, s5  }
0x1b: {  	s0 =	sshrl.u32 s20, $0x3;
	s20 =	sadd.s32 s25, s6;
	[dreg:$0x8] =	wrdreg s10  }
0x1c: {  	s25 =	simm.s32 $0x300;
	s13 =	simm.s32 $0x280;
	[dreg:$0xc] =	wrdreg s12  }
0x1d: {  	s15 =	simm.s32 $0x0;
	[dreg:$0xe] =	wrdreg s19;
	s18 =	sadd.s32 s0, s6  }
0x1e: {  	s19 =	sadd.s32 s23, s6;
	s23 =	simm.s32 $0x100;
	s0 =	simm.s32 $0x5  }
0x1f: {  	s6 =	simm.s32 $0x3;
	s10 =	simm.s32 $0x180;
	s12 =	simm.s32 $0x8  }
.LBB2_1:
0x20: {  	s5 =	simm.s32 @p0 $0x1FC9;
	s22 =	rddreg [dreg:$0x3]  }
0x21: {  	[spmem:s7], [sflag:s5] =	dma.local @p0 [hbm:s22], $0x2800  }
0x22: {  	s5 =	simm.s32 @p0 $0x9  }
0x23: {  	_ =	swait.ge @p0 [sflag:s5], $0x2800  }
0x24: {  	s7 =	stileid.u32;
	[sflag:s5] =	ssyncset.done @p0 $0x0  }
0x25: {  	s7 =	sshll.u32 @!p0 s7, $0x6;
	[sflag:s5] =	ssyncadd.s32 @p0 $0xFFFFD800;
	s5 =	rddreg [dreg:$0x4]  }
0x26: {  	s16 =	sor.u32 @!p0 $0x1C09, s7;
	s17 =	sshrl.u32 @!p0 s5, $0x3;
	s5 =	simm.s32 @!p0 $0x9  }
0x27: {  	[spmem:s17], [sflag:s16] =	dma.local @!p0 [hbm:s22], $0x2700  }
0x28: {  	_ =	swait.ge @!p0 [sflag:s5], $0x2700  }
0x29: {  	[sflag:s5] =	ssyncset.done @!p0 $0x0  }
0x2a: {  	s7 =	rddreg [dreg:$0x5];
	[sflag:s5] =	ssyncadd.s32 @!p0 $0xFFFFD900  }
0x2b: {  	[tilespmem:s2], [sflag:$0x1] =	stream.linear.gather [hbm4b:s7+s2], $0x100, $0x38;
	[tilespmem:$0x1BC80] =	vst v63  }
0x2c: {  	s22 =	rddreg [dreg:$0x6]  }
0x2d: {  	[tilespmem:s23], [sflag:$0x2] =	stream.linear.gather [hbm4b:s22+s2], $0x100, $0x38;
	[tilespmem:$0x1BC80] =	vst v63  }
0x2e: {  	s7 =	rddreg [dreg:$0x7]  }
0x2f: {  	[tilespmem:s24], [sflag:$0x3] =	stream.linear.gather [hbm4b:s7+s2], $0x100, $0x38;
	[tilespmem:$0x1BC80] =	vst v63  }
0x30: {  	s22 =	rddreg [dreg:$0x8]  }
0x31: {  	[tilespmem:s25], [sflag:$0x4] =	stream.linear.gather [hbm4b:s22+s2], $0x100, $0x38;
	[tilespmem:$0x1BC80] =	vst v63  }
0x32: {  	_ =	swait.ge [sflag:s26], $0x100  }
0x33: {  	[sflag:s26] =	ssyncset.done $0x0  }
0x34: {  	[sflag:s26] =	ssyncadd.s32 $0xFFFFFF00  }
0x35: {  	[tilespmem:s29], [sflag:$0x5] =	stream.indirect.gather [hbm4b:s4+s28], $0x80, s2, s28, $0xb8;
	[tilespmem:$0x1BC80] =	vst v63  }
0x36: {  	_ =	swait.ge [sflag:s30], $0x100  }
0x37: {  	[sflag:s30] =	ssyncset.done $0x0  }
0x38: {  	[sflag:s30] =	ssyncadd.s32 $0xFFFFFF00  }
0x39: {  	[tilespmem:s31], [sflag:$0x6] =	stream.indirect.gather [hbm4b:s4+s28], $0x80, s23, s28, $0xb8;
	[tilespmem:$0x1BC80] =	vst v63  }
0x3a: {  	[bflag:$0x0] =	sbarrier.arrive $0xFFFF  }
0x3b: {  	_ =	swait.ge [sflag:s0], $0x3E80  }
0x3c: {  	[sflag:s0] =	ssyncset.done $0x0  }
0x3d: {  	[sflag:s0] =	ssyncadd.s32 $0xFFFFC180  }
0x3e: {  	[spmem:s1] =	stream.indirect.scatter.add.f32 [tilespmem:s29], [sflag:$0x7], $0x80, s3, s28, $0xb8;
	[tilespmem:$0x1BC80] =	vst v63  }
0x3f: {  	_ =	swait.ge [sflag:s6], $0x100  }
0x40: {  	[sflag:s6] =	ssyncset.done $0x0  }
0x41: {  	[sflag:s6] =	ssyncadd.s32 $0xFFFFFF00  }
0x42: {  	_ =	swait.ge [sflag:s8], $0x3E80  }
0x43: {  	[sflag:s8] =	ssyncset.done $0x0  }
0x44: {  	s7 =	sadd.s32 $0x0, s21;
	[sflag:s8] =	ssyncadd.s32 $0xFFFFC180  }
0x45: {  	[tilespmem:s2], [sflag:$0x1] =	stream.linear.gather [hbm4b:s7+s2], $0x100, $0x38;
	[tilespmem:$0x1BC80] =	vst v63  }
0x46: {  	_ = 	snop  }
0x47: {  	[tilespmem:s29], [sflag:$0x5] =	stream.indirect.gather [hbm4b:s4+s28], $0x80, s24, s28, $0xb8;
	[tilespmem:$0x1BC80] =	vst v63  }
0x48: {  	_ =	swait.ge [sflag:s9], $0x3E80  }
0x49: {  	[sflag:s9] =	ssyncset.done $0x0  }
0x4a: {  	[sflag:s9] =	ssyncadd.s32 $0xFFFFC180  }
0x4b: {  	[spmem:s1] =	stream.indirect.scatter.add.f32 [tilespmem:s31], [sflag:$0x8], $0x80, s10, s28, $0xb8;
	[tilespmem:$0x1BC80] =	vst v63  }
0x4c: {  	_ =	swait.ge [sflag:s11], $0x100  }
0x4d: {  	[sflag:s11] =	ssyncset.done $0x0  }
0x4e: {  	[sflag:s11] =	ssyncadd.s32 $0xFFFFFF00  }
0x4f: {  	_ =	swait.ge [sflag:s12], $0x3E80  }
0x50: {  	[sflag:s12] =	ssyncset.done $0x0  }
0x51: {  	s22 =	sadd.s32 $0x0, s20;
	[sflag:s12] =	ssyncadd.s32 $0xFFFFC180  }
0x52: {  	[tilespmem:s23], [sflag:$0x2] =	stream.linear.gather [hbm4b:s22+s2], $0x100, $0x38;
	[tilespmem:$0x1BC80] =	vst v63  }
0x53: {  	_ = 	snop  }
0x54: {  	[tilespmem:s31], [sflag:$0x6] =	stream.indirect.gather [hbm4b:s4+s28], $0x80, s25, s28, $0xb8;
	[tilespmem:$0x1BC80] =	vst v63  }
0x55: {  	_ =	swait.ge [sflag:s0], $0x3E80  }
0x56: {  	[sflag:s0] =	ssyncset.done $0x0  }
0x57: {  	[sflag:s0] =	ssyncadd.s32 $0xFFFFC180  }
0x58: {  	[spmem:s1] =	stream.indirect.scatter.add.f32 [tilespmem:s29], [sflag:$0x7], $0x80, s13, s28, $0xb8;
	[tilespmem:$0x1BC80] =	vst v63  }
0x59: {  	_ =	swait.ge [sflag:s26], $0x100  }
0x5a: {  	[sflag:s26] =	ssyncset.done $0x0  }
0x5b: {  	[sflag:s26] =	ssyncadd.s32 $0xFFFFFF00  }
0x5c: {  	_ =	swait.ge [sflag:s8], $0x3E80  }
0x5d: {  	[sflag:s8] =	ssyncset.done $0x0  }
0x5e: {  	s7 =	sadd.s32 $0x0, s19;
	[sflag:s8] =	ssyncadd.s32 $0xFFFFC180  }
0x5f: {  	[tilespmem:s24], [sflag:$0x3] =	stream.linear.gather [hbm4b:s7+s2], $0x100, $0x38;
	[tilespmem:$0x1BC80] =	vst v63  }
0x60: {  	_ = 	snop  }
0x61: {  	[tilespmem:s29], [sflag:$0x5] =	stream.indirect.gather [hbm4b:s4+s28], $0x80, s2, s28, $0xb8;
	[tilespmem:$0x1BC80] =	vst v63  }
0x62: {  	_ =	swait.ge [sflag:s9], $0x3E80  }
0x63: {  	[sflag:s9] =	ssyncset.done $0x0  }
0x64: {  	[sflag:s9] =	ssyncadd.s32 $0xFFFFC180  }
0x65: {  	[spmem:s1] =	stream.indirect.scatter.add.f32 [tilespmem:s31], [sflag:$0x8], $0x80, s14, s28, $0xb8;
	[tilespmem:$0x1BC80] =	vst v63  }
0x66: {  	_ =	swait.ge [sflag:s30], $0x100  }
0x67: {  	[sflag:s30] =	ssyncset.done $0x0  }
0x68: {  	[sflag:s30] =	ssyncadd.s32 $0xFFFFFF00  }
0x69: {  	_ =	swait.ge [sflag:s12], $0x3E80  }
0x6a: {  	[sflag:s12] =	ssyncset.done $0x0  }
0x6b: {  	s22 =	sadd.s32 $0x0, s18;
	[sflag:s12] =	ssyncadd.s32 $0xFFFFC180  }
0x6c: {  	[tilespmem:s25], [sflag:$0x4] =	stream.linear.gather [hbm4b:s22+s2], $0x100, $0x38;
	[tilespmem:$0x1BC80] =	vst v63  }
0x6d: {  	_ = 	snop  }
0x6e: {  	[tilespmem:s31], [sflag:$0x6] =	stream.indirect.gather [hbm4b:s4+s28], $0x80, s23, s28, $0xb8;
	[tilespmem:$0x1BC80] =	vst v63  }
0x6f: {  	_ =	swait.ge [sflag:s0], $0x3E80  }
0x70: {  	[sflag:s0] =	ssyncset.done $0x0  }
0x71: {  	[sflag:s0] =	ssyncadd.s32 $0xFFFFC180  }
0x72: {  	[spmem:s1] =	stream.indirect.scatter.add.f32 [tilespmem:s29], [sflag:$0x7], $0x80, s3, s28, $0xb8;
	[tilespmem:$0x1BC80] =	vst v63  }
0x73: {  	_ =	swait.ge [sflag:s6], $0x100  }
0x74: {  	s7 =	simm.s32 $0x80;
	[sflag:s6] =	ssyncset.done $0x0  }
.LBB2_2:
0x75: {  	p1 =	sne.s32 s7, $0x880  }
0x76: {  	[sflag:s6] =	ssyncadd.s32 $0xFFFFFF00;
	s5 =	smov.u32 s7;
	s7 =	sadd.s32 $0x80, s7  }
0x77: {  	_ =	swait.ge [sflag:s8], $0x3E80  }
0x78: {  	[sflag:s8] =	ssyncset.done $0x0  }
0x79: {  	s22 =	sadd.s32 s5, s21;
	[sflag:s8] =	ssyncadd.s32 $0xFFFFC180  }
0x7a: {  	[tilespmem:s2], [sflag:$0x1] =	stream.linear.gather [hbm4b:s22+s2], $0x100, $0x38;
	[tilespmem:$0x1BC80] =	vst v63  }
0x7b: {  	_ = 	snop  }
0x7c: {  	[tilespmem:s29], [sflag:$0x5] =	stream.indirect.gather [hbm4b:s4+s28], $0x80, s24, s28, $0xb8;
	[tilespmem:$0x1BC80] =	vst v63  }
0x7d: {  	_ =	swait.ge [sflag:s9], $0x3E80  }
0x7e: {  	[sflag:s9] =	ssyncset.done $0x0  }
0x7f: {  	[sflag:s9] =	ssyncadd.s32 $0xFFFFC180  }
0x80: {  	[spmem:s1] =	stream.indirect.scatter.add.f32 [tilespmem:s31], [sflag:$0x8], $0x80, s10, s28, $0xb8;
	[tilespmem:$0x1BC80] =	vst v63  }
0x81: {  	_ =	swait.ge [sflag:s11], $0x100  }
0x82: {  	[sflag:s11] =	ssyncset.done $0x0  }
0x83: {  	[sflag:s11] =	ssyncadd.s32 $0xFFFFFF00  }
0x84: {  	_ =	swait.ge [sflag:s12], $0x3E80  }
0x85: {  	[sflag:s12] =	ssyncset.done $0x0  }
0x86: {  	s22 =	sadd.s32 s5, s20;
	[sflag:s12] =	ssyncadd.s32 $0xFFFFC180  }
0x87: {  	[tilespmem:s23], [sflag:$0x2] =	stream.linear.gather [hbm4b:s22+s2], $0x100, $0x38;
	[tilespmem:$0x1BC80] =	vst v63  }
0x88: {  	_ = 	snop  }
0x89: {  	[tilespmem:s31], [sflag:$0x6] =	stream.indirect.gather [hbm4b:s4+s28], $0x80, s25, s28, $0xb8;
	[tilespmem:$0x1BC80] =	vst v63  }
0x8a: {  	_ =	swait.ge [sflag:s0], $0x3E80  }
0x8b: {  	[sflag:s0] =	ssyncset.done $0x0  }
0x8c: {  	[sflag:s0] =	ssyncadd.s32 $0xFFFFC180  }
0x8d: {  	[spmem:s1] =	stream.indirect.scatter.add.f32 [tilespmem:s29], [sflag:$0x7], $0x80, s13, s28, $0xb8;
	[tilespmem:$0x1BC80] =	vst v63  }
0x8e: {  	_ =	swait.ge [sflag:s26], $0x100  }
0x8f: {  	[sflag:s26] =	ssyncset.done $0x0  }
0x90: {  	[sflag:s26] =	ssyncadd.s32 $0xFFFFFF00  }
0x91: {  	_ =	swait.ge [sflag:s8], $0x3E80  }
0x92: {  	[sflag:s8] =	ssyncset.done $0x0  }
0x93: {  	s22 =	sadd.s32 s5, s19;
	[sflag:s8] =	ssyncadd.s32 $0xFFFFC180  }
0x94: {  	[tilespmem:s24], [sflag:$0x3] =	stream.linear.gather [hbm4b:s22+s2], $0x100, $0x38;
	[tilespmem:$0x1BC80] =	vst v63  }
0x95: {  	_ = 	snop  }
0x96: {  	[tilespmem:s29], [sflag:$0x5] =	stream.indirect.gather [hbm4b:s4+s28], $0x80, s2, s28, $0xb8;
	[tilespmem:$0x1BC80] =	vst v63  }
0x97: {  	_ =	swait.ge [sflag:s9], $0x3E80  }
0x98: {  	[sflag:s9] =	ssyncset.done $0x0  }
0x99: {  	[sflag:s9] =	ssyncadd.s32 $0xFFFFC180  }
0x9a: {  	[spmem:s1] =	stream.indirect.scatter.add.f32 [tilespmem:s31], [sflag:$0x8], $0x80, s14, s28, $0xb8;
	[tilespmem:$0x1BC80] =	vst v63  }
0x9b: {  	_ =	swait.ge [sflag:s30], $0x100  }
0x9c: {  	[sflag:s30] =	ssyncset.done $0x0  }
0x9d: {  	[sflag:s30] =	ssyncadd.s32 $0xFFFFFF00  }
0x9e: {  	_ =	swait.ge [sflag:s12], $0x3E80  }
0x9f: {  	[sflag:s12] =	ssyncset.done $0x0  }
0xa0: {  	s5 =	sadd.s32 s5, s18;
	[sflag:s12] =	ssyncadd.s32 $0xFFFFC180  }
0xa1: {  	[tilespmem:s25], [sflag:$0x4] =	stream.linear.gather [hbm4b:s5+s2], $0x100, $0x38;
	[tilespmem:$0x1BC80] =	vst v63  }
0xa2: {  	_ = 	snop  }
0xa3: {  	[tilespmem:s31], [sflag:$0x6] =	stream.indirect.gather [hbm4b:s4+s28], $0x80, s23, s28, $0xb8;
	[tilespmem:$0x1BC80] =	vst v63  }
0xa4: {  	_ =	swait.ge [sflag:s0], $0x3E80  }
.Ltmp0:
0xa5: {  	[sflag:s0] =	ssyncset.done $0x0;
	(pc) =	sbr.rel @p1 .LBB2_2-.Ltmp0, $4  }
0xa6: {  	[sflag:s0] =	ssyncadd.s32 $0xFFFFC180  }
0xa7: {  	[spmem:s1] =	stream.indirect.scatter.add.f32 [tilespmem:s29], [sflag:$0x7], $0x80, s3, s28, $0xb8;
	[tilespmem:$0x1BC80] =	vst v63  }
0xa8: {  	_ =	swait.ge [sflag:s6], $0x100  }
0xa9: {  	[sflag:s6] =	ssyncset.done $0x0  }
0xaa: {  	[sflag:s6] =	ssyncadd.s32 $0xFFFFFF00  }
0xab: {  	_ =	swait.ge [sflag:s8], $0x3E80  }
0xac: {  	[sflag:s8] =	ssyncset.done $0x0  }
0xad: {  	s5 =	rddreg [dreg:$0x9];
	[sflag:s8] =	ssyncadd.s32 $0xFFFFC180  }
0xae: {  	[tilespmem:s2], [sflag:$0x1] =	stream.linear.gather [hbm4b:s5+s2], $0x100, $0x38;
	[tilespmem:$0x1BC80] =	vst v63  }
0xaf: {  	_ = 	snop  }
0xb0: {  	[tilespmem:s29], [sflag:$0x5] =	stream.indirect.gather [hbm4b:s4+s28], $0x80, s24, s28, $0xb8;
	[tilespmem:$0x1BC80] =	vst v63  }
0xb1: {  	_ =	swait.ge [sflag:s9], $0x3E80  }
0xb2: {  	[sflag:s9] =	ssyncset.done $0x0  }
0xb3: {  	[sflag:s9] =	ssyncadd.s32 $0xFFFFC180  }
0xb4: {  	[spmem:s1] =	stream.indirect.scatter.add.f32 [tilespmem:s31], [sflag:$0x8], $0x80, s10, s28, $0xb8;
	[tilespmem:$0x1BC80] =	vst v63  }
0xb5: {  	_ =	swait.ge [sflag:s11], $0x100  }
0xb6: {  	[sflag:s11] =	ssyncset.done $0x0  }
0xb7: {  	[sflag:s11] =	ssyncadd.s32 $0xFFFFFF00  }
0xb8: {  	_ =	swait.ge [sflag:s12], $0x3E80  }
0xb9: {  	[sflag:s12] =	ssyncset.done $0x0  }
0xba: {  	s7 =	rddreg [dreg:$0xa];
	[sflag:s12] =	ssyncadd.s32 $0xFFFFC180  }
0xbb: {  	[tilespmem:s23], [sflag:$0x2] =	stream.linear.gather [hbm4b:s7+s2], $0x100, $0x38;
	[tilespmem:$0x1BC80] =	vst v63  }
0xbc: {  	_ = 	snop  }
0xbd: {  	[tilespmem:s31], [sflag:$0x6] =	stream.indirect.gather [hbm4b:s4+s28], $0x80, s25, s28, $0xb8;
	[tilespmem:$0x1BC80] =	vst v63  }
0xbe: {  	_ =	swait.ge [sflag:s0], $0x3E80  }
0xbf: {  	[sflag:s0] =	ssyncset.done $0x0  }
0xc0: {  	[sflag:s0] =	ssyncadd.s32 $0xFFFFC180  }
0xc1: {  	[spmem:s1] =	stream.indirect.scatter.add.f32 [tilespmem:s29], [sflag:$0x7], $0x80, s13, s28, $0xb8;
	[tilespmem:$0x1BC80] =	vst v63  }
0xc2: {  	_ =	swait.ge [sflag:s26], $0x100  }
0xc3: {  	[sflag:s26] =	ssyncset.done $0x0  }
0xc4: {  	[sflag:s26] =	ssyncadd.s32 $0xFFFFFF00  }
0xc5: {  	_ =	swait.ge [sflag:s8], $0x3E80  }
0xc6: {  	[sflag:s8] =	ssyncset.done $0x0  }
0xc7: {  	s22 =	rddreg [dreg:$0xb];
	[sflag:s8] =	ssyncadd.s32 $0xFFFFC180  }
0xc8: {  	[tilespmem:s24], [sflag:$0x3] =	stream.linear.gather [hbm4b:s22+s2], $0x100, $0x38;
	[tilespmem:$0x1BC80] =	vst v63  }
0xc9: {  	_ = 	snop  }
0xca: {  	[tilespmem:s29], [sflag:$0x5] =	stream.indirect.gather [hbm4b:s4+s28], $0x80, s2, s28, $0xb8;
	[tilespmem:$0x1BC80] =	vst v63  }
0xcb: {  	_ =	swait.ge [sflag:s9], $0x3E80  }
0xcc: {  	[sflag:s9] =	ssyncset.done $0x0  }
0xcd: {  	[sflag:s9] =	ssyncadd.s32 $0xFFFFC180  }
0xce: {  	[spmem:s1] =	stream.indirect.scatter.add.f32 [tilespmem:s31], [sflag:$0x8], $0x80, s14, s28, $0xb8;
	[tilespmem:$0x1BC80] =	vst v63  }
0xcf: {  	_ =	swait.ge [sflag:s30], $0x100  }
0xd0: {  	[sflag:s30] =	ssyncset.done $0x0  }
0xd1: {  	[sflag:s30] =	ssyncadd.s32 $0xFFFFFF00  }
0xd2: {  	_ =	swait.ge [sflag:s12], $0x3E80  }
0xd3: {  	[sflag:s12] =	ssyncset.done $0x0  }
0xd4: {  	s7 =	rddreg [dreg:$0xc];
	[sflag:s12] =	ssyncadd.s32 $0xFFFFC180  }
0xd5: {  	[tilespmem:s25], [sflag:$0x4] =	stream.linear.gather [hbm4b:s7+s2], $0x100, $0x38;
	[tilespmem:$0x1BC80] =	vst v63  }
0xd6: {  	_ = 	snop  }
0xd7: {  	[tilespmem:s31], [sflag:$0x6] =	stream.indirect.gather [hbm4b:s4+s28], $0x80, s23, s28, $0xb8;
	[tilespmem:$0x1BC80] =	vst v63  }
0xd8: {  	_ =	swait.ge [sflag:s0], $0x3E80  }
0xd9: {  	[sflag:s0] =	ssyncset.done $0x0  }
0xda: {  	[sflag:s0] =	ssyncadd.s32 $0xFFFFC180  }
0xdb: {  	[spmem:s1] =	stream.indirect.scatter.add.f32 [tilespmem:s29], [sflag:$0x7], $0x80, s3, s28, $0xb8;
	[tilespmem:$0x1BC80] =	vst v63  }
0xdc: {  	_ =	swait.ge [sflag:s6], $0x100  }
0xdd: {  	[sflag:s6] =	ssyncset.done $0x0  }
0xde: {  	[sflag:s6] =	ssyncadd.s32 $0xFFFFFF00  }
0xdf: {  	_ =	swait.ge [sflag:s8], $0x3E80  }
0xe0: {  	[sflag:s8] =	ssyncset.done $0x0  }
0xe1: {  	[sflag:s8] =	ssyncadd.s32 $0xFFFFC180  }
0xe2: {  	[tilespmem:s29], [sflag:$0x5] =	stream.indirect.gather [hbm4b:s4+s28], $0x80, s24, s28, $0xb8;
	[tilespmem:$0x1BC80] =	vst v63  }
0xe3: {  	_ =	swait.ge [sflag:s9], $0x3E80  }
0xe4: {  	[sflag:s9] =	ssyncset.done $0x0  }
0xe5: {  	[sflag:s9] =	ssyncadd.s32 $0xFFFFC180  }
0xe6: {  	[spmem:s1] =	stream.indirect.scatter.add.f32 [tilespmem:s31], [sflag:$0x8], $0x80, s10, s28, $0xb8;
	[tilespmem:$0x1BC80] =	vst v63  }
0xe7: {  	_ =	swait.ge [sflag:s11], $0x100  }
0xe8: {  	[sflag:s11] =	ssyncset.done $0x0  }
0xe9: {  	[sflag:s11] =	ssyncadd.s32 $0xFFFFFF00  }
0xea: {  	_ =	swait.ge [sflag:s12], $0x3E80  }
0xeb: {  	[sflag:s12] =	ssyncset.done $0x0  }
0xec: {  	[sflag:s12] =	ssyncadd.s32 $0xFFFFC180  }
0xed: {  	[tilespmem:s31], [sflag:$0x6] =	stream.indirect.gather [hbm4b:s4+s28], $0x80, s25, s28, $0xb8;
	[tilespmem:$0x1BC80] =	vst v63  }
0xee: {  	_ =	swait.ge [sflag:s0], $0x3E80  }
0xef: {  	[sflag:s0] =	ssyncset.done $0x0  }
0xf0: {  	[sflag:s0] =	ssyncadd.s32 $0xFFFFC180  }
0xf1: {  	[spmem:s1] =	stream.indirect.scatter.add.f32 [tilespmem:s29], [sflag:$0x7], $0x80, s13, s28, $0xb8;
	[tilespmem:$0x1BC80] =	vst v63  }
0xf2: {  	_ =	swait.ge [sflag:s8], $0x3E80  }
0xf3: {  	[sflag:s8] =	ssyncset.done $0x0  }
0xf4: {  	[sflag:s8] =	ssyncadd.s32 $0xFFFFC180  }
0xf5: {  	_ =	swait.ge [sflag:s9], $0x3E80  }
0xf6: {  	[sflag:s9] =	ssyncset.done $0x0  }
0xf7: {  	[sflag:s9] =	ssyncadd.s32 $0xFFFFC180  }
0xf8: {  	[spmem:s1] =	stream.indirect.scatter.add.f32 [tilespmem:s31], [sflag:$0x8], $0x80, s14, s28, $0xb8;
	[tilespmem:$0x1BC80] =	vst v63  }
0xf9: {  	_ =	swait.ge [sflag:s12], $0x3E80  }
0xfa: {  	[sflag:s12] =	ssyncset.done $0x0  }
0xfb: {  	[sflag:s12] =	ssyncadd.s32 $0xFFFFC180  }
0xfc: {  	[bflag:$0x0] =	sbarrier.arrive $0xFFFF  }
0xfd: {  	s7 =	rddreg [dreg:$0xe]  }
0xfe: {  	s5 =	simm.s32 @p0 $0x1FC9;
	s22 =	rddreg [dreg:$0x10]  }
0xff: {  	[hbm:s7], [sflag:s5] =	dma.local @p0 [spmem:s22], $0x2800  }
0x100: {  	s5 =	simm.s32 @p0 $0x9  }
0x101: {  	_ =	swait.ge @p0 [sflag:s5], $0x2800  }
0x102: {  	[sflag:s5] =	ssyncset.done @p0 $0x0  }
0x103: {  	[sflag:s5] =	ssyncadd.s32 @p0 $0xFFFFD800;
	s5 =	rddreg [dreg:$0xd]  }
0x104: {  	[hbm:s5], [sflag:s16] =	dma.local @!p0 [spmem:s17], $0x2700  }
0x105: {  	s5 =	simm.s32 @!p0 $0x9  }
0x106: {  	_ =	swait.ge @!p0 [sflag:s5], $0x2700  }
0x107: {  	s15 =	sadd.s32 $0x1, s15;
	s17 =	rddreg [dreg:$0xf]  }
0x108: {  	p1 =	sne.s32 s15, s17  }
.Ltmp1:
0x109: {  	_ = 	snop;
	(pc) =	sbr.rel @p1 .LBB2_1-.Ltmp1, $3  }
0x10a: {  	_ =	sdelay $0x1  }
0x10b: {  	[sflag:s5] =	ssyncset.done @!p0 $0x0  }
0x10c: {  	s7 =	smov.u32 s22;
	[sflag:s5] =	ssyncadd.s32 @!p0 $0xFFFFD900  }
0x10d: {  	_ =	sfence.sel $0x180000  }
0x10e: {  	[bflag:$0x0] =	sbarrier.arrive $0xFFFF  }
0x10f: {  	_ =	strace $0x9000004A  }
0x110: {  	s0 =	stileid.u32;
	[bflag:$0x2] =	sbarrier.arrive $0xFFFF  }
0x111: {  	p0 =	sne.s32 s0, $0x0;
	s0 =	rddreg [dreg:$0x2]  }
0x112: {  	s0 =	sadd.s32 @!p0 $0x100000, s0  }
0x113: {  	[sflag:s0] =	ssyncadd.tile.s32 @!p0 $0x1;
	_ =	shalt  }
.Lfunc_end2:
_tile_overlayer_lowered:
.L_overlay_start_2:
0x114: {  	(tag) =	ssettag $0x2  }
0x115: {  	s0 =	rddreg [dreg:$0x0];
	s2 =	stileid.u32  }
0x116: {  	s1 =	rddreg [dreg:$0x1];
	p0 =	sne.s32 s2, $0x0  }
0x117: {  	s3 =	rddreg [dreg:$0x2];
	[bflag:$0x3] =	sbarrier.arrive $0xFFFF;
	s2 =	simm.s32 @!p0 $0x1C09  }
0x118: {  	[timem:s3], [sflag:s2] =	dma.local @!p0 [hbm:s0], s1  }
0x119: {  	s0 =	simm.s32 @!p0 $0x9  }
0x11a: {  	_ =	swait.ge @!p0 [sflag:s0], s1  }
0x11b: {  	s1 =	ssub.s32 @!p0 $0x0, s1;
	[sflag:s0] =	ssyncset.done @!p0 $0x0  }
0x11c: {  	[sflag:s0] =	ssyncadd.s32 @!p0 s1  }
0x11d: {  	[bflag:$0x3] =	sbarrier.arrive $0xFFFF  }
0x11e: {  	_ =	shalt  }

// kernel: kernel.14.cloned.1.call-start
scs
__scs_entry_jumppad:
0x0: {  	(pc) =	sbr.rel $0x88, $3  }
0x1: {  	(tag) =	ssettag $0x0;
	lr =	simm.s32 $0x1  }
0x2: {  	[smem:$0x3F97] =	sst lr;
	_ =	strace $0xD0000000  }
0x3: {  	_ = 	snop  }
0x4: {  	_ = 	snop  }
0x5: {  	_ = 	snop  }
0x6: {  	_ = 	snop  }
0x7: {  	_ = 	snop  }
__scs_overlays_trampoline_lowered:
0x8: {  	[smem:$0x3FA6] =	sst s0  }
0x9: {  	[smem:$0x3FA7] =	sst s1  }
0xa: {  	[smem:$0x3FA8] =	sst s2  }
0xb: {  	[smem:$0x3FA9] =	sst s3  }
0xc: {  	[smem:$0x3FAA] =	sst s4  }
0xd: {  	[smem:$0x3FAB] =	sst s5  }
0xe: {  	[smem:$0x3FAC] =	sst s6  }
0xf: {  	[smem:$0x3FAD] =	sst s7  }
0x10: {  	[smem:$0x3FAE] =	sst s8  }
0x11: {  	[smem:$0x3FAF] =	sst s9;
	s0 =	simm.s32 @!p0 $0x0  }
0x12: {  	s1 =	sld [smem:$0x3F95];
	s0 =	simm.s32 @p0 $0x1  }
0x13: {  	[smem:$0x3FB0] =	sst s0;
	s0 =	simm.s32 @!p1 $0x0  }
0x14: {  	s2 =	sld [smem:$0x3F94];
	s0 =	simm.s32 @p1 $0x1  }
0x15: {  	[smem:$0x3FB1] =	sst s0;
	s0 =	simm.s32 @!p2 $0x0  }
0x16: {  	s3 =	sld [smem:$0x3FDB];
	s0 =	simm.s32 @p2 $0x1  }
0x17: {  	s4 =	simm.s32 $0x1BF5;
	[smem:$0x3FB3] =	sst s0  }
0x18: {  	s0 =	sld [smem:$0x3F96];
	_ =	swait.ge [sflag:s4], $0x0  }
0x19: {  	s7 =	sld [smem:$0x3F97]  }
0x1a: {  	s8 =	sadd.s32 $0xFFFFE003, lr  }
0x1b: {  	s9 =	sadd.s32 $0xFFFFFEF7, lr;
	s5 =	simm.s32 $0xFFFFFFFF;
	p2 =	slt.u32 s8, $0xFFFFF086  }
0x1c: {  	p1 =	slt.u32 s9, $0xF7A;
	s5 =	simm.s32 @!p2 $0x0  }
0x1d: {  	s5 =	simm.s32 @p1 $0x1;
	p0 =	seq.s32 s7, s2  }
0x1e: {  	s7 =	smul.u32 @!p0 $0xF7A, s2;
	p2 =	seq.s32 @!p0 s5, $0x0  }
0x1f: {  	s9 =	smul.u32 $0xF7A, s1;
	s8 =	simm.s32 @!p0 $0x1BF5;
	p2 =	por !p2, p0  }
0x20: {  	[sflag:s8] =	ssyncset.s32 @!p0 $0xFFFFF086;
	s6 =	sadd.s32 @!p0 s3, s7;
	s7 =	simm.s32 @!p0 $0x108  }
0x21: {  	s3 =	sadd.s32 s3, s9;
	s6 =	sadd.s32 @!p0 $0x88, s6;
	s7 =	simm.s32 @p2 $0x1082  }
0x22: {  	[simem:s7], [sflag:s8] =	dma.local @!p0 [hbm:s6], $0xF7A  }
0x23: {  	s9 =	sor.u32 $0xD0000000, s2;
	s6 =	simm.s32 $0x108;
	_ =	swait.ge @!p0 [sflag:s8], $0x0  }
0x24: {  	s3 =	sadd.s32 $0x88, s3;
	s6 =	simm.s32 @!p1 $0x1082;
	[sflag:s4] =	ssyncset.s32 $0xFFFFF086  }
0x25: {  	[simem:s6], [sflag:s4] =	dma.local [hbm:s3], $0xF7A  }
0x26: {  	[smem:$0x3F97] =	sst s1;
	(tag) =	ssettag s2;
	_ =	strace s9  }
0x27: {  	s1 =	sld [smem:$0x3FA7]  }
0x28: {  	s2 =	sld [smem:$0x3FA8]  }
0x29: {  	s4 =	sld [smem:$0x3FAA]  }
0x2a: {  	p0 =	seq.s32 s5, $0x0;
	s5 =	sld [smem:$0x3FAB]  }
0x2b: {  	s6 =	sld [smem:$0x3FAC]  }
0x2c: {  	s7 =	sld [smem:$0x3FAD]  }
0x2d: {  	s3 =	simm.s32 $0x108;
	s8 =	sld [smem:$0x3FAE]  }
0x2e: {  	s3 =	simm.s32 @!p0 $0x1082;
	s9 =	sld [smem:$0x3FAF]  }
0x2f: {  	lr =	sadd.s32 s0, s3;
	s0 =	sld [smem:$0x3FA6]  }
0x30: {  	s3 =	sld [smem:$0x3FA9]  }
0x31: {  	[smem:$0x3FB2] =	sst s10  }
0x32: {  	s10 =	sld [smem:$0x3FB0];
	_ =	sdelay $0x3  }
0x33: {  	p0 =	seq.s32 s10, $0x1;
	s10 =	sld [smem:$0x3FB2];
	_ =	sdelay $0x3  }
0x34: {  	[smem:$0x3FB2] =	sst s10  }
0x35: {  	s10 =	sld [smem:$0x3FB1];
	_ =	sdelay $0x3  }
0x36: {  	p1 =	seq.s32 s10, $0x1;
	s10 =	sld [smem:$0x3FB2];
	_ =	sdelay $0x3  }
0x37: {  	[smem:$0x3FB2] =	sst s10  }
0x38: {  	s10 =	sld [smem:$0x3FB3]  }
0x39: {  	_ = 	snop;
	(pc) =	sbr.ind lr, $3  }
0x3a: {  	_ = 	snop  }
0x3b: {  	_ = 	snop  }
0x3c: {  	p2 =	seq.s32 s10, $0x1;
	s10 =	sld [smem:$0x3FB2]  }
0x3d: {  	_ =	shalt  }
0x3e: {  	_ =	shalt  }
0x3f: {  	_ =	shalt  }
0x40: {  	_ =	shalt  }
0x41: {  	_ =	shalt  }
0x42: {  	_ =	shalt  }
0x43: {  	_ =	shalt  }
0x44: {  	_ =	shalt  }
0x45: {  	_ =	shalt  }
0x46: {  	_ =	shalt  }
0x47: {  	_ =	shalt  }
0x48: {  	_ =	shalt  }
0x49: {  	_ =	shalt  }
0x4a: {  	_ =	shalt  }
0x4b: {  	_ =	shalt  }
0x4c: {  	_ =	shalt  }
0x4d: {  	_ =	shalt  }
0x4e: {  	_ =	shalt  }
0x4f: {  	_ =	shalt  }
0x50: {  	_ =	shalt  }
0x51: {  	_ =	shalt  }
0x52: {  	_ =	shalt  }
0x53: {  	_ =	shalt  }
0x54: {  	_ =	shalt  }
0x55: {  	_ =	shalt  }
0x56: {  	_ =	shalt  }
0x57: {  	_ =	shalt  }
0x58: {  	_ =	shalt  }
0x59: {  	_ =	shalt  }
0x5a: {  	_ =	shalt  }
0x5b: {  	_ =	shalt  }
0x5c: {  	_ =	shalt  }
0x5d: {  	_ =	shalt  }
0x5e: {  	_ =	shalt  }
0x5f: {  	_ =	shalt  }
0x60: {  	_ =	shalt  }
0x61: {  	_ =	shalt  }
0x62: {  	_ =	shalt  }
0x63: {  	_ =	shalt  }
0x64: {  	_ =	shalt  }
0x65: {  	_ =	shalt  }
0x66: {  	_ =	shalt  }
0x67: {  	_ =	shalt  }
0x68: {  	_ =	shalt  }
0x69: {  	_ =	shalt  }
0x6a: {  	_ =	shalt  }
0x6b: {  	_ =	shalt  }
0x6c: {  	_ =	shalt  }
0x6d: {  	_ =	shalt  }
0x6e: {  	_ =	shalt  }
0x6f: {  	_ =	shalt  }
0x70: {  	_ =	shalt  }
0x71: {  	_ =	shalt  }
0x72: {  	_ =	shalt  }
0x73: {  	_ =	shalt  }
0x74: {  	_ =	shalt  }
0x75: {  	_ =	shalt  }
0x76: {  	_ =	shalt  }
0x77: {  	_ =	shalt  }
0x78: {  	_ =	shalt  }
0x79: {  	_ =	shalt  }
0x7a: {  	_ =	shalt  }
0x7b: {  	_ =	shalt  }
0x7c: {  	_ =	shalt  }
0x7d: {  	_ =	shalt  }
0x7e: {  	_ =	shalt  }
0x7f: {  	_ =	shalt  }
0x80: {  	_ =	shalt  }
0x81: {  	_ =	shalt  }
0x82: {  	_ =	shalt  }
0x83: {  	_ =	shalt  }
0x84: {  	_ =	shalt  }
0x85: {  	_ =	shalt  }
0x86: {  	_ =	shalt  }
0x87: {  	_ =	shalt  }
.Lfunc_end0:
.L_simem_size_0:
called_computation.2_lowered:
.L_overlay_start_0:
0x88: {  	s2 =	sld [smem:$0x3FD9]  }
0x89: {  	s3 =	sld [smem:$0x3FFE];
	_ =	sdelay $0x1  }
0x8a: {  	s1 =	srdreg.scid  }
0x8b: {  	s0 =	sand.u32 $0x1, s1  }
0x8c: {  	s16 =	sshll.u32 s0, $0xA;
	s2 =	sadd.s32 s3, s2  }
0x8d: {  	s2 =	sadd.s32 s2, s16  }
0x8e: {  	[smem:$0x3FBE] =	sst s2  }
0x8f: {  	_ = 	snop  }
0x90: {  	(tm) =	ssettm $0x1  }
0x91: {  	s17 =	sld [smem:$0x3FFB];
	_ =	sdelay $0x3  }
0x92: {  	_ =	strace s17  }
0x93: {  	s2 =	sld [smem:$0x3FFC];
	_ =	sdelay $0x3  }
0x94: {  	_ =	strace s2  }
0x95: {  	s2 =	sld [smem:$0x3FFD];
	_ =	sdelay $0x3  }
0x96: {  	_ =	strace s2  }
0x97: {  	_ =	strace $0x8FFFFFFF  }
0x98: {  	s18 =	sld [smem:$0x3FDB];
	_ =	sdelay $0x1  }
0x99: {  	s19 =	simm.s32 $_scs_section_size  }
0x9a: {  	s4 =	simm.s32 $_size__tile_overlayer_lowered;
	s5 =	simm.s32 $_tile_overlayer_lowered  }
0x9b: {  	s22 =	simm.s32 $0x1BFF;
	s21 =	sshll.u32 s5, $0x1;
	s2 =	sadd.s32 s19, s18  }
0x9c: {  	s6 =	simm.s32 $0x0;
	s20 =	sshll.u32 s4, $0x1;
	s4 =	sadd.s32 s21, s2  }
0x9d: {  	[timem:s6], [sflag:s22] =	dma.local [hbm:s4], s20  }
0x9e: {  	_ =	swait.ge [sflag:s22], s20  }
0x9f: {  	s3 =	ssub.s32 $0x0, s20;
	[sflag:s22] =	ssyncset.done $0x0  }
0xa0: {  	[sflag:s22] =	ssyncadd.s32 s3;
	_ =	sdelay $0x1  }
0xa1: {  	s23 =	simm.s32 $0x1B8B  }
0xa2: {  	_ =	swait.ge [sflag:s23], $0x1  }
0xa3: {  	[sflag:s23] =	ssyncset.done $0x0  }
0xa4: {  	s25 =	simm.s32 $0x1B8E;
	s24 =	sld [smem:$0x3FFE];
	[sflag:s23] =	ssyncadd.s32 $0xFFFFFFFF  }
0xa5: {  	s26 =	simm.s32 $execute0_lowered;
	[smem:$0x3FD2] =	sst s25  }
0xa6: {  	s4 =	sshll.u32 s26, $0x1;
	_ =	strace $0x8000004C;
	[dreg:$0x1] =	wrdreg $0xFFFFFFFF  }
0xa7: {  	s28 =	simm.s32 $_size_execute0_lowered;
	s2 =	sadd.s32 s2, s4;
	[dreg:$0x0] =	wrdreg $0x0  }
0xa8: {  	s4 =	sshll.u32 s28, $0x1;
	[dreg:$0x2] =	wrdreg s2  }
0xa9: {  	[dreg:$0x3] =	wrdreg s4  }
0xaa: {  	[dreg:$0x4] =	wrdreg $0xC0  }
0xab: {  	_ =	task [dreg:s6], $0x5FFFF  }
0xac: {  	[dreg:$0x1] =	wrdreg $0xFFFFFFFF  }
0xad: {  	[dreg:$0x0] =	wrdreg $0x60  }
0xae: {  	[dreg:$0x2] =	wrdreg s24  }
0xaf: {  	[dreg:$0x3] =	wrdreg $0x84000  }
0xb0: {  	[dreg:$0x4] =	wrdreg $0x9  }
0xb1: {  	_ =	task.clear_ibuf [dreg:s6], $0x5FFFF;
	_ =	strace $0x9000004C  }
0xb2: {  	s29 =	simm.s32 $0x9;
	_ =	strace $0x8000004E  }
0xb3: {  	_ =	swait.ge [sflag:s29], $0x1  }
0xb4: {  	[sflag:s29] =	ssyncadd.s32 $0xFFFFFFFF  }
0xb5: {  	_ =	strace $0x9000004E  }
0xb6: {  	_ =	sfence  }
0xb7: {  	s30 =	sld [smem:$0x0];
	_ =	sdelay $0x2  }
0xb8: {  	s31 =	sshll.u32 s1, $0xD;
	s1 =	sshrl.u32 s1, $0x2  }
0xb9: {  	s3 =	sand.u32 $0x4000, s31;
	s1 =	sadd.s32 s1, s30  }
0xba: {  	s0 =	sor.u32 s3, s0;
	s1 =	sshll.u32 s1, $0x11  }
0xbb: {  	s0 =	sor.u32 s1, s0  }
0xbc: {  	s0 =	sadd.s32 $0x8F2B, s0  }
0xbd: {  	[sflag:s0] =	ssyncadd.remote.s32 $0x1  }
0xbe: {  	_ =	sfence.sel $0xFFFF  }
0xbf: {  	[dreg:$0x0] =	wrdreg $0xFFFFFFFF;
	(pc) =	sbr.abs _section_cstart, $3  }
0xc0: {  	[dreg:$0x1] =	wrdreg $0xFFFFFFFF  }
0xc1: {  	_ =	task.clear_ibuf [dreg:s6], $0x2FFFF;
	_ =	strace $0x9FFFFFFF  }
0xc2: {  	(tm) =	ssettm $0x7FFFFFFF  }
0xc3: {  	_ =	shalt  }
tec
execute0_lowered:
.L_overlay_start_1:
0x0: {  	(tag) =	ssettag $0x1  }
0x1: {  	s0 =	rddreg [dreg:$0x0]  }
0x2: {  	s1 =	rddreg [dreg:$0x1];
	s2 =	simm.s32 $0x0  }
0x3: {  	s3 =	srdreg.scid;
	s11 =	stileid.u32;
	s28 =	simm.s32 $0x7D  }
0x4: {  	s29 =	simm.s32 $0x400;
	s30 =	simm.s32 $0x2;
	s31 =	simm.s32 $0x4400  }
0x5: {  	[smem:$0x7FF] =	sst s2;
	s3 =	sand.u32 $0x1, s3;
	s7 =	smul.u32 $0x4E000, s11  }
0x6: {  	s4 =	sadd.s32 $0x5C00, s0;
	s6 =	sadd.s32 $0x53E00, s0;
	s14 =	smul.u32 $0x13800, s11  }
0x7: {  	s8 =	sadd.s32 $0x3400, s0;
	s0 =	sadd.s32 $0x67E00, s0;
	s18 =	smul.u32 $0x5000, s11  }
0x8: {  	p0 =	seq.s32 s11, $0xF;
	_ =	strace $0x8000004D;
	s5 =	sshll.u32 s3, $0x4  }
0x9: {  	[dreg:$0x3] =	wrdreg s8;
	s25 =	ssub.s32 $0x2, s3;
	s26 =	smul.u32 $0x138800, s3  }
0xa: {  	s3 =	smul.u32 $0x50000, s3;
	s5 =	sor.u32 s11, s5;
	s9 =	sshrl.u32 s25, $0x1  }
0xb: {  	s7 =	sshrl.u32 s7, $0x2;
	s11 =	simm.s32 $0x4;
	s5 =	smul.u32 $0x5000, s5  }
0xc: {  	s8 =	ssub.s32 s25, s9;
	s7 =	sadd.s32 s7, s1;
	s9 =	sadd.s32 s14, s26  }
0xd: {  	s3 =	sadd.s32 s18, s3;
	s14 =	simm.s32 $0x380;
	[dreg:$0x4] =	wrdreg s7  }
0xe: {  	s7 =	sadd.s32 $0x124800, s1;
	s9 =	sshrl.u32 s9, $0x3;
	s20 =	sor.u32 $0x700, s3  }
0xf: {  	s21 =	smax.u32 s8, $0x1;
	s22 =	sor.u32 $0x600, s3;
	s24 =	sor.u32 $0x500, s3  }
0x10: {  	s3 =	sor.u32 $0x400, s3;
	s8 =	simm.s32 $0x7;
	s5 =	sshrl.u32 s5, $0x3  }
0x11: {  	[dreg:$0xf] =	wrdreg s21;
	s23 =	sshrl.u32 s22, $0x3;
	s25 =	sshrl.u32 s24, $0x3  }
0x12: {  	s7 =	sshrl.u32 @p0 s7, $0x3;
	s24 =	simm.s32 $0x200;
	s12 =	sadd.s32 s6, s5  }
0x13: {  	s5 =	sshrl.u32 s26, $0x3;
	s26 =	sshrl.u32 s3, $0x3;
	[dreg:$0x10] =	wrdreg s7  }
0x14: {  	s3 =	simm.s32 $0x80;
	s10 =	sadd.s32 $0x20, s12;
	[dreg:$0x5] =	wrdreg s12  }
0x15: {  	s13 =	sadd.s32 $0x40, s12;
	s15 =	sadd.s32 $0x980, s12;
	[dreg:$0x6] =	wrdreg s10  }
0x16: {  	s16 =	sadd.s32 $0x9A0, s12;
	s17 =	sadd.s32 $0x9C0, s12;
	[dreg:$0x7] =	wrdreg s13  }
0x17: {  	s5 =	sadd.s32 s0, s5;
	s0 =	sadd.s32 s0, s9;
	[dreg:$0x9] =	wrdreg s15  }
0x18: {  	s21 =	sadd.s32 s26, s6;
	s26 =	simm.s32 $0x1;
	[dreg:$0xa] =	wrdreg s16  }
0x19: {  	s9 =	simm.s32 $0x6;
	s10 =	sadd.s32 $0x60, s12;
	[dreg:$0xb] =	wrdreg s17  }
0x1a: {  	s12 =	sadd.s32 $0x9E0, s12;
	[dreg:$0xd] =	wrdreg s0;
	s19 =	sadd.s32 $0x24900, s5  }
0x1b: {  	s0 =	sshrl.u32 s20, $0x3;
	s20 =	sadd.s32 s25, s6;
	[dreg:$0x8] =	wrdreg s10  }
0x1c: {  	s25 =	simm.s32 $0x300;
	s13 =	simm.s32 $0x280;
	[dreg:$0xc] =	wrdreg s12  }
0x1d: {  	s15 =	simm.s32 $0x0;
	[dreg:$0xe] =	wrdreg s19;
	s18 =	sadd.s32 s0, s6  }
0x1e: {  	s19 =	sadd.s32 s23, s6;
	s23 =	simm.s32 $0x100;
	s0 =	simm.s32 $0x5  }
0x1f: {  	s6 =	simm.s32 $0x3;
	s10 =	simm.s32 $0x180;
	s12 =	simm.s32 $0x8  }
.LBB2_1:
0x20: {  	s5 =	simm.s32 @p0 $0x1FC9;
	s22 =	rddreg [dreg:$0x3]  }
0x21: {  	[spmem:s7], [sflag:s5] =	dma.local @p0 [hbm:s22], $0x2800  }
0x22: {  	s5 =	simm.s32 @p0 $0x9  }
0x23: {  	_ =	swait.ge @p0 [sflag:s5], $0x2800  }
0x24: {  	s7 =	stileid.u32;
	[sflag:s5] =	ssyncset.done @p0 $0x0  }
0x25: {  	s7 =	sshll.u32 @!p0 s7, $0x6;
	[sflag:s5] =	ssyncadd.s32 @p0 $0xFFFFD800;
	s5 =	rddreg [dreg:$0x4]  }
0x26: {  	s16 =	sor.u32 @!p0 $0x1C09, s7;
	s17 =	sshrl.u32 @!p0 s5, $0x3;
	s5 =	simm.s32 @!p0 $0x9  }
0x27: {  	[spmem:s17], [sflag:s16] =	dma.local @!p0 [hbm:s22], $0x2700  }
0x28: {  	_ =	swait.ge @!p0 [sflag:s5], $0x2700  }
0x29: {  	[sflag:s5] =	ssyncset.done @!p0 $0x0  }
0x2a: {  	s7 =	rddreg [dreg:$0x5];
	[sflag:s5] =	ssyncadd.s32 @!p0 $0xFFFFD900  }
0x2b: {  	[tilespmem:s2], [sflag:$0x1] =	stream.linear.gather [hbm4b:s7+s2], $0x100, $0x38;
	[tilespmem:$0x1BC80] =	vst v63  }
0x2c: {  	s22 =	rddreg [dreg:$0x6]  }
0x2d: {  	[tilespmem:s23], [sflag:$0x2] =	stream.linear.gather [hbm4b:s22+s2], $0x100, $0x38;
	[tilespmem:$0x1BC80] =	vst v63  }
0x2e: {  	s7 =	rddreg [dreg:$0x7]  }
0x2f: {  	[tilespmem:s24], [sflag:$0x3] =	stream.linear.gather [hbm4b:s7+s2], $0x100, $0x38;
	[tilespmem:$0x1BC80] =	vst v63  }
0x30: {  	s22 =	rddreg [dreg:$0x8]  }
0x31: {  	[tilespmem:s25], [sflag:$0x4] =	stream.linear.gather [hbm4b:s22+s2], $0x100, $0x38;
	[tilespmem:$0x1BC80] =	vst v63  }
0x32: {  	_ =	swait.ge [sflag:s26], $0x100  }
0x33: {  	[sflag:s26] =	ssyncset.done $0x0  }
0x34: {  	[sflag:s26] =	ssyncadd.s32 $0xFFFFFF00  }
0x35: {  	[tilespmem:s29], [sflag:$0x5] =	stream.indirect.gather [hbm4b:s4+s28], $0x80, s2, s28, $0xb8;
	[tilespmem:$0x1BC80] =	vst v63  }
0x36: {  	_ =	swait.ge [sflag:s30], $0x100  }
0x37: {  	[sflag:s30] =	ssyncset.done $0x0  }
0x38: {  	[sflag:s30] =	ssyncadd.s32 $0xFFFFFF00  }
0x39: {  	[tilespmem:s31], [sflag:$0x6] =	stream.indirect.gather [hbm4b:s4+s28], $0x80, s23, s28, $0xb8;
	[tilespmem:$0x1BC80] =	vst v63  }
0x3a: {  	[bflag:$0x0] =	sbarrier.arrive $0xFFFF  }
0x3b: {  	_ =	swait.ge [sflag:s0], $0x3E80  }
0x3c: {  	[sflag:s0] =	ssyncset.done $0x0  }
0x3d: {  	[sflag:s0] =	ssyncadd.s32 $0xFFFFC180  }
0x3e: {  	[spmem:s1] =	stream.indirect.scatter.add.f32 [tilespmem:s29], [sflag:$0x7], $0x80, s3, s28, $0xb8;
	[tilespmem:$0x1BC80] =	vst v63  }
0x3f: {  	_ =	swait.ge [sflag:s6], $0x100  }
0x40: {  	[sflag:s6] =	ssyncset.done $0x0  }
0x41: {  	[sflag:s6] =	ssyncadd.s32 $0xFFFFFF00  }
0x42: {  	_ =	swait.ge [sflag:s8], $0x3E80  }
0x43: {  	[sflag:s8] =	ssyncset.done $0x0  }
0x44: {  	s7 =	sadd.s32 $0x0, s21;
	[sflag:s8] =	ssyncadd.s32 $0xFFFFC180  }
0x45: {  	[tilespmem:s2], [sflag:$0x1] =	stream.linear.gather [hbm4b:s7+s2], $0x100, $0x38;
	[tilespmem:$0x1BC80] =	vst v63  }
0x46: {  	_ = 	snop  }
0x47: {  	[tilespmem:s29], [sflag:$0x5] =	stream.indirect.gather [hbm4b:s4+s28], $0x80, s24, s28, $0xb8;
	[tilespmem:$0x1BC80] =	vst v63  }
0x48: {  	_ =	swait.ge [sflag:s9], $0x3E80  }
0x49: {  	[sflag:s9] =	ssyncset.done $0x0  }
0x4a: {  	[sflag:s9] =	ssyncadd.s32 $0xFFFFC180  }
0x4b: {  	[spmem:s1] =	stream.indirect.scatter.add.f32 [tilespmem:s31], [sflag:$0x8], $0x80, s10, s28, $0xb8;
	[tilespmem:$0x1BC80] =	vst v63  }
0x4c: {  	_ =	swait.ge [sflag:s11], $0x100  }
0x4d: {  	[sflag:s11] =	ssyncset.done $0x0  }
0x4e: {  	[sflag:s11] =	ssyncadd.s32 $0xFFFFFF00  }
0x4f: {  	_ =	swait.ge [sflag:s12], $0x3E80  }
0x50: {  	[sflag:s12] =	ssyncset.done $0x0  }
0x51: {  	s22 =	sadd.s32 $0x0, s20;
	[sflag:s12] =	ssyncadd.s32 $0xFFFFC180  }
0x52: {  	[tilespmem:s23], [sflag:$0x2] =	stream.linear.gather [hbm4b:s22+s2], $0x100, $0x38;
	[tilespmem:$0x1BC80] =	vst v63  }
0x53: {  	_ = 	snop  }
0x54: {  	[tilespmem:s31], [sflag:$0x6] =	stream.indirect.gather [hbm4b:s4+s28], $0x80, s25, s28, $0xb8;
	[tilespmem:$0x1BC80] =	vst v63  }
0x55: {  	_ =	swait.ge [sflag:s0], $0x3E80  }
0x56: {  	[sflag:s0] =	ssyncset.done $0x0  }
0x57: {  	[sflag:s0] =	ssyncadd.s32 $0xFFFFC180  }
0x58: {  	[spmem:s1] =	stream.indirect.scatter.add.f32 [tilespmem:s29], [sflag:$0x7], $0x80, s13, s28, $0xb8;
	[tilespmem:$0x1BC80] =	vst v63  }
0x59: {  	_ =	swait.ge [sflag:s26], $0x100  }
0x5a: {  	[sflag:s26] =	ssyncset.done $0x0  }
0x5b: {  	[sflag:s26] =	ssyncadd.s32 $0xFFFFFF00  }
0x5c: {  	_ =	swait.ge [sflag:s8], $0x3E80  }
0x5d: {  	[sflag:s8] =	ssyncset.done $0x0  }
0x5e: {  	s7 =	sadd.s32 $0x0, s19;
	[sflag:s8] =	ssyncadd.s32 $0xFFFFC180  }
0x5f: {  	[tilespmem:s24], [sflag:$0x3] =	stream.linear.gather [hbm4b:s7+s2], $0x100, $0x38;
	[tilespmem:$0x1BC80] =	vst v63  }
0x60: {  	_ = 	snop  }
0x61: {  	[tilespmem:s29], [sflag:$0x5] =	stream.indirect.gather [hbm4b:s4+s28], $0x80, s2, s28, $0xb8;
	[tilespmem:$0x1BC80] =	vst v63  }
0x62: {  	_ =	swait.ge [sflag:s9], $0x3E80  }
0x63: {  	[sflag:s9] =	ssyncset.done $0x0  }
0x64: {  	[sflag:s9] =	ssyncadd.s32 $0xFFFFC180  }
0x65: {  	[spmem:s1] =	stream.indirect.scatter.add.f32 [tilespmem:s31], [sflag:$0x8], $0x80, s14, s28, $0xb8;
	[tilespmem:$0x1BC80] =	vst v63  }
0x66: {  	_ =	swait.ge [sflag:s30], $0x100  }
0x67: {  	[sflag:s30] =	ssyncset.done $0x0  }
0x68: {  	[sflag:s30] =	ssyncadd.s32 $0xFFFFFF00  }
0x69: {  	_ =	swait.ge [sflag:s12], $0x3E80  }
0x6a: {  	[sflag:s12] =	ssyncset.done $0x0  }
0x6b: {  	s22 =	sadd.s32 $0x0, s18;
	[sflag:s12] =	ssyncadd.s32 $0xFFFFC180  }
0x6c: {  	[tilespmem:s25], [sflag:$0x4] =	stream.linear.gather [hbm4b:s22+s2], $0x100, $0x38;
	[tilespmem:$0x1BC80] =	vst v63  }
0x6d: {  	_ = 	snop  }
0x6e: {  	[tilespmem:s31], [sflag:$0x6] =	stream.indirect.gather [hbm4b:s4+s28], $0x80, s23, s28, $0xb8;
	[tilespmem:$0x1BC80] =	vst v63  }
0x6f: {  	_ =	swait.ge [sflag:s0], $0x3E80  }
0x70: {  	[sflag:s0] =	ssyncset.done $0x0  }
0x71: {  	[sflag:s0] =	ssyncadd.s32 $0xFFFFC180  }
0x72: {  	[spmem:s1] =	stream.indirect.scatter.add.f32 [tilespmem:s29], [sflag:$0x7], $0x80, s3, s28, $0xb8;
	[tilespmem:$0x1BC80] =	vst v63  }
0x73: {  	_ =	swait.ge [sflag:s6], $0x100  }
0x74: {  	s7 =	simm.s32 $0x80;
	[sflag:s6] =	ssyncset.done $0x0  }
.LBB2_2:
0x75: {  	p1 =	sne.s32 s7, $0x880  }
0x76: {  	[sflag:s6] =	ssyncadd.s32 $0xFFFFFF00;
	s5 =	smov.u32 s7;
	s7 =	sadd.s32 $0x80, s7  }
0x77: {  	_ =	swait.ge [sflag:s8], $0x3E80  }
0x78: {  	[sflag:s8] =	ssyncset.done $0x0  }
0x79: {  	s22 =	sadd.s32 s5, s21;
	[sflag:s8] =	ssyncadd.s32 $0xFFFFC180  }
0x7a: {  	[tilespmem:s2], [sflag:$0x1] =	stream.linear.gather [hbm4b:s22+s2], $0x100, $0x38;
	[tilespmem:$0x1BC80] =	vst v63  }
0x7b: {  	_ = 	snop  }
0x7c: {  	[tilespmem:s29], [sflag:$0x5] =	stream.indirect.gather [hbm4b:s4+s28], $0x80, s24, s28, $0xb8;
	[tilespmem:$0x1BC80] =	vst v63  }
0x7d: {  	_ =	swait.ge [sflag:s9], $0x3E80  }
0x7e: {  	[sflag:s9] =	ssyncset.done $0x0  }
0x7f: {  	[sflag:s9] =	ssyncadd.s32 $0xFFFFC180  }
0x80: {  	[spmem:s1] =	stream.indirect.scatter.add.f32 [tilespmem:s31], [sflag:$0x8], $0x80, s10, s28, $0xb8;
	[tilespmem:$0x1BC80] =	vst v63  }
0x81: {  	_ =	swait.ge [sflag:s11], $0x100  }
0x82: {  	[sflag:s11] =	ssyncset.done $0x0  }
0x83: {  	[sflag:s11] =	ssyncadd.s32 $0xFFFFFF00  }
0x84: {  	_ =	swait.ge [sflag:s12], $0x3E80  }
0x85: {  	[sflag:s12] =	ssyncset.done $0x0  }
0x86: {  	s22 =	sadd.s32 s5, s20;
	[sflag:s12] =	ssyncadd.s32 $0xFFFFC180  }
0x87: {  	[tilespmem:s23], [sflag:$0x2] =	stream.linear.gather [hbm4b:s22+s2], $0x100, $0x38;
	[tilespmem:$0x1BC80] =	vst v63  }
0x88: {  	_ = 	snop  }
0x89: {  	[tilespmem:s31], [sflag:$0x6] =	stream.indirect.gather [hbm4b:s4+s28], $0x80, s25, s28, $0xb8;
	[tilespmem:$0x1BC80] =	vst v63  }
0x8a: {  	_ =	swait.ge [sflag:s0], $0x3E80  }
0x8b: {  	[sflag:s0] =	ssyncset.done $0x0  }
0x8c: {  	[sflag:s0] =	ssyncadd.s32 $0xFFFFC180  }
0x8d: {  	[spmem:s1] =	stream.indirect.scatter.add.f32 [tilespmem:s29], [sflag:$0x7], $0x80, s13, s28, $0xb8;
	[tilespmem:$0x1BC80] =	vst v63  }
0x8e: {  	_ =	swait.ge [sflag:s26], $0x100  }
0x8f: {  	[sflag:s26] =	ssyncset.done $0x0  }
0x90: {  	[sflag:s26] =	ssyncadd.s32 $0xFFFFFF00  }
0x91: {  	_ =	swait.ge [sflag:s8], $0x3E80  }
0x92: {  	[sflag:s8] =	ssyncset.done $0x0  }
0x93: {  	s22 =	sadd.s32 s5, s19;
	[sflag:s8] =	ssyncadd.s32 $0xFFFFC180  }
0x94: {  	[tilespmem:s24], [sflag:$0x3] =	stream.linear.gather [hbm4b:s22+s2], $0x100, $0x38;
	[tilespmem:$0x1BC80] =	vst v63  }
0x95: {  	_ = 	snop  }
0x96: {  	[tilespmem:s29], [sflag:$0x5] =	stream.indirect.gather [hbm4b:s4+s28], $0x80, s2, s28, $0xb8;
	[tilespmem:$0x1BC80] =	vst v63  }
0x97: {  	_ =	swait.ge [sflag:s9], $0x3E80  }
0x98: {  	[sflag:s9] =	ssyncset.done $0x0  }
0x99: {  	[sflag:s9] =	ssyncadd.s32 $0xFFFFC180  }
0x9a: {  	[spmem:s1] =	stream.indirect.scatter.add.f32 [tilespmem:s31], [sflag:$0x8], $0x80, s14, s28, $0xb8;
	[tilespmem:$0x1BC80] =	vst v63  }
0x9b: {  	_ =	swait.ge [sflag:s30], $0x100  }
0x9c: {  	[sflag:s30] =	ssyncset.done $0x0  }
0x9d: {  	[sflag:s30] =	ssyncadd.s32 $0xFFFFFF00  }
0x9e: {  	_ =	swait.ge [sflag:s12], $0x3E80  }
0x9f: {  	[sflag:s12] =	ssyncset.done $0x0  }
0xa0: {  	s5 =	sadd.s32 s5, s18;
	[sflag:s12] =	ssyncadd.s32 $0xFFFFC180  }
0xa1: {  	[tilespmem:s25], [sflag:$0x4] =	stream.linear.gather [hbm4b:s5+s2], $0x100, $0x38;
	[tilespmem:$0x1BC80] =	vst v63  }
0xa2: {  	_ = 	snop  }
0xa3: {  	[tilespmem:s31], [sflag:$0x6] =	stream.indirect.gather [hbm4b:s4+s28], $0x80, s23, s28, $0xb8;
	[tilespmem:$0x1BC80] =	vst v63  }
0xa4: {  	_ =	swait.ge [sflag:s0], $0x3E80  }
.Ltmp0:
0xa5: {  	[sflag:s0] =	ssyncset.done $0x0;
	(pc) =	sbr.rel @p1 .LBB2_2-.Ltmp0, $4  }
0xa6: {  	[sflag:s0] =	ssyncadd.s32 $0xFFFFC180  }
0xa7: {  	[spmem:s1] =	stream.indirect.scatter.add.f32 [tilespmem:s29], [sflag:$0x7], $0x80, s3, s28, $0xb8;
	[tilespmem:$0x1BC80] =	vst v63  }
0xa8: {  	_ =	swait.ge [sflag:s6], $0x100  }
0xa9: {  	[sflag:s6] =	ssyncset.done $0x0  }
0xaa: {  	[sflag:s6] =	ssyncadd.s32 $0xFFFFFF00  }
0xab: {  	_ =	swait.ge [sflag:s8], $0x3E80  }
0xac: {  	[sflag:s8] =	ssyncset.done $0x0  }
0xad: {  	s5 =	rddreg [dreg:$0x9];
	[sflag:s8] =	ssyncadd.s32 $0xFFFFC180  }
0xae: {  	[tilespmem:s2], [sflag:$0x1] =	stream.linear.gather [hbm4b:s5+s2], $0x100, $0x38;
	[tilespmem:$0x1BC80] =	vst v63  }
0xaf: {  	_ = 	snop  }
0xb0: {  	[tilespmem:s29], [sflag:$0x5] =	stream.indirect.gather [hbm4b:s4+s28], $0x80, s24, s28, $0xb8;
	[tilespmem:$0x1BC80] =	vst v63  }
0xb1: {  	_ =	swait.ge [sflag:s9], $0x3E80  }
0xb2: {  	[sflag:s9] =	ssyncset.done $0x0  }
0xb3: {  	[sflag:s9] =	ssyncadd.s32 $0xFFFFC180  }
0xb4: {  	[spmem:s1] =	stream.indirect.scatter.add.f32 [tilespmem:s31], [sflag:$0x8], $0x80, s10, s28, $0xb8;
	[tilespmem:$0x1BC80] =	vst v63  }
0xb5: {  	_ =	swait.ge [sflag:s11], $0x100  }
0xb6: {  	[sflag:s11] =	ssyncset.done $0x0  }
0xb7: {  	[sflag:s11] =	ssyncadd.s32 $0xFFFFFF00  }
0xb8: {  	_ =	swait.ge [sflag:s12], $0x3E80  }
0xb9: {  	[sflag:s12] =	ssyncset.done $0x0  }
0xba: {  	s7 =	rddreg [dreg:$0xa];
	[sflag:s12] =	ssyncadd.s32 $0xFFFFC180  }
0xbb: {  	[tilespmem:s23], [sflag:$0x2] =	stream.linear.gather [hbm4b:s7+s2], $0x100, $0x38;
	[tilespmem:$0x1BC80] =	vst v63  }
0xbc: {  	_ = 	snop  }
0xbd: {  	[tilespmem:s31], [sflag:$0x6] =	stream.indirect.gather [hbm4b:s4+s28], $0x80, s25, s28, $0xb8;
	[tilespmem:$0x1BC80] =	vst v63  }
0xbe: {  	_ =	swait.ge [sflag:s0], $0x3E80  }
0xbf: {  	[sflag:s0] =	ssyncset.done $0x0  }
0xc0: {  	[sflag:s0] =	ssyncadd.s32 $0xFFFFC180  }
0xc1: {  	[spmem:s1] =	stream.indirect.scatter.add.f32 [tilespmem:s29], [sflag:$0x7], $0x80, s13, s28, $0xb8;
	[tilespmem:$0x1BC80] =	vst v63  }
0xc2: {  	_ =	swait.ge [sflag:s26], $0x100  }
0xc3: {  	[sflag:s26] =	ssyncset.done $0x0  }
0xc4: {  	[sflag:s26] =	ssyncadd.s32 $0xFFFFFF00  }
0xc5: {  	_ =	swait.ge [sflag:s8], $0x3E80  }
0xc6: {  	[sflag:s8] =	ssyncset.done $0x0  }
0xc7: {  	s22 =	rddreg [dreg:$0xb];
	[sflag:s8] =	ssyncadd.s32 $0xFFFFC180  }
0xc8: {  	[tilespmem:s24], [sflag:$0x3] =	stream.linear.gather [hbm4b:s22+s2], $0x100, $0x38;
	[tilespmem:$0x1BC80] =	vst v63  }
0xc9: {  	_ = 	snop  }
0xca: {  	[tilespmem:s29], [sflag:$0x5] =	stream.indirect.gather [hbm4b:s4+s28], $0x80, s2, s28, $0xb8;
	[tilespmem:$0x1BC80] =	vst v63  }
0xcb: {  	_ =	swait.ge [sflag:s9], $0x3E80  }
0xcc: {  	[sflag:s9] =	ssyncset.done $0x0  }
0xcd: {  	[sflag:s9] =	ssyncadd.s32 $0xFFFFC180  }
0xce: {  	[spmem:s1] =	stream.indirect.scatter.add.f32 [tilespmem:s31], [sflag:$0x8], $0x80, s14, s28, $0xb8;
	[tilespmem:$0x1BC80] =	vst v63  }
0xcf: {  	_ =	swait.ge [sflag:s30], $0x100  }
0xd0: {  	[sflag:s30] =	ssyncset.done $0x0  }
0xd1: {  	[sflag:s30] =	ssyncadd.s32 $0xFFFFFF00  }
0xd2: {  	_ =	swait.ge [sflag:s12], $0x3E80  }
0xd3: {  	[sflag:s12] =	ssyncset.done $0x0  }
0xd4: {  	s7 =	rddreg [dreg:$0xc];
	[sflag:s12] =	ssyncadd.s32 $0xFFFFC180  }
0xd5: {  	[tilespmem:s25], [sflag:$0x4] =	stream.linear.gather [hbm4b:s7+s2], $0x100, $0x38;
	[tilespmem:$0x1BC80] =	vst v63  }
0xd6: {  	_ = 	snop  }
0xd7: {  	[tilespmem:s31], [sflag:$0x6] =	stream.indirect.gather [hbm4b:s4+s28], $0x80, s23, s28, $0xb8;
	[tilespmem:$0x1BC80] =	vst v63  }
0xd8: {  	_ =	swait.ge [sflag:s0], $0x3E80  }
0xd9: {  	[sflag:s0] =	ssyncset.done $0x0  }
0xda: {  	[sflag:s0] =	ssyncadd.s32 $0xFFFFC180  }
0xdb: {  	[spmem:s1] =	stream.indirect.scatter.add.f32 [tilespmem:s29], [sflag:$0x7], $0x80, s3, s28, $0xb8;
	[tilespmem:$0x1BC80] =	vst v63  }
0xdc: {  	_ =	swait.ge [sflag:s6], $0x100  }
0xdd: {  	[sflag:s6] =	ssyncset.done $0x0  }
0xde: {  	[sflag:s6] =	ssyncadd.s32 $0xFFFFFF00  }
0xdf: {  	_ =	swait.ge [sflag:s8], $0x3E80  }
0xe0: {  	[sflag:s8] =	ssyncset.done $0x0  }
0xe1: {  	[sflag:s8] =	ssyncadd.s32 $0xFFFFC180  }
0xe2: {  	[tilespmem:s29], [sflag:$0x5] =	stream.indirect.gather [hbm4b:s4+s28], $0x80, s24, s28, $0xb8;
	[tilespmem:$0x1BC80] =	vst v63  }
0xe3: {  	_ =	swait.ge [sflag:s9], $0x3E80  }
0xe4: {  	[sflag:s9] =	ssyncset.done $0x0  }
0xe5: {  	[sflag:s9] =	ssyncadd.s32 $0xFFFFC180  }
0xe6: {  	[spmem:s1] =	stream.indirect.scatter.add.f32 [tilespmem:s31], [sflag:$0x8], $0x80, s10, s28, $0xb8;
	[tilespmem:$0x1BC80] =	vst v63  }
0xe7: {  	_ =	swait.ge [sflag:s11], $0x100  }
0xe8: {  	[sflag:s11] =	ssyncset.done $0x0  }
0xe9: {  	[sflag:s11] =	ssyncadd.s32 $0xFFFFFF00  }
0xea: {  	_ =	swait.ge [sflag:s12], $0x3E80  }
0xeb: {  	[sflag:s12] =	ssyncset.done $0x0  }
0xec: {  	[sflag:s12] =	ssyncadd.s32 $0xFFFFC180  }
0xed: {  	[tilespmem:s31], [sflag:$0x6] =	stream.indirect.gather [hbm4b:s4+s28], $0x80, s25, s28, $0xb8;
	[tilespmem:$0x1BC80] =	vst v63  }
0xee: {  	_ =	swait.ge [sflag:s0], $0x3E80  }
0xef: {  	[sflag:s0] =	ssyncset.done $0x0  }
0xf0: {  	[sflag:s0] =	ssyncadd.s32 $0xFFFFC180  }
0xf1: {  	[spmem:s1] =	stream.indirect.scatter.add.f32 [tilespmem:s29], [sflag:$0x7], $0x80, s13, s28, $0xb8;
	[tilespmem:$0x1BC80] =	vst v63  }
0xf2: {  	_ =	swait.ge [sflag:s8], $0x3E80  }
0xf3: {  	[sflag:s8] =	ssyncset.done $0x0  }
0xf4: {  	[sflag:s8] =	ssyncadd.s32 $0xFFFFC180  }
0xf5: {  	_ =	swait.ge [sflag:s9], $0x3E80  }
0xf6: {  	[sflag:s9] =	ssyncset.done $0x0  }
0xf7: {  	[sflag:s9] =	ssyncadd.s32 $0xFFFFC180  }
0xf8: {  	[spmem:s1] =	stream.indirect.scatter.add.f32 [tilespmem:s31], [sflag:$0x8], $0x80, s14, s28, $0xb8;
	[tilespmem:$0x1BC80] =	vst v63  }
0xf9: {  	_ =	swait.ge [sflag:s12], $0x3E80  }
0xfa: {  	[sflag:s12] =	ssyncset.done $0x0  }
0xfb: {  	[sflag:s12] =	ssyncadd.s32 $0xFFFFC180  }
0xfc: {  	[bflag:$0x0] =	sbarrier.arrive $0xFFFF  }
0xfd: {  	s7 =	rddreg [dreg:$0xe]  }
0xfe: {  	s5 =	simm.s32 @p0 $0x1FC9;
	s22 =	rddreg [dreg:$0x10]  }
0xff: {  	[hbm:s7], [sflag:s5] =	dma.local @p0 [spmem:s22], $0x2800  }
0x100: {  	s5 =	simm.s32 @p0 $0x9  }
0x101: {  	_ =	swait.ge @p0 [sflag:s5], $0x2800  }
0x102: {  	[sflag:s5] =	ssyncset.done @p0 $0x0  }
0x103: {  	[sflag:s5] =	ssyncadd.s32 @p0 $0xFFFFD800;
	s5 =	rddreg [dreg:$0xd]  }
0x104: {  	[hbm:s5], [sflag:s16] =	dma.local @!p0 [spmem:s17], $0x2700  }
0x105: {  	s5 =	simm.s32 @!p0 $0x9  }
0x106: {  	_ =	swait.ge @!p0 [sflag:s5], $0x2700  }
0x107: {  	s15 =	sadd.s32 $0x1, s15;
	s17 =	rddreg [dreg:$0xf]  }
0x108: {  	p1 =	sne.s32 s15, s17  }
.Ltmp1:
0x109: {  	_ = 	snop;
	(pc) =	sbr.rel @p1 .LBB2_1-.Ltmp1, $3  }
0x10a: {  	_ =	sdelay $0x1  }
0x10b: {  	[sflag:s5] =	ssyncset.done @!p0 $0x0  }
0x10c: {  	s7 =	smov.u32 s22;
	[sflag:s5] =	ssyncadd.s32 @!p0 $0xFFFFD900  }
0x10d: {  	_ =	sfence.sel $0x180000  }
0x10e: {  	[bflag:$0x0] =	sbarrier.arrive $0xFFFF  }
0x10f: {  	_ =	strace $0x9000004D  }
0x110: {  	s0 =	stileid.u32;
	[bflag:$0x2] =	sbarrier.arrive $0xFFFF  }
0x111: {  	p0 =	sne.s32 s0, $0x0;
	s0 =	rddreg [dreg:$0x2]  }
0x112: {  	s0 =	sadd.s32 @!p0 $0x100000, s0  }
0x113: {  	[sflag:s0] =	ssyncadd.tile.s32 @!p0 $0x1;
	_ =	shalt  }
.Lfunc_end2:
_tile_overlayer_lowered:
.L_overlay_start_2:
0x114: {  	(tag) =	ssettag $0x2  }
0x115: {  	s0 =	rddreg [dreg:$0x0];
	s2 =	stileid.u32  }
0x116: {  	s1 =	rddreg [dreg:$0x1];
	p0 =	sne.s32 s2, $0x0  }
0x117: {  	s3 =	rddreg [dreg:$0x2];
	[bflag:$0x3] =	sbarrier.arrive $0xFFFF;
	s2 =	simm.s32 @!p0 $0x1C09  }
0x118: {  	[timem:s3], [sflag:s2] =	dma.local @!p0 [hbm:s0], s1  }
0x119: {  	s0 =	simm.s32 @!p0 $0x9  }
0x11a: {  	_ =	swait.ge @!p0 [sflag:s0], s1  }
0x11b: {  	s1 =	ssub.s32 @!p0 $0x0, s1;
	[sflag:s0] =	ssyncset.done @!p0 $0x0  }
0x11c: {  	[sflag:s0] =	ssyncadd.s32 @!p0 s1  }
0x11d: {  	[bflag:$0x3] =	sbarrier.arrive $0xFFFF  }
0x11e: {  	_ =	shalt  }

// kernel: kernel.8.cloned.1.call-start
scs
__scs_entry_jumppad:
0x0: {  	(pc) =	sbr.rel $0x88, $3  }
0x1: {  	(tag) =	ssettag $0x0;
	lr =	simm.s32 $0x1  }
0x2: {  	[smem:$0x3F97] =	sst lr;
	_ =	strace $0xD0000000  }
0x3: {  	_ = 	snop  }
0x4: {  	_ = 	snop  }
0x5: {  	_ = 	snop  }
0x6: {  	_ = 	snop  }
0x7: {  	_ = 	snop  }
__scs_overlays_trampoline_lowered:
0x8: {  	[smem:$0x3FA6] =	sst s0  }
0x9: {  	[smem:$0x3FA7] =	sst s1  }
0xa: {  	[smem:$0x3FA8] =	sst s2  }
0xb: {  	[smem:$0x3FA9] =	sst s3  }
0xc: {  	[smem:$0x3FAA] =	sst s4  }
0xd: {  	[smem:$0x3FAB] =	sst s5  }
0xe: {  	[smem:$0x3FAC] =	sst s6  }
0xf: {  	[smem:$0x3FAD] =	sst s7  }
0x10: {  	[smem:$0x3FAE] =	sst s8  }
0x11: {  	[smem:$0x3FAF] =	sst s9;
	s0 =	simm.s32 @!p0 $0x0  }
0x12: {  	s1 =	sld [smem:$0x3F95];
	s0 =	simm.s32 @p0 $0x1  }
0x13: {  	[smem:$0x3FB0] =	sst s0;
	s0 =	simm.s32 @!p1 $0x0  }
0x14: {  	s2 =	sld [smem:$0x3F94];
	s0 =	simm.s32 @p1 $0x1  }
0x15: {  	[smem:$0x3FB1] =	sst s0;
	s0 =	simm.s32 @!p2 $0x0  }
0x16: {  	s3 =	sld [smem:$0x3FDB];
	s0 =	simm.s32 @p2 $0x1  }
0x17: {  	s4 =	simm.s32 $0x1BF5;
	[smem:$0x3FB3] =	sst s0  }
0x18: {  	s0 =	sld [smem:$0x3F96];
	_ =	swait.ge [sflag:s4], $0x0  }
0x19: {  	s7 =	sld [smem:$0x3F97]  }
0x1a: {  	s8 =	sadd.s32 $0xFFFFE003, lr  }
0x1b: {  	s9 =	sadd.s32 $0xFFFFFEF7, lr;
	s5 =	simm.s32 $0xFFFFFFFF;
	p2 =	slt.u32 s8, $0xFFFFF086  }
0x1c: {  	p1 =	slt.u32 s9, $0xF7A;
	s5 =	simm.s32 @!p2 $0x0  }
0x1d: {  	s5 =	simm.s32 @p1 $0x1;
	p0 =	seq.s32 s7, s2  }
0x1e: {  	s7 =	smul.u32 @!p0 $0xF7A, s2;
	p2 =	seq.s32 @!p0 s5, $0x0  }
0x1f: {  	s9 =	smul.u32 $0xF7A, s1;
	s8 =	simm.s32 @!p0 $0x1BF5;
	p2 =	por !p2, p0  }
0x20: {  	[sflag:s8] =	ssyncset.s32 @!p0 $0xFFFFF086;
	s6 =	sadd.s32 @!p0 s3, s7;
	s7 =	simm.s32 @!p0 $0x108  }
0x21: {  	s3 =	sadd.s32 s3, s9;
	s6 =	sadd.s32 @!p0 $0x88, s6;
	s7 =	simm.s32 @p2 $0x1082  }
0x22: {  	[simem:s7], [sflag:s8] =	dma.local @!p0 [hbm:s6], $0xF7A  }
0x23: {  	s9 =	sor.u32 $0xD0000000, s2;
	s6 =	simm.s32 $0x108;
	_ =	swait.ge @!p0 [sflag:s8], $0x0  }
0x24: {  	s3 =	sadd.s32 $0x88, s3;
	s6 =	simm.s32 @!p1 $0x1082;
	[sflag:s4] =	ssyncset.s32 $0xFFFFF086  }
0x25: {  	[simem:s6], [sflag:s4] =	dma.local [hbm:s3], $0xF7A  }
0x26: {  	[smem:$0x3F97] =	sst s1;
	(tag) =	ssettag s2;
	_ =	strace s9  }
0x27: {  	s1 =	sld [smem:$0x3FA7]  }
0x28: {  	s2 =	sld [smem:$0x3FA8]  }
0x29: {  	s4 =	sld [smem:$0x3FAA]  }
0x2a: {  	p0 =	seq.s32 s5, $0x0;
	s5 =	sld [smem:$0x3FAB]  }
0x2b: {  	s6 =	sld [smem:$0x3FAC]  }
0x2c: {  	s7 =	sld [smem:$0x3FAD]  }
0x2d: {  	s3 =	simm.s32 $0x108;
	s8 =	sld [smem:$0x3FAE]  }
0x2e: {  	s3 =	simm.s32 @!p0 $0x1082;
	s9 =	sld [smem:$0x3FAF]  }
0x2f: {  	lr =	sadd.s32 s0, s3;
	s0 =	sld [smem:$0x3FA6]  }
0x30: {  	s3 =	sld [smem:$0x3FA9]  }
0x31: {  	[smem:$0x3FB2] =	sst s10  }
0x32: {  	s10 =	sld [smem:$0x3FB0];
	_ =	sdelay $0x3  }
0x33: {  	p0 =	seq.s32 s10, $0x1;
	s10 =	sld [smem:$0x3FB2];
	_ =	sdelay $0x3  }
0x34: {  	[smem:$0x3FB2] =	sst s10  }
0x35: {  	s10 =	sld [smem:$0x3FB1];
	_ =	sdelay $0x3  }
0x36: {  	p1 =	seq.s32 s10, $0x1;
	s10 =	sld [smem:$0x3FB2];
	_ =	sdelay $0x3  }
0x37: {  	[smem:$0x3FB2] =	sst s10  }
0x38: {  	s10 =	sld [smem:$0x3FB3]  }
0x39: {  	_ = 	snop;
	(pc) =	sbr.ind lr, $3  }
0x3a: {  	_ = 	snop  }
0x3b: {  	_ = 	snop  }
0x3c: {  	p2 =	seq.s32 s10, $0x1;
	s10 =	sld [smem:$0x3FB2]  }
0x3d: {  	_ =	shalt  }
0x3e: {  	_ =	shalt  }
0x3f: {  	_ =	shalt  }
0x40: {  	_ =	shalt  }
0x41: {  	_ =	shalt  }
0x42: {  	_ =	shalt  }
0x43: {  	_ =	shalt  }
0x44: {  	_ =	shalt  }
0x45: {  	_ =	shalt  }
0x46: {  	_ =	shalt  }
0x47: {  	_ =	shalt  }
0x48: {  	_ =	shalt  }
0x49: {  	_ =	shalt  }
0x4a: {  	_ =	shalt  }
0x4b: {  	_ =	shalt  }
0x4c: {  	_ =	shalt  }
0x4d: {  	_ =	shalt  }
0x4e: {  	_ =	shalt  }
0x4f: {  	_ =	shalt  }
0x50: {  	_ =	shalt  }
0x51: {  	_ =	shalt  }
0x52: {  	_ =	shalt  }
0x53: {  	_ =	shalt  }
0x54: {  	_ =	shalt  }
0x55: {  	_ =	shalt  }
0x56: {  	_ =	shalt  }
0x57: {  	_ =	shalt  }
0x58: {  	_ =	shalt  }
0x59: {  	_ =	shalt  }
0x5a: {  	_ =	shalt  }
0x5b: {  	_ =	shalt  }
0x5c: {  	_ =	shalt  }
0x5d: {  	_ =	shalt  }
0x5e: {  	_ =	shalt  }
0x5f: {  	_ =	shalt  }
0x60: {  	_ =	shalt  }
0x61: {  	_ =	shalt  }
0x62: {  	_ =	shalt  }
0x63: {  	_ =	shalt  }
0x64: {  	_ =	shalt  }
0x65: {  	_ =	shalt  }
0x66: {  	_ =	shalt  }
0x67: {  	_ =	shalt  }
0x68: {  	_ =	shalt  }
0x69: {  	_ =	shalt  }
0x6a: {  	_ =	shalt  }
0x6b: {  	_ =	shalt  }
0x6c: {  	_ =	shalt  }
0x6d: {  	_ =	shalt  }
0x6e: {  	_ =	shalt  }
0x6f: {  	_ =	shalt  }
0x70: {  	_ =	shalt  }
0x71: {  	_ =	shalt  }
0x72: {  	_ =	shalt  }
0x73: {  	_ =	shalt  }
0x74: {  	_ =	shalt  }
0x75: {  	_ =	shalt  }
0x76: {  	_ =	shalt  }
0x77: {  	_ =	shalt  }
0x78: {  	_ =	shalt  }
0x79: {  	_ =	shalt  }
0x7a: {  	_ =	shalt  }
0x7b: {  	_ =	shalt  }
0x7c: {  	_ =	shalt  }
0x7d: {  	_ =	shalt  }
0x7e: {  	_ =	shalt  }
0x7f: {  	_ =	shalt  }
0x80: {  	_ =	shalt  }
0x81: {  	_ =	shalt  }
0x82: {  	_ =	shalt  }
0x83: {  	_ =	shalt  }
0x84: {  	_ =	shalt  }
0x85: {  	_ =	shalt  }
0x86: {  	_ =	shalt  }
0x87: {  	_ =	shalt  }
.Lfunc_end0:
.L_simem_size_0:
called_computation_lowered:
.L_overlay_start_0:
0x88: {  	s2 =	sld [smem:$0x3FD9]  }
0x89: {  	s3 =	sld [smem:$0x3FFE];
	_ =	sdelay $0x1  }
0x8a: {  	s1 =	srdreg.scid  }
0x8b: {  	s0 =	sand.u32 $0x1, s1  }
0x8c: {  	s17 =	sshll.u32 s0, $0xA;
	s2 =	sadd.s32 s3, s2  }
0x8d: {  	s2 =	sadd.s32 s2, s17  }
0x8e: {  	[smem:$0x3FBE] =	sst s2  }
0x8f: {  	_ = 	snop  }
0x90: {  	s2 =	sld [smem:$0x3FD0];
	(tm) =	ssettm $0x1  }
0x91: {  	s18 =	sld [smem:$0x3FFB];
	_ =	sdelay $0x3  }
0x92: {  	_ =	strace s18  }
0x93: {  	s3 =	sld [smem:$0x3FFC];
	_ =	sdelay $0x3  }
0x94: {  	_ =	strace s3  }
0x95: {  	s3 =	sld [smem:$0x3FFD];
	_ =	sdelay $0x3  }
0x96: {  	_ =	strace s3  }
0x97: {  	_ =	strace $0x8FFFFFFF  }
0x98: {  	s19 =	sld [smem:$0x3FDB];
	_ =	sdelay $0x1  }
0x99: {  	s4 =	simm.s32 $_scs_section_size  }
0x9a: {  	s5 =	simm.s32 $_size__tile_overlayer_lowered;
	s6 =	simm.s32 $_tile_overlayer_lowered  }
0x9b: {  	s22 =	simm.s32 $0x1BFF;
	s21 =	sshll.u32 s6, $0x1;
	s3 =	sadd.s32 s4, s19  }
0x9c: {  	s7 =	simm.s32 $0x0;
	s20 =	sshll.u32 s5, $0x1;
	s5 =	sadd.s32 s21, s3  }
0x9d: {  	[timem:s7], [sflag:s22] =	dma.local [hbm:s5], s20  }
0x9e: {  	_ =	swait.ge [sflag:s22], s20  }
0x9f: {  	s4 =	ssub.s32 $0x0, s20;
	[sflag:s22] =	ssyncset.done $0x0  }
0xa0: {  	[sflag:s22] =	ssyncadd.s32 s4;
	_ =	sdelay $0x1  }
0xa1: {  	s23 =	simm.s32 $0x1B8B  }
0xa2: {  	_ =	swait.ge [sflag:s23], $0x1  }
0xa3: {  	[sflag:s23] =	ssyncset.done $0x0  }
0xa4: {  	s25 =	simm.s32 $0x1B8E;
	s24 =	sld [smem:$0x3FFE];
	[sflag:s23] =	ssyncadd.s32 $0xFFFFFFFF  }
0xa5: {  	s26 =	simm.s32 $execute0_lowered;
	[smem:$0x3FD2] =	sst s25  }
0xa6: {  	s5 =	sshll.u32 s26, $0x1;
	_ =	strace $0x80000046;
	[dreg:$0x1] =	wrdreg $0xFFFFFFFF  }
0xa7: {  	s28 =	simm.s32 $_size_execute0_lowered;
	s3 =	sadd.s32 s3, s5;
	[dreg:$0x0] =	wrdreg $0x0  }
0xa8: {  	s5 =	sshll.u32 s28, $0x1;
	[dreg:$0x2] =	wrdreg s3  }
0xa9: {  	[dreg:$0x3] =	wrdreg s5  }
0xaa: {  	[dreg:$0x4] =	wrdreg $0xC0  }
0xab: {  	_ =	task [dreg:s7], $0x5FFFF  }
0xac: {  	[dreg:$0x1] =	wrdreg $0xFFFFFFFF  }
0xad: {  	[dreg:$0x0] =	wrdreg $0x60  }
0xae: {  	[dreg:$0x2] =	wrdreg s2  }
0xaf: {  	[dreg:$0x3] =	wrdreg s24  }
0xb0: {  	[dreg:$0x4] =	wrdreg $0x68000  }
0xb1: {  	[dreg:$0x5] =	wrdreg $0x9  }
0xb2: {  	_ =	task.clear_ibuf [dreg:s7], $0x6FFFF;
	_ =	strace $0x90000046  }
0xb3: {  	s29 =	simm.s32 $0x9;
	_ =	strace $0x80000048  }
0xb4: {  	_ =	swait.ge [sflag:s29], $0x1  }
0xb5: {  	[sflag:s29] =	ssyncadd.s32 $0xFFFFFFFF  }
0xb6: {  	_ =	strace $0x90000048  }
0xb7: {  	_ =	sfence  }
0xb8: {  	s30 =	sld [smem:$0x0];
	_ =	sdelay $0x2  }
0xb9: {  	s31 =	sshll.u32 s1, $0xD;
	s1 =	sshrl.u32 s1, $0x2  }
0xba: {  	s3 =	sand.u32 $0x4000, s31;
	s1 =	sadd.s32 s1, s30  }
0xbb: {  	s0 =	sor.u32 s3, s0;
	s1 =	sshll.u32 s1, $0x11  }
0xbc: {  	s0 =	sor.u32 s1, s0  }
0xbd: {  	s0 =	sadd.s32 $0x8F2B, s0  }
0xbe: {  	[sflag:s0] =	ssyncadd.remote.s32 $0x1  }
0xbf: {  	_ =	sfence.sel $0xFFFF  }
0xc0: {  	[dreg:$0x0] =	wrdreg $0xFFFFFFFF;
	(pc) =	sbr.abs _section_cstart, $3  }
0xc1: {  	[dreg:$0x1] =	wrdreg $0xFFFFFFFF  }
0xc2: {  	_ =	task.clear_ibuf [dreg:s7], $0x2FFFF;
	_ =	strace $0x9FFFFFFF  }
0xc3: {  	(tm) =	ssettm $0x7FFFFFFF  }
tec
execute0_lowered:
.L_overlay_start_1:
0x0: {  	(tag) =	ssettag $0x1  }
0x1: {  	s6 =	rddreg [dreg:$0x0]  }
0x2: {  	s7 =	rddreg [dreg:$0x1]  }
0x3: {  	s0 =	srdreg.scid;
	s2 =	rddreg [dreg:$0x2]  }
0x4: {  	s3 =	simm.s32 $0x0;
	s16 =	simm.s32 $0x1;
	s17 =	simm.s32 $0x0  }
0x5: {  	s4 =	sand.u32 $0x1, s0;
	s0 =	stileid.u32;
	[smem:$0x7FF] =	sst s3  }
0x6: {  	s14 =	sadd.s32 $0x5C00, s7;
	s1 =	sshll.u32 s4, $0x4;
	s9 =	smul.u32 $0x4E000, s0  }
0x7: {  	s10 =	ssub.s32 $0x2, s4;
	s11 =	smul.u32 $0x138800, s4;
	s4 =	sadd.s32 $0x2C00, s7  }
0x8: {  	s13 =	smul.u32 $0x13800, s0;
	p0 =	seq.s32 s0, $0xF;
	s5 =	sor.u32 s0, s1  }
0x9: {  	s1 =	rddreg [dreg:$0x3];
	_ =	strace $0x80000047;
	s12 =	sshrl.u32 s10, $0x1  }
0xa: {  	s8 =	smul.u32 $0x500, s5;
	s5 =	sadd.s32 $0x3400, s7;
	s10 =	ssub.s32 s10, s12  }
0xb: {  	s28 =	sshrl.u32 s9, $0x2;
	s29 =	sadd.s32 s13, s11;
	s31 =	sshrl.u32 s11, $0x3  }
0xc: {  	s12 =	sadd.s32 $0x124800, s2;
	s11 =	simm.s32 $0x2800;
	s13 =	sshll.u32 @!p0 s0, $0x6  }
0xd: {  	s15 =	sadd.s32 s28, s2;
	s30 =	sshrl.u32 s29, $0x3;
	s9 =	smax.u32 s10, $0x1  }
0xe: {  	s10 =	simm.s32 $0x2;
	s12 =	sshrl.u32 @p0 s12, $0x3;
	s13 =	sor.u32 @!p0 $0x1C02, s13  }
0xf: {  	s6 =	sadd.s32 s6, s8;
	s7 =	sadd.s32 s14, s30;
	s8 =	sadd.s32 s14, s31  }
0x10: {  	s14 =	sshrl.u32 @!p0 s15, $0x3;
	s15 =	simm.s32 $0x7D;
	s8 =	sadd.s32 $0x24900, s8  }
.LBB2_1:
0x11: {  	[tilespmem:s3], [sflag:$0x2] =	stream.linear.gather [hbm4b:s6+s3], $0x2800, $0x38;
	[tilespmem:$0x1A080] =	vst v63  }
0x12: {  	_ =	swait.ge [sflag:s10], $0x2800  }
0x13: {  	[sflag:s10] =	ssyncset.done $0x0  }
0x14: {  	[sflag:s10] =	ssyncadd.s32 $0xFFFFD800  }
0x15: {  	[tilespmem:s11], [sflag:$0x2] =	stream.linear.gather [hbm4b:s4+s3], $0x3E80, $0x38;
	[tilespmem:$0x1A080] =	vst v63  }
0x16: {  	_ =	swait.ge [sflag:s10], $0x3E80  }
0x17: {  	[sflag:s10] =	ssyncset.done $0x0  }
0x18: {  	s18 =	simm.s32 @p0 $0x1FC2;
	[sflag:s10] =	ssyncadd.s32 $0xFFFFC180  }
0x19: {  	[spmem:s12], [sflag:s18] =	dma.local @p0 [hbm:s5], $0x2800  }
0x1a: {  	s18 =	simm.s32 @p0 $0x2  }
0x1b: {  	_ =	swait.ge @p0 [sflag:s18], $0x2800  }
0x1c: {  	[sflag:s18] =	ssyncset.done @p0 $0x0  }
0x1d: {  	[sflag:s18] =	ssyncadd.s32 @p0 $0xFFFFD800;
	s18 =	simm.s32 @!p0 $0x2  }
0x1e: {  	[spmem:s14], [sflag:s13] =	dma.local @!p0 [hbm:s5], $0x2700  }
0x1f: {  	_ =	swait.ge @!p0 [sflag:s18], $0x2700  }
0x20: {  	[sflag:s18] =	ssyncset.done @!p0 $0x0  }
0x21: {  	[sflag:s18] =	ssyncadd.s32 @!p0 $0xFFFFD900  }
0x22: {  	s18 =	simm.s32 $0x0;
	[bflag:$0x0] =	sbarrier.arrive $0xFFFF  }
.LBB2_2:
0x23: {  	p1 =	sne.s32 s18, $0x9E00  }
.Ltmp0:
0x24: {  	_ = 	snop;
	(pc) =	sbr.rel @p1 .LBB2_2-.Ltmp0, $3  }
0x25: {  	_ =	sdelay $0x1  }
0x26: {  	s19 =	sshra.s32 s18, $0x2;
	s18 =	sadd.s32 $0x200, s18  }
0x27: {  	[spmem:s2] =	stream.indirect.scatter.add.f32 [tilespmem:s11], [sflag:$0x1], $0x80, s19, s15, $0xb8;
	[tilespmem:$0x1A080] =	vst v63  }
0x28: {  	_ =	swait.ge [sflag:s16], $0x3E80  }
0x29: {  	s18 =	simm.s32 $0x4F;
	[sflag:s16] =	ssyncset.done $0x0  }
.LBB2_4:
0x2a: {  	p1 =	sne.s32 s18, $0x1;
	s18 =	sadd.s32 $0xFFFFFFFF, s18;
	[sflag:s16] =	ssyncadd.s32 $0xFFFFC180  }
.Ltmp1:
0x2b: {  	(pc) =	sbr.rel @p1 .LBB2_4-.Ltmp1, $3  }
0x2c: {  	_ =	sdelay $0x1  }
0x2d: {  	_ =	swait.ge [sflag:s16], $0x3E80  }
0x2e: {  	[sflag:s16] =	ssyncset.done $0x0  }
0x2f: {  	[sflag:s16] =	ssyncadd.s32 $0xFFFFC180  }
0x30: {  	s18 =	simm.s32 @p0 $0x1FC2;
	[bflag:$0x0] =	sbarrier.arrive $0xFFFF  }
0x31: {  	[hbm:s8], [sflag:s18] =	dma.local @p0 [spmem:s12], $0x2800  }
0x32: {  	s18 =	simm.s32 @p0 $0x2  }
0x33: {  	s17 =	sadd.s32 $0x1, s17;
	_ =	swait.ge @p0 [sflag:s18], $0x2800  }
0x34: {  	p1 =	sne.s32 s17, s9;
	[sflag:s18] =	ssyncset.done @p0 $0x0  }
.Ltmp2:
0x35: {  	[sflag:s18] =	ssyncadd.s32 @p0 $0xFFFFD800;
	s18 =	simm.s32 @!p0 $0x2;
	(pc) =	sbr.rel @p1 .LBB2_1-.Ltmp2, $4  }
0x36: {  	[hbm:s7], [sflag:s13] =	dma.local @!p0 [spmem:s14], $0x2700  }
0x37: {  	_ =	swait.ge @!p0 [sflag:s18], $0x2700  }
0x38: {  	[sflag:s18] =	ssyncset.done @!p0 $0x0  }
0x39: {  	[sflag:s18] =	ssyncadd.s32 @!p0 $0xFFFFD900  }
0x3a: {  	_ =	sfence.sel $0x180000  }
0x3b: {  	[bflag:$0x0] =	sbarrier.arrive $0xFFFF  }
0x3c: {  	p0 =	sne.s32 s0, $0x0;
	_ =	strace $0x90000047  }
0x3d: {  	s0 =	sadd.s32 @!p0 $0x100000, s1;
	[bflag:$0x2] =	sbarrier.arrive $0xFFFF  }
0x3e: {  	[sflag:s0] =	ssyncadd.tile.s32 @!p0 $0x1;
	_ =	shalt  }
.Lfunc_end2:
_tile_overlayer_lowered:
.L_overlay_start_2:
0x3f: {  	(tag) =	ssettag $0x2  }
0x40: {  	s0 =	rddreg [dreg:$0x0];
	s2 =	stileid.u32  }
0x41: {  	s1 =	rddreg [dreg:$0x1];
	p0 =	sne.s32 s2, $0x0  }
0x42: {  	s3 =	rddreg [dreg:$0x2];
	[bflag:$0x3] =	sbarrier.arrive $0xFFFF;
	s2 =	simm.s32 @!p0 $0x1C02  }
0x43: {  	[timem:s3], [sflag:s2] =	dma.local @!p0 [hbm:s0], s1  }
0x44: {  	s0 =	simm.s32 @!p0 $0x2  }
0x45: {  	_ =	swait.ge @!p0 [sflag:s0], s1  }
0x46: {  	s1 =	ssub.s32 @!p0 $0x0, s1;
	[sflag:s0] =	ssyncset.done @!p0 $0x0  }
0x47: {  	[sflag:s0] =	ssyncadd.s32 @!p0 s1  }
0x48: {  	[bflag:$0x3] =	sbarrier.arrive $0xFFFF  }
0x49: {  	_ =	shalt  }

</sc_bundles>
